<compile_context>
chip_gen: v7x
topology: tpu7x:2x2x1
jax: 0.10.2.dev20260603
libtpu: 0.0.44.dev20260713+nightly
codegen_flags: <defaults>
</compile_context>

<pallas_src>
import functools

import jax
import jax.numpy as jnp
from jax import lax
from jax.experimental import pallas as pl
from jax.experimental.pallas import tpu as pltpu
from jax.experimental.pallas import tpu_sc as plsc

_NC = 2
_NS = 16
_NW = _NC * _NS
_L = 16

_CH = 128


def _index_body(x_ref, idx_ref, *, scale_max, stride):
    def one(v):
        mn = jnp.min(v)
        dn = jnp.max(v) - mn + 1e-8
        xn = jnp.clip((v - mn) / dn, 0.0, 1.0)
        return (xn * scale_max).astype(jnp.int32) * stride

    v = x_ref[...]
    ix = one(v[0])
    iy = one(v[1])
    idx_ref[...] = jnp.concatenate([ix[None], iy[None]], axis=0)


def _compute_indices(xt, scale_max, stride):
    return pl.pallas_call(
        functools.partial(_index_body, scale_max=scale_max, stride=stride),
        out_shape=jax.ShapeDtypeStruct(xt.shape, jnp.int32),
    )(xt)


def _make_sc_gather(max_len, d_half, n):
    rows_w = n // _NW
    n_pairs = rows_w // (2 * _CH)
    assert rows_w % (2 * _CH) == 0
    d_out = 2 * d_half
    mesh = plsc.VectorSubcoreMesh(core_axis_name="c", subcore_axis_name="s")

    @functools.partial(
        pl.kernel,
        mesh=mesh,
        out_type=jax.ShapeDtypeStruct((n, d_out), jnp.float32),
        compiler_params=pltpu.CompilerParams(needs_layout_passes=False),
        scratch_types=[
            pltpu.VMEM((max_len * d_half,), jnp.float32),
            pltpu.VMEM((rows_w,), jnp.int32),
            pltpu.VMEM((rows_w,), jnp.int32),
            pltpu.VMEM((_CH, d_out), jnp.float32),
            pltpu.VMEM((_CH, d_out), jnp.float32),
            pltpu.SemaphoreType.DMA,
            pltpu.SemaphoreType.DMA,
            pltpu.SemaphoreType.DMA,
            pltpu.SemaphoreType.DMA,
        ],
    )
    def sc_gather(
        pe_hbm,
        idx_hbm,
        out_hbm,
        pe_v,
        ixs_v,
        iys_v,
        out_v0,
        out_v1,
        sem_pe,
        sem_ix,
        sem_o0,
        sem_o1,
    ):
        wid = lax.axis_index("s") * _NC + lax.axis_index("c")
        row0 = wid * rows_w
        pe_cp = pltpu.async_copy(pe_hbm, pe_v, sem_pe)
        ix_cp = pltpu.async_copy(idx_hbm.at[pl.ds(row0, rows_w)], ixs_v, sem_ix)
        pltpu.async_copy(
            idx_hbm.at[pl.ds(n + row0, rows_w)], iys_v, sem_ix
        ).wait()
        ix_cp.wait()
        pe_cp.wait()

        def do_chunk(c, out_v, sem):
            @pl.when(c >= 2)
            def _():
                pltpu.make_async_copy(
                    out_v, out_hbm.at[pl.ds(row0 + c * _CH, _CH)], sem
                ).wait()

            @plsc.parallel_loop(0, _CH // _L, unroll=2)
            def group(g):
                ivx = ixs_v[pl.ds(c * _CH + g * _L, _L)]
                ivy = iys_v[pl.ds(c * _CH + g * _L, _L)]
                for k in range(_L):
                    ix = ivx[k]
                    iy = ivy[k]
                    row = g * _L + k
                    for cc in range(0, d_half, _L):
                        out_v[row, pl.ds(cc, _L)] = pe_v[pl.ds(ix + cc, _L)]
                    for cc in range(0, d_half, _L):
                        out_v[row, pl.ds(d_half + cc, _L)] = pe_v[
                            pl.ds(iy + cc, _L)
                        ]

            pltpu.async_copy(
                out_v, out_hbm.at[pl.ds(row0 + c * _CH, _CH)], sem
            )

        def pair(ci, carry):
            do_chunk(2 * ci, out_v0, sem_o0)
            do_chunk(2 * ci + 1, out_v1, sem_o1)
            return carry

        lax.fori_loop(0, n_pairs, pair, 0)

        last = 2 * n_pairs - 1
        pltpu.make_async_copy(
            out_v0, out_hbm.at[pl.ds(row0 + (last - 1) * _CH, _CH)], sem_o0
        ).wait()
        pltpu.make_async_copy(
            out_v1, out_hbm.at[pl.ds(row0 + last * _CH, _CH)], sem_o1
        ).wait()

    return sc_gather


def kernel(x, pe):
    n, two = x.shape
    max_len, d_half = pe.shape

    xt = x.T.reshape(two, n // 128, 128)
    idx3d = _compute_indices(xt, float(max_len - 1), d_half)
    idx_flat = idx3d.reshape(two * n)

    return _make_sc_gather(max_len, d_half, n)(pe.reshape(-1), idx_flat)

# --- scband reference (transcript-rebuilt; emitter-appended) ---
"""Pipeline reference for scband-positional-encoding-20151986552910 (READ-ONLY COPY).

The authoritative reference and input builder live on the scoring server;
editing this copy changes nothing except your own understanding.
"""

import jax, jax.numpy as jnp
import numpy as np
import math

D_MODEL = 128
MAX_LEN = 1000
N = 262144


def _make_pe(max_len, d_model):
    d_half = d_model // 2
    position = np.arange(max_len, dtype=np.float32)[:, None]
    div_term = np.exp(np.arange(0, d_half, 2, dtype=np.float32) * (-math.log(10000.0) / d_half))
    pe = np.zeros((max_len, d_half), dtype=np.float32)
    pe[:, 0::2] = np.sin(position * div_term)
    pe[:, 1::2] = np.cos(position * div_term)
    return jnp.asarray(pe)


def setup_inputs(seed: int = 0) -> dict:
    key = jax.random.key(seed)
    x = jax.random.uniform(key, (N, 2), dtype=jnp.float32)
    pe = _make_pe(MAX_LEN, D_MODEL)
    return {"x": x, "pe": pe}


def reference(x, pe):
    x_min = jnp.min(x, axis=0, keepdims=True)
    x_max = jnp.max(x, axis=0, keepdims=True)
    xn = (x - x_min) / (x_max - x_min + 1e-08)
    xn = jnp.clip(xn, 0.0, 1.0)
    x_scaled = (xn * (pe.shape[0] - 1)).astype(jnp.int32)
    pe_x = jnp.take(pe, x_scaled[:, 0], axis=0)
    pe_y = jnp.take(pe, x_scaled[:, 1], axis=0)
    return jnp.concatenate([pe_x, pe_y], axis=1)

if __name__ == "__main__":
    import jax
    _d = setup_inputs()
    print(jax.jit(kernel)(*tuple(_d.values())))

</pallas_src>

<mosaic_0001>
#map = affine_map<(d0, d1) -> (0)>
#map1 = affine_map<(d0, d1) -> (0, 0)>
module attributes {stable_mosaic.version = 14 : i64} {
  func.func @sc_gather(%arg0: i32, %arg1: i32, %arg2: memref<64000xf32, #tpu.memory_space<hbm>>, %arg3: memref<524288xi32, #tpu.memory_space<hbm>>, %arg4: memref<262144x128xf32, #tpu.memory_space<hbm>>, %arg5: memref<64000xf32, #tpu.memory_space<vmem>>, %arg6: memref<8192xi32, #tpu.memory_space<vmem>>, %arg7: memref<8192xi32, #tpu.memory_space<vmem>>, %arg8: memref<128x128xf32, #tpu.memory_space<vmem>>, %arg9: memref<128x128xf32, #tpu.memory_space<vmem>>, %arg10: memref<!tpu.dma_semaphore, #tpu.memory_space<semaphore_mem>>, %arg11: memref<!tpu.dma_semaphore, #tpu.memory_space<semaphore_mem>>, %arg12: memref<!tpu.dma_semaphore, #tpu.memory_space<semaphore_mem>>, %arg13: memref<!tpu.dma_semaphore, #tpu.memory_space<semaphore_mem>>) attributes {dimension_semantics = [#tpu.dimension_semantics<core_parallel>, #tpu.dimension_semantics<subcore_parallel>], iteration_bounds = array<i64: 2, 16>, scalar_prefetch = 0 : i64, scratch_operands = 9 : i64, tpu.core_type = #tpu.core_type<sc_vector_subcore>, window_params = [{transform_indices = #map}, {transform_indices = #map}, {transform_indices = #map1}]} {
    %mul3A = arith.constant 2 : i32
    %mul3A_0 = arith.muli %arg1, %mul3A : i32
    %add3A = arith.addi %mul3A_0, %arg0 : i32
    %mul3A_1 = arith.constant 8192 : i32
    %mul3A_2 = arith.muli %add3A, %mul3A_1 : i32
    tpu.enqueue_dma source(%arg2 : memref<64000xf32, #tpu.memory_space<hbm>>) target(%arg5 : memref<64000xf32, #tpu.memory_space<vmem>>) target_semaphore(%arg10 : memref<!tpu.dma_semaphore, #tpu.memory_space<semaphore_mem>>)
    %dma_start3A = tpu.memref_slice %arg3[%mul3A_2] : memref<524288xi32, #tpu.memory_space<hbm>> -> memref<8192xi32, #tpu.memory_space<hbm>>
    %dma_start3A_3 = tpu.memref_slice %arg3[%mul3A_2] : memref<524288xi32, #tpu.memory_space<hbm>> -> memref<8192xi32, #tpu.memory_space<hbm>>
    tpu.enqueue_dma source(%dma_start3A_3 : memref<8192xi32, #tpu.memory_space<hbm>>) target(%arg6 : memref<8192xi32, #tpu.memory_space<vmem>>) target_semaphore(%arg11 : memref<!tpu.dma_semaphore, #tpu.memory_space<semaphore_mem>>)
    %add3A_4 = arith.constant 262144 : i32
    %add3A_5 = arith.addi %add3A_4, %mul3A_2 : i32
    %dma_start3A_6 = tpu.memref_slice %arg3[%add3A_5] : memref<524288xi32, #tpu.memory_space<hbm>> -> memref<8192xi32, #tpu.memory_space<hbm>>
    %dma_start3A_7 = tpu.memref_slice %arg3[%add3A_5] : memref<524288xi32, #tpu.memory_space<hbm>> -> memref<8192xi32, #tpu.memory_space<hbm>>
    tpu.enqueue_dma source(%dma_start3A_7 : memref<8192xi32, #tpu.memory_space<hbm>>) target(%arg7 : memref<8192xi32, #tpu.memory_space<vmem>>) target_semaphore(%arg11 : memref<!tpu.dma_semaphore, #tpu.memory_space<semaphore_mem>>)
    %dma_wait3A = tpu.memref_slice %arg3[%add3A_5] : memref<524288xi32, #tpu.memory_space<hbm>> -> memref<8192xi32, #tpu.memory_space<hbm>>
    %dma_wait3A_8 = tpu.memref_slice %arg3[%add3A_5] : memref<524288xi32, #tpu.memory_space<hbm>> -> memref<8192xi32, #tpu.memory_space<hbm>>
    tpu.wait_dma2 semaphore(%arg11 : memref<!tpu.dma_semaphore, #tpu.memory_space<semaphore_mem>>) src(%dma_wait3A_8 : memref<8192xi32, #tpu.memory_space<hbm>>) dst(%arg7 : memref<8192xi32, #tpu.memory_space<vmem>>)
    %dma_wait3A_9 = tpu.memref_slice %arg3[%mul3A_2] : memref<524288xi32, #tpu.memory_space<hbm>> -> memref<8192xi32, #tpu.memory_space<hbm>>
    %dma_wait3A_10 = tpu.memref_slice %arg3[%mul3A_2] : memref<524288xi32, #tpu.memory_space<hbm>> -> memref<8192xi32, #tpu.memory_space<hbm>>
    tpu.wait_dma2 semaphore(%arg11 : memref<!tpu.dma_semaphore, #tpu.memory_space<semaphore_mem>>) src(%dma_wait3A_10 : memref<8192xi32, #tpu.memory_space<hbm>>) dst(%arg6 : memref<8192xi32, #tpu.memory_space<vmem>>)
    tpu.wait_dma2 semaphore(%arg10 : memref<!tpu.dma_semaphore, #tpu.memory_space<semaphore_mem>>) src(%arg2 : memref<64000xf32, #tpu.memory_space<hbm>>) dst(%arg5 : memref<64000xf32, #tpu.memory_space<vmem>>)
    %scan3A = arith.constant 0 : i32
    %scan3A_11 = arith.constant 0 : i32
    %scan3A_12 = arith.constant 32 : i32
    %scan3A_13 = arith.addi %scan3A_11, %scan3A_12 : i32
    %scan3A_14 = arith.constant 1 : i32
    scf.for %scan3A_28 = %scan3A_11 to %scan3A_13 step %scan3A_14  : i32 {
      %mul3A_29 = arith.constant 2 : i32
      %mul3A_30 = arith.muli %mul3A_29, %scan3A_28 : i32
      %ge3A = arith.constant 2 : i32
      %ge3A_31 = arith.cmpi sge, %mul3A_30, %ge3A : i32
      %convert_element_type3A = arith.extui %ge3A_31 : i1 to i32
      %cond3A = arith.constant 0 : i32
      %cond3A_32 = arith.cmpi ne, %convert_element_type3A, %cond3A : i32
      scf.if %cond3A_32 {
        %mul3A_61 = arith.constant 128 : i32
        %mul3A_62 = arith.muli %mul3A_30, %mul3A_61 : i32
        %add3A_63 = arith.addi %mul3A_2, %mul3A_62 : i32
        %dma_wait3A_64 = arith.constant 0 : i32
        %dma_wait3A_65 = tpu.memref_slice %arg4[%add3A_63, %dma_wait3A_64] : memref<262144x128xf32, #tpu.memory_space<hbm>> -> memref<128x128xf32, #tpu.memory_space<hbm>>
        %dma_wait3A_66 = arith.constant 0 : i32
        %dma_wait3A_67 = tpu.memref_slice %arg4[%add3A_63, %dma_wait3A_66] : memref<262144x128xf32, #tpu.memory_space<hbm>> -> memref<128x128xf32, #tpu.memory_space<hbm>>
        tpu.wait_dma2 semaphore(%arg12 : memref<!tpu.dma_semaphore, #tpu.memory_space<semaphore_mem>>) src(%arg8 : memref<128x128xf32, #tpu.memory_space<vmem>>) dst(%dma_wait3A_67 : memref<128x128xf32, #tpu.memory_space<hbm>>)
      } else {
      }
      %parallel_loop3A = arith.constant 0 : i32
      %parallel_loop3A_33 = arith.constant 8 : i32
      %parallel_loop3A_34 = arith.constant 1 : i32
      scf.for %parallel_loop3A_61 = %parallel_loop3A to %parallel_loop3A_33 step %parallel_loop3A_34  : i32 {
        %parallel_loop3A_62 = arith.constant 128 : i32
        %parallel_loop3A_63 = arith.muli %mul3A_30, %parallel_loop3A_62 : i32
        %parallel_loop3A_64 = arith.constant 16 : i32
        %parallel_loop3A_65 = arith.muli %parallel_loop3A_61, %parallel_loop3A_64 : i32
        %parallel_loop3A_66 = arith.addi %parallel_loop3A_63, %parallel_loop3A_65 : i32
        %parallel_loop3A_67 = arith.index_cast %parallel_loop3A_66 : i32 to index
        %parallel_loop3A_68 = tpu.vector_load %arg6[%parallel_loop3A_67] {strides = array<i32>} : memref<8192xi32, #tpu.memory_space<vmem>>, vector<16xi32>,
        %parallel_loop3A_69 = arith.constant 128 : i32
        %parallel_loop3A_70 = arith.muli %mul3A_30, %parallel_loop3A_69 : i32
        %parallel_loop3A_71 = arith.constant 16 : i32
        %parallel_loop3A_72 = arith.muli %parallel_loop3A_61, %parallel_loop3A_71 : i32
        %parallel_loop3A_73 = arith.addi %parallel_loop3A_70, %parallel_loop3A_72 : i32
        %parallel_loop3A_74 = arith.index_cast %parallel_loop3A_73 : i32 to index
        %parallel_loop3A_75 = tpu.vector_load %arg7[%parallel_loop3A_74] {strides = array<i32>} : memref<8192xi32, #tpu.memory_space<vmem>>, vector<16xi32>,
        %parallel_loop3A_76 = vector.extract_strided_slice %parallel_loop3A_68 {offsets = [0], sizes = [1], strides = [1]} : vector<16xi32> to vector<1xi32>
        %parallel_loop3A_77 = vector.extract %parallel_loop3A_76[0] : i32 from vector<1xi32>
        %parallel_loop3A_78 = vector.extract_strided_slice %parallel_loop3A_75 {offsets = [0], sizes = [1], strides = [1]} : vector<16xi32> to vector<1xi32>
        %parallel_loop3A_79 = vector.extract %parallel_loop3A_78[0] : i32 from vector<1xi32>
        %parallel_loop3A_80 = arith.constant 16 : i32
        %parallel_loop3A_81 = arith.muli %parallel_loop3A_61, %parallel_loop3A_80 : i32
        %parallel_loop3A_82 = arith.constant 0 : i32
        %parallel_loop3A_83 = arith.addi %parallel_loop3A_81, %parallel_loop3A_82 : i32
        %parallel_loop3A_84 = arith.constant 0 : i32
        %parallel_loop3A_85 = arith.addi %parallel_loop3A_77, %parallel_loop3A_84 : i32
        %parallel_loop3A_86 = arith.index_cast %parallel_loop3A_85 : i32 to index
        %parallel_loop3A_87 = tpu.vector_load %arg5[%parallel_loop3A_86] {strides = array<i32>} : memref<64000xf32, #tpu.memory_space<vmem>>, vector<16xf32>,
        %parallel_loop3A_88 = arith.index_cast %parallel_loop3A_83 : i32 to index
        %parallel_loop3A_89 = arith.constant 0 : index
        %parallel_loop3A_90 = tpu.vector_load %arg8[%parallel_loop3A_88, %parallel_loop3A_89] {strides = array<i32>} : memref<128x128xf32, #tpu.memory_space<vmem>>, vector<16xf32>,
        tpu.vector_store %arg8[%parallel_loop3A_88, %parallel_loop3A_89], %parallel_loop3A_87 {strides = array<i32>} : memref<128x128xf32, #tpu.memory_space<vmem>>, vector<16xf32>,
        %parallel_loop3A_91 = arith.constant 16 : i32
        %parallel_loop3A_92 = arith.addi %parallel_loop3A_77, %parallel_loop3A_91 : i32
        %parallel_loop3A_93 = arith.index_cast %parallel_loop3A_92 : i32 to index
        %parallel_loop3A_94 = tpu.vector_load %arg5[%parallel_loop3A_93] {strides = array<i32>} : memref<64000xf32, #tpu.memory_space<vmem>>, vector<16xf32>,
        %parallel_loop3A_95 = arith.index_cast %parallel_loop3A_83 : i32 to index
        %parallel_loop3A_96 = arith.constant 16 : index
        %parallel_loop3A_97 = tpu.vector_load %arg8[%parallel_loop3A_95, %parallel_loop3A_96] {strides = array<i32>} : memref<128x128xf32, #tpu.memory_space<vmem>>, vector<16xf32>,
        tpu.vector_store %arg8[%parallel_loop3A_95, %parallel_loop3A_96], %parallel_loop3A_94 {strides = array<i32>} : memref<128x128xf32, #tpu.memory_space<vmem>>, vector<16xf32>,
        %parallel_loop3A_98 = arith.constant 32 : i32
        %parallel_loop3A_99 = arith.addi %parallel_loop3A_77, %parallel_loop3A_98 : i32
        %parallel_loop3A_100 = arith.index_cast %parallel_loop3A_99 : i32 to index
        %parallel_loop3A_101 = tpu.vector_load %arg5[%parallel_loop3A_100] {strides = array<i32>} : memref<64000xf32, #tpu.memory_space<vmem>>, vector<16xf32>,
        %parallel_loop3A_102 = arith.index_cast %parallel_loop3A_83 : i32 to index
        %parallel_loop3A_103 = arith.constant 32 : index
        %parallel_loop3A_104 = tpu.vector_load %arg8[%parallel_loop3A_102, %parallel_loop3A_103] {strides = array<i32>} : memref<128x128xf32, #tpu.memory_space<vmem>>, vector<16xf32>,
        tpu.vector_store %arg8[%parallel_loop3A_102, %parallel_loop3A_103], %parallel_loop3A_101 {strides = array<i32>} : memref<128x128xf32, #tpu.memory_space<vmem>>, vector<16xf32>,
        %parallel_loop3A_105 = arith.constant 48 : i32
        %parallel_loop3A_106 = arith.addi %parallel_loop3A_77, %parallel_loop3A_105 : i32
        %parallel_loop3A_107 = arith.index_cast %parallel_loop3A_106 : i32 to index
        %parallel_loop3A_108 = tpu.vector_load %arg5[%parallel_loop3A_107] {strides = array<i32>} : memref<64000xf32, #tpu.memory_space<vmem>>, vector<16xf32>,
        %parallel_loop3A_109 = arith.index_cast %parallel_loop3A_83 : i32 to index
        %parallel_loop3A_110 = arith.constant 48 : index
        %parallel_loop3A_111 = tpu.vector_load %arg8[%parallel_loop3A_109, %parallel_loop3A_110] {strides = array<i32>} : memref<128x128xf32, #tpu.memory_space<vmem>>, vector<16xf32>,
        tpu.vector_store %arg8[%parallel_loop3A_109, %parallel_loop3A_110], %parallel_loop3A_108 {strides = array<i32>} : memref<128x128xf32, #tpu.memory_space<vmem>>, vector<16xf32>,
        %parallel_loop3A_112 = arith.constant 0 : i32
        %parallel_loop3A_113 = arith.addi %parallel_loop3A_79, %parallel_loop3A_112 : i32
        %parallel_loop3A_114 = arith.index_cast %parallel_loop3A_113 : i32 to index
        %parallel_loop3A_115 = tpu.vector_load %arg5[%parallel_loop3A_114] {strides = array<i32>} : memref<64000xf32, #tpu.memory_space<vmem>>, vector<16xf32>,
        %parallel_loop3A_116 = arith.index_cast %parallel_loop3A_83 : i32 to index
        %parallel_loop3A_117 = arith.constant 64 : index
        %parallel_loop3A_118 = tpu.vector_load %arg8[%parallel_loop3A_116, %parallel_loop3A_117] {strides = array<i32>} : memref<128x128xf32, #tpu.memory_space<vmem>>, vector<16xf32>,
        tpu.vector_store %arg8[%parallel_loop3A_116, %parallel_loop3A_117], %parallel_loop3A_115 {strides = array<i32>} : memref<128x128xf32, #tpu.memory_space<vmem>>, vector<16xf32>,
        %parallel_loop3A_119 = arith.constant 16 : i32
        %parallel_loop3A_120 = arith.addi %parallel_loop3A_79, %parallel_loop3A_119 : i32
        %parallel_loop3A_121 = arith.index_cast %parallel_loop3A_120 : i32 to index
        %parallel_loop3A_122 = tpu.vector_load %arg5[%parallel_loop3A_121] {strides = array<i32>} : memref<64000xf32, #tpu.memory_space<vmem>>, vector<16xf32>,
        %parallel_loop3A_123 = arith.index_cast %parallel_loop3A_83 : i32 to index
        %parallel_loop3A_124 = arith.constant 80 : index
        %parallel_loop3A_125 = tpu.vector_load %arg8[%parallel_loop3A_123, %parallel_loop3A_124] {strides = array<i32>} : memref<128x128xf32, #tpu.memory_space<vmem>>, vector<16xf32>,
        tpu.vector_store %arg8[%parallel_loop3A_123, %parallel_loop3A_124], %parallel_loop3A_122 {strides = array<i32>} : memref<128x128xf32, #tpu.memory_space<vmem>>, vector<16xf32>,
        %parallel_loop3A_126 = arith.constant 32 : i32
        %parallel_loop3A_127 = arith.addi %parallel_loop3A_79, %parallel_loop3A_126 : i32
        %parallel_loop3A_128 = arith.index_cast %parallel_loop3A_127 : i32 to index
        %parallel_loop3A_129 = tpu.vector_load %arg5[%parallel_loop3A_128] {strides = array<i32>} : memref<64000xf32, #tpu.memory_space<vmem>>, vector<16xf32>,
        %parallel_loop3A_130 = arith.index_cast %parallel_loop3A_83 : i32 to index
        %parallel_loop3A_131 = arith.constant 96 : index
        %parallel_loop3A_132 = tpu.vector_load %arg8[%parallel_loop3A_130, %parallel_loop3A_131] {strides = array<i32>} : memref<128x128xf32, #tpu.memory_space<vmem>>, vector<16xf32>,
        tpu.vector_store %arg8[%parallel_loop3A_130, %parallel_loop3A_131], %parallel_loop3A_129 {strides = array<i32>} : memref<128x128xf32, #tpu.memory_space<vmem>>, vector<16xf32>,
        %parallel_loop3A_133 = arith.constant 48 : i32
        %parallel_loop3A_134 = arith.addi %parallel_loop3A_79, %parallel_loop3A_133 : i32
        %parallel_loop3A_135 = arith.index_cast %parallel_loop3A_134 : i32 to index
        %parallel_loop3A_136 = tpu.vector_load %arg5[%parallel_loop3A_135] {strides = array<i32>} : memref<64000xf32, #tpu.memory_space<vmem>>, vector<16xf32>,
        %parallel_loop3A_137 = arith.index_cast %parallel_loop3A_83 : i32 to index
        %parallel_loop3A_138 = arith.constant 112 : index
        %parallel_loop3A_139 = tpu.vector_load %arg8[%parallel_loop3A_137, %parallel_loop3A_138] {strides = array<i32>} : memref<128x128xf32, #tpu.memory_space<vmem>>, vector<16xf32>,
        tpu.vector_store %arg8[%parallel_loop3A_137, %parallel_loop3A_138], %parallel_loop3A_136 {strides = array<i32>} : memref<128x128xf32, #tpu.memory_space<vmem>>, vector<16xf32>,
        %parallel_loop3A_140 = vector.extract_strided_slice %parallel_loop3A_68 {offsets = [1], sizes = [1], strides = [1]} : vector<16xi32> to vector<1xi32>
        %parallel_loop3A_141 = vector.extract %parallel_loop3A_140[0] : i32 from vector<1xi32>
        %parallel_loop3A_142 = vector.extract_strided_slice %parallel_loop3A_75 {offsets = [1], sizes = [1], strides = [1]} : vector<16xi32> to vector<1xi32>
        %parallel_loop3A_143 = vector.extract %parallel_loop3A_142[0] : i32 from vector<1xi32>
        %parallel_loop3A_144 = arith.constant 16 : i32
        %parallel_loop3A_145 = arith.muli %parallel_loop3A_61, %parallel_loop3A_144 : i32
        %parallel_loop3A_146 = arith.constant 1 : i32
        %parallel_loop3A_147 = arith.addi %parallel_loop3A_145, %parallel_loop3A_146 : i32
        %parallel_loop3A_148 = arith.constant 0 : i32
        %parallel_loop3A_149 = arith.addi %parallel_loop3A_141, %parallel_loop3A_148 : i32
        %parallel_loop3A_150 = arith.index_cast %parallel_loop3A_149 : i32 to index
        %parallel_loop3A_151 = tpu.vector_load %arg5[%parallel_loop3A_150] {strides = array<i32>} : memref<64000xf32, #tpu.memory_space<vmem>>, vector<16xf32>,
        %parallel_loop3A_152 = arith.index_cast %parallel_loop3A_147 : i32 to index
        %parallel_loop3A_153 = arith.constant 0 : index
        %parallel_loop3A_154 = tpu.vector_load %arg8[%parallel_loop3A_152, %parallel_loop3A_153] {strides = array<i32>} : memref<128x128xf32, #tpu.memory_space<vmem>>, vector<16xf32>,
        tpu.vector_store %arg8[%parallel_loop3A_152, %parallel_loop3A_153], %parallel_loop3A_151 {strides = array<i32>} : memref<128x128xf32, #tpu.memory_space<vmem>>, vector<16xf32>,
        %parallel_loop3A_155 = arith.constant 16 : i32
        %parallel_loop3A_156 = arith.addi %parallel_loop3A_141, %parallel_loop3A_155 : i32
        %parallel_loop3A_157 = arith.index_cast %parallel_loop3A_156 : i32 to index
        %parallel_loop3A_158 = tpu.vector_load %arg5[%parallel_loop3A_157] {strides = array<i32>} : memref<64000xf32, #tpu.memory_space<vmem>>, vector<16xf32>,
        %parallel_loop3A_159 = arith.index_cast %parallel_loop3A_147 : i32 to index
        %parallel_loop3A_160 = arith.constant 16 : index
        %parallel_loop3A_161 = tpu.vector_load %arg8[%parallel_loop3A_159, %parallel_loop3A_160] {strides = array<i32>} : memref<128x128xf32, #tpu.memory_space<vmem>>, vector<16xf32>,
        tpu.vector_store %arg8[%parallel_loop3A_159, %parallel_loop3A_160], %parallel_loop3A_158 {strides = array<i32>} : memref<128x128xf32, #tpu.memory_space<vmem>>, vector<16xf32>,
        %parallel_loop3A_162 = arith.constant 32 : i32
        %parallel_loop3A_163 = arith.addi %parallel_loop3A_141, %parallel_loop3A_162 : i32
        %parallel_loop3A_164 = arith.index_cast %parallel_loop3A_163 : i32 to index
        %parallel_loop3A_165 = tpu.vector_load %arg5[%parallel_loop3A_164] {strides = array<i32>} : memref<64000xf32, #tpu.memory_space<vmem>>, vector<16xf32>,
        %parallel_loop3A_166 = arith.index_cast %parallel_loop3A_147 : i32 to index
        %parallel_loop3A_167 = arith.constant 32 : index
        %parallel_loop3A_168 = tpu.vector_load %arg8[%parallel_loop3A_166, %parallel_loop3A_167] {strides = array<i32>} : memref<128x128xf32, #tpu.memory_space<vmem>>, vector<16xf32>,
        tpu.vector_store %arg8[%parallel_loop3A_166, %parallel_loop3A_167], %parallel_loop3A_165 {strides = array<i32>} : memref<128x128xf32, #tpu.memory_space<vmem>>, vector<16xf32>,
        %parallel_loop3A_169 = arith.constant 48 : i32
        %parallel_loop3A_170 = arith.addi %parallel_loop3A_141, %parallel_loop3A_169 : i32
        %parallel_loop3A_171 = arith.index_cast %parallel_loop3A_170 : i32 to index
        %parallel_loop3A_172 = tpu.vector_load %arg5[%parallel_loop3A_171] {strides = array<i32>} : memref<64000xf32, #tpu.memory_space<vmem>>, vector<16xf32>,
        %parallel_loop3A_173 = arith.index_cast %parallel_loop3A_147 : i32 to index
        %parallel_loop3A_174 = arith.constant 48 : index
        %parallel_loop3A_175 = tpu.vector_load %arg8[%parallel_loop3A_173, %parallel_loop3A_174] {strides = array<i32>} : memref<128x128xf32, #tpu.memory_space<vmem>>, vector<16xf32>,
        tpu.vector_store %arg8[%parallel_loop3A_173, %parallel_loop3A_174], %parallel_loop3A_172 {strides = array<i32>} : memref<128x128xf32, #tpu.memory_space<vmem>>, vector<16xf32>,
        %parallel_loop3A_176 = arith.constant 0 : i32
        %parallel_loop3A_177 = arith.addi %parallel_loop3A_143, %parallel_loop3A_176 : i32
        %parallel_loop3A_178 = arith.index_cast %parallel_loop3A_177 : i32 to index
        %parallel_loop3A_179 = tpu.vector_load %arg5[%parallel_loop3A_178] {strides = array<i32>} : memref<64000xf32, #tpu.memory_space<vmem>>, vector<16xf32>,
        %parallel_loop3A_180 = arith.index_cast %parallel_loop3A_147 : i32 to index
        %parallel_loop3A_181 = arith.constant 64 : index
        %parallel_loop3A_182 = tpu.vector_load %arg8[%parallel_loop3A_180, %parallel_loop3A_181] {strides = array<i32>} : memref<128x128xf32, #tpu.memory_space<vmem>>, vector<16xf32>,
        tpu.vector_store %arg8[%parallel_loop3A_180, %parallel_loop3A_181], %parallel_loop3A_179 {strides = array<i32>} : memref<128x128xf32, #tpu.memory_space<vmem>>, vector<16xf32>,
        %parallel_loop3A_183 = arith.constant 16 : i32
        %parallel_loop3A_184 = arith.addi %parallel_loop3A_143, %parallel_loop3A_183 : i32
        %parallel_loop3A_185 = arith.index_cast %parallel_loop3A_184 : i32 to index
        %parallel_loop3A_186 = tpu.vector_load %arg5[%parallel_loop3A_185] {strides = array<i32>} : memref<64000xf32, #tpu.memory_space<vmem>>, vector<16xf32>,
        %parallel_loop3A_187 = arith.index_cast %parallel_loop3A_147 : i32 to index
        %parallel_loop3A_188 = arith.constant 80 : index
        %parallel_loop3A_189 = tpu.vector_load %arg8[%parallel_loop3A_187, %parallel_loop3A_188] {strides = array<i32>} : memref<128x128xf32, #tpu.memory_space<vmem>>, vector<16xf32>,
        tpu.vector_store %arg8[%parallel_loop3A_187, %parallel_loop3A_188], %parallel_loop3A_186 {strides = array<i32>} : memref<128x128xf32, #tpu.memory_space<vmem>>, vector<16xf32>,
        %parallel_loop3A_190 = arith.constant 32 : i32
        %parallel_loop3A_191 = arith.addi %parallel_loop3A_143, %parallel_loop3A_190 : i32
        %parallel_loop3A_192 = arith.index_cast %parallel_loop3A_191 : i32 to index
        %parallel_loop3A_193 = tpu.vector_load %arg5[%parallel_loop3A_192] {strides = array<i32>} : memref<64000xf32, #tpu.memory_space<vmem>>, vector<16xf32>,
        %parallel_loop3A_194 = arith.index_cast %parallel_loop3A_147 : i32 to index
        %parallel_loop3A_195 = arith.constant 96 : index
        %parallel_loop3A_196 = tpu.vector_load %arg8[%parallel_loop3A_194, %parallel_loop3A_195] {strides = array<i32>} : memref<128x128xf32, #tpu.memory_space<vmem>>, vector<16xf32>,
        tpu.vector_store %arg8[%parallel_loop3A_194, %parallel_loop3A_195], %parallel_loop3A_193 {strides = array<i32>} : memref<128x128xf32, #tpu.memory_space<vmem>>, vector<16xf32>,
        %parallel_loop3A_197 = arith.constant 48 : i32
        %parallel_loop3A_198 = arith.addi %parallel_loop3A_143, %parallel_loop3A_197 : i32
        %parallel_loop3A_199 = arith.index_cast %parallel_loop3A_198 : i32 to index
        %parallel_loop3A_200 = tpu.vector_load %arg5[%parallel_loop3A_199] {strides = array<i32>} : memref<64000xf32, #tpu.memory_space<vmem>>, vector<16xf32>,
        %parallel_loop3A_201 = arith.index_cast %parallel_loop3A_147 : i32 to index
        %parallel_loop3A_202 = arith.constant 112 : index
        %parallel_loop3A_203 = tpu.vector_load %arg8[%parallel_loop3A_201, %parallel_loop3A_202] {strides = array<i32>} : memref<128x128xf32, #tpu.memory_space<vmem>>, vector<16xf32>,
        tpu.vector_store %arg8[%parallel_loop3A_201, %parallel_loop3A_202], %parallel_loop3A_200 {strides = array<i32>} : memref<128x128xf32, #tpu.memory_space<vmem>>, vector<16xf32>,
        %parallel_loop3A_204 = vector.extract_strided_slice %parallel_loop3A_68 {offsets = [2], sizes = [1], strides = [1]} : vector<16xi32> to vector<1xi32>
        %parallel_loop3A_205 = vector.extract %parallel_loop3A_204[0] : i32 from vector<1xi32>
        %parallel_loop3A_206 = vector.extract_strided_slice %parallel_loop3A_75 {offsets = [2], sizes = [1], strides = [1]} : vector<16xi32> to vector<1xi32>
        %parallel_loop3A_207 = vector.extract %parallel_loop3A_206[0] : i32 from vector<1xi32>
        %parallel_loop3A_208 = arith.constant 16 : i32
        %parallel_loop3A_209 = arith.muli %parallel_loop3A_61, %parallel_loop3A_208 : i32
        %parallel_loop3A_210 = arith.constant 2 : i32
        %parallel_loop3A_211 = arith.addi %parallel_loop3A_209, %parallel_loop3A_210 : i32
        %parallel_loop3A_212 = arith.constant 0 : i32
        %parallel_loop3A_213 = arith.addi %parallel_loop3A_205, %parallel_loop3A_212 : i32
        %parallel_loop3A_214 = arith.index_cast %parallel_loop3A_213 : i32 to index
        %parallel_loop3A_215 = tpu.vector_load %arg5[%parallel_loop3A_214] {strides = array<i32>} : memref<64000xf32, #tpu.memory_space<vmem>>, vector<16xf32>,
        %parallel_loop3A_216 = arith.index_cast %parallel_loop3A_211 : i32 to index
        %parallel_loop3A_217 = arith.constant 0 : index
        %parallel_loop3A_218 = tpu.vector_load %arg8[%parallel_loop3A_216, %parallel_loop3A_217] {strides = array<i32>} : memref<128x128xf32, #tpu.memory_space<vmem>>, vector<16xf32>,
        tpu.vector_store %arg8[%parallel_loop3A_216, %parallel_loop3A_217], %parallel_loop3A_215 {strides = array<i32>} : memref<128x128xf32, #tpu.memory_space<vmem>>, vector<16xf32>,
        %parallel_loop3A_219 = arith.constant 16 : i32
        %parallel_loop3A_220 = arith.addi %parallel_loop3A_205, %parallel_loop3A_219 : i32
        %parallel_loop3A_221 = arith.index_cast %parallel_loop3A_220 : i32 to index
        %parallel_loop3A_222 = tpu.vector_load %arg5[%parallel_loop3A_221] {strides = array<i32>} : memref<64000xf32, #tpu.memory_space<vmem>>, vector<16xf32>,
        %parallel_loop3A_223 = arith.index_cast %parallel_loop3A_211 : i32 to index
        %parallel_loop3A_224 = arith.constant 16 : index
        %parallel_loop3A_225 = tpu.vector_load %arg8[%parallel_loop3A_223, %parallel_loop3A_224] {strides = array<i32>} : memref<128x128xf32, #tpu.memory_space<vmem>>, vector<16xf32>,
        tpu.vector_store %arg8[%parallel_loop3A_223, %parallel_loop3A_224], %parallel_loop3A_222 {strides = array<i32>} : memref<128x128xf32, #tpu.memory_space<vmem>>, vector<16xf32>,
        %parallel_loop3A_226 = arith.constant 32 : i32
        %parallel_loop3A_227 = arith.addi %parallel_loop3A_205, %parallel_loop3A_226 : i32
        %parallel_loop3A_228 = arith.index_cast %parallel_loop3A_227 : i32 to index
        %parallel_loop3A_229 = tpu.vector_load %arg5[%parallel_loop3A_228] {strides = array<i32>} : memref<64000xf32, #tpu.memory_space<vmem>>, vector<16xf32>,
        %parallel_loop3A_230 = arith.index_cast %parallel_loop3A_211 : i32 to index
        %parallel_loop3A_231 = arith.constant 32 : index
        %parallel_loop3A_232 = tpu.vector_load %arg8[%parallel_loop3A_230, %parallel_loop3A_231] {strides = array<i32>} : memref<128x128xf32, #tpu.memory_space<vmem>>, vector<16xf32>,
        tpu.vector_store %arg8[%parallel_loop3A_230, %parallel_loop3A_231], %parallel_loop3A_229 {strides = array<i32>} : memref<128x128xf32, #tpu.memory_space<vmem>>, vector<16xf32>,
        %parallel_loop3A_233 = arith.constant 48 : i32
        %parallel_loop3A_234 = arith.addi %parallel_loop3A_205, %parallel_loop3A_233 : i32
        %parallel_loop3A_235 = arith.index_cast %parallel_loop3A_234 : i32 to index
        %parallel_loop3A_236 = tpu.vector_load %arg5[%parallel_loop3A_235] {strides = array<i32>} : memref<64000xf32, #tpu.memory_space<vmem>>, vector<16xf32>,
        %parallel_loop3A_237 = arith.index_cast %parallel_loop3A_211 : i32 to index
        %parallel_loop3A_238 = arith.constant 48 : index
        %parallel_loop3A_239 = tpu.vector_load %arg8[%parallel_loop3A_237, %parallel_loop3A_238] {strides = array<i32>} : memref<128x128xf32, #tpu.memory_space<vmem>>, vector<16xf32>,
        tpu.vector_store %arg8[%parallel_loop3A_237, %parallel_loop3A_238], %parallel_loop3A_236 {strides = array<i32>} : memref<128x128xf32, #tpu.memory_space<vmem>>, vector<16xf32>,
        %parallel_loop3A_240 = arith.constant 0 : i32
        %parallel_loop3A_241 = arith.addi %parallel_loop3A_207, %parallel_loop3A_240 : i32
        %parallel_loop3A_242 = arith.index_cast %parallel_loop3A_241 : i32 to index
        %parallel_loop3A_243 = tpu.vector_load %arg5[%parallel_loop3A_242] {strides = array<i32>} : memref<64000xf32, #tpu.memory_space<vmem>>, vector<16xf32>,
        %parallel_loop3A_244 = arith.index_cast %parallel_loop3A_211 : i32 to index
        %parallel_loop3A_245 = arith.constant 64 : index
        %parallel_loop3A_246 = tpu.vector_load %arg8[%parallel_loop3A_244, %parallel_loop3A_245] {strides = array<i32>} : memref<128x128xf32, #tpu.memory_space<vmem>>, vector<16xf32>,
        tpu.vector_store %arg8[%parallel_loop3A_244, %parallel_loop3A_245], %parallel_loop3A_243 {strides = array<i32>} : memref<128x128xf32, #tpu.memory_space<vmem>>, vector<16xf32>,
        %parallel_loop3A_247 = arith.constant 16 : i32
        %parallel_loop3A_248 = arith.addi %parallel_loop3A_207, %parallel_loop3A_247 : i32
        %parallel_loop3A_249 = arith.index_cast %parallel_loop3A_248 : i32 to index
        %parallel_loop3A_250 = tpu.vector_load %arg5[%parallel_loop3A_249] {strides = array<i32>} : memref<64000xf32, #tpu.memory_space<vmem>>, vector<16xf32>,
        %parallel_loop3A_251 = arith.index_cast %parallel_loop3A_211 : i32 to index
        %parallel_loop3A_252 = arith.constant 80 : index
        %parallel_loop3A_253 = tpu.vector_load %arg8[%parallel_loop3A_251, %parallel_loop3A_252] {strides = array<i32>} : memref<128x128xf32, #tpu.memory_space<vmem>>, vector<16xf32>,
        tpu.vector_store %arg8[%parallel_loop3A_251, %parallel_loop3A_252], %parallel_loop3A_250 {strides = array<i32>} : memref<128x128xf32, #tpu.memory_space<vmem>>, vector<16xf32>,
        %parallel_loop3A_254 = arith.constant 32 : i32
        %parallel_loop3A_255 = arith.addi %parallel_loop3A_207, %parallel_loop3A_254 : i32
        %parallel_loop3A_256 = arith.index_cast %parallel_loop3A_255 : i32 to index
        %parallel_loop3A_257 = tpu.vector_load %arg5[%parallel_loop3A_256] {strides = array<i32>} : memref<64000xf32, #tpu.memory_space<vmem>>, vector<16xf32>,
        %parallel_loop3A_258 = arith.index_cast %parallel_loop3A_211 : i32 to index
        %parallel_loop3A_259 = arith.constant 96 : index
        %parallel_loop3A_260 = tpu.vector_load %arg8[%parallel_loop3A_258, %parallel_loop3A_259] {strides = array<i32>} : memref<128x128xf32, #tpu.memory_space<vmem>>, vector<16xf32>,
        tpu.vector_store %arg8[%parallel_loop3A_258, %parallel_loop3A_259], %parallel_loop3A_257 {strides = array<i32>} : memref<128x128xf32, #tpu.memory_space<vmem>>, vector<16xf32>,
        %parallel_loop3A_261 = arith.constant 48 : i32
        %parallel_loop3A_262 = arith.addi %parallel_loop3A_207, %parallel_loop3A_261 : i32
        %parallel_loop3A_263 = arith.index_cast %parallel_loop3A_262 : i32 to index
        %parallel_loop3A_264 = tpu.vector_load %arg5[%parallel_loop3A_263] {strides = array<i32>} : memref<64000xf32, #tpu.memory_space<vmem>>, vector<16xf32>,
        %parallel_loop3A_265 = arith.index_cast %parallel_loop3A_211 : i32 to index
        %parallel_loop3A_266 = arith.constant 112 : index
        %parallel_loop3A_267 = tpu.vector_load %arg8[%parallel_loop3A_265, %parallel_loop3A_266] {strides = array<i32>} : memref<128x128xf32, #tpu.memory_space<vmem>>, vector<16xf32>,
        tpu.vector_store %arg8[%parallel_loop3A_265, %parallel_loop3A_266], %parallel_loop3A_264 {strides = array<i32>} : memref<128x128xf32, #tpu.memory_space<vmem>>, vector<16xf32>,
        %parallel_loop3A_268 = vector.extract_strided_slice %parallel_loop3A_68 {offsets = [3], sizes = [1], strides = [1]} : vector<16xi32> to vector<1xi32>
        %parallel_loop3A_269 = vector.extract %parallel_loop3A_268[0] : i32 from vector<1xi32>
        %parallel_loop3A_270 = vector.extract_strided_slice %parallel_loop3A_75 {offsets = [3], sizes = [1], strides = [1]} : vector<16xi32> to vector<1xi32>
        %parallel_loop3A_271 = vector.extract %parallel_loop3A_270[0] : i32 from vector<1xi32>
        %parallel_loop3A_272 = arith.constant 16 : i32
        %parallel_loop3A_273 = arith.muli %parallel_loop3A_61, %parallel_loop3A_272 : i32
        %parallel_loop3A_274 = arith.constant 3 : i32
        %parallel_loop3A_275 = arith.addi %parallel_loop3A_273, %parallel_loop3A_274 : i32
        %parallel_loop3A_276 = arith.constant 0 : i32
        %parallel_loop3A_277 = arith.addi %parallel_loop3A_269, %parallel_loop3A_276 : i32
        %parallel_loop3A_278 = arith.index_cast %parallel_loop3A_277 : i32 to index
        %parallel_loop3A_279 = tpu.vector_load %arg5[%parallel_loop3A_278] {strides = array<i32>} : memref<64000xf32, #tpu.memory_space<vmem>>, vector<16xf32>,
        %parallel_loop3A_280 = arith.index_cast %parallel_loop3A_275 : i32 to index
        %parallel_loop3A_281 = arith.constant 0 : index
        %parallel_loop3A_282 = tpu.vector_load %arg8[%parallel_loop3A_280, %parallel_loop3A_281] {strides = array<i32>} : memref<128x128xf32, #tpu.memory_space<vmem>>, vector<16xf32>,
        tpu.vector_store %arg8[%parallel_loop3A_280, %parallel_loop3A_281], %parallel_loop3A_279 {strides = array<i32>} : memref<128x128xf32, #tpu.memory_space<vmem>>, vector<16xf32>,
        %parallel_loop3A_283 = arith.constant 16 : i32
        %parallel_loop3A_284 = arith.addi %parallel_loop3A_269, %parallel_loop3A_283 : i32
        %parallel_loop3A_285 = arith.index_cast %parallel_loop3A_284 : i32 to index
        %parallel_loop3A_286 = tpu.vector_load %arg5[%parallel_loop3A_285] {strides = array<i32>} : memref<64000xf32, #tpu.memory_space<vmem>>, vector<16xf32>,
        %parallel_loop3A_287 = arith.index_cast %parallel_loop3A_275 : i32 to index
        %parallel_loop3A_288 = arith.constant 16 : index
        %parallel_loop3A_289 = tpu.vector_load %arg8[%parallel_loop3A_287, %parallel_loop3A_288] {strides = array<i32>} : memref<128x128xf32, #tpu.memory_space<vmem>>, vector<16xf32>,
        tpu.vector_store %arg8[%parallel_loop3A_287, %parallel_loop3A_288], %parallel_loop3A_286 {strides = array<i32>} : memref<128x128xf32, #tpu.memory_space<vmem>>, vector<16xf32>,
        %parallel_loop3A_290 = arith.constant 32 : i32
        %parallel_loop3A_291 = arith.addi %parallel_loop3A_269, %parallel_loop3A_290 : i32
        %parallel_loop3A_292 = arith.index_cast %parallel_loop3A_291 : i32 to index
        %parallel_loop3A_293 = tpu.vector_load %arg5[%parallel_loop3A_292] {strides = array<i32>} : memref<64000xf32, #tpu.memory_space<vmem>>, vector<16xf32>,
        %parallel_loop3A_294 = arith.index_cast %parallel_loop3A_275 : i32 to index
        %parallel_loop3A_295 = arith.constant 32 : index
        %parallel_loop3A_296 = tpu.vector_load %arg8[%parallel_loop3A_294, %parallel_loop3A_295] {strides = array<i32>} : memref<128x128xf32, #tpu.memory_space<vmem>>, vector<16xf32>,
        tpu.vector_store %arg8[%parallel_loop3A_294, %parallel_loop3A_295], %parallel_loop3A_293 {strides = array<i32>} : memref<128x128xf32, #tpu.memory_space<vmem>>, vector<16xf32>,
        %parallel_loop3A_297 = arith.constant 48 : i32
        %parallel_loop3A_298 = arith.addi %parallel_loop3A_269, %parallel_loop3A_297 : i32
        %parallel_loop3A_299 = arith.index_cast %parallel_loop3A_298 : i32 to index
        %parallel_loop3A_300 = tpu.vector_load %arg5[%parallel_loop3A_299] {strides = array<i32>} : memref<64000xf32, #tpu.memory_space<vmem>>, vector<16xf32>,
        %parallel_loop3A_301 = arith.index_cast %parallel_loop3A_275 : i32 to index
        %parallel_loop3A_302 = arith.constant 48 : index
        %parallel_loop3A_303 = tpu.vector_load %arg8[%parallel_loop3A_301, %parallel_loop3A_302] {strides = array<i32>} : memref<128x128xf32, #tpu.memory_space<vmem>>, vector<16xf32>,
        tpu.vector_store %arg8[%parallel_loop3A_301, %parallel_loop3A_302], %parallel_loop3A_300 {strides = array<i32>} : memref<128x128xf32, #tpu.memory_space<vmem>>, vector<16xf32>,
        %parallel_loop3A_304 = arith.constant 0 : i32
        %parallel_loop3A_305 = arith.addi %parallel_loop3A_271, %parallel_loop3A_304 : i32
        %parallel_loop3A_306 = arith.index_cast %parallel_loop3A_305 : i32 to index
        %parallel_loop3A_307 = tpu.vector_load %arg5[%parallel_loop3A_306] {strides = array<i32>} : memref<64000xf32, #tpu.memory_space<vmem>>, vector<16xf32>,
        %parallel_loop3A_308 = arith.index_cast %parallel_loop3A_275 : i32 to index
        %parallel_loop3A_309 = arith.constant 64 : index
        %parallel_loop3A_310 = tpu.vector_load %arg8[%parallel_loop3A_308, %parallel_loop3A_309] {strides = array<i32>} : memref<128x128xf32, #tpu.memory_space<vmem>>, vector<16xf32>,
        tpu.vector_store %arg8[%parallel_loop3A_308, %parallel_loop3A_309], %parallel_loop3A_307 {strides = array<i32>} : memref<128x128xf32, #tpu.memory_space<vmem>>, vector<16xf32>,
        %parallel_loop3A_311 = arith.constant 16 : i32
        %parallel_loop3A_312 = arith.addi %parallel_loop3A_271, %parallel_loop3A_311 : i32
        %parallel_loop3A_313 = arith.index_cast %parallel_loop3A_312 : i32 to index
        %parallel_loop3A_314 = tpu.vector_load %arg5[%parallel_loop3A_313] {strides = array<i32>} : memref<64000xf32, #tpu.memory_space<vmem>>, vector<16xf32>,
        %parallel_loop3A_315 = arith.index_cast %parallel_loop3A_275 : i32 to index
        %parallel_loop3A_316 = arith.constant 80 : index
        %parallel_loop3A_317 = tpu.vector_load %arg8[%parallel_loop3A_315, %parallel_loop3A_316] {strides = array<i32>} : memref<128x128xf32, #tpu.memory_space<vmem>>, vector<16xf32>,
        tpu.vector_store %arg8[%parallel_loop3A_315, %parallel_loop3A_316], %parallel_loop3A_314 {strides = array<i32>} : memref<128x128xf32, #tpu.memory_space<vmem>>, vector<16xf32>,
        %parallel_loop3A_318 = arith.constant 32 : i32
        %parallel_loop3A_319 = arith.addi %parallel_loop3A_271, %parallel_loop3A_318 : i32
        %parallel_loop3A_320 = arith.index_cast %parallel_loop3A_319 : i32 to index
        %parallel_loop3A_321 = tpu.vector_load %arg5[%parallel_loop3A_320] {strides = array<i32>} : memref<64000xf32, #tpu.memory_space<vmem>>, vector<16xf32>,
        %parallel_loop3A_322 = arith.index_cast %parallel_loop3A_275 : i32 to index
        %parallel_loop3A_323 = arith.constant 96 : index
        %parallel_loop3A_324 = tpu.vector_load %arg8[%parallel_loop3A_322, %parallel_loop3A_323] {strides = array<i32>} : memref<128x128xf32, #tpu.memory_space<vmem>>, vector<16xf32>,
        tpu.vector_store %arg8[%parallel_loop3A_322, %parallel_loop3A_323], %parallel_loop3A_321 {strides = array<i32>} : memref<128x128xf32, #tpu.memory_space<vmem>>, vector<16xf32>,
        %parallel_loop3A_325 = arith.constant 48 : i32
        %parallel_loop3A_326 = arith.addi %parallel_loop3A_271, %parallel_loop3A_325 : i32
        %parallel_loop3A_327 = arith.index_cast %parallel_loop3A_326 : i32 to index
        %parallel_loop3A_328 = tpu.vector_load %arg5[%parallel_loop3A_327] {strides = array<i32>} : memref<64000xf32, #tpu.memory_space<vmem>>, vector<16xf32>,
        %parallel_loop3A_329 = arith.index_cast %parallel_loop3A_275 : i32 to index
        %parallel_loop3A_330 = arith.constant 112 : index
        %parallel_loop3A_331 = tpu.vector_load %arg8[%parallel_loop3A_329, %parallel_loop3A_330] {strides = array<i32>} : memref<128x128xf32, #tpu.memory_space<vmem>>, vector<16xf32>,
        tpu.vector_store %arg8[%parallel_loop3A_329, %parallel_loop3A_330], %parallel_loop3A_328 {strides = array<i32>} : memref<128x128xf32, #tpu.memory_space<vmem>>, vector<16xf32>,
        %parallel_loop3A_332 = vector.extract_strided_slice %parallel_loop3A_68 {offsets = [4], sizes = [1], strides = [1]} : vector<16xi32> to vector<1xi32>
        %parallel_loop3A_333 = vector.extract %parallel_loop3A_332[0] : i32 from vector<1xi32>
        %parallel_loop3A_334 = vector.extract_strided_slice %parallel_loop3A_75 {offsets = [4], sizes = [1], strides = [1]} : vector<16xi32> to vector<1xi32>
        %parallel_loop3A_335 = vector.extract %parallel_loop3A_334[0] : i32 from vector<1xi32>
        %parallel_loop3A_336 = arith.constant 16 : i32
        %parallel_loop3A_337 = arith.muli %parallel_loop3A_61, %parallel_loop3A_336 : i32
        %parallel_loop3A_338 = arith.constant 4 : i32
        %parallel_loop3A_339 = arith.addi %parallel_loop3A_337, %parallel_loop3A_338 : i32
        %parallel_loop3A_340 = arith.constant 0 : i32
        %parallel_loop3A_341 = arith.addi %parallel_loop3A_333, %parallel_loop3A_340 : i32
        %parallel_loop3A_342 = arith.index_cast %parallel_loop3A_341 : i32 to index
        %parallel_loop3A_343 = tpu.vector_load %arg5[%parallel_loop3A_342] {strides = array<i32>} : memref<64000xf32, #tpu.memory_space<vmem>>, vector<16xf32>,
        %parallel_loop3A_344 = arith.index_cast %parallel_loop3A_339 : i32 to index
        %parallel_loop3A_345 = arith.constant 0 : index
        %parallel_loop3A_346 = tpu.vector_load %arg8[%parallel_loop3A_344, %parallel_loop3A_345] {strides = array<i32>} : memref<128x128xf32, #tpu.memory_space<vmem>>, vector<16xf32>,
        tpu.vector_store %arg8[%parallel_loop3A_344, %parallel_loop3A_345], %parallel_loop3A_343 {strides = array<i32>} : memref<128x128xf32, #tpu.memory_space<vmem>>, vector<16xf32>,
        %parallel_loop3A_347 = arith.constant 16 : i32
        %parallel_loop3A_348 = arith.addi %parallel_loop3A_333, %parallel_loop3A_347 : i32
        %parallel_loop3A_349 = arith.index_cast %parallel_loop3A_348 : i32 to index
        %parallel_loop3A_350 = tpu.vector_load %arg5[%parallel_loop3A_349] {strides = array<i32>} : memref<64000xf32, #tpu.memory_space<vmem>>, vector<16xf32>,
        %parallel_loop3A_351 = arith.index_cast %parallel_loop3A_339 : i32 to index
        %parallel_loop3A_352 = arith.constant 16 : index
        %parallel_loop3A_353 = tpu.vector_load %arg8[%parallel_loop3A_351, %parallel_loop3A_352] {strides = array<i32>} : memref<128x128xf32, #tpu.memory_space<vmem>>, vector<16xf32>,
        tpu.vector_store %arg8[%parallel_loop3A_351, %parallel_loop3A_352], %parallel_loop3A_350 {strides = array<i32>} : memref<128x128xf32, #tpu.memory_space<vmem>>, vector<16xf32>,
        %parallel_loop3A_354 = arith.constant 32 : i32
        %parallel_loop3A_355 = arith.addi %parallel_loop3A_333, %parallel_loop3A_354 : i32
        %parallel_loop3A_356 = arith.index_cast %parallel_loop3A_355 : i32 to index
        %parallel_loop3A_357 = tpu.vector_load %arg5[%parallel_loop3A_356] {strides = array<i32>} : memref<64000xf32, #tpu.memory_space<vmem>>, vector<16xf32>,
        %parallel_loop3A_358 = arith.index_cast %parallel_loop3A_339 : i32 to index
        %parallel_loop3A_359 = arith.constant 32 : index
        %parallel_loop3A_360 = tpu.vector_load %arg8[%parallel_loop3A_358, %parallel_loop3A_359] {strides = array<i32>} : memref<128x128xf32, #tpu.memory_space<vmem>>, vector<16xf32>,
        tpu.vector_store %arg8[%parallel_loop3A_358, %parallel_loop3A_359], %parallel_loop3A_357 {strides = array<i32>} : memref<128x128xf32, #tpu.memory_space<vmem>>, vector<16xf32>,
        %parallel_loop3A_361 = arith.constant 48 : i32
        %parallel_loop3A_362 = arith.addi %parallel_loop3A_333, %parallel_loop3A_361 : i32
        %parallel_loop3A_363 = arith.index_cast %parallel_loop3A_362 : i32 to index
        %parallel_loop3A_364 = tpu.vector_load %arg5[%parallel_loop3A_363] {strides = array<i32>} : memref<64000xf32, #tpu.memory_space<vmem>>, vector<16xf32>,
        %parallel_loop3A_365 = arith.index_cast %parallel_loop3A_339 : i32 to index
        %parallel_loop3A_366 = arith.constant 48 : index
        %parallel_loop3A_367 = tpu.vector_load %arg8[%parallel_loop3A_365, %parallel_loop3A_366] {strides = array<i32>} : memref<128x128xf32, #tpu.memory_space<vmem>>, vector<16xf32>,
        tpu.vector_store %arg8[%parallel_loop3A_365, %parallel_loop3A_366], %parallel_loop3A_364 {strides = array<i32>} : memref<128x128xf32, #tpu.memory_space<vmem>>, vector<16xf32>,
        %parallel_loop3A_368 = arith.constant 0 : i32
        %parallel_loop3A_369 = arith.addi %parallel_loop3A_335, %parallel_loop3A_368 : i32
        %parallel_loop3A_370 = arith.index_cast %parallel_loop3A_369 : i32 to index
        %parallel_loop3A_371 = tpu.vector_load %arg5[%parallel_loop3A_370] {strides = array<i32>} : memref<64000xf32, #tpu.memory_space<vmem>>, vector<16xf32>,
        %parallel_loop3A_372 = arith.index_cast %parallel_loop3A_339 : i32 to index
        %parallel_loop3A_373 = arith.constant 64 : index
        %parallel_loop3A_374 = tpu.vector_load %arg8[%parallel_loop3A_372, %parallel_loop3A_373] {strides = array<i32>} : memref<128x128xf32, #tpu.memory_space<vmem>>, vector<16xf32>,
        tpu.vector_store %arg8[%parallel_loop3A_372, %parallel_loop3A_373], %parallel_loop3A_371 {strides = array<i32>} : memref<128x128xf32, #tpu.memory_space<vmem>>, vector<16xf32>,
        %parallel_loop3A_375 = arith.constant 16 : i32
        %parallel_loop3A_376 = arith.addi %parallel_loop3A_335, %parallel_loop3A_375 : i32
        %parallel_loop3A_377 = arith.index_cast %parallel_loop3A_376 : i32 to index
        %parallel_loop3A_378 = tpu.vector_load %arg5[%parallel_loop3A_377] {strides = array<i32>} : memref<64000xf32, #tpu.memory_space<vmem>>, vector<16xf32>,
        %parallel_loop3A_379 = arith.index_cast %parallel_loop3A_339 : i32 to index
        %parallel_loop3A_380 = arith.constant 80 : index
        %parallel_loop3A_381 = tpu.vector_load %arg8[%parallel_loop3A_379, %parallel_loop3A_380] {strides = array<i32>} : memref<128x128xf32, #tpu.memory_space<vmem>>, vector<16xf32>,
        tpu.vector_store %arg8[%parallel_loop3A_379, %parallel_loop3A_380], %parallel_loop3A_378 {strides = array<i32>} : memref<128x128xf32, #tpu.memory_space<vmem>>, vector<16xf32>,
        %parallel_loop3A_382 = arith.constant 32 : i32
        %parallel_loop3A_383 = arith.addi %parallel_loop3A_335, %parallel_loop3A_382 : i32
        %parallel_loop3A_384 = arith.index_cast %parallel_loop3A_383 : i32 to index
        %parallel_loop3A_385 = tpu.vector_load %arg5[%parallel_loop3A_384] {strides = array<i32>} : memref<64000xf32, #tpu.memory_space<vmem>>, vector<16xf32>,
        %parallel_loop3A_386 = arith.index_cast %parallel_loop3A_339 : i32 to index
        %parallel_loop3A_387 = arith.constant 96 : index
        %parallel_loop3A_388 = tpu.vector_load %arg8[%parallel_loop3A_386, %parallel_loop3A_387] {strides = array<i32>} : memref<128x128xf32, #tpu.memory_space<vmem>>, vector<16xf32>,
        tpu.vector_store %arg8[%parallel_loop3A_386, %parallel_loop3A_387], %parallel_loop3A_385 {strides = array<i32>} : memref<128x128xf32, #tpu.memory_space<vmem>>, vector<16xf32>,
        %parallel_loop3A_389 = arith.constant 48 : i32
        %parallel_loop3A_390 = arith.addi %parallel_loop3A_335, %parallel_loop3A_389 : i32
        %parallel_loop3A_391 = arith.index_cast %parallel_loop3A_390 : i32 to index
        %parallel_loop3A_392 = tpu.vector_load %arg5[%parallel_loop3A_391] {strides = array<i32>} : memref<64000xf32, #tpu.memory_space<vmem>>, vector<16xf32>,
        %parallel_loop3A_393 = arith.index_cast %parallel_loop3A_339 : i32 to index
        %parallel_loop3A_394 = arith.constant 112 : index
        %parallel_loop3A_395 = tpu.vector_load %arg8[%parallel_loop3A_393, %parallel_loop3A_394] {strides = array<i32>} : memref<128x128xf32, #tpu.memory_space<vmem>>, vector<16xf32>,
        tpu.vector_store %arg8[%parallel_loop3A_393, %parallel_loop3A_394], %parallel_loop3A_392 {strides = array<i32>} : memref<128x128xf32, #tpu.memory_space<vmem>>, vector<16xf32>,
        %parallel_loop3A_396 = vector.extract_strided_slice %parallel_loop3A_68 {offsets = [5], sizes = [1], strides = [1]} : vector<16xi32> to vector<1xi32>
        %parallel_loop3A_397 = vector.extract %parallel_loop3A_396[0] : i32 from vector<1xi32>
        %parallel_loop3A_398 = vector.extract_strided_slice %parallel_loop3A_75 {offsets = [5], sizes = [1], strides = [1]} : vector<16xi32> to vector<1xi32>
        %parallel_loop3A_399 = vector.extract %parallel_loop3A_398[0] : i32 from vector<1xi32>
        %parallel_loop3A_400 = arith.constant 16 : i32
        %parallel_loop3A_401 = arith.muli %parallel_loop3A_61, %parallel_loop3A_400 : i32
        %parallel_loop3A_402 = arith.constant 5 : i32
        %parallel_loop3A_403 = arith.addi %parallel_loop3A_401, %parallel_loop3A_402 : i32
        %parallel_loop3A_404 = arith.constant 0 : i32
        %parallel_loop3A_405 = arith.addi %parallel_loop3A_397, %parallel_loop3A_404 : i32
        %parallel_loop3A_406 = arith.index_cast %parallel_loop3A_405 : i32 to index
        %parallel_loop3A_407 = tpu.vector_load %arg5[%parallel_loop3A_406] {strides = array<i32>} : memref<64000xf32, #tpu.memory_space<vmem>>, vector<16xf32>,
        %parallel_loop3A_408 = arith.index_cast %parallel_loop3A_403 : i32 to index
        %parallel_loop3A_409 = arith.constant 0 : index
        %parallel_loop3A_410 = tpu.vector_load %arg8[%parallel_loop3A_408, %parallel_loop3A_409] {strides = array<i32>} : memref<128x128xf32, #tpu.memory_space<vmem>>, vector<16xf32>,
        tpu.vector_store %arg8[%parallel_loop3A_408, %parallel_loop3A_409], %parallel_loop3A_407 {strides = array<i32>} : memref<128x128xf32, #tpu.memory_space<vmem>>, vector<16xf32>,
        %parallel_loop3A_411 = arith.constant 16 : i32
        %parallel_loop3A_412 = arith.addi %parallel_loop3A_397, %parallel_loop3A_411 : i32
        %parallel_loop3A_413 = arith.index_cast %parallel_loop3A_412 : i32 to index
        %parallel_loop3A_414 = tpu.vector_load %arg5[%parallel_loop3A_413] {strides = array<i32>} : memref<64000xf32, #tpu.memory_space<vmem>>, vector<16xf32>,
        %parallel_loop3A_415 = arith.index_cast %parallel_loop3A_403 : i32 to index
        %parallel_loop3A_416 = arith.constant 16 : index
        %parallel_loop3A_417 = tpu.vector_load %arg8[%parallel_loop3A_415, %parallel_loop3A_416] {strides = array<i32>} : memref<128x128xf32, #tpu.memory_space<vmem>>, vector<16xf32>,
        tpu.vector_store %arg8[%parallel_loop3A_415, %parallel_loop3A_416], %parallel_loop3A_414 {strides = array<i32>} : memref<128x128xf32, #tpu.memory_space<vmem>>, vector<16xf32>,
        %parallel_loop3A_418 = arith.constant 32 : i32
        %parallel_loop3A_419 = arith.addi %parallel_loop3A_397, %parallel_loop3A_418 : i32
        %parallel_loop3A_420 = arith.index_cast %parallel_loop3A_419 : i32 to index
        %parallel_loop3A_421 = tpu.vector_load %arg5[%parallel_loop3A_420] {strides = array<i32>} : memref<64000xf32, #tpu.memory_space<vmem>>, vector<16xf32>,
        %parallel_loop3A_422 = arith.index_cast %parallel_loop3A_403 : i32 to index
        %parallel_loop3A_423 = arith.constant 32 : index
        %parallel_loop3A_424 = tpu.vector_load %arg8[%parallel_loop3A_422, %parallel_loop3A_423] {strides = array<i32>} : memref<128x128xf32, #tpu.memory_space<vmem>>, vector<16xf32>,
        tpu.vector_store %arg8[%parallel_loop3A_422, %parallel_loop3A_423], %parallel_loop3A_421 {strides = array<i32>} : memref<128x128xf32, #tpu.memory_space<vmem>>, vector<16xf32>,
        %parallel_loop3A_425 = arith.constant 48 : i32
        %parallel_loop3A_426 = arith.addi %parallel_loop3A_397, %parallel_loop3A_425 : i32
        %parallel_loop3A_427 = arith.index_cast %parallel_loop3A_426 : i32 to index
        %parallel_loop3A_428 = tpu.vector_load %arg5[%parallel_loop3A_427] {strides = array<i32>} : memref<64000xf32, #tpu.memory_space<vmem>>, vector<16xf32>,
        %parallel_loop3A_429 = arith.index_cast %parallel_loop3A_403 : i32 to index
        %parallel_loop3A_430 = arith.constant 48 : index
        %parallel_loop3A_431 = tpu.vector_load %arg8[%parallel_loop3A_429, %parallel_loop3A_430] {strides = array<i32>} : memref<128x128xf32, #tpu.memory_space<vmem>>, vector<16xf32>,
        tpu.vector_store %arg8[%parallel_loop3A_429, %parallel_loop3A_430], %parallel_loop3A_428 {strides = array<i32>} : memref<128x128xf32, #tpu.memory_space<vmem>>, vector<16xf32>,
        %parallel_loop3A_432 = arith.constant 0 : i32
        %parallel_loop3A_433 = arith.addi %parallel_loop3A_399, %parallel_loop3A_432 : i32
        %parallel_loop3A_434 = arith.index_cast %parallel_loop3A_433 : i32 to index
        %parallel_loop3A_435 = tpu.vector_load %arg5[%parallel_loop3A_434] {strides = array<i32>} : memref<64000xf32, #tpu.memory_space<vmem>>, vector<16xf32>,
        %parallel_loop3A_436 = arith.index_cast %parallel_loop3A_403 : i32 to index
        %parallel_loop3A_437 = arith.constant 64 : index
        %parallel_loop3A_438 = tpu.vector_load %arg8[%parallel_loop3A_436, %parallel_loop3A_437] {strides = array<i32>} : memref<128x128xf32, #tpu.memory_space<vmem>>, vector<16xf32>,
        tpu.vector_store %arg8[%parallel_loop3A_436, %parallel_loop3A_437], %parallel_loop3A_435 {strides = array<i32>} : memref<128x128xf32, #tpu.memory_space<vmem>>, vector<16xf32>,
        %parallel_loop3A_439 = arith.constant 16 : i32
        %parallel_loop3A_440 = arith.addi %parallel_loop3A_399, %parallel_loop3A_439 : i32
        %parallel_loop3A_441 = arith.index_cast %parallel_loop3A_440 : i32 to index
        %parallel_loop3A_442 = tpu.vector_load %arg5[%parallel_loop3A_441] {strides = array<i32>} : memref<64000xf32, #tpu.memory_space<vmem>>, vector<16xf32>,
        %parallel_loop3A_443 = arith.index_cast %parallel_loop3A_403 : i32 to index
        %parallel_loop3A_444 = arith.constant 80 : index
        %parallel_loop3A_445 = tpu.vector_load %arg8[%parallel_loop3A_443, %parallel_loop3A_444] {strides = array<i32>} : memref<128x128xf32, #tpu.memory_space<vmem>>, vector<16xf32>,
        tpu.vector_store %arg8[%parallel_loop3A_443, %parallel_loop3A_444], %parallel_loop3A_442 {strides = array<i32>} : memref<128x128xf32, #tpu.memory_space<vmem>>, vector<16xf32>,
        %parallel_loop3A_446 = arith.constant 32 : i32
        %parallel_loop3A_447 = arith.addi %parallel_loop3A_399, %parallel_loop3A_446 : i32
        %parallel_loop3A_448 = arith.index_cast %parallel_loop3A_447 : i32 to index
        %parallel_loop3A_449 = tpu.vector_load %arg5[%parallel_loop3A_448] {strides = array<i32>} : memref<64000xf32, #tpu.memory_space<vmem>>, vector<16xf32>,
        %parallel_loop3A_450 = arith.index_cast %parallel_loop3A_403 : i32 to index
        %parallel_loop3A_451 = arith.constant 96 : index
        %parallel_loop3A_452 = tpu.vector_load %arg8[%parallel_loop3A_450, %parallel_loop3A_451] {strides = array<i32>} : memref<128x128xf32, #tpu.memory_space<vmem>>, vector<16xf32>,
        tpu.vector_store %arg8[%parallel_loop3A_450, %parallel_loop3A_451], %parallel_loop3A_449 {strides = array<i32>} : memref<128x128xf32, #tpu.memory_space<vmem>>, vector<16xf32>,
        %parallel_loop3A_453 = arith.constant 48 : i32
        %parallel_loop3A_454 = arith.addi %parallel_loop3A_399, %parallel_loop3A_453 : i32
        %parallel_loop3A_455 = arith.index_cast %parallel_loop3A_454 : i32 to index
        %parallel_loop3A_456 = tpu.vector_load %arg5[%parallel_loop3A_455] {strides = array<i32>} : memref<64000xf32, #tpu.memory_space<vmem>>, vector<16xf32>,
        %parallel_loop3A_457 = arith.index_cast %parallel_loop3A_403 : i32 to index
        %parallel_loop3A_458 = arith.constant 112 : index
        %parallel_loop3A_459 = tpu.vector_load %arg8[%parallel_loop3A_457, %parallel_loop3A_458] {strides = array<i32>} : memref<128x128xf32, #tpu.memory_space<vmem>>, vector<16xf32>,
        tpu.vector_store %arg8[%parallel_loop3A_457, %parallel_loop3A_458], %parallel_loop3A_456 {strides = array<i32>} : memref<128x128xf32, #tpu.memory_space<vmem>>, vector<16xf32>,
        %parallel_loop3A_460 = vector.extract_strided_slice %parallel_loop3A_68 {offsets = [6], sizes = [1], strides = [1]} : vector<16xi32> to vector<1xi32>
        %parallel_loop3A_461 = vector.extract %parallel_loop3A_460[0] : i32 from vector<1xi32>
        %parallel_loop3A_462 = vector.extract_strided_slice %parallel_loop3A_75 {offsets = [6], sizes = [1], strides = [1]} : vector<16xi32> to vector<1xi32>
        %parallel_loop3A_463 = vector.extract %parallel_loop3A_462[0] : i32 from vector<1xi32>
        %parallel_loop3A_464 = arith.constant 16 : i32
        %parallel_loop3A_465 = arith.muli %parallel_loop3A_61, %parallel_loop3A_464 : i32
        %parallel_loop3A_466 = arith.constant 6 : i32
        %parallel_loop3A_467 = arith.addi %parallel_loop3A_465, %parallel_loop3A_466 : i32
        %parallel_loop3A_468 = arith.constant 0 : i32
        %parallel_loop3A_469 = arith.addi %parallel_loop3A_461, %parallel_loop3A_468 : i32
        %parallel_loop3A_470 = arith.index_cast %parallel_loop3A_469 : i32 to index
        %parallel_loop3A_471 = tpu.vector_load %arg5[%parallel_loop3A_470] {strides = array<i32>} : memref<64000xf32, #tpu.memory_space<vmem>>, vector<16xf32>,
        %parallel_loop3A_472 = arith.index_cast %parallel_loop3A_467 : i32 to index
        %parallel_loop3A_473 = arith.constant 0 : index
        %parallel_loop3A_474 = tpu.vector_load %arg8[%parallel_loop3A_472, %parallel_loop3A_473] {strides = array<i32>} : memref<128x128xf32, #tpu.memory_space<vmem>>, vector<16xf32>,
        tpu.vector_store %arg8[%parallel_loop3A_472, %parallel_loop3A_473], %parallel_loop3A_471 {strides = array<i32>} : memref<128x128xf32, #tpu.memory_space<vmem>>, vector<16xf32>,
        %parallel_loop3A_475 = arith.constant 16 : i32
        %parallel_loop3A_476 = arith.addi %parallel_loop3A_461, %parallel_loop3A_475 : i32
        %parallel_loop3A_477 = arith.index_cast %parallel_loop3A_476 : i32 to index
        %parallel_loop3A_478 = tpu.vector_load %arg5[%parallel_loop3A_477] {strides = array<i32>} : memref<64000xf32, #tpu.memory_space<vmem>>, vector<16xf32>,
        %parallel_loop3A_479 = arith.index_cast %parallel_loop3A_467 : i32 to index
        %parallel_loop3A_480 = arith.constant 16 : index
        %parallel_loop3A_481 = tpu.vector_load %arg8[%parallel_loop3A_479, %parallel_loop3A_480] {strides = array<i32>} : memref<128x128xf32, #tpu.memory_space<vmem>>, vector<16xf32>,
        tpu.vector_store %arg8[%parallel_loop3A_479, %parallel_loop3A_480], %parallel_loop3A_478 {strides = array<i32>} : memref<128x128xf32, #tpu.memory_space<vmem>>, vector<16xf32>,
        %parallel_loop3A_482 = arith.constant 32 : i32
        %parallel_loop3A_483 = arith.addi %parallel_loop3A_461, %parallel_loop3A_482 : i32
        %parallel_loop3A_484 = arith.index_cast %parallel_loop3A_483 : i32 to index
        %parallel_loop3A_485 = tpu.vector_load %arg5[%parallel_loop3A_484] {strides = array<i32>} : memref<64000xf32, #tpu.memory_space<vmem>>, vector<16xf32>,
        %parallel_loop3A_486 = arith.index_cast %parallel_loop3A_467 : i32 to index
        %parallel_loop3A_487 = arith.constant 32 : index
        %parallel_loop3A_488 = tpu.vector_load %arg8[%parallel_loop3A_486, %parallel_loop3A_487] {strides = array<i32>} : memref<128x128xf32, #tpu.memory_space<vmem>>, vector<16xf32>,
        tpu.vector_store %arg8[%parallel_loop3A_486, %parallel_loop3A_487], %parallel_loop3A_485 {strides = array<i32>} : memref<128x128xf32, #tpu.memory_space<vmem>>, vector<16xf32>,
        %parallel_loop3A_489 = arith.constant 48 : i32
        %parallel_loop3A_490 = arith.addi %parallel_loop3A_461, %parallel_loop3A_489 : i32
        %parallel_loop3A_491 = arith.index_cast %parallel_loop3A_490 : i32 to index
        %parallel_loop3A_492 = tpu.vector_load %arg5[%parallel_loop3A_491] {strides = array<i32>} : memref<64000xf32, #tpu.memory_space<vmem>>, vector<16xf32>,
        %parallel_loop3A_493 = arith.index_cast %parallel_loop3A_467 : i32 to index
        %parallel_loop3A_494 = arith.constant 48 : index
        %parallel_loop3A_495 = tpu.vector_load %arg8[%parallel_loop3A_493, %parallel_loop3A_494] {strides = array<i32>} : memref<128x128xf32, #tpu.memory_space<vmem>>, vector<16xf32>,
        tpu.vector_store %arg8[%parallel_loop3A_493, %parallel_loop3A_494], %parallel_loop3A_492 {strides = array<i32>} : memref<128x128xf32, #tpu.memory_space<vmem>>, vector<16xf32>,
        %parallel_loop3A_496 = arith.constant 0 : i32
        %parallel_loop3A_497 = arith.addi %parallel_loop3A_463, %parallel_loop3A_496 : i32
        %parallel_loop3A_498 = arith.index_cast %parallel_loop3A_497 : i32 to index
        %parallel_loop3A_499 = tpu.vector_load %arg5[%parallel_loop3A_498] {strides = array<i32>} : memref<64000xf32, #tpu.memory_space<vmem>>, vector<16xf32>,
        %parallel_loop3A_500 = arith.index_cast %parallel_loop3A_467 : i32 to index
        %parallel_loop3A_501 = arith.constant 64 : index
        %parallel_loop3A_502 = tpu.vector_load %arg8[%parallel_loop3A_500, %parallel_loop3A_501] {strides = array<i32>} : memref<128x128xf32, #tpu.memory_space<vmem>>, vector<16xf32>,
        tpu.vector_store %arg8[%parallel_loop3A_500, %parallel_loop3A_501], %parallel_loop3A_499 {strides = array<i32>} : memref<128x128xf32, #tpu.memory_space<vmem>>, vector<16xf32>,
        %parallel_loop3A_503 = arith.constant 16 : i32
        %parallel_loop3A_504 = arith.addi %parallel_loop3A_463, %parallel_loop3A_503 : i32
        %parallel_loop3A_505 = arith.index_cast %parallel_loop3A_504 : i32 to index
        %parallel_loop3A_506 = tpu.vector_load %arg5[%parallel_loop3A_505] {strides = array<i32>} : memref<64000xf32, #tpu.memory_space<vmem>>, vector<16xf32>,
        %parallel_loop3A_507 = arith.index_cast %parallel_loop3A_467 : i32 to index
        %parallel_loop3A_508 = arith.constant 80 : index
        %parallel_loop3A_509 = tpu.vector_load %arg8[%parallel_loop3A_507, %parallel_loop3A_508] {strides = array<i32>} : memref<128x128xf32, #tpu.memory_space<vmem>>, vector<16xf32>,
        tpu.vector_store %arg8[%parallel_loop3A_507, %parallel_loop3A_508], %parallel_loop3A_506 {strides = array<i32>} : memref<128x128xf32, #tpu.memory_space<vmem>>, vector<16xf32>,
        %parallel_loop3A_510 = arith.constant 32 : i32
        %parallel_loop3A_511 = arith.addi %parallel_loop3A_463, %parallel_loop3A_510 : i32
        %parallel_loop3A_512 = arith.index_cast %parallel_loop3A_511 : i32 to index
        %parallel_loop3A_513 = tpu.vector_load %arg5[%parallel_loop3A_512] {strides = array<i32>} : memref<64000xf32, #tpu.memory_space<vmem>>, vector<16xf32>,
        %parallel_loop3A_514 = arith.index_cast %parallel_loop3A_467 : i32 to index
        %parallel_loop3A_515 = arith.constant 96 : index
        %parallel_loop3A_516 = tpu.vector_load %arg8[%parallel_loop3A_514, %parallel_loop3A_515] {strides = array<i32>} : memref<128x128xf32, #tpu.memory_space<vmem>>, vector<16xf32>,
        tpu.vector_store %arg8[%parallel_loop3A_514, %parallel_loop3A_515], %parallel_loop3A_513 {strides = array<i32>} : memref<128x128xf32, #tpu.memory_space<vmem>>, vector<16xf32>,
        %parallel_loop3A_517 = arith.constant 48 : i32
        %parallel_loop3A_518 = arith.addi %parallel_loop3A_463, %parallel_loop3A_517 : i32
        %parallel_loop3A_519 = arith.index_cast %parallel_loop3A_518 : i32 to index
        %parallel_loop3A_520 = tpu.vector_load %arg5[%parallel_loop3A_519] {strides = array<i32>} : memref<64000xf32, #tpu.memory_space<vmem>>, vector<16xf32>,
        %parallel_loop3A_521 = arith.index_cast %parallel_loop3A_467 : i32 to index
        %parallel_loop3A_522 = arith.constant 112 : index
        %parallel_loop3A_523 = tpu.vector_load %arg8[%parallel_loop3A_521, %parallel_loop3A_522] {strides = array<i32>} : memref<128x128xf32, #tpu.memory_space<vmem>>, vector<16xf32>,
        tpu.vector_store %arg8[%parallel_loop3A_521, %parallel_loop3A_522], %parallel_loop3A_520 {strides = array<i32>} : memref<128x128xf32, #tpu.memory_space<vmem>>, vector<16xf32>,
        %parallel_loop3A_524 = vector.extract_strided_slice %parallel_loop3A_68 {offsets = [7], sizes = [1], strides = [1]} : vector<16xi32> to vector<1xi32>
        %parallel_loop3A_525 = vector.extract %parallel_loop3A_524[0] : i32 from vector<1xi32>
        %parallel_loop3A_526 = vector.extract_strided_slice %parallel_loop3A_75 {offsets = [7], sizes = [1], strides = [1]} : vector<16xi32> to vector<1xi32>
        %parallel_loop3A_527 = vector.extract %parallel_loop3A_526[0] : i32 from vector<1xi32>
        %parallel_loop3A_528 = arith.constant 16 : i32
        %parallel_loop3A_529 = arith.muli %parallel_loop3A_61, %parallel_loop3A_528 : i32
        %parallel_loop3A_530 = arith.constant 7 : i32
        %parallel_loop3A_531 = arith.addi %parallel_loop3A_529, %parallel_loop3A_530 : i32
        %parallel_loop3A_532 = arith.constant 0 : i32
        %parallel_loop3A_533 = arith.addi %parallel_loop3A_525, %parallel_loop3A_532 : i32
        %parallel_loop3A_534 = arith.index_cast %parallel_loop3A_533 : i32 to index
        %parallel_loop3A_535 = tpu.vector_load %arg5[%parallel_loop3A_534] {strides = array<i32>} : memref<64000xf32, #tpu.memory_space<vmem>>, vector<16xf32>,
        %parallel_loop3A_536 = arith.index_cast %parallel_loop3A_531 : i32 to index
        %parallel_loop3A_537 = arith.constant 0 : index
        %parallel_loop3A_538 = tpu.vector_load %arg8[%parallel_loop3A_536, %parallel_loop3A_537] {strides = array<i32>} : memref<128x128xf32, #tpu.memory_space<vmem>>, vector<16xf32>,
        tpu.vector_store %arg8[%parallel_loop3A_536, %parallel_loop3A_537], %parallel_loop3A_535 {strides = array<i32>} : memref<128x128xf32, #tpu.memory_space<vmem>>, vector<16xf32>,
        %parallel_loop3A_539 = arith.constant 16 : i32
        %parallel_loop3A_540 = arith.addi %parallel_loop3A_525, %parallel_loop3A_539 : i32
        %parallel_loop3A_541 = arith.index_cast %parallel_loop3A_540 : i32 to index
        %parallel_loop3A_542 = tpu.vector_load %arg5[%parallel_loop3A_541] {strides = array<i32>} : memref<64000xf32, #tpu.memory_space<vmem>>, vector<16xf32>,
        %parallel_loop3A_543 = arith.index_cast %parallel_loop3A_531 : i32 to index
        %parallel_loop3A_544 = arith.constant 16 : index
        %parallel_loop3A_545 = tpu.vector_load %arg8[%parallel_loop3A_543, %parallel_loop3A_544] {strides = array<i32>} : memref<128x128xf32, #tpu.memory_space<vmem>>, vector<16xf32>,
        tpu.vector_store %arg8[%parallel_loop3A_543, %parallel_loop3A_544], %parallel_loop3A_542 {strides = array<i32>} : memref<128x128xf32, #tpu.memory_space<vmem>>, vector<16xf32>,
        %parallel_loop3A_546 = arith.constant 32 : i32
        %parallel_loop3A_547 = arith.addi %parallel_loop3A_525, %parallel_loop3A_546 : i32
        %parallel_loop3A_548 = arith.index_cast %parallel_loop3A_547 : i32 to index
        %parallel_loop3A_549 = tpu.vector_load %arg5[%parallel_loop3A_548] {strides = array<i32>} : memref<64000xf32, #tpu.memory_space<vmem>>, vector<16xf32>,
        %parallel_loop3A_550 = arith.index_cast %parallel_loop3A_531 : i32 to index
        %parallel_loop3A_551 = arith.constant 32 : index
        %parallel_loop3A_552 = tpu.vector_load %arg8[%parallel_loop3A_550, %parallel_loop3A_551] {strides = array<i32>} : memref<128x128xf32, #tpu.memory_space<vmem>>, vector<16xf32>,
        tpu.vector_store %arg8[%parallel_loop3A_550, %parallel_loop3A_551], %parallel_loop3A_549 {strides = array<i32>} : memref<128x128xf32, #tpu.memory_space<vmem>>, vector<16xf32>,
        %parallel_loop3A_553 = arith.constant 48 : i32
        %parallel_loop3A_554 = arith.addi %parallel_loop3A_525, %parallel_loop3A_553 : i32
        %parallel_loop3A_555 = arith.index_cast %parallel_loop3A_554 : i32 to index
        %parallel_loop3A_556 = tpu.vector_load %arg5[%parallel_loop3A_555] {strides = array<i32>} : memref<64000xf32, #tpu.memory_space<vmem>>, vector<16xf32>,
        %parallel_loop3A_557 = arith.index_cast %parallel_loop3A_531 : i32 to index
        %parallel_loop3A_558 = arith.constant 48 : index
        %parallel_loop3A_559 = tpu.vector_load %arg8[%parallel_loop3A_557, %parallel_loop3A_558] {strides = array<i32>} : memref<128x128xf32, #tpu.memory_space<vmem>>, vector<16xf32>,
        tpu.vector_store %arg8[%parallel_loop3A_557, %parallel_loop3A_558], %parallel_loop3A_556 {strides = array<i32>} : memref<128x128xf32, #tpu.memory_space<vmem>>, vector<16xf32>,
        %parallel_loop3A_560 = arith.constant 0 : i32
        %parallel_loop3A_561 = arith.addi %parallel_loop3A_527, %parallel_loop3A_560 : i32
        %parallel_loop3A_562 = arith.index_cast %parallel_loop3A_561 : i32 to index
        %parallel_loop3A_563 = tpu.vector_load %arg5[%parallel_loop3A_562] {strides = array<i32>} : memref<64000xf32, #tpu.memory_space<vmem>>, vector<16xf32>,
        %parallel_loop3A_564 = arith.index_cast %parallel_loop3A_531 : i32 to index
        %parallel_loop3A_565 = arith.constant 64 : index
        %parallel_loop3A_566 = tpu.vector_load %arg8[%parallel_loop3A_564, %parallel_loop3A_565] {strides = array<i32>} : memref<128x128xf32, #tpu.memory_space<vmem>>, vector<16xf32>,
        tpu.vector_store %arg8[%parallel_loop3A_564, %parallel_loop3A_565], %parallel_loop3A_563 {strides = array<i32>} : memref<128x128xf32, #tpu.memory_space<vmem>>, vector<16xf32>,
        %parallel_loop3A_567 = arith.constant 16 : i32
        %parallel_loop3A_568 = arith.addi %parallel_loop3A_527, %parallel_loop3A_567 : i32
        %parallel_loop3A_569 = arith.index_cast %parallel_loop3A_568 : i32 to index
        %parallel_loop3A_570 = tpu.vector_load %arg5[%parallel_loop3A_569] {strides = array<i32>} : memref<64000xf32, #tpu.memory_space<vmem>>, vector<16xf32>,
        %parallel_loop3A_571 = arith.index_cast %parallel_loop3A_531 : i32 to index
        %parallel_loop3A_572 = arith.constant 80 : index
        %parallel_loop3A_573 = tpu.vector_load %arg8[%parallel_loop3A_571, %parallel_loop3A_572] {strides = array<i32>} : memref<128x128xf32, #tpu.memory_space<vmem>>, vector<16xf32>,
        tpu.vector_store %arg8[%parallel_loop3A_571, %parallel_loop3A_572], %parallel_loop3A_570 {strides = array<i32>} : memref<128x128xf32, #tpu.memory_space<vmem>>, vector<16xf32>,
        %parallel_loop3A_574 = arith.constant 32 : i32
        %parallel_loop3A_575 = arith.addi %parallel_loop3A_527, %parallel_loop3A_574 : i32
        %parallel_loop3A_576 = arith.index_cast %parallel_loop3A_575 : i32 to index
        %parallel_loop3A_577 = tpu.vector_load %arg5[%parallel_loop3A_576] {strides = array<i32>} : memref<64000xf32, #tpu.memory_space<vmem>>, vector<16xf32>,
        %parallel_loop3A_578 = arith.index_cast %parallel_loop3A_531 : i32 to index
        %parallel_loop3A_579 = arith.constant 96 : index
        %parallel_loop3A_580 = tpu.vector_load %arg8[%parallel_loop3A_578, %parallel_loop3A_579] {strides = array<i32>} : memref<128x128xf32, #tpu.memory_space<vmem>>, vector<16xf32>,
        tpu.vector_store %arg8[%parallel_loop3A_578, %parallel_loop3A_579], %parallel_loop3A_577 {strides = array<i32>} : memref<128x128xf32, #tpu.memory_space<vmem>>, vector<16xf32>,
        %parallel_loop3A_581 = arith.constant 48 : i32
        %parallel_loop3A_582 = arith.addi %parallel_loop3A_527, %parallel_loop3A_581 : i32
        %parallel_loop3A_583 = arith.index_cast %parallel_loop3A_582 : i32 to index
        %parallel_loop3A_584 = tpu.vector_load %arg5[%parallel_loop3A_583] {strides = array<i32>} : memref<64000xf32, #tpu.memory_space<vmem>>, vector<16xf32>,
        %parallel_loop3A_585 = arith.index_cast %parallel_loop3A_531 : i32 to index
        %parallel_loop3A_586 = arith.constant 112 : index
        %parallel_loop3A_587 = tpu.vector_load %arg8[%parallel_loop3A_585, %parallel_loop3A_586] {strides = array<i32>} : memref<128x128xf32, #tpu.memory_space<vmem>>, vector<16xf32>,
        tpu.vector_store %arg8[%parallel_loop3A_585, %parallel_loop3A_586], %parallel_loop3A_584 {strides = array<i32>} : memref<128x128xf32, #tpu.memory_space<vmem>>, vector<16xf32>,
        %parallel_loop3A_588 = vector.extract_strided_slice %parallel_loop3A_68 {offsets = [8], sizes = [1], strides = [1]} : vector<16xi32> to vector<1xi32>
        %parallel_loop3A_589 = vector.extract %parallel_loop3A_588[0] : i32 from vector<1xi32>
        %parallel_loop3A_590 = vector.extract_strided_slice %parallel_loop3A_75 {offsets = [8], sizes = [1], strides = [1]} : vector<16xi32> to vector<1xi32>
        %parallel_loop3A_591 = vector.extract %parallel_loop3A_590[0] : i32 from vector<1xi32>
        %parallel_loop3A_592 = arith.constant 16 : i32
        %parallel_loop3A_593 = arith.muli %parallel_loop3A_61, %parallel_loop3A_592 : i32
        %parallel_loop3A_594 = arith.constant 8 : i32
        %parallel_loop3A_595 = arith.addi %parallel_loop3A_593, %parallel_loop3A_594 : i32
        %parallel_loop3A_596 = arith.constant 0 : i32
        %parallel_loop3A_597 = arith.addi %parallel_loop3A_589, %parallel_loop3A_596 : i32
        %parallel_loop3A_598 = arith.index_cast %parallel_loop3A_597 : i32 to index
        %parallel_loop3A_599 = tpu.vector_load %arg5[%parallel_loop3A_598] {strides = array<i32>} : memref<64000xf32, #tpu.memory_space<vmem>>, vector<16xf32>,
        %parallel_loop3A_600 = arith.index_cast %parallel_loop3A_595 : i32 to index
        %parallel_loop3A_601 = arith.constant 0 : index
        %parallel_loop3A_602 = tpu.vector_load %arg8[%parallel_loop3A_600, %parallel_loop3A_601] {strides = array<i32>} : memref<128x128xf32, #tpu.memory_space<vmem>>, vector<16xf32>,
        tpu.vector_store %arg8[%parallel_loop3A_600, %parallel_loop3A_601], %parallel_loop3A_599 {strides = array<i32>} : memref<128x128xf32, #tpu.memory_space<vmem>>, vector<16xf32>,
        %parallel_loop3A_603 = arith.constant 16 : i32
        %parallel_loop3A_604 = arith.addi %parallel_loop3A_589, %parallel_loop3A_603 : i32
        %parallel_loop3A_605 = arith.index_cast %parallel_loop3A_604 : i32 to index
        %parallel_loop3A_606 = tpu.vector_load %arg5[%parallel_loop3A_605] {strides = array<i32>} : memref<64000xf32, #tpu.memory_space<vmem>>, vector<16xf32>,
        %parallel_loop3A_607 = arith.index_cast %parallel_loop3A_595 : i32 to index
        %parallel_loop3A_608 = arith.constant 16 : index
        %parallel_loop3A_609 = tpu.vector_load %arg8[%parallel_loop3A_607, %parallel_loop3A_608] {strides = array<i32>} : memref<128x128xf32, #tpu.memory_space<vmem>>, vector<16xf32>,
        tpu.vector_store %arg8[%parallel_loop3A_607, %parallel_loop3A_608], %parallel_loop3A_606 {strides = array<i32>} : memref<128x128xf32, #tpu.memory_space<vmem>>, vector<16xf32>,
        %parallel_loop3A_610 = arith.constant 32 : i32
        %parallel_loop3A_611 = arith.addi %parallel_loop3A_589, %parallel_loop3A_610 : i32
        %parallel_loop3A_612 = arith.index_cast %parallel_loop3A_611 : i32 to index
        %parallel_loop3A_613 = tpu.vector_load %arg5[%parallel_loop3A_612] {strides = array<i32>} : memref<64000xf32, #tpu.memory_space<vmem>>, vector<16xf32>,
        %parallel_loop3A_614 = arith.index_cast %parallel_loop3A_595 : i32 to index
        %parallel_loop3A_615 = arith.constant 32 : index
        %parallel_loop3A_616 = tpu.vector_load %arg8[%parallel_loop3A_614, %parallel_loop3A_615] {strides = array<i32>} : memref<128x128xf32, #tpu.memory_space<vmem>>, vector<16xf32>,
        tpu.vector_store %arg8[%parallel_loop3A_614, %parallel_loop3A_615], %parallel_loop3A_613 {strides = array<i32>} : memref<128x128xf32, #tpu.memory_space<vmem>>, vector<16xf32>,
        %parallel_loop3A_617 = arith.constant 48 : i32
        %parallel_loop3A_618 = arith.addi %parallel_loop3A_589, %parallel_loop3A_617 : i32
        %parallel_loop3A_619 = arith.index_cast %parallel_loop3A_618 : i32 to index
        %parallel_loop3A_620 = tpu.vector_load %arg5[%parallel_loop3A_619] {strides = array<i32>} : memref<64000xf32, #tpu.memory_space<vmem>>, vector<16xf32>,
        %parallel_loop3A_621 = arith.index_cast %parallel_loop3A_595 : i32 to index
        %parallel_loop3A_622 = arith.constant 48 : index
        %parallel_loop3A_623 = tpu.vector_load %arg8[%parallel_loop3A_621, %parallel_loop3A_622] {strides = array<i32>} : memref<128x128xf32, #tpu.memory_space<vmem>>, vector<16xf32>,
        tpu.vector_store %arg8[%parallel_loop3A_621, %parallel_loop3A_622], %parallel_loop3A_620 {strides = array<i32>} : memref<128x128xf32, #tpu.memory_space<vmem>>, vector<16xf32>,
        %parallel_loop3A_624 = arith.constant 0 : i32
        %parallel_loop3A_625 = arith.addi %parallel_loop3A_591, %parallel_loop3A_624 : i32
        %parallel_loop3A_626 = arith.index_cast %parallel_loop3A_625 : i32 to index
        %parallel_loop3A_627 = tpu.vector_load %arg5[%parallel_loop3A_626] {strides = array<i32>} : memref<64000xf32, #tpu.memory_space<vmem>>, vector<16xf32>,
        %parallel_loop3A_628 = arith.index_cast %parallel_loop3A_595 : i32 to index
        %parallel_loop3A_629 = arith.constant 64 : index
        %parallel_loop3A_630 = tpu.vector_load %arg8[%parallel_loop3A_628, %parallel_loop3A_629] {strides = array<i32>} : memref<128x128xf32, #tpu.memory_space<vmem>>, vector<16xf32>,
        tpu.vector_store %arg8[%parallel_loop3A_628, %parallel_loop3A_629], %parallel_loop3A_627 {strides = array<i32>} : memref<128x128xf32, #tpu.memory_space<vmem>>, vector<16xf32>,
        %parallel_loop3A_631 = arith.constant 16 : i32
        %parallel_loop3A_632 = arith.addi %parallel_loop3A_591, %parallel_loop3A_631 : i32
        %parallel_loop3A_633 = arith.index_cast %parallel_loop3A_632 : i32 to index
        %parallel_loop3A_634 = tpu.vector_load %arg5[%parallel_loop3A_633] {strides = array<i32>} : memref<64000xf32, #tpu.memory_space<vmem>>, vector<16xf32>,
        %parallel_loop3A_635 = arith.index_cast %parallel_loop3A_595 : i32 to index
        %parallel_loop3A_636 = arith.constant 80 : index
        %parallel_loop3A_637 = tpu.vector_load %arg8[%parallel_loop3A_635, %parallel_loop3A_636] {strides = array<i32>} : memref<128x128xf32, #tpu.memory_space<vmem>>, vector<16xf32>,
        tpu.vector_store %arg8[%parallel_loop3A_635, %parallel_loop3A_636], %parallel_loop3A_634 {strides = array<i32>} : memref<128x128xf32, #tpu.memory_space<vmem>>, vector<16xf32>,
        %parallel_loop3A_638 = arith.constant 32 : i32
        %parallel_loop3A_639 = arith.addi %parallel_loop3A_591, %parallel_loop3A_638 : i32
        %parallel_loop3A_640 = arith.index_cast %parallel_loop3A_639 : i32 to index
        %parallel_loop3A_641 = tpu.vector_load %arg5[%parallel_loop3A_640] {strides = array<i32>} : memref<64000xf32, #tpu.memory_space<vmem>>, vector<16xf32>,
        %parallel_loop3A_642 = arith.index_cast %parallel_loop3A_595 : i32 to index
        %parallel_loop3A_643 = arith.constant 96 : index
        %parallel_loop3A_644 = tpu.vector_load %arg8[%parallel_loop3A_642, %parallel_loop3A_643] {strides = array<i32>} : memref<128x128xf32, #tpu.memory_space<vmem>>, vector<16xf32>,
        tpu.vector_store %arg8[%parallel_loop3A_642, %parallel_loop3A_643], %parallel_loop3A_641 {strides = array<i32>} : memref<128x128xf32, #tpu.memory_space<vmem>>, vector<16xf32>,
        %parallel_loop3A_645 = arith.constant 48 : i32
        %parallel_loop3A_646 = arith.addi %parallel_loop3A_591, %parallel_loop3A_645 : i32
        %parallel_loop3A_647 = arith.index_cast %parallel_loop3A_646 : i32 to index
        %parallel_loop3A_648 = tpu.vector_load %arg5[%parallel_loop3A_647] {strides = array<i32>} : memref<64000xf32, #tpu.memory_space<vmem>>, vector<16xf32>,
        %parallel_loop3A_649 = arith.index_cast %parallel_loop3A_595 : i32 to index
        %parallel_loop3A_650 = arith.constant 112 : index
        %parallel_loop3A_651 = tpu.vector_load %arg8[%parallel_loop3A_649, %parallel_loop3A_650] {strides = array<i32>} : memref<128x128xf32, #tpu.memory_space<vmem>>, vector<16xf32>,
        tpu.vector_store %arg8[%parallel_loop3A_649, %parallel_loop3A_650], %parallel_loop3A_648 {strides = array<i32>} : memref<128x128xf32, #tpu.memory_space<vmem>>, vector<16xf32>,
        %parallel_loop3A_652 = vector.extract_strided_slice %parallel_loop3A_68 {offsets = [9], sizes = [1], strides = [1]} : vector<16xi32> to vector<1xi32>
        %parallel_loop3A_653 = vector.extract %parallel_loop3A_652[0] : i32 from vector<1xi32>
        %parallel_loop3A_654 = vector.extract_strided_slice %parallel_loop3A_75 {offsets = [9], sizes = [1], strides = [1]} : vector<16xi32> to vector<1xi32>
        %parallel_loop3A_655 = vector.extract %parallel_loop3A_654[0] : i32 from vector<1xi32>
        %parallel_loop3A_656 = arith.constant 16 : i32
        %parallel_loop3A_657 = arith.muli %parallel_loop3A_61, %parallel_loop3A_656 : i32
        %parallel_loop3A_658 = arith.constant 9 : i32
        %parallel_loop3A_659 = arith.addi %parallel_loop3A_657, %parallel_loop3A_658 : i32
        %parallel_loop3A_660 = arith.constant 0 : i32
        %parallel_loop3A_661 = arith.addi %parallel_loop3A_653, %parallel_loop3A_660 : i32
        %parallel_loop3A_662 = arith.index_cast %parallel_loop3A_661 : i32 to index
        %parallel_loop3A_663 = tpu.vector_load %arg5[%parallel_loop3A_662] {strides = array<i32>} : memref<64000xf32, #tpu.memory_space<vmem>>, vector<16xf32>,
        %parallel_loop3A_664 = arith.index_cast %parallel_loop3A_659 : i32 to index
        %parallel_loop3A_665 = arith.constant 0 : index
        %parallel_loop3A_666 = tpu.vector_load %arg8[%parallel_loop3A_664, %parallel_loop3A_665] {strides = array<i32>} : memref<128x128xf32, #tpu.memory_space<vmem>>, vector<16xf32>,
        tpu.vector_store %arg8[%parallel_loop3A_664, %parallel_loop3A_665], %parallel_loop3A_663 {strides = array<i32>} : memref<128x128xf32, #tpu.memory_space<vmem>>, vector<16xf32>,
        %parallel_loop3A_667 = arith.constant 16 : i32
        %parallel_loop3A_668 = arith.addi %parallel_loop3A_653, %parallel_loop3A_667 : i32
        %parallel_loop3A_669 = arith.index_cast %parallel_loop3A_668 : i32 to index
        %parallel_loop3A_670 = tpu.vector_load %arg5[%parallel_loop3A_669] {strides = array<i32>} : memref<64000xf32, #tpu.memory_space<vmem>>, vector<16xf32>,
        %parallel_loop3A_671 = arith.index_cast %parallel_loop3A_659 : i32 to index
        %parallel_loop3A_672 = arith.constant 16 : index
        %parallel_loop3A_673 = tpu.vector_load %arg8[%parallel_loop3A_671, %parallel_loop3A_672] {strides = array<i32>} : memref<128x128xf32, #tpu.memory_space<vmem>>, vector<16xf32>,
        tpu.vector_store %arg8[%parallel_loop3A_671, %parallel_loop3A_672], %parallel_loop3A_670 {strides = array<i32>} : memref<128x128xf32, #tpu.memory_space<vmem>>, vector<16xf32>,
        %parallel_loop3A_674 = arith.constant 32 : i32
        %parallel_loop3A_675 = arith.addi %parallel_loop3A_653, %parallel_loop3A_674 : i32
        %parallel_loop3A_676 = arith.index_cast %parallel_loop3A_675 : i32 to index
        %parallel_loop3A_677 = tpu.vector_load %arg5[%parallel_loop3A_676] {strides = array<i32>} : memref<64000xf32, #tpu.memory_space<vmem>>, vector<16xf32>,
        %parallel_loop3A_678 = arith.index_cast %parallel_loop3A_659 : i32 to index
        %parallel_loop3A_679 = arith.constant 32 : index
        %parallel_loop3A_680 = tpu.vector_load %arg8[%parallel_loop3A_678, %parallel_loop3A_679] {strides = array<i32>} : memref<128x128xf32, #tpu.memory_space<vmem>>, vector<16xf32>,
        tpu.vector_store %arg8[%parallel_loop3A_678, %parallel_loop3A_679], %parallel_loop3A_677 {strides = array<i32>} : memref<128x128xf32, #tpu.memory_space<vmem>>, vector<16xf32>,
        %parallel_loop3A_681 = arith.constant 48 : i32
        %parallel_loop3A_682 = arith.addi %parallel_loop3A_653, %parallel_loop3A_681 : i32
        %parallel_loop3A_683 = arith.index_cast %parallel_loop3A_682 : i32 to index
        %parallel_loop3A_684 = tpu.vector_load %arg5[%parallel_loop3A_683] {strides = array<i32>} : memref<64000xf32, #tpu.memory_space<vmem>>, vector<16xf32>,
        %parallel_loop3A_685 = arith.index_cast %parallel_loop3A_659 : i32 to index
        %parallel_loop3A_686 = arith.constant 48 : index
        %parallel_loop3A_687 = tpu.vector_load %arg8[%parallel_loop3A_685, %parallel_loop3A_686] {strides = array<i32>} : memref<128x128xf32, #tpu.memory_space<vmem>>, vector<16xf32>,
        tpu.vector_store %arg8[%parallel_loop3A_685, %parallel_loop3A_686], %parallel_loop3A_684 {strides = array<i32>} : memref<128x128xf32, #tpu.memory_space<vmem>>, vector<16xf32>,
        %parallel_loop3A_688 = arith.constant 0 : i32
        %parallel_loop3A_689 = arith.addi %parallel_loop3A_655, %parallel_loop3A_688 : i32
        %parallel_loop3A_690 = arith.index_cast %parallel_loop3A_689 : i32 to index
        %parallel_loop3A_691 = tpu.vector_load %arg5[%parallel_loop3A_690] {strides = array<i32>} : memref<64000xf32, #tpu.memory_space<vmem>>, vector<16xf32>,
        %parallel_loop3A_692 = arith.index_cast %parallel_loop3A_659 : i32 to index
        %parallel_loop3A_693 = arith.constant 64 : index
        %parallel_loop3A_694 = tpu.vector_load %arg8[%parallel_loop3A_692, %parallel_loop3A_693] {strides = array<i32>} : memref<128x128xf32, #tpu.memory_space<vmem>>, vector<16xf32>,
        tpu.vector_store %arg8[%parallel_loop3A_692, %parallel_loop3A_693], %parallel_loop3A_691 {strides = array<i32>} : memref<128x128xf32, #tpu.memory_space<vmem>>, vector<16xf32>,
        %parallel_loop3A_695 = arith.constant 16 : i32
        %parallel_loop3A_696 = arith.addi %parallel_loop3A_655, %parallel_loop3A_695 : i32
        %parallel_loop3A_697 = arith.index_cast %parallel_loop3A_696 : i32 to index
        %parallel_loop3A_698 = tpu.vector_load %arg5[%parallel_loop3A_697] {strides = array<i32>} : memref<64000xf32, #tpu.memory_space<vmem>>, vector<16xf32>,
        %parallel_loop3A_699 = arith.index_cast %parallel_loop3A_659 : i32 to index
        %parallel_loop3A_700 = arith.constant 80 : index
        %parallel_loop3A_701 = tpu.vector_load %arg8[%parallel_loop3A_699, %parallel_loop3A_700] {strides = array<i32>} : memref<128x128xf32, #tpu.memory_space<vmem>>, vector<16xf32>,
        tpu.vector_store %arg8[%parallel_loop3A_699, %parallel_loop3A_700], %parallel_loop3A_698 {strides = array<i32>} : memref<128x128xf32, #tpu.memory_space<vmem>>, vector<16xf32>,
        %parallel_loop3A_702 = arith.constant 32 : i32
        %parallel_loop3A_703 = arith.addi %parallel_loop3A_655, %parallel_loop3A_702 : i32
        %parallel_loop3A_704 = arith.index_cast %parallel_loop3A_703 : i32 to index
        %parallel_loop3A_705 = tpu.vector_load %arg5[%parallel_loop3A_704] {strides = array<i32>} : memref<64000xf32, #tpu.memory_space<vmem>>, vector<16xf32>,
        %parallel_loop3A_706 = arith.index_cast %parallel_loop3A_659 : i32 to index
        %parallel_loop3A_707 = arith.constant 96 : index
        %parallel_loop3A_708 = tpu.vector_load %arg8[%parallel_loop3A_706, %parallel_loop3A_707] {strides = array<i32>} : memref<128x128xf32, #tpu.memory_space<vmem>>, vector<16xf32>,
        tpu.vector_store %arg8[%parallel_loop3A_706, %parallel_loop3A_707], %parallel_loop3A_705 {strides = array<i32>} : memref<128x128xf32, #tpu.memory_space<vmem>>, vector<16xf32>,
        %parallel_loop3A_709 = arith.constant 48 : i32
        %parallel_loop3A_710 = arith.addi %parallel_loop3A_655, %parallel_loop3A_709 : i32
        %parallel_loop3A_711 = arith.index_cast %parallel_loop3A_710 : i32 to index
        %parallel_loop3A_712 = tpu.vector_load %arg5[%parallel_loop3A_711] {strides = array<i32>} : memref<64000xf32, #tpu.memory_space<vmem>>, vector<16xf32>,
        %parallel_loop3A_713 = arith.index_cast %parallel_loop3A_659 : i32 to index
        %parallel_loop3A_714 = arith.constant 112 : index
        %parallel_loop3A_715 = tpu.vector_load %arg8[%parallel_loop3A_713, %parallel_loop3A_714] {strides = array<i32>} : memref<128x128xf32, #tpu.memory_space<vmem>>, vector<16xf32>,
        tpu.vector_store %arg8[%parallel_loop3A_713, %parallel_loop3A_714], %parallel_loop3A_712 {strides = array<i32>} : memref<128x128xf32, #tpu.memory_space<vmem>>, vector<16xf32>,
        %parallel_loop3A_716 = vector.extract_strided_slice %parallel_loop3A_68 {offsets = [10], sizes = [1], strides = [1]} : vector<16xi32> to vector<1xi32>
        %parallel_loop3A_717 = vector.extract %parallel_loop3A_716[0] : i32 from vector<1xi32>
        %parallel_loop3A_718 = vector.extract_strided_slice %parallel_loop3A_75 {offsets = [10], sizes = [1], strides = [1]} : vector<16xi32> to vector<1xi32>
        %parallel_loop3A_719 = vector.extract %parallel_loop3A_718[0] : i32 from vector<1xi32>
        %parallel_loop3A_720 = arith.constant 16 : i32
        %parallel_loop3A_721 = arith.muli %parallel_loop3A_61, %parallel_loop3A_720 : i32
        %parallel_loop3A_722 = arith.constant 10 : i32
        %parallel_loop3A_723 = arith.addi %parallel_loop3A_721, %parallel_loop3A_722 : i32
        %parallel_loop3A_724 = arith.constant 0 : i32
        %parallel_loop3A_725 = arith.addi %parallel_loop3A_717, %parallel_loop3A_724 : i32
        %parallel_loop3A_726 = arith.index_cast %parallel_loop3A_725 : i32 to index
        %parallel_loop3A_727 = tpu.vector_load %arg5[%parallel_loop3A_726] {strides = array<i32>} : memref<64000xf32, #tpu.memory_space<vmem>>, vector<16xf32>,
        %parallel_loop3A_728 = arith.index_cast %parallel_loop3A_723 : i32 to index
        %parallel_loop3A_729 = arith.constant 0 : index
        %parallel_loop3A_730 = tpu.vector_load %arg8[%parallel_loop3A_728, %parallel_loop3A_729] {strides = array<i32>} : memref<128x128xf32, #tpu.memory_space<vmem>>, vector<16xf32>,
        tpu.vector_store %arg8[%parallel_loop3A_728, %parallel_loop3A_729], %parallel_loop3A_727 {strides = array<i32>} : memref<128x128xf32, #tpu.memory_space<vmem>>, vector<16xf32>,
        %parallel_loop3A_731 = arith.constant 16 : i32
        %parallel_loop3A_732 = arith.addi %parallel_loop3A_717, %parallel_loop3A_731 : i32
        %parallel_loop3A_733 = arith.index_cast %parallel_loop3A_732 : i32 to index
        %parallel_loop3A_734 = tpu.vector_load %arg5[%parallel_loop3A_733] {strides = array<i32>} : memref<64000xf32, #tpu.memory_space<vmem>>, vector<16xf32>,
        %parallel_loop3A_735 = arith.index_cast %parallel_loop3A_723 : i32 to index
        %parallel_loop3A_736 = arith.constant 16 : index
        %parallel_loop3A_737 = tpu.vector_load %arg8[%parallel_loop3A_735, %parallel_loop3A_736] {strides = array<i32>} : memref<128x128xf32, #tpu.memory_space<vmem>>, vector<16xf32>,
        tpu.vector_store %arg8[%parallel_loop3A_735, %parallel_loop3A_736], %parallel_loop3A_734 {strides = array<i32>} : memref<128x128xf32, #tpu.memory_space<vmem>>, vector<16xf32>,
        %parallel_loop3A_738 = arith.constant 32 : i32
        %parallel_loop3A_739 = arith.addi %parallel_loop3A_717, %parallel_loop3A_738 : i32
        %parallel_loop3A_740 = arith.index_cast %parallel_loop3A_739 : i32 to index
        %parallel_loop3A_741 = tpu.vector_load %arg5[%parallel_loop3A_740] {strides = array<i32>} : memref<64000xf32, #tpu.memory_space<vmem>>, vector<16xf32>,
        %parallel_loop3A_742 = arith.index_cast %parallel_loop3A_723 : i32 to index
        %parallel_loop3A_743 = arith.constant 32 : index
        %parallel_loop3A_744 = tpu.vector_load %arg8[%parallel_loop3A_742, %parallel_loop3A_743] {strides = array<i32>} : memref<128x128xf32, #tpu.memory_space<vmem>>, vector<16xf32>,
        tpu.vector_store %arg8[%parallel_loop3A_742, %parallel_loop3A_743], %parallel_loop3A_741 {strides = array<i32>} : memref<128x128xf32, #tpu.memory_space<vmem>>, vector<16xf32>,
        %parallel_loop3A_745 = arith.constant 48 : i32
        %parallel_loop3A_746 = arith.addi %parallel_loop3A_717, %parallel_loop3A_745 : i32
        %parallel_loop3A_747 = arith.index_cast %parallel_loop3A_746 : i32 to index
        %parallel_loop3A_748 = tpu.vector_load %arg5[%parallel_loop3A_747] {strides = array<i32>} : memref<64000xf32, #tpu.memory_space<vmem>>, vector<16xf32>,
        %parallel_loop3A_749 = arith.index_cast %parallel_loop3A_723 : i32 to index
        %parallel_loop3A_750 = arith.constant 48 : index
        %parallel_loop3A_751 = tpu.vector_load %arg8[%parallel_loop3A_749, %parallel_loop3A_750] {strides = array<i32>} : memref<128x128xf32, #tpu.memory_space<vmem>>, vector<16xf32>,
        tpu.vector_store %arg8[%parallel_loop3A_749, %parallel_loop3A_750], %parallel_loop3A_748 {strides = array<i32>} : memref<128x128xf32, #tpu.memory_space<vmem>>, vector<16xf32>,
        %parallel_loop3A_752 = arith.constant 0 : i32
        %parallel_loop3A_753 = arith.addi %parallel_loop3A_719, %parallel_loop3A_752 : i32
        %parallel_loop3A_754 = arith.index_cast %parallel_loop3A_753 : i32 to index
        %parallel_loop3A_755 = tpu.vector_load %arg5[%parallel_loop3A_754] {strides = array<i32>} : memref<64000xf32, #tpu.memory_space<vmem>>, vector<16xf32>,
        %parallel_loop3A_756 = arith.index_cast %parallel_loop3A_723 : i32 to index
        %parallel_loop3A_757 = arith.constant 64 : index
        %parallel_loop3A_758 = tpu.vector_load %arg8[%parallel_loop3A_756, %parallel_loop3A_757] {strides = array<i32>} : memref<128x128xf32, #tpu.memory_space<vmem>>, vector<16xf32>,
        tpu.vector_store %arg8[%parallel_loop3A_756, %parallel_loop3A_757], %parallel_loop3A_755 {strides = array<i32>} : memref<128x128xf32, #tpu.memory_space<vmem>>, vector<16xf32>,
        %parallel_loop3A_759 = arith.constant 16 : i32
        %parallel_loop3A_760 = arith.addi %parallel_loop3A_719, %parallel_loop3A_759 : i32
        %parallel_loop3A_761 = arith.index_cast %parallel_loop3A_760 : i32 to index
        %parallel_loop3A_762 = tpu.vector_load %arg5[%parallel_loop3A_761] {strides = array<i32>} : memref<64000xf32, #tpu.memory_space<vmem>>, vector<16xf32>,
        %parallel_loop3A_763 = arith.index_cast %parallel_loop3A_723 : i32 to index
        %parallel_loop3A_764 = arith.constant 80 : index
        %parallel_loop3A_765 = tpu.vector_load %arg8[%parallel_loop3A_763, %parallel_loop3A_764] {strides = array<i32>} : memref<128x128xf32, #tpu.memory_space<vmem>>, vector<16xf32>,
        tpu.vector_store %arg8[%parallel_loop3A_763, %parallel_loop3A_764], %parallel_loop3A_762 {strides = array<i32>} : memref<128x128xf32, #tpu.memory_space<vmem>>, vector<16xf32>,
        %parallel_loop3A_766 = arith.constant 32 : i32
        %parallel_loop3A_767 = arith.addi %parallel_loop3A_719, %parallel_loop3A_766 : i32
        %parallel_loop3A_768 = arith.index_cast %parallel_loop3A_767 : i32 to index
        %parallel_loop3A_769 = tpu.vector_load %arg5[%parallel_loop3A_768] {strides = array<i32>} : memref<64000xf32, #tpu.memory_space<vmem>>, vector<16xf32>,
        %parallel_loop3A_770 = arith.index_cast %parallel_loop3A_723 : i32 to index
        %parallel_loop3A_771 = arith.constant 96 : index
        %parallel_loop3A_772 = tpu.vector_load %arg8[%parallel_loop3A_770, %parallel_loop3A_771] {strides = array<i32>} : memref<128x128xf32, #tpu.memory_space<vmem>>, vector<16xf32>,
        tpu.vector_store %arg8[%parallel_loop3A_770, %parallel_loop3A_771], %parallel_loop3A_769 {strides = array<i32>} : memref<128x128xf32, #tpu.memory_space<vmem>>, vector<16xf32>,
        %parallel_loop3A_773 = arith.constant 48 : i32
        %parallel_loop3A_774 = arith.addi %parallel_loop3A_719, %parallel_loop3A_773 : i32
        %parallel_loop3A_775 = arith.index_cast %parallel_loop3A_774 : i32 to index
        %parallel_loop3A_776 = tpu.vector_load %arg5[%parallel_loop3A_775] {strides = array<i32>} : memref<64000xf32, #tpu.memory_space<vmem>>, vector<16xf32>,
        %parallel_loop3A_777 = arith.index_cast %parallel_loop3A_723 : i32 to index
        %parallel_loop3A_778 = arith.constant 112 : index
        %parallel_loop3A_779 = tpu.vector_load %arg8[%parallel_loop3A_777, %parallel_loop3A_778] {strides = array<i32>} : memref<128x128xf32, #tpu.memory_space<vmem>>, vector<16xf32>,
        tpu.vector_store %arg8[%parallel_loop3A_777, %parallel_loop3A_778], %parallel_loop3A_776 {strides = array<i32>} : memref<128x128xf32, #tpu.memory_space<vmem>>, vector<16xf32>,
        %parallel_loop3A_780 = vector.extract_strided_slice %parallel_loop3A_68 {offsets = [11], sizes = [1], strides = [1]} : vector<16xi32> to vector<1xi32>
        %parallel_loop3A_781 = vector.extract %parallel_loop3A_780[0] : i32 from vector<1xi32>
        %parallel_loop3A_782 = vector.extract_strided_slice %parallel_loop3A_75 {offsets = [11], sizes = [1], strides = [1]} : vector<16xi32> to vector<1xi32>
        %parallel_loop3A_783 = vector.extract %parallel_loop3A_782[0] : i32 from vector<1xi32>
        %parallel_loop3A_784 = arith.constant 16 : i32
        %parallel_loop3A_785 = arith.muli %parallel_loop3A_61, %parallel_loop3A_784 : i32
        %parallel_loop3A_786 = arith.constant 11 : i32
        %parallel_loop3A_787 = arith.addi %parallel_loop3A_785, %parallel_loop3A_786 : i32
        %parallel_loop3A_788 = arith.constant 0 : i32
        %parallel_loop3A_789 = arith.addi %parallel_loop3A_781, %parallel_loop3A_788 : i32
        %parallel_loop3A_790 = arith.index_cast %parallel_loop3A_789 : i32 to index
        %parallel_loop3A_791 = tpu.vector_load %arg5[%parallel_loop3A_790] {strides = array<i32>} : memref<64000xf32, #tpu.memory_space<vmem>>, vector<16xf32>,
        %parallel_loop3A_792 = arith.index_cast %parallel_loop3A_787 : i32 to index
        %parallel_loop3A_793 = arith.constant 0 : index
        %parallel_loop3A_794 = tpu.vector_load %arg8[%parallel_loop3A_792, %parallel_loop3A_793] {strides = array<i32>} : memref<128x128xf32, #tpu.memory_space<vmem>>, vector<16xf32>,
        tpu.vector_store %arg8[%parallel_loop3A_792, %parallel_loop3A_793], %parallel_loop3A_791 {strides = array<i32>} : memref<128x128xf32, #tpu.memory_space<vmem>>, vector<16xf32>,
        %parallel_loop3A_795 = arith.constant 16 : i32
        %parallel_loop3A_796 = arith.addi %parallel_loop3A_781, %parallel_loop3A_795 : i32
        %parallel_loop3A_797 = arith.index_cast %parallel_loop3A_796 : i32 to index
        %parallel_loop3A_798 = tpu.vector_load %arg5[%parallel_loop3A_797] {strides = array<i32>} : memref<64000xf32, #tpu.memory_space<vmem>>, vector<16xf32>,
        %parallel_loop3A_799 = arith.index_cast %parallel_loop3A_787 : i32 to index
        %parallel_loop3A_800 = arith.constant 16 : index
        %parallel_loop3A_801 = tpu.vector_load %arg8[%parallel_loop3A_799, %parallel_loop3A_800] {strides = array<i32>} : memref<128x128xf32, #tpu.memory_space<vmem>>, vector<16xf32>,
        tpu.vector_store %arg8[%parallel_loop3A_799, %parallel_loop3A_800], %parallel_loop3A_798 {strides = array<i32>} : memref<128x128xf32, #tpu.memory_space<vmem>>, vector<16xf32>,
        %parallel_loop3A_802 = arith.constant 32 : i32
        %parallel_loop3A_803 = arith.addi %parallel_loop3A_781, %parallel_loop3A_802 : i32
        %parallel_loop3A_804 = arith.index_cast %parallel_loop3A_803 : i32 to index
        %parallel_loop3A_805 = tpu.vector_load %arg5[%parallel_loop3A_804] {strides = array<i32>} : memref<64000xf32, #tpu.memory_space<vmem>>, vector<16xf32>,
        %parallel_loop3A_806 = arith.index_cast %parallel_loop3A_787 : i32 to index
        %parallel_loop3A_807 = arith.constant 32 : index
        %parallel_loop3A_808 = tpu.vector_load %arg8[%parallel_loop3A_806, %parallel_loop3A_807] {strides = array<i32>} : memref<128x128xf32, #tpu.memory_space<vmem>>, vector<16xf32>,
        tpu.vector_store %arg8[%parallel_loop3A_806, %parallel_loop3A_807], %parallel_loop3A_805 {strides = array<i32>} : memref<128x128xf32, #tpu.memory_space<vmem>>, vector<16xf32>,
        %parallel_loop3A_809 = arith.constant 48 : i32
        %parallel_loop3A_810 = arith.addi %parallel_loop3A_781, %parallel_loop3A_809 : i32
        %parallel_loop3A_811 = arith.index_cast %parallel_loop3A_810 : i32 to index
        %parallel_loop3A_812 = tpu.vector_load %arg5[%parallel_loop3A_811] {strides = array<i32>} : memref<64000xf32, #tpu.memory_space<vmem>>, vector<16xf32>,
        %parallel_loop3A_813 = arith.index_cast %parallel_loop3A_787 : i32 to index
        %parallel_loop3A_814 = arith.constant 48 : index
        %parallel_loop3A_815 = tpu.vector_load %arg8[%parallel_loop3A_813, %parallel_loop3A_814] {strides = array<i32>} : memref<128x128xf32, #tpu.memory_space<vmem>>, vector<16xf32>,
        tpu.vector_store %arg8[%parallel_loop3A_813, %parallel_loop3A_814], %parallel_loop3A_812 {strides = array<i32>} : memref<128x128xf32, #tpu.memory_space<vmem>>, vector<16xf32>,
        %parallel_loop3A_816 = arith.constant 0 : i32
        %parallel_loop3A_817 = arith.addi %parallel_loop3A_783, %parallel_loop3A_816 : i32
        %parallel_loop3A_818 = arith.index_cast %parallel_loop3A_817 : i32 to index
        %parallel_loop3A_819 = tpu.vector_load %arg5[%parallel_loop3A_818] {strides = array<i32>} : memref<64000xf32, #tpu.memory_space<vmem>>, vector<16xf32>,
        %parallel_loop3A_820 = arith.index_cast %parallel_loop3A_787 : i32 to index
        %parallel_loop3A_821 = arith.constant 64 : index
        %parallel_loop3A_822 = tpu.vector_load %arg8[%parallel_loop3A_820, %parallel_loop3A_821] {strides = array<i32>} : memref<128x128xf32, #tpu.memory_space<vmem>>, vector<16xf32>,
        tpu.vector_store %arg8[%parallel_loop3A_820, %parallel_loop3A_821], %parallel_loop3A_819 {strides = array<i32>} : memref<128x128xf32, #tpu.memory_space<vmem>>, vector<16xf32>,
        %parallel_loop3A_823 = arith.constant 16 : i32
        %parallel_loop3A_824 = arith.addi %parallel_loop3A_783, %parallel_loop3A_823 : i32
        %parallel_loop3A_825 = arith.index_cast %parallel_loop3A_824 : i32 to index
        %parallel_loop3A_826 = tpu.vector_load %arg5[%parallel_loop3A_825] {strides = array<i32>} : memref<64000xf32, #tpu.memory_space<vmem>>, vector<16xf32>,
        %parallel_loop3A_827 = arith.index_cast %parallel_loop3A_787 : i32 to index
        %parallel_loop3A_828 = arith.constant 80 : index
        %parallel_loop3A_829 = tpu.vector_load %arg8[%parallel_loop3A_827, %parallel_loop3A_828] {strides = array<i32>} : memref<128x128xf32, #tpu.memory_space<vmem>>, vector<16xf32>,
        tpu.vector_store %arg8[%parallel_loop3A_827, %parallel_loop3A_828], %parallel_loop3A_826 {strides = array<i32>} : memref<128x128xf32, #tpu.memory_space<vmem>>, vector<16xf32>,
        %parallel_loop3A_830 = arith.constant 32 : i32
        %parallel_loop3A_831 = arith.addi %parallel_loop3A_783, %parallel_loop3A_830 : i32
        %parallel_loop3A_832 = arith.index_cast %parallel_loop3A_831 : i32 to index
        %parallel_loop3A_833 = tpu.vector_load %arg5[%parallel_loop3A_832] {strides = array<i32>} : memref<64000xf32, #tpu.memory_space<vmem>>, vector<16xf32>,
        %parallel_loop3A_834 = arith.index_cast %parallel_loop3A_787 : i32 to index
        %parallel_loop3A_835 = arith.constant 96 : index
        %parallel_loop3A_836 = tpu.vector_load %arg8[%parallel_loop3A_834, %parallel_loop3A_835] {strides = array<i32>} : memref<128x128xf32, #tpu.memory_space<vmem>>, vector<16xf32>,
        tpu.vector_store %arg8[%parallel_loop3A_834, %parallel_loop3A_835], %parallel_loop3A_833 {strides = array<i32>} : memref<128x128xf32, #tpu.memory_space<vmem>>, vector<16xf32>,
        %parallel_loop3A_837 = arith.constant 48 : i32
        %parallel_loop3A_838 = arith.addi %parallel_loop3A_783, %parallel_loop3A_837 : i32
        %parallel_loop3A_839 = arith.index_cast %parallel_loop3A_838 : i32 to index
        %parallel_loop3A_840 = tpu.vector_load %arg5[%parallel_loop3A_839] {strides = array<i32>} : memref<64000xf32, #tpu.memory_space<vmem>>, vector<16xf32>,
        %parallel_loop3A_841 = arith.index_cast %parallel_loop3A_787 : i32 to index
        %parallel_loop3A_842 = arith.constant 112 : index
        %parallel_loop3A_843 = tpu.vector_load %arg8[%parallel_loop3A_841, %parallel_loop3A_842] {strides = array<i32>} : memref<128x128xf32, #tpu.memory_space<vmem>>, vector<16xf32>,
        tpu.vector_store %arg8[%parallel_loop3A_841, %parallel_loop3A_842], %parallel_loop3A_840 {strides = array<i32>} : memref<128x128xf32, #tpu.memory_space<vmem>>, vector<16xf32>,
        %parallel_loop3A_844 = vector.extract_strided_slice %parallel_loop3A_68 {offsets = [12], sizes = [1], strides = [1]} : vector<16xi32> to vector<1xi32>
        %parallel_loop3A_845 = vector.extract %parallel_loop3A_844[0] : i32 from vector<1xi32>
        %parallel_loop3A_846 = vector.extract_strided_slice %parallel_loop3A_75 {offsets = [12], sizes = [1], strides = [1]} : vector<16xi32> to vector<1xi32>
        %parallel_loop3A_847 = vector.extract %parallel_loop3A_846[0] : i32 from vector<1xi32>
        %parallel_loop3A_848 = arith.constant 16 : i32
        %parallel_loop3A_849 = arith.muli %parallel_loop3A_61, %parallel_loop3A_848 : i32
        %parallel_loop3A_850 = arith.constant 12 : i32
        %parallel_loop3A_851 = arith.addi %parallel_loop3A_849, %parallel_loop3A_850 : i32
        %parallel_loop3A_852 = arith.constant 0 : i32
        %parallel_loop3A_853 = arith.addi %parallel_loop3A_845, %parallel_loop3A_852 : i32
        %parallel_loop3A_854 = arith.index_cast %parallel_loop3A_853 : i32 to index
        %parallel_loop3A_855 = tpu.vector_load %arg5[%parallel_loop3A_854] {strides = array<i32>} : memref<64000xf32, #tpu.memory_space<vmem>>, vector<16xf32>,
        %parallel_loop3A_856 = arith.index_cast %parallel_loop3A_851 : i32 to index
        %parallel_loop3A_857 = arith.constant 0 : index
        %parallel_loop3A_858 = tpu.vector_load %arg8[%parallel_loop3A_856, %parallel_loop3A_857] {strides = array<i32>} : memref<128x128xf32, #tpu.memory_space<vmem>>, vector<16xf32>,
        tpu.vector_store %arg8[%parallel_loop3A_856, %parallel_loop3A_857], %parallel_loop3A_855 {strides = array<i32>} : memref<128x128xf32, #tpu.memory_space<vmem>>, vector<16xf32>,
        %parallel_loop3A_859 = arith.constant 16 : i32
        %parallel_loop3A_860 = arith.addi %parallel_loop3A_845, %parallel_loop3A_859 : i32
        %parallel_loop3A_861 = arith.index_cast %parallel_loop3A_860 : i32 to index
        %parallel_loop3A_862 = tpu.vector_load %arg5[%parallel_loop3A_861] {strides = array<i32>} : memref<64000xf32, #tpu.memory_space<vmem>>, vector<16xf32>,
        %parallel_loop3A_863 = arith.index_cast %parallel_loop3A_851 : i32 to index
        %parallel_loop3A_864 = arith.constant 16 : index
        %parallel_loop3A_865 = tpu.vector_load %arg8[%parallel_loop3A_863, %parallel_loop3A_864] {strides = array<i32>} : memref<128x128xf32, #tpu.memory_space<vmem>>, vector<16xf32>,
        tpu.vector_store %arg8[%parallel_loop3A_863, %parallel_loop3A_864], %parallel_loop3A_862 {strides = array<i32>} : memref<128x128xf32, #tpu.memory_space<vmem>>, vector<16xf32>,
        %parallel_loop3A_866 = arith.constant 32 : i32
        %parallel_loop3A_867 = arith.addi %parallel_loop3A_845, %parallel_loop3A_866 : i32
        %parallel_loop3A_868 = arith.index_cast %parallel_loop3A_867 : i32 to index
        %parallel_loop3A_869 = tpu.vector_load %arg5[%parallel_loop3A_868] {strides = array<i32>} : memref<64000xf32, #tpu.memory_space<vmem>>, vector<16xf32>,
        %parallel_loop3A_870 = arith.index_cast %parallel_loop3A_851 : i32 to index
        %parallel_loop3A_871 = arith.constant 32 : index
        %parallel_loop3A_872 = tpu.vector_load %arg8[%parallel_loop3A_870, %parallel_loop3A_871] {strides = array<i32>} : memref<128x128xf32, #tpu.memory_space<vmem>>, vector<16xf32>,
        tpu.vector_store %arg8[%parallel_loop3A_870, %parallel_loop3A_871], %parallel_loop3A_869 {strides = array<i32>} : memref<128x128xf32, #tpu.memory_space<vmem>>, vector<16xf32>,
        %parallel_loop3A_873 = arith.constant 48 : i32
        %parallel_loop3A_874 = arith.addi %parallel_loop3A_845, %parallel_loop3A_873 : i32
        %parallel_loop3A_875 = arith.index_cast %parallel_loop3A_874 : i32 to index
        %parallel_loop3A_876 = tpu.vector_load %arg5[%parallel_loop3A_875] {strides = array<i32>} : memref<64000xf32, #tpu.memory_space<vmem>>, vector<16xf32>,
        %parallel_loop3A_877 = arith.index_cast %parallel_loop3A_851 : i32 to index
        %parallel_loop3A_878 = arith.constant 48 : index
        %parallel_loop3A_879 = tpu.vector_load %arg8[%parallel_loop3A_877, %parallel_loop3A_878] {strides = array<i32>} : memref<128x128xf32, #tpu.memory_space<vmem>>, vector<16xf32>,
        tpu.vector_store %arg8[%parallel_loop3A_877, %parallel_loop3A_878], %parallel_loop3A_876 {strides = array<i32>} : memref<128x128xf32, #tpu.memory_space<vmem>>, vector<16xf32>,
        %parallel_loop3A_880 = arith.constant 0 : i32
        %parallel_loop3A_881 = arith.addi %parallel_loop3A_847, %parallel_loop3A_880 : i32
        %parallel_loop3A_882 = arith.index_cast %parallel_loop3A_881 : i32 to index
        %parallel_loop3A_883 = tpu.vector_load %arg5[%parallel_loop3A_882] {strides = array<i32>} : memref<64000xf32, #tpu.memory_space<vmem>>, vector<16xf32>,
        %parallel_loop3A_884 = arith.index_cast %parallel_loop3A_851 : i32 to index
        %parallel_loop3A_885 = arith.constant 64 : index
        %parallel_loop3A_886 = tpu.vector_load %arg8[%parallel_loop3A_884, %parallel_loop3A_885] {strides = array<i32>} : memref<128x128xf32, #tpu.memory_space<vmem>>, vector<16xf32>,
        tpu.vector_store %arg8[%parallel_loop3A_884, %parallel_loop3A_885], %parallel_loop3A_883 {strides = array<i32>} : memref<128x128xf32, #tpu.memory_space<vmem>>, vector<16xf32>,
        %parallel_loop3A_887 = arith.constant 16 : i32
        %parallel_loop3A_888 = arith.addi %parallel_loop3A_847, %parallel_loop3A_887 : i32
        %parallel_loop3A_889 = arith.index_cast %parallel_loop3A_888 : i32 to index
        %parallel_loop3A_890 = tpu.vector_load %arg5[%parallel_loop3A_889] {strides = array<i32>} : memref<64000xf32, #tpu.memory_space<vmem>>, vector<16xf32>,
        %parallel_loop3A_891 = arith.index_cast %parallel_loop3A_851 : i32 to index
        %parallel_loop3A_892 = arith.constant 80 : index
        %parallel_loop3A_893 = tpu.vector_load %arg8[%parallel_loop3A_891, %parallel_loop3A_892] {strides = array<i32>} : memref<128x128xf32, #tpu.memory_space<vmem>>, vector<16xf32>,
        tpu.vector_store %arg8[%parallel_loop3A_891, %parallel_loop3A_892], %parallel_loop3A_890 {strides = array<i32>} : memref<128x128xf32, #tpu.memory_space<vmem>>, vector<16xf32>,
        %parallel_loop3A_894 = arith.constant 32 : i32
        %parallel_loop3A_895 = arith.addi %parallel_loop3A_847, %parallel_loop3A_894 : i32
        %parallel_loop3A_896 = arith.index_cast %parallel_loop3A_895 : i32 to index
        %parallel_loop3A_897 = tpu.vector_load %arg5[%parallel_loop3A_896] {strides = array<i32>} : memref<64000xf32, #tpu.memory_space<vmem>>, vector<16xf32>,
        %parallel_loop3A_898 = arith.index_cast %parallel_loop3A_851 : i32 to index
        %parallel_loop3A_899 = arith.constant 96 : index
        %parallel_loop3A_900 = tpu.vector_load %arg8[%parallel_loop3A_898, %parallel_loop3A_899] {strides = array<i32>} : memref<128x128xf32, #tpu.memory_space<vmem>>, vector<16xf32>,
        tpu.vector_store %arg8[%parallel_loop3A_898, %parallel_loop3A_899], %parallel_loop3A_897 {strides = array<i32>} : memref<128x128xf32, #tpu.memory_space<vmem>>, vector<16xf32>,
        %parallel_loop3A_901 = arith.constant 48 : i32
        %parallel_loop3A_902 = arith.addi %parallel_loop3A_847, %parallel_loop3A_901 : i32
        %parallel_loop3A_903 = arith.index_cast %parallel_loop3A_902 : i32 to index
        %parallel_loop3A_904 = tpu.vector_load %arg5[%parallel_loop3A_903] {strides = array<i32>} : memref<64000xf32, #tpu.memory_space<vmem>>, vector<16xf32>,
        %parallel_loop3A_905 = arith.index_cast %parallel_loop3A_851 : i32 to index
        %parallel_loop3A_906 = arith.constant 112 : index
        %parallel_loop3A_907 = tpu.vector_load %arg8[%parallel_loop3A_905, %parallel_loop3A_906] {strides = array<i32>} : memref<128x128xf32, #tpu.memory_space<vmem>>, vector<16xf32>,
        tpu.vector_store %arg8[%parallel_loop3A_905, %parallel_loop3A_906], %parallel_loop3A_904 {strides = array<i32>} : memref<128x128xf32, #tpu.memory_space<vmem>>, vector<16xf32>,
        %parallel_loop3A_908 = vector.extract_strided_slice %parallel_loop3A_68 {offsets = [13], sizes = [1], strides = [1]} : vector<16xi32> to vector<1xi32>
        %parallel_loop3A_909 = vector.extract %parallel_loop3A_908[0] : i32 from vector<1xi32>
        %parallel_loop3A_910 = vector.extract_strided_slice %parallel_loop3A_75 {offsets = [13], sizes = [1], strides = [1]} : vector<16xi32> to vector<1xi32>
        %parallel_loop3A_911 = vector.extract %parallel_loop3A_910[0] : i32 from vector<1xi32>
        %parallel_loop3A_912 = arith.constant 16 : i32
        %parallel_loop3A_913 = arith.muli %parallel_loop3A_61, %parallel_loop3A_912 : i32
        %parallel_loop3A_914 = arith.constant 13 : i32
        %parallel_loop3A_915 = arith.addi %parallel_loop3A_913, %parallel_loop3A_914 : i32
        %parallel_loop3A_916 = arith.constant 0 : i32
        %parallel_loop3A_917 = arith.addi %parallel_loop3A_909, %parallel_loop3A_916 : i32
        %parallel_loop3A_918 = arith.index_cast %parallel_loop3A_917 : i32 to index
        %parallel_loop3A_919 = tpu.vector_load %arg5[%parallel_loop3A_918] {strides = array<i32>} : memref<64000xf32, #tpu.memory_space<vmem>>, vector<16xf32>,
        %parallel_loop3A_920 = arith.index_cast %parallel_loop3A_915 : i32 to index
        %parallel_loop3A_921 = arith.constant 0 : index
        %parallel_loop3A_922 = tpu.vector_load %arg8[%parallel_loop3A_920, %parallel_loop3A_921] {strides = array<i32>} : memref<128x128xf32, #tpu.memory_space<vmem>>, vector<16xf32>,
        tpu.vector_store %arg8[%parallel_loop3A_920, %parallel_loop3A_921], %parallel_loop3A_919 {strides = array<i32>} : memref<128x128xf32, #tpu.memory_space<vmem>>, vector<16xf32>,
        %parallel_loop3A_923 = arith.constant 16 : i32
        %parallel_loop3A_924 = arith.addi %parallel_loop3A_909, %parallel_loop3A_923 : i32
        %parallel_loop3A_925 = arith.index_cast %parallel_loop3A_924 : i32 to index
        %parallel_loop3A_926 = tpu.vector_load %arg5[%parallel_loop3A_925] {strides = array<i32>} : memref<64000xf32, #tpu.memory_space<vmem>>, vector<16xf32>,
        %parallel_loop3A_927 = arith.index_cast %parallel_loop3A_915 : i32 to index
        %parallel_loop3A_928 = arith.constant 16 : index
        %parallel_loop3A_929 = tpu.vector_load %arg8[%parallel_loop3A_927, %parallel_loop3A_928] {strides = array<i32>} : memref<128x128xf32, #tpu.memory_space<vmem>>, vector<16xf32>,
        tpu.vector_store %arg8[%parallel_loop3A_927, %parallel_loop3A_928], %parallel_loop3A_926 {strides = array<i32>} : memref<128x128xf32, #tpu.memory_space<vmem>>, vector<16xf32>,
        %parallel_loop3A_930 = arith.constant 32 : i32
        %parallel_loop3A_931 = arith.addi %parallel_loop3A_909, %parallel_loop3A_930 : i32
        %parallel_loop3A_932 = arith.index_cast %parallel_loop3A_931 : i32 to index
        %parallel_loop3A_933 = tpu.vector_load %arg5[%parallel_loop3A_932] {strides = array<i32>} : memref<64000xf32, #tpu.memory_space<vmem>>, vector<16xf32>,
        %parallel_loop3A_934 = arith.index_cast %parallel_loop3A_915 : i32 to index
        %parallel_loop3A_935 = arith.constant 32 : index
        %parallel_loop3A_936 = tpu.vector_load %arg8[%parallel_loop3A_934, %parallel_loop3A_935] {strides = array<i32>} : memref<128x128xf32, #tpu.memory_space<vmem>>, vector<16xf32>,
        tpu.vector_store %arg8[%parallel_loop3A_934, %parallel_loop3A_935], %parallel_loop3A_933 {strides = array<i32>} : memref<128x128xf32, #tpu.memory_space<vmem>>, vector<16xf32>,
        %parallel_loop3A_937 = arith.constant 48 : i32
        %parallel_loop3A_938 = arith.addi %parallel_loop3A_909, %parallel_loop3A_937 : i32
        %parallel_loop3A_939 = arith.index_cast %parallel_loop3A_938 : i32 to index
        %parallel_loop3A_940 = tpu.vector_load %arg5[%parallel_loop3A_939] {strides = array<i32>} : memref<64000xf32, #tpu.memory_space<vmem>>, vector<16xf32>,
        %parallel_loop3A_941 = arith.index_cast %parallel_loop3A_915 : i32 to index
        %parallel_loop3A_942 = arith.constant 48 : index
        %parallel_loop3A_943 = tpu.vector_load %arg8[%parallel_loop3A_941, %parallel_loop3A_942] {strides = array<i32>} : memref<128x128xf32, #tpu.memory_space<vmem>>, vector<16xf32>,
        tpu.vector_store %arg8[%parallel_loop3A_941, %parallel_loop3A_942], %parallel_loop3A_940 {strides = array<i32>} : memref<128x128xf32, #tpu.memory_space<vmem>>, vector<16xf32>,
        %parallel_loop3A_944 = arith.constant 0 : i32
        %parallel_loop3A_945 = arith.addi %parallel_loop3A_911, %parallel_loop3A_944 : i32
        %parallel_loop3A_946 = arith.index_cast %parallel_loop3A_945 : i32 to index
        %parallel_loop3A_947 = tpu.vector_load %arg5[%parallel_loop3A_946] {strides = array<i32>} : memref<64000xf32, #tpu.memory_space<vmem>>, vector<16xf32>,
        %parallel_loop3A_948 = arith.index_cast %parallel_loop3A_915 : i32 to index
        %parallel_loop3A_949 = arith.constant 64 : index
        %parallel_loop3A_950 = tpu.vector_load %arg8[%parallel_loop3A_948, %parallel_loop3A_949] {strides = array<i32>} : memref<128x128xf32, #tpu.memory_space<vmem>>, vector<16xf32>,
        tpu.vector_store %arg8[%parallel_loop3A_948, %parallel_loop3A_949], %parallel_loop3A_947 {strides = array<i32>} : memref<128x128xf32, #tpu.memory_space<vmem>>, vector<16xf32>,
        %parallel_loop3A_951 = arith.constant 16 : i32
        %parallel_loop3A_952 = arith.addi %parallel_loop3A_911, %parallel_loop3A_951 : i32
        %parallel_loop3A_953 = arith.index_cast %parallel_loop3A_952 : i32 to index
        %parallel_loop3A_954 = tpu.vector_load %arg5[%parallel_loop3A_953] {strides = array<i32>} : memref<64000xf32, #tpu.memory_space<vmem>>, vector<16xf32>,
        %parallel_loop3A_955 = arith.index_cast %parallel_loop3A_915 : i32 to index
        %parallel_loop3A_956 = arith.constant 80 : index
        %parallel_loop3A_957 = tpu.vector_load %arg8[%parallel_loop3A_955, %parallel_loop3A_956] {strides = array<i32>} : memref<128x128xf32, #tpu.memory_space<vmem>>, vector<16xf32>,
        tpu.vector_store %arg8[%parallel_loop3A_955, %parallel_loop3A_956], %parallel_loop3A_954 {strides = array<i32>} : memref<128x128xf32, #tpu.memory_space<vmem>>, vector<16xf32>,
        %parallel_loop3A_958 = arith.constant 32 : i32
        %parallel_loop3A_959 = arith.addi %parallel_loop3A_911, %parallel_loop3A_958 : i32
        %parallel_loop3A_960 = arith.index_cast %parallel_loop3A_959 : i32 to index
        %parallel_loop3A_961 = tpu.vector_load %arg5[%parallel_loop3A_960] {strides = array<i32>} : memref<64000xf32, #tpu.memory_space<vmem>>, vector<16xf32>,
        %parallel_loop3A_962 = arith.index_cast %parallel_loop3A_915 : i32 to index
        %parallel_loop3A_963 = arith.constant 96 : index
        %parallel_loop3A_964 = tpu.vector_load %arg8[%parallel_loop3A_962, %parallel_loop3A_963] {strides = array<i32>} : memref<128x128xf32, #tpu.memory_space<vmem>>, vector<16xf32>,
        tpu.vector_store %arg8[%parallel_loop3A_962, %parallel_loop3A_963], %parallel_loop3A_961 {strides = array<i32>} : memref<128x128xf32, #tpu.memory_space<vmem>>, vector<16xf32>,
        %parallel_loop3A_965 = arith.constant 48 : i32
        %parallel_loop3A_966 = arith.addi %parallel_loop3A_911, %parallel_loop3A_965 : i32
        %parallel_loop3A_967 = arith.index_cast %parallel_loop3A_966 : i32 to index
        %parallel_loop3A_968 = tpu.vector_load %arg5[%parallel_loop3A_967] {strides = array<i32>} : memref<64000xf32, #tpu.memory_space<vmem>>, vector<16xf32>,
        %parallel_loop3A_969 = arith.index_cast %parallel_loop3A_915 : i32 to index
        %parallel_loop3A_970 = arith.constant 112 : index
        %parallel_loop3A_971 = tpu.vector_load %arg8[%parallel_loop3A_969, %parallel_loop3A_970] {strides = array<i32>} : memref<128x128xf32, #tpu.memory_space<vmem>>, vector<16xf32>,
        tpu.vector_store %arg8[%parallel_loop3A_969, %parallel_loop3A_970], %parallel_loop3A_968 {strides = array<i32>} : memref<128x128xf32, #tpu.memory_space<vmem>>, vector<16xf32>,
        %parallel_loop3A_972 = vector.extract_strided_slice %parallel_loop3A_68 {offsets = [14], sizes = [1], strides = [1]} : vector<16xi32> to vector<1xi32>
        %parallel_loop3A_973 = vector.extract %parallel_loop3A_972[0] : i32 from vector<1xi32>
        %parallel_loop3A_974 = vector.extract_strided_slice %parallel_loop3A_75 {offsets = [14], sizes = [1], strides = [1]} : vector<16xi32> to vector<1xi32>
        %parallel_loop3A_975 = vector.extract %parallel_loop3A_974[0] : i32 from vector<1xi32>
        %parallel_loop3A_976 = arith.constant 16 : i32
        %parallel_loop3A_977 = arith.muli %parallel_loop3A_61, %parallel_loop3A_976 : i32
        %parallel_loop3A_978 = arith.constant 14 : i32
        %parallel_loop3A_979 = arith.addi %parallel_loop3A_977, %parallel_loop3A_978 : i32
        %parallel_loop3A_980 = arith.constant 0 : i32
        %parallel_loop3A_981 = arith.addi %parallel_loop3A_973, %parallel_loop3A_980 : i32
        %parallel_loop3A_982 = arith.index_cast %parallel_loop3A_981 : i32 to index
        %parallel_loop3A_983 = tpu.vector_load %arg5[%parallel_loop3A_982] {strides = array<i32>} : memref<64000xf32, #tpu.memory_space<vmem>>, vector<16xf32>,
        %parallel_loop3A_984 = arith.index_cast %parallel_loop3A_979 : i32 to index
        %parallel_loop3A_985 = arith.constant 0 : index
        %parallel_loop3A_986 = tpu.vector_load %arg8[%parallel_loop3A_984, %parallel_loop3A_985] {strides = array<i32>} : memref<128x128xf32, #tpu.memory_space<vmem>>, vector<16xf32>,
        tpu.vector_store %arg8[%parallel_loop3A_984, %parallel_loop3A_985], %parallel_loop3A_983 {strides = array<i32>} : memref<128x128xf32, #tpu.memory_space<vmem>>, vector<16xf32>,
        %parallel_loop3A_987 = arith.constant 16 : i32
        %parallel_loop3A_988 = arith.addi %parallel_loop3A_973, %parallel_loop3A_987 : i32
        %parallel_loop3A_989 = arith.index_cast %parallel_loop3A_988 : i32 to index
        %parallel_loop3A_990 = tpu.vector_load %arg5[%parallel_loop3A_989] {strides = array<i32>} : memref<64000xf32, #tpu.memory_space<vmem>>, vector<16xf32>,
        %parallel_loop3A_991 = arith.index_cast %parallel_loop3A_979 : i32 to index
        %parallel_loop3A_992 = arith.constant 16 : index
        %parallel_loop3A_993 = tpu.vector_load %arg8[%parallel_loop3A_991, %parallel_loop3A_992] {strides = array<i32>} : memref<128x128xf32, #tpu.memory_space<vmem>>, vector<16xf32>,
        tpu.vector_store %arg8[%parallel_loop3A_991, %parallel_loop3A_992], %parallel_loop3A_990 {strides = array<i32>} : memref<128x128xf32, #tpu.memory_space<vmem>>, vector<16xf32>,
        %parallel_loop3A_994 = arith.constant 32 : i32
        %parallel_loop3A_995 = arith.addi %parallel_loop3A_973, %parallel_loop3A_994 : i32
        %parallel_loop3A_996 = arith.index_cast %parallel_loop3A_995 : i32 to index
        %parallel_loop3A_997 = tpu.vector_load %arg5[%parallel_loop3A_996] {strides = array<i32>} : memref<64000xf32, #tpu.memory_space<vmem>>, vector<16xf32>,
        %parallel_loop3A_998 = arith.index_cast %parallel_loop3A_979 : i32 to index
        %parallel_loop3A_999 = arith.constant 32 : index
        %parallel_loop3A_1000 = tpu.vector_load %arg8[%parallel_loop3A_998, %parallel_loop3A_999] {strides = array<i32>} : memref<128x128xf32, #tpu.memory_space<vmem>>, vector<16xf32>,
        tpu.vector_store %arg8[%parallel_loop3A_998, %parallel_loop3A_999], %parallel_loop3A_997 {strides = array<i32>} : memref<128x128xf32, #tpu.memory_space<vmem>>, vector<16xf32>,
        %parallel_loop3A_1001 = arith.constant 48 : i32
        %parallel_loop3A_1002 = arith.addi %parallel_loop3A_973, %parallel_loop3A_1001 : i32
        %parallel_loop3A_1003 = arith.index_cast %parallel_loop3A_1002 : i32 to index
        %parallel_loop3A_1004 = tpu.vector_load %arg5[%parallel_loop3A_1003] {strides = array<i32>} : memref<64000xf32, #tpu.memory_space<vmem>>, vector<16xf32>,
        %parallel_loop3A_1005 = arith.index_cast %parallel_loop3A_979 : i32 to index
        %parallel_loop3A_1006 = arith.constant 48 : index
        %parallel_loop3A_1007 = tpu.vector_load %arg8[%parallel_loop3A_1005, %parallel_loop3A_1006] {strides = array<i32>} : memref<128x128xf32, #tpu.memory_space<vmem>>, vector<16xf32>,
        tpu.vector_store %arg8[%parallel_loop3A_1005, %parallel_loop3A_1006], %parallel_loop3A_1004 {strides = array<i32>} : memref<128x128xf32, #tpu.memory_space<vmem>>, vector<16xf32>,
        %parallel_loop3A_1008 = arith.constant 0 : i32
        %parallel_loop3A_1009 = arith.addi %parallel_loop3A_975, %parallel_loop3A_1008 : i32
        %parallel_loop3A_1010 = arith.index_cast %parallel_loop3A_1009 : i32 to index
        %parallel_loop3A_1011 = tpu.vector_load %arg5[%parallel_loop3A_1010] {strides = array<i32>} : memref<64000xf32, #tpu.memory_space<vmem>>, vector<16xf32>,
        %parallel_loop3A_1012 = arith.index_cast %parallel_loop3A_979 : i32 to index
        %parallel_loop3A_1013 = arith.constant 64 : index
        %parallel_loop3A_1014 = tpu.vector_load %arg8[%parallel_loop3A_1012, %parallel_loop3A_1013] {strides = array<i32>} : memref<128x128xf32, #tpu.memory_space<vmem>>, vector<16xf32>,
        tpu.vector_store %arg8[%parallel_loop3A_1012, %parallel_loop3A_1013], %parallel_loop3A_1011 {strides = array<i32>} : memref<128x128xf32, #tpu.memory_space<vmem>>, vector<16xf32>,
        %parallel_loop3A_1015 = arith.constant 16 : i32
        %parallel_loop3A_1016 = arith.addi %parallel_loop3A_975, %parallel_loop3A_1015 : i32
        %parallel_loop3A_1017 = arith.index_cast %parallel_loop3A_1016 : i32 to index
        %parallel_loop3A_1018 = tpu.vector_load %arg5[%parallel_loop3A_1017] {strides = array<i32>} : memref<64000xf32, #tpu.memory_space<vmem>>, vector<16xf32>,
        %parallel_loop3A_1019 = arith.index_cast %parallel_loop3A_979 : i32 to index
        %parallel_loop3A_1020 = arith.constant 80 : index
        %parallel_loop3A_1021 = tpu.vector_load %arg8[%parallel_loop3A_1019, %parallel_loop3A_1020] {strides = array<i32>} : memref<128x128xf32, #tpu.memory_space<vmem>>, vector<16xf32>,
        tpu.vector_store %arg8[%parallel_loop3A_1019, %parallel_loop3A_1020], %parallel_loop3A_1018 {strides = array<i32>} : memref<128x128xf32, #tpu.memory_space<vmem>>, vector<16xf32>,
        %parallel_loop3A_1022 = arith.constant 32 : i32
        %parallel_loop3A_1023 = arith.addi %parallel_loop3A_975, %parallel_loop3A_1022 : i32
        %parallel_loop3A_1024 = arith.index_cast %parallel_loop3A_1023 : i32 to index
        %parallel_loop3A_1025 = tpu.vector_load %arg5[%parallel_loop3A_1024] {strides = array<i32>} : memref<64000xf32, #tpu.memory_space<vmem>>, vector<16xf32>,
        %parallel_loop3A_1026 = arith.index_cast %parallel_loop3A_979 : i32 to index
        %parallel_loop3A_1027 = arith.constant 96 : index
        %parallel_loop3A_1028 = tpu.vector_load %arg8[%parallel_loop3A_1026, %parallel_loop3A_1027] {strides = array<i32>} : memref<128x128xf32, #tpu.memory_space<vmem>>, vector<16xf32>,
        tpu.vector_store %arg8[%parallel_loop3A_1026, %parallel_loop3A_1027], %parallel_loop3A_1025 {strides = array<i32>} : memref<128x128xf32, #tpu.memory_space<vmem>>, vector<16xf32>,
        %parallel_loop3A_1029 = arith.constant 48 : i32
        %parallel_loop3A_1030 = arith.addi %parallel_loop3A_975, %parallel_loop3A_1029 : i32
        %parallel_loop3A_1031 = arith.index_cast %parallel_loop3A_1030 : i32 to index
        %parallel_loop3A_1032 = tpu.vector_load %arg5[%parallel_loop3A_1031] {strides = array<i32>} : memref<64000xf32, #tpu.memory_space<vmem>>, vector<16xf32>,
        %parallel_loop3A_1033 = arith.index_cast %parallel_loop3A_979 : i32 to index
        %parallel_loop3A_1034 = arith.constant 112 : index
        %parallel_loop3A_1035 = tpu.vector_load %arg8[%parallel_loop3A_1033, %parallel_loop3A_1034] {strides = array<i32>} : memref<128x128xf32, #tpu.memory_space<vmem>>, vector<16xf32>,
        tpu.vector_store %arg8[%parallel_loop3A_1033, %parallel_loop3A_1034], %parallel_loop3A_1032 {strides = array<i32>} : memref<128x128xf32, #tpu.memory_space<vmem>>, vector<16xf32>,
        %parallel_loop3A_1036 = vector.extract_strided_slice %parallel_loop3A_68 {offsets = [15], sizes = [1], strides = [1]} : vector<16xi32> to vector<1xi32>
        %parallel_loop3A_1037 = vector.extract %parallel_loop3A_1036[0] : i32 from vector<1xi32>
        %parallel_loop3A_1038 = vector.extract_strided_slice %parallel_loop3A_75 {offsets = [15], sizes = [1], strides = [1]} : vector<16xi32> to vector<1xi32>
        %parallel_loop3A_1039 = vector.extract %parallel_loop3A_1038[0] : i32 from vector<1xi32>
        %parallel_loop3A_1040 = arith.constant 16 : i32
        %parallel_loop3A_1041 = arith.muli %parallel_loop3A_61, %parallel_loop3A_1040 : i32
        %parallel_loop3A_1042 = arith.constant 15 : i32
        %parallel_loop3A_1043 = arith.addi %parallel_loop3A_1041, %parallel_loop3A_1042 : i32
        %parallel_loop3A_1044 = arith.constant 0 : i32
        %parallel_loop3A_1045 = arith.addi %parallel_loop3A_1037, %parallel_loop3A_1044 : i32
        %parallel_loop3A_1046 = arith.index_cast %parallel_loop3A_1045 : i32 to index
        %parallel_loop3A_1047 = tpu.vector_load %arg5[%parallel_loop3A_1046] {strides = array<i32>} : memref<64000xf32, #tpu.memory_space<vmem>>, vector<16xf32>,
        %parallel_loop3A_1048 = arith.index_cast %parallel_loop3A_1043 : i32 to index
        %parallel_loop3A_1049 = arith.constant 0 : index
        %parallel_loop3A_1050 = tpu.vector_load %arg8[%parallel_loop3A_1048, %parallel_loop3A_1049] {strides = array<i32>} : memref<128x128xf32, #tpu.memory_space<vmem>>, vector<16xf32>,
        tpu.vector_store %arg8[%parallel_loop3A_1048, %parallel_loop3A_1049], %parallel_loop3A_1047 {strides = array<i32>} : memref<128x128xf32, #tpu.memory_space<vmem>>, vector<16xf32>,
        %parallel_loop3A_1051 = arith.constant 16 : i32
        %parallel_loop3A_1052 = arith.addi %parallel_loop3A_1037, %parallel_loop3A_1051 : i32
        %parallel_loop3A_1053 = arith.index_cast %parallel_loop3A_1052 : i32 to index
        %parallel_loop3A_1054 = tpu.vector_load %arg5[%parallel_loop3A_1053] {strides = array<i32>} : memref<64000xf32, #tpu.memory_space<vmem>>, vector<16xf32>,
        %parallel_loop3A_1055 = arith.index_cast %parallel_loop3A_1043 : i32 to index
        %parallel_loop3A_1056 = arith.constant 16 : index
        %parallel_loop3A_1057 = tpu.vector_load %arg8[%parallel_loop3A_1055, %parallel_loop3A_1056] {strides = array<i32>} : memref<128x128xf32, #tpu.memory_space<vmem>>, vector<16xf32>,
        tpu.vector_store %arg8[%parallel_loop3A_1055, %parallel_loop3A_1056], %parallel_loop3A_1054 {strides = array<i32>} : memref<128x128xf32, #tpu.memory_space<vmem>>, vector<16xf32>,
        %parallel_loop3A_1058 = arith.constant 32 : i32
        %parallel_loop3A_1059 = arith.addi %parallel_loop3A_1037, %parallel_loop3A_1058 : i32
        %parallel_loop3A_1060 = arith.index_cast %parallel_loop3A_1059 : i32 to index
        %parallel_loop3A_1061 = tpu.vector_load %arg5[%parallel_loop3A_1060] {strides = array<i32>} : memref<64000xf32, #tpu.memory_space<vmem>>, vector<16xf32>,
        %parallel_loop3A_1062 = arith.index_cast %parallel_loop3A_1043 : i32 to index
        %parallel_loop3A_1063 = arith.constant 32 : index
        %parallel_loop3A_1064 = tpu.vector_load %arg8[%parallel_loop3A_1062, %parallel_loop3A_1063] {strides = array<i32>} : memref<128x128xf32, #tpu.memory_space<vmem>>, vector<16xf32>,
        tpu.vector_store %arg8[%parallel_loop3A_1062, %parallel_loop3A_1063], %parallel_loop3A_1061 {strides = array<i32>} : memref<128x128xf32, #tpu.memory_space<vmem>>, vector<16xf32>,
        %parallel_loop3A_1065 = arith.constant 48 : i32
        %parallel_loop3A_1066 = arith.addi %parallel_loop3A_1037, %parallel_loop3A_1065 : i32
        %parallel_loop3A_1067 = arith.index_cast %parallel_loop3A_1066 : i32 to index
        %parallel_loop3A_1068 = tpu.vector_load %arg5[%parallel_loop3A_1067] {strides = array<i32>} : memref<64000xf32, #tpu.memory_space<vmem>>, vector<16xf32>,
        %parallel_loop3A_1069 = arith.index_cast %parallel_loop3A_1043 : i32 to index
        %parallel_loop3A_1070 = arith.constant 48 : index
        %parallel_loop3A_1071 = tpu.vector_load %arg8[%parallel_loop3A_1069, %parallel_loop3A_1070] {strides = array<i32>} : memref<128x128xf32, #tpu.memory_space<vmem>>, vector<16xf32>,
        tpu.vector_store %arg8[%parallel_loop3A_1069, %parallel_loop3A_1070], %parallel_loop3A_1068 {strides = array<i32>} : memref<128x128xf32, #tpu.memory_space<vmem>>, vector<16xf32>,
        %parallel_loop3A_1072 = arith.constant 0 : i32
        %parallel_loop3A_1073 = arith.addi %parallel_loop3A_1039, %parallel_loop3A_1072 : i32
        %parallel_loop3A_1074 = arith.index_cast %parallel_loop3A_1073 : i32 to index
        %parallel_loop3A_1075 = tpu.vector_load %arg5[%parallel_loop3A_1074] {strides = array<i32>} : memref<64000xf32, #tpu.memory_space<vmem>>, vector<16xf32>,
        %parallel_loop3A_1076 = arith.index_cast %parallel_loop3A_1043 : i32 to index
        %parallel_loop3A_1077 = arith.constant 64 : index
        %parallel_loop3A_1078 = tpu.vector_load %arg8[%parallel_loop3A_1076, %parallel_loop3A_1077] {strides = array<i32>} : memref<128x128xf32, #tpu.memory_space<vmem>>, vector<16xf32>,
        tpu.vector_store %arg8[%parallel_loop3A_1076, %parallel_loop3A_1077], %parallel_loop3A_1075 {strides = array<i32>} : memref<128x128xf32, #tpu.memory_space<vmem>>, vector<16xf32>,
        %parallel_loop3A_1079 = arith.constant 16 : i32
        %parallel_loop3A_1080 = arith.addi %parallel_loop3A_1039, %parallel_loop3A_1079 : i32
        %parallel_loop3A_1081 = arith.index_cast %parallel_loop3A_1080 : i32 to index
        %parallel_loop3A_1082 = tpu.vector_load %arg5[%parallel_loop3A_1081] {strides = array<i32>} : memref<64000xf32, #tpu.memory_space<vmem>>, vector<16xf32>,
        %parallel_loop3A_1083 = arith.index_cast %parallel_loop3A_1043 : i32 to index
        %parallel_loop3A_1084 = arith.constant 80 : index
        %parallel_loop3A_1085 = tpu.vector_load %arg8[%parallel_loop3A_1083, %parallel_loop3A_1084] {strides = array<i32>} : memref<128x128xf32, #tpu.memory_space<vmem>>, vector<16xf32>,
        tpu.vector_store %arg8[%parallel_loop3A_1083, %parallel_loop3A_1084], %parallel_loop3A_1082 {strides = array<i32>} : memref<128x128xf32, #tpu.memory_space<vmem>>, vector<16xf32>,
        %parallel_loop3A_1086 = arith.constant 32 : i32
        %parallel_loop3A_1087 = arith.addi %parallel_loop3A_1039, %parallel_loop3A_1086 : i32
        %parallel_loop3A_1088 = arith.index_cast %parallel_loop3A_1087 : i32 to index
        %parallel_loop3A_1089 = tpu.vector_load %arg5[%parallel_loop3A_1088] {strides = array<i32>} : memref<64000xf32, #tpu.memory_space<vmem>>, vector<16xf32>,
        %parallel_loop3A_1090 = arith.index_cast %parallel_loop3A_1043 : i32 to index
        %parallel_loop3A_1091 = arith.constant 96 : index
        %parallel_loop3A_1092 = tpu.vector_load %arg8[%parallel_loop3A_1090, %parallel_loop3A_1091] {strides = array<i32>} : memref<128x128xf32, #tpu.memory_space<vmem>>, vector<16xf32>,
        tpu.vector_store %arg8[%parallel_loop3A_1090, %parallel_loop3A_1091], %parallel_loop3A_1089 {strides = array<i32>} : memref<128x128xf32, #tpu.memory_space<vmem>>, vector<16xf32>,
        %parallel_loop3A_1093 = arith.constant 48 : i32
        %parallel_loop3A_1094 = arith.addi %parallel_loop3A_1039, %parallel_loop3A_1093 : i32
        %parallel_loop3A_1095 = arith.index_cast %parallel_loop3A_1094 : i32 to index
        %parallel_loop3A_1096 = tpu.vector_load %arg5[%parallel_loop3A_1095] {strides = array<i32>} : memref<64000xf32, #tpu.memory_space<vmem>>, vector<16xf32>,
        %parallel_loop3A_1097 = arith.index_cast %parallel_loop3A_1043 : i32 to index
        %parallel_loop3A_1098 = arith.constant 112 : index
        %parallel_loop3A_1099 = tpu.vector_load %arg8[%parallel_loop3A_1097, %parallel_loop3A_1098] {strides = array<i32>} : memref<128x128xf32, #tpu.memory_space<vmem>>, vector<16xf32>,
        tpu.vector_store %arg8[%parallel_loop3A_1097, %parallel_loop3A_1098], %parallel_loop3A_1096 {strides = array<i32>} : memref<128x128xf32, #tpu.memory_space<vmem>>, vector<16xf32>,
      } {sc.loop_unroll_factor = 2 : i64, sc.parallel_access}
      %mul3A_35 = arith.constant 128 : i32
      %mul3A_36 = arith.muli %mul3A_30, %mul3A_35 : i32
      %add3A_37 = arith.addi %mul3A_2, %mul3A_36 : i32
      %dma_start3A_38 = arith.constant 0 : i32
      %dma_start3A_39 = tpu.memref_slice %arg4[%add3A_37, %dma_start3A_38] : memref<262144x128xf32, #tpu.memory_space<hbm>> -> memref<128x128xf32, #tpu.memory_space<hbm>>
      %dma_start3A_40 = arith.constant 0 : i32
      %dma_start3A_41 = tpu.memref_slice %arg4[%add3A_37, %dma_start3A_40] : memref<262144x128xf32, #tpu.memory_space<hbm>> -> memref<128x128xf32, #tpu.memory_space<hbm>>
      tpu.enqueue_dma source(%arg8 : memref<128x128xf32, #tpu.memory_space<vmem>>) target(%dma_start3A_41 : memref<128x128xf32, #tpu.memory_space<hbm>>) target_semaphore(%arg12 : memref<!tpu.dma_semaphore, #tpu.memory_space<semaphore_mem>>)
      %mul3A_42 = arith.constant 2 : i32
      %mul3A_43 = arith.muli %mul3A_42, %scan3A_28 : i32
      %add3A_44 = arith.constant 1 : i32
      %add3A_45 = arith.addi %mul3A_43, %add3A_44 : i32
      %ge3A_46 = arith.constant 2 : i32
      %ge3A_47 = arith.cmpi sge, %add3A_45, %ge3A_46 : i32
      %convert_element_type3A_48 = arith.extui %ge3A_47 : i1 to i32
      %cond3A_49 = arith.constant 0 : i32
      %cond3A_50 = arith.cmpi ne, %convert_element_type3A_48, %cond3A_49 : i32
      scf.if %cond3A_50 {
        %mul3A_61 = arith.constant 128 : i32
        %mul3A_62 = arith.muli %add3A_45, %mul3A_61 : i32
        %add3A_63 = arith.addi %mul3A_2, %mul3A_62 : i32
        %dma_wait3A_64 = arith.constant 0 : i32
        %dma_wait3A_65 = tpu.memref_slice %arg4[%add3A_63, %dma_wait3A_64] : memref<262144x128xf32, #tpu.memory_space<hbm>> -> memref<128x128xf32, #tpu.memory_space<hbm>>
        %dma_wait3A_66 = arith.constant 0 : i32
        %dma_wait3A_67 = tpu.memref_slice %arg4[%add3A_63, %dma_wait3A_66] : memref<262144x128xf32, #tpu.memory_space<hbm>> -> memref<128x128xf32, #tpu.memory_space<hbm>>
        tpu.wait_dma2 semaphore(%arg13 : memref<!tpu.dma_semaphore, #tpu.memory_space<semaphore_mem>>) src(%arg9 : memref<128x128xf32, #tpu.memory_space<vmem>>) dst(%dma_wait3A_67 : memref<128x128xf32, #tpu.memory_space<hbm>>)
      } else {
      }
      %parallel_loop3A_51 = arith.constant 0 : i32
      %parallel_loop3A_52 = arith.constant 8 : i32
      %parallel_loop3A_53 = arith.constant 1 : i32
      scf.for %parallel_loop3A_61 = %parallel_loop3A_51 to %parallel_loop3A_52 step %parallel_loop3A_53  : i32 {
        %parallel_loop3A_62 = arith.constant 128 : i32
        %parallel_loop3A_63 = arith.muli %add3A_45, %parallel_loop3A_62 : i32
        %parallel_loop3A_64 = arith.constant 16 : i32
        %parallel_loop3A_65 = arith.muli %parallel_loop3A_61, %parallel_loop3A_64 : i32
        %parallel_loop3A_66 = arith.addi %parallel_loop3A_63, %parallel_loop3A_65 : i32
        %parallel_loop3A_67 = arith.index_cast %parallel_loop3A_66 : i32 to index
        %parallel_loop3A_68 = tpu.vector_load %arg6[%parallel_loop3A_67] {strides = array<i32>} : memref<8192xi32, #tpu.memory_space<vmem>>, vector<16xi32>,
        %parallel_loop3A_69 = arith.constant 128 : i32
        %parallel_loop3A_70 = arith.muli %add3A_45, %parallel_loop3A_69 : i32
        %parallel_loop3A_71 = arith.constant 16 : i32
        %parallel_loop3A_72 = arith.muli %parallel_loop3A_61, %parallel_loop3A_71 : i32
        %parallel_loop3A_73 = arith.addi %parallel_loop3A_70, %parallel_loop3A_72 : i32
        %parallel_loop3A_74 = arith.index_cast %parallel_loop3A_73 : i32 to index
        %parallel_loop3A_75 = tpu.vector_load %arg7[%parallel_loop3A_74] {strides = array<i32>} : memref<8192xi32, #tpu.memory_space<vmem>>, vector<16xi32>,
        %parallel_loop3A_76 = vector.extract_strided_slice %parallel_loop3A_68 {offsets = [0], sizes = [1], strides = [1]} : vector<16xi32> to vector<1xi32>
        %parallel_loop3A_77 = vector.extract %parallel_loop3A_76[0] : i32 from vector<1xi32>
        %parallel_loop3A_78 = vector.extract_strided_slice %parallel_loop3A_75 {offsets = [0], sizes = [1], strides = [1]} : vector<16xi32> to vector<1xi32>
        %parallel_loop3A_79 = vector.extract %parallel_loop3A_78[0] : i32 from vector<1xi32>
        %parallel_loop3A_80 = arith.constant 16 : i32
        %parallel_loop3A_81 = arith.muli %parallel_loop3A_61, %parallel_loop3A_80 : i32
        %parallel_loop3A_82 = arith.constant 0 : i32
        %parallel_loop3A_83 = arith.addi %parallel_loop3A_81, %parallel_loop3A_82 : i32
        %parallel_loop3A_84 = arith.constant 0 : i32
        %parallel_loop3A_85 = arith.addi %parallel_loop3A_77, %parallel_loop3A_84 : i32
        %parallel_loop3A_86 = arith.index_cast %parallel_loop3A_85 : i32 to index
        %parallel_loop3A_87 = tpu.vector_load %arg5[%parallel_loop3A_86] {strides = array<i32>} : memref<64000xf32, #tpu.memory_space<vmem>>, vector<16xf32>,
        %parallel_loop3A_88 = arith.index_cast %parallel_loop3A_83 : i32 to index
        %parallel_loop3A_89 = arith.constant 0 : index
        %parallel_loop3A_90 = tpu.vector_load %arg9[%parallel_loop3A_88, %parallel_loop3A_89] {strides = array<i32>} : memref<128x128xf32, #tpu.memory_space<vmem>>, vector<16xf32>,
        tpu.vector_store %arg9[%parallel_loop3A_88, %parallel_loop3A_89], %parallel_loop3A_87 {strides = array<i32>} : memref<128x128xf32, #tpu.memory_space<vmem>>, vector<16xf32>,
        %parallel_loop3A_91 = arith.constant 16 : i32
        %parallel_loop3A_92 = arith.addi %parallel_loop3A_77, %parallel_loop3A_91 : i32
        %parallel_loop3A_93 = arith.index_cast %parallel_loop3A_92 : i32 to index
        %parallel_loop3A_94 = tpu.vector_load %arg5[%parallel_loop3A_93] {strides = array<i32>} : memref<64000xf32, #tpu.memory_space<vmem>>, vector<16xf32>,
        %parallel_loop3A_95 = arith.index_cast %parallel_loop3A_83 : i32 to index
        %parallel_loop3A_96 = arith.constant 16 : index
        %parallel_loop3A_97 = tpu.vector_load %arg9[%parallel_loop3A_95, %parallel_loop3A_96] {strides = array<i32>} : memref<128x128xf32, #tpu.memory_space<vmem>>, vector<16xf32>,
        tpu.vector_store %arg9[%parallel_loop3A_95, %parallel_loop3A_96], %parallel_loop3A_94 {strides = array<i32>} : memref<128x128xf32, #tpu.memory_space<vmem>>, vector<16xf32>,
        %parallel_loop3A_98 = arith.constant 32 : i32
        %parallel_loop3A_99 = arith.addi %parallel_loop3A_77, %parallel_loop3A_98 : i32
        %parallel_loop3A_100 = arith.index_cast %parallel_loop3A_99 : i32 to index
        %parallel_loop3A_101 = tpu.vector_load %arg5[%parallel_loop3A_100] {strides = array<i32>} : memref<64000xf32, #tpu.memory_space<vmem>>, vector<16xf32>,
        %parallel_loop3A_102 = arith.index_cast %parallel_loop3A_83 : i32 to index
        %parallel_loop3A_103 = arith.constant 32 : index
        %parallel_loop3A_104 = tpu.vector_load %arg9[%parallel_loop3A_102, %parallel_loop3A_103] {strides = array<i32>} : memref<128x128xf32, #tpu.memory_space<vmem>>, vector<16xf32>,
        tpu.vector_store %arg9[%parallel_loop3A_102, %parallel_loop3A_103], %parallel_loop3A_101 {strides = array<i32>} : memref<128x128xf32, #tpu.memory_space<vmem>>, vector<16xf32>,
        %parallel_loop3A_105 = arith.constant 48 : i32
        %parallel_loop3A_106 = arith.addi %parallel_loop3A_77, %parallel_loop3A_105 : i32
        %parallel_loop3A_107 = arith.index_cast %parallel_loop3A_106 : i32 to index
        %parallel_loop3A_108 = tpu.vector_load %arg5[%parallel_loop3A_107] {strides = array<i32>} : memref<64000xf32, #tpu.memory_space<vmem>>, vector<16xf32>,
        %parallel_loop3A_109 = arith.index_cast %parallel_loop3A_83 : i32 to index
        %parallel_loop3A_110 = arith.constant 48 : index
        %parallel_loop3A_111 = tpu.vector_load %arg9[%parallel_loop3A_109, %parallel_loop3A_110] {strides = array<i32>} : memref<128x128xf32, #tpu.memory_space<vmem>>, vector<16xf32>,
        tpu.vector_store %arg9[%parallel_loop3A_109, %parallel_loop3A_110], %parallel_loop3A_108 {strides = array<i32>} : memref<128x128xf32, #tpu.memory_space<vmem>>, vector<16xf32>,
        %parallel_loop3A_112 = arith.constant 0 : i32
        %parallel_loop3A_113 = arith.addi %parallel_loop3A_79, %parallel_loop3A_112 : i32
        %parallel_loop3A_114 = arith.index_cast %parallel_loop3A_113 : i32 to index
        %parallel_loop3A_115 = tpu.vector_load %arg5[%parallel_loop3A_114] {strides = array<i32>} : memref<64000xf32, #tpu.memory_space<vmem>>, vector<16xf32>,
        %parallel_loop3A_116 = arith.index_cast %parallel_loop3A_83 : i32 to index
        %parallel_loop3A_117 = arith.constant 64 : index
        %parallel_loop3A_118 = tpu.vector_load %arg9[%parallel_loop3A_116, %parallel_loop3A_117] {strides = array<i32>} : memref<128x128xf32, #tpu.memory_space<vmem>>, vector<16xf32>,
        tpu.vector_store %arg9[%parallel_loop3A_116, %parallel_loop3A_117], %parallel_loop3A_115 {strides = array<i32>} : memref<128x128xf32, #tpu.memory_space<vmem>>, vector<16xf32>,
        %parallel_loop3A_119 = arith.constant 16 : i32
        %parallel_loop3A_120 = arith.addi %parallel_loop3A_79, %parallel_loop3A_119 : i32
        %parallel_loop3A_121 = arith.index_cast %parallel_loop3A_120 : i32 to index
        %parallel_loop3A_122 = tpu.vector_load %arg5[%parallel_loop3A_121] {strides = array<i32>} : memref<64000xf32, #tpu.memory_space<vmem>>, vector<16xf32>,
        %parallel_loop3A_123 = arith.index_cast %parallel_loop3A_83 : i32 to index
        %parallel_loop3A_124 = arith.constant 80 : index
        %parallel_loop3A_125 = tpu.vector_load %arg9[%parallel_loop3A_123, %parallel_loop3A_124] {strides = array<i32>} : memref<128x128xf32, #tpu.memory_space<vmem>>, vector<16xf32>,
        tpu.vector_store %arg9[%parallel_loop3A_123, %parallel_loop3A_124], %parallel_loop3A_122 {strides = array<i32>} : memref<128x128xf32, #tpu.memory_space<vmem>>, vector<16xf32>,
        %parallel_loop3A_126 = arith.constant 32 : i32
        %parallel_loop3A_127 = arith.addi %parallel_loop3A_79, %parallel_loop3A_126 : i32
        %parallel_loop3A_128 = arith.index_cast %parallel_loop3A_127 : i32 to index
        %parallel_loop3A_129 = tpu.vector_load %arg5[%parallel_loop3A_128] {strides = array<i32>} : memref<64000xf32, #tpu.memory_space<vmem>>, vector<16xf32>,
        %parallel_loop3A_130 = arith.index_cast %parallel_loop3A_83 : i32 to index
        %parallel_loop3A_131 = arith.constant 96 : index
        %parallel_loop3A_132 = tpu.vector_load %arg9[%parallel_loop3A_130, %parallel_loop3A_131] {strides = array<i32>} : memref<128x128xf32, #tpu.memory_space<vmem>>, vector<16xf32>,
        tpu.vector_store %arg9[%parallel_loop3A_130, %parallel_loop3A_131], %parallel_loop3A_129 {strides = array<i32>} : memref<128x128xf32, #tpu.memory_space<vmem>>, vector<16xf32>,
        %parallel_loop3A_133 = arith.constant 48 : i32
        %parallel_loop3A_134 = arith.addi %parallel_loop3A_79, %parallel_loop3A_133 : i32
        %parallel_loop3A_135 = arith.index_cast %parallel_loop3A_134 : i32 to index
        %parallel_loop3A_136 = tpu.vector_load %arg5[%parallel_loop3A_135] {strides = array<i32>} : memref<64000xf32, #tpu.memory_space<vmem>>, vector<16xf32>,
        %parallel_loop3A_137 = arith.index_cast %parallel_loop3A_83 : i32 to index
        %parallel_loop3A_138 = arith.constant 112 : index
        %parallel_loop3A_139 = tpu.vector_load %arg9[%parallel_loop3A_137, %parallel_loop3A_138] {strides = array<i32>} : memref<128x128xf32, #tpu.memory_space<vmem>>, vector<16xf32>,
        tpu.vector_store %arg9[%parallel_loop3A_137, %parallel_loop3A_138], %parallel_loop3A_136 {strides = array<i32>} : memref<128x128xf32, #tpu.memory_space<vmem>>, vector<16xf32>,
        %parallel_loop3A_140 = vector.extract_strided_slice %parallel_loop3A_68 {offsets = [1], sizes = [1], strides = [1]} : vector<16xi32> to vector<1xi32>
        %parallel_loop3A_141 = vector.extract %parallel_loop3A_140[0] : i32 from vector<1xi32>
        %parallel_loop3A_142 = vector.extract_strided_slice %parallel_loop3A_75 {offsets = [1], sizes = [1], strides = [1]} : vector<16xi32> to vector<1xi32>
        %parallel_loop3A_143 = vector.extract %parallel_loop3A_142[0] : i32 from vector<1xi32>
        %parallel_loop3A_144 = arith.constant 16 : i32
        %parallel_loop3A_145 = arith.muli %parallel_loop3A_61, %parallel_loop3A_144 : i32
        %parallel_loop3A_146 = arith.constant 1 : i32
        %parallel_loop3A_147 = arith.addi %parallel_loop3A_145, %parallel_loop3A_146 : i32
        %parallel_loop3A_148 = arith.constant 0 : i32
        %parallel_loop3A_149 = arith.addi %parallel_loop3A_141, %parallel_loop3A_148 : i32
        %parallel_loop3A_150 = arith.index_cast %parallel_loop3A_149 : i32 to index
        %parallel_loop3A_151 = tpu.vector_load %arg5[%parallel_loop3A_150] {strides = array<i32>} : memref<64000xf32, #tpu.memory_space<vmem>>, vector<16xf32>,
        %parallel_loop3A_152 = arith.index_cast %parallel_loop3A_147 : i32 to index
        %parallel_loop3A_153 = arith.constant 0 : index
        %parallel_loop3A_154 = tpu.vector_load %arg9[%parallel_loop3A_152, %parallel_loop3A_153] {strides = array<i32>} : memref<128x128xf32, #tpu.memory_space<vmem>>, vector<16xf32>,
        tpu.vector_store %arg9[%parallel_loop3A_152, %parallel_loop3A_153], %parallel_loop3A_151 {strides = array<i32>} : memref<128x128xf32, #tpu.memory_space<vmem>>, vector<16xf32>,
        %parallel_loop3A_155 = arith.constant 16 : i32
        %parallel_loop3A_156 = arith.addi %parallel_loop3A_141, %parallel_loop3A_155 : i32
        %parallel_loop3A_157 = arith.index_cast %parallel_loop3A_156 : i32 to index
        %parallel_loop3A_158 = tpu.vector_load %arg5[%parallel_loop3A_157] {strides = array<i32>} : memref<64000xf32, #tpu.memory_space<vmem>>, vector<16xf32>,
        %parallel_loop3A_159 = arith.index_cast %parallel_loop3A_147 : i32 to index
        %parallel_loop3A_160 = arith.constant 16 : index
        %parallel_loop3A_161 = tpu.vector_load %arg9[%parallel_loop3A_159, %parallel_loop3A_160] {strides = array<i32>} : memref<128x128xf32, #tpu.memory_space<vmem>>, vector<16xf32>,
        tpu.vector_store %arg9[%parallel_loop3A_159, %parallel_loop3A_160], %parallel_loop3A_158 {strides = array<i32>} : memref<128x128xf32, #tpu.memory_space<vmem>>, vector<16xf32>,
        %parallel_loop3A_162 = arith.constant 32 : i32
        %parallel_loop3A_163 = arith.addi %parallel_loop3A_141, %parallel_loop3A_162 : i32
        %parallel_loop3A_164 = arith.index_cast %parallel_loop3A_163 : i32 to index
        %parallel_loop3A_165 = tpu.vector_load %arg5[%parallel_loop3A_164] {strides = array<i32>} : memref<64000xf32, #tpu.memory_space<vmem>>, vector<16xf32>,
        %parallel_loop3A_166 = arith.index_cast %parallel_loop3A_147 : i32 to index
        %parallel_loop3A_167 = arith.constant 32 : index
        %parallel_loop3A_168 = tpu.vector_load %arg9[%parallel_loop3A_166, %parallel_loop3A_167] {strides = array<i32>} : memref<128x128xf32, #tpu.memory_space<vmem>>, vector<16xf32>,
        tpu.vector_store %arg9[%parallel_loop3A_166, %parallel_loop3A_167], %parallel_loop3A_165 {strides = array<i32>} : memref<128x128xf32, #tpu.memory_space<vmem>>, vector<16xf32>,
        %parallel_loop3A_169 = arith.constant 48 : i32
        %parallel_loop3A_170 = arith.addi %parallel_loop3A_141, %parallel_loop3A_169 : i32
        %parallel_loop3A_171 = arith.index_cast %parallel_loop3A_170 : i32 to index
        %parallel_loop3A_172 = tpu.vector_load %arg5[%parallel_loop3A_171] {strides = array<i32>} : memref<64000xf32, #tpu.memory_space<vmem>>, vector<16xf32>,
        %parallel_loop3A_173 = arith.index_cast %parallel_loop3A_147 : i32 to index
        %parallel_loop3A_174 = arith.constant 48 : index
        %parallel_loop3A_175 = tpu.vector_load %arg9[%parallel_loop3A_173, %parallel_loop3A_174] {strides = array<i32>} : memref<128x128xf32, #tpu.memory_space<vmem>>, vector<16xf32>,
        tpu.vector_store %arg9[%parallel_loop3A_173, %parallel_loop3A_174], %parallel_loop3A_172 {strides = array<i32>} : memref<128x128xf32, #tpu.memory_space<vmem>>, vector<16xf32>,
        %parallel_loop3A_176 = arith.constant 0 : i32
        %parallel_loop3A_177 = arith.addi %parallel_loop3A_143, %parallel_loop3A_176 : i32
        %parallel_loop3A_178 = arith.index_cast %parallel_loop3A_177 : i32 to index
        %parallel_loop3A_179 = tpu.vector_load %arg5[%parallel_loop3A_178] {strides = array<i32>} : memref<64000xf32, #tpu.memory_space<vmem>>, vector<16xf32>,
        %parallel_loop3A_180 = arith.index_cast %parallel_loop3A_147 : i32 to index
        %parallel_loop3A_181 = arith.constant 64 : index
        %parallel_loop3A_182 = tpu.vector_load %arg9[%parallel_loop3A_180, %parallel_loop3A_181] {strides = array<i32>} : memref<128x128xf32, #tpu.memory_space<vmem>>, vector<16xf32>,
        tpu.vector_store %arg9[%parallel_loop3A_180, %parallel_loop3A_181], %parallel_loop3A_179 {strides = array<i32>} : memref<128x128xf32, #tpu.memory_space<vmem>>, vector<16xf32>,
        %parallel_loop3A_183 = arith.constant 16 : i32
        %parallel_loop3A_184 = arith.addi %parallel_loop3A_143, %parallel_loop3A_183 : i32
        %parallel_loop3A_185 = arith.index_cast %parallel_loop3A_184 : i32 to index
        %parallel_loop3A_186 = tpu.vector_load %arg5[%parallel_loop3A_185] {strides = array<i32>} : memref<64000xf32, #tpu.memory_space<vmem>>, vector<16xf32>,
        %parallel_loop3A_187 = arith.index_cast %parallel_loop3A_147 : i32 to index
        %parallel_loop3A_188 = arith.constant 80 : index
        %parallel_loop3A_189 = tpu.vector_load %arg9[%parallel_loop3A_187, %parallel_loop3A_188] {strides = array<i32>} : memref<128x128xf32, #tpu.memory_space<vmem>>, vector<16xf32>,
        tpu.vector_store %arg9[%parallel_loop3A_187, %parallel_loop3A_188], %parallel_loop3A_186 {strides = array<i32>} : memref<128x128xf32, #tpu.memory_space<vmem>>, vector<16xf32>,
        %parallel_loop3A_190 = arith.constant 32 : i32
        %parallel_loop3A_191 = arith.addi %parallel_loop3A_143, %parallel_loop3A_190 : i32
        %parallel_loop3A_192 = arith.index_cast %parallel_loop3A_191 : i32 to index
        %parallel_loop3A_193 = tpu.vector_load %arg5[%parallel_loop3A_192] {strides = array<i32>} : memref<64000xf32, #tpu.memory_space<vmem>>, vector<16xf32>,
        %parallel_loop3A_194 = arith.index_cast %parallel_loop3A_147 : i32 to index
        %parallel_loop3A_195 = arith.constant 96 : index
        %parallel_loop3A_196 = tpu.vector_load %arg9[%parallel_loop3A_194, %parallel_loop3A_195] {strides = array<i32>} : memref<128x128xf32, #tpu.memory_space<vmem>>, vector<16xf32>,
        tpu.vector_store %arg9[%parallel_loop3A_194, %parallel_loop3A_195], %parallel_loop3A_193 {strides = array<i32>} : memref<128x128xf32, #tpu.memory_space<vmem>>, vector<16xf32>,
        %parallel_loop3A_197 = arith.constant 48 : i32
        %parallel_loop3A_198 = arith.addi %parallel_loop3A_143, %parallel_loop3A_197 : i32
        %parallel_loop3A_199 = arith.index_cast %parallel_loop3A_198 : i32 to index
        %parallel_loop3A_200 = tpu.vector_load %arg5[%parallel_loop3A_199] {strides = array<i32>} : memref<64000xf32, #tpu.memory_space<vmem>>, vector<16xf32>,
        %parallel_loop3A_201 = arith.index_cast %parallel_loop3A_147 : i32 to index
        %parallel_loop3A_202 = arith.constant 112 : index
        %parallel_loop3A_203 = tpu.vector_load %arg9[%parallel_loop3A_201, %parallel_loop3A_202] {strides = array<i32>} : memref<128x128xf32, #tpu.memory_space<vmem>>, vector<16xf32>,
        tpu.vector_store %arg9[%parallel_loop3A_201, %parallel_loop3A_202], %parallel_loop3A_200 {strides = array<i32>} : memref<128x128xf32, #tpu.memory_space<vmem>>, vector<16xf32>,
        %parallel_loop3A_204 = vector.extract_strided_slice %parallel_loop3A_68 {offsets = [2], sizes = [1], strides = [1]} : vector<16xi32> to vector<1xi32>
        %parallel_loop3A_205 = vector.extract %parallel_loop3A_204[0] : i32 from vector<1xi32>
        %parallel_loop3A_206 = vector.extract_strided_slice %parallel_loop3A_75 {offsets = [2], sizes = [1], strides = [1]} : vector<16xi32> to vector<1xi32>
        %parallel_loop3A_207 = vector.extract %parallel_loop3A_206[0] : i32 from vector<1xi32>
        %parallel_loop3A_208 = arith.constant 16 : i32
        %parallel_loop3A_209 = arith.muli %parallel_loop3A_61, %parallel_loop3A_208 : i32
        %parallel_loop3A_210 = arith.constant 2 : i32
        %parallel_loop3A_211 = arith.addi %parallel_loop3A_209, %parallel_loop3A_210 : i32
        %parallel_loop3A_212 = arith.constant 0 : i32
        %parallel_loop3A_213 = arith.addi %parallel_loop3A_205, %parallel_loop3A_212 : i32
        %parallel_loop3A_214 = arith.index_cast %parallel_loop3A_213 : i32 to index
        %parallel_loop3A_215 = tpu.vector_load %arg5[%parallel_loop3A_214] {strides = array<i32>} : memref<64000xf32, #tpu.memory_space<vmem>>, vector<16xf32>,
        %parallel_loop3A_216 = arith.index_cast %parallel_loop3A_211 : i32 to index
        %parallel_loop3A_217 = arith.constant 0 : index
        %parallel_loop3A_218 = tpu.vector_load %arg9[%parallel_loop3A_216, %parallel_loop3A_217] {strides = array<i32>} : memref<128x128xf32, #tpu.memory_space<vmem>>, vector<16xf32>,
        tpu.vector_store %arg9[%parallel_loop3A_216, %parallel_loop3A_217], %parallel_loop3A_215 {strides = array<i32>} : memref<128x128xf32, #tpu.memory_space<vmem>>, vector<16xf32>,
        %parallel_loop3A_219 = arith.constant 16 : i32
        %parallel_loop3A_220 = arith.addi %parallel_loop3A_205, %parallel_loop3A_219 : i32
        %parallel_loop3A_221 = arith.index_cast %parallel_loop3A_220 : i32 to index
        %parallel_loop3A_222 = tpu.vector_load %arg5[%parallel_loop3A_221] {strides = array<i32>} : memref<64000xf32, #tpu.memory_space<vmem>>, vector<16xf32>,
        %parallel_loop3A_223 = arith.index_cast %parallel_loop3A_211 : i32 to index
        %parallel_loop3A_224 = arith.constant 16 : index
        %parallel_loop3A_225 = tpu.vector_load %arg9[%parallel_loop3A_223, %parallel_loop3A_224] {strides = array<i32>} : memref<128x128xf32, #tpu.memory_space<vmem>>, vector<16xf32>,
        tpu.vector_store %arg9[%parallel_loop3A_223, %parallel_loop3A_224], %parallel_loop3A_222 {strides = array<i32>} : memref<128x128xf32, #tpu.memory_space<vmem>>, vector<16xf32>,
        %parallel_loop3A_226 = arith.constant 32 : i32
        %parallel_loop3A_227 = arith.addi %parallel_loop3A_205, %parallel_loop3A_226 : i32
        %parallel_loop3A_228 = arith.index_cast %parallel_loop3A_227 : i32 to index
        %parallel_loop3A_229 = tpu.vector_load %arg5[%parallel_loop3A_228] {strides = array<i32>} : memref<64000xf32, #tpu.memory_space<vmem>>, vector<16xf32>,
        %parallel_loop3A_230 = arith.index_cast %parallel_loop3A_211 : i32 to index
        %parallel_loop3A_231 = arith.constant 32 : index
        %parallel_loop3A_232 = tpu.vector_load %arg9[%parallel_loop3A_230, %parallel_loop3A_231] {strides = array<i32>} : memref<128x128xf32, #tpu.memory_space<vmem>>, vector<16xf32>,
        tpu.vector_store %arg9[%parallel_loop3A_230, %parallel_loop3A_231], %parallel_loop3A_229 {strides = array<i32>} : memref<128x128xf32, #tpu.memory_space<vmem>>, vector<16xf32>,
        %parallel_loop3A_233 = arith.constant 48 : i32
        %parallel_loop3A_234 = arith.addi %parallel_loop3A_205, %parallel_loop3A_233 : i32
        %parallel_loop3A_235 = arith.index_cast %parallel_loop3A_234 : i32 to index
        %parallel_loop3A_236 = tpu.vector_load %arg5[%parallel_loop3A_235] {strides = array<i32>} : memref<64000xf32, #tpu.memory_space<vmem>>, vector<16xf32>,
        %parallel_loop3A_237 = arith.index_cast %parallel_loop3A_211 : i32 to index
        %parallel_loop3A_238 = arith.constant 48 : index
        %parallel_loop3A_239 = tpu.vector_load %arg9[%parallel_loop3A_237, %parallel_loop3A_238] {strides = array<i32>} : memref<128x128xf32, #tpu.memory_space<vmem>>, vector<16xf32>,
        tpu.vector_store %arg9[%parallel_loop3A_237, %parallel_loop3A_238], %parallel_loop3A_236 {strides = array<i32>} : memref<128x128xf32, #tpu.memory_space<vmem>>, vector<16xf32>,
        %parallel_loop3A_240 = arith.constant 0 : i32
        %parallel_loop3A_241 = arith.addi %parallel_loop3A_207, %parallel_loop3A_240 : i32
        %parallel_loop3A_242 = arith.index_cast %parallel_loop3A_241 : i32 to index
        %parallel_loop3A_243 = tpu.vector_load %arg5[%parallel_loop3A_242] {strides = array<i32>} : memref<64000xf32, #tpu.memory_space<vmem>>, vector<16xf32>,
        %parallel_loop3A_244 = arith.index_cast %parallel_loop3A_211 : i32 to index
        %parallel_loop3A_245 = arith.constant 64 : index
        %parallel_loop3A_246 = tpu.vector_load %arg9[%parallel_loop3A_244, %parallel_loop3A_245] {strides = array<i32>} : memref<128x128xf32, #tpu.memory_space<vmem>>, vector<16xf32>,
        tpu.vector_store %arg9[%parallel_loop3A_244, %parallel_loop3A_245], %parallel_loop3A_243 {strides = array<i32>} : memref<128x128xf32, #tpu.memory_space<vmem>>, vector<16xf32>,
        %parallel_loop3A_247 = arith.constant 16 : i32
        %parallel_loop3A_248 = arith.addi %parallel_loop3A_207, %parallel_loop3A_247 : i32
        %parallel_loop3A_249 = arith.index_cast %parallel_loop3A_248 : i32 to index
        %parallel_loop3A_250 = tpu.vector_load %arg5[%parallel_loop3A_249] {strides = array<i32>} : memref<64000xf32, #tpu.memory_space<vmem>>, vector<16xf32>,
        %parallel_loop3A_251 = arith.index_cast %parallel_loop3A_211 : i32 to index
        %parallel_loop3A_252 = arith.constant 80 : index
        %parallel_loop3A_253 = tpu.vector_load %arg9[%parallel_loop3A_251, %parallel_loop3A_252] {strides = array<i32>} : memref<128x128xf32, #tpu.memory_space<vmem>>, vector<16xf32>,
        tpu.vector_store %arg9[%parallel_loop3A_251, %parallel_loop3A_252], %parallel_loop3A_250 {strides = array<i32>} : memref<128x128xf32, #tpu.memory_space<vmem>>, vector<16xf32>,
        %parallel_loop3A_254 = arith.constant 32 : i32
        %parallel_loop3A_255 = arith.addi %parallel_loop3A_207, %parallel_loop3A_254 : i32
        %parallel_loop3A_256 = arith.index_cast %parallel_loop3A_255 : i32 to index
        %parallel_loop3A_257 = tpu.vector_load %arg5[%parallel_loop3A_256] {strides = array<i32>} : memref<64000xf32, #tpu.memory_space<vmem>>, vector<16xf32>,
        %parallel_loop3A_258 = arith.index_cast %parallel_loop3A_211 : i32 to index
        %parallel_loop3A_259 = arith.constant 96 : index
        %parallel_loop3A_260 = tpu.vector_load %arg9[%parallel_loop3A_258, %parallel_loop3A_259] {strides = array<i32>} : memref<128x128xf32, #tpu.memory_space<vmem>>, vector<16xf32>,
        tpu.vector_store %arg9[%parallel_loop3A_258, %parallel_loop3A_259], %parallel_loop3A_257 {strides = array<i32>} : memref<128x128xf32, #tpu.memory_space<vmem>>, vector<16xf32>,
        %parallel_loop3A_261 = arith.constant 48 : i32
        %parallel_loop3A_262 = arith.addi %parallel_loop3A_207, %parallel_loop3A_261 : i32
        %parallel_loop3A_263 = arith.index_cast %parallel_loop3A_262 : i32 to index
        %parallel_loop3A_264 = tpu.vector_load %arg5[%parallel_loop3A_263] {strides = array<i32>} : memref<64000xf32, #tpu.memory_space<vmem>>, vector<16xf32>,
        %parallel_loop3A_265 = arith.index_cast %parallel_loop3A_211 : i32 to index
        %parallel_loop3A_266 = arith.constant 112 : index
        %parallel_loop3A_267 = tpu.vector_load %arg9[%parallel_loop3A_265, %parallel_loop3A_266] {strides = array<i32>} : memref<128x128xf32, #tpu.memory_space<vmem>>, vector<16xf32>,
        tpu.vector_store %arg9[%parallel_loop3A_265, %parallel_loop3A_266], %parallel_loop3A_264 {strides = array<i32>} : memref<128x128xf32, #tpu.memory_space<vmem>>, vector<16xf32>,
        %parallel_loop3A_268 = vector.extract_strided_slice %parallel_loop3A_68 {offsets = [3], sizes = [1], strides = [1]} : vector<16xi32> to vector<1xi32>
        %parallel_loop3A_269 = vector.extract %parallel_loop3A_268[0] : i32 from vector<1xi32>
        %parallel_loop3A_270 = vector.extract_strided_slice %parallel_loop3A_75 {offsets = [3], sizes = [1], strides = [1]} : vector<16xi32> to vector<1xi32>
        %parallel_loop3A_271 = vector.extract %parallel_loop3A_270[0] : i32 from vector<1xi32>
        %parallel_loop3A_272 = arith.constant 16 : i32
        %parallel_loop3A_273 = arith.muli %parallel_loop3A_61, %parallel_loop3A_272 : i32
        %parallel_loop3A_274 = arith.constant 3 : i32
        %parallel_loop3A_275 = arith.addi %parallel_loop3A_273, %parallel_loop3A_274 : i32
        %parallel_loop3A_276 = arith.constant 0 : i32
        %parallel_loop3A_277 = arith.addi %parallel_loop3A_269, %parallel_loop3A_276 : i32
        %parallel_loop3A_278 = arith.index_cast %parallel_loop3A_277 : i32 to index
        %parallel_loop3A_279 = tpu.vector_load %arg5[%parallel_loop3A_278] {strides = array<i32>} : memref<64000xf32, #tpu.memory_space<vmem>>, vector<16xf32>,
        %parallel_loop3A_280 = arith.index_cast %parallel_loop3A_275 : i32 to index
        %parallel_loop3A_281 = arith.constant 0 : index
        %parallel_loop3A_282 = tpu.vector_load %arg9[%parallel_loop3A_280, %parallel_loop3A_281] {strides = array<i32>} : memref<128x128xf32, #tpu.memory_space<vmem>>, vector<16xf32>,
        tpu.vector_store %arg9[%parallel_loop3A_280, %parallel_loop3A_281], %parallel_loop3A_279 {strides = array<i32>} : memref<128x128xf32, #tpu.memory_space<vmem>>, vector<16xf32>,
        %parallel_loop3A_283 = arith.constant 16 : i32
        %parallel_loop3A_284 = arith.addi %parallel_loop3A_269, %parallel_loop3A_283 : i32
        %parallel_loop3A_285 = arith.index_cast %parallel_loop3A_284 : i32 to index
        %parallel_loop3A_286 = tpu.vector_load %arg5[%parallel_loop3A_285] {strides = array<i32>} : memref<64000xf32, #tpu.memory_space<vmem>>, vector<16xf32>,
        %parallel_loop3A_287 = arith.index_cast %parallel_loop3A_275 : i32 to index
        %parallel_loop3A_288 = arith.constant 16 : index
        %parallel_loop3A_289 = tpu.vector_load %arg9[%parallel_loop3A_287, %parallel_loop3A_288] {strides = array<i32>} : memref<128x128xf32, #tpu.memory_space<vmem>>, vector<16xf32>,
        tpu.vector_store %arg9[%parallel_loop3A_287, %parallel_loop3A_288], %parallel_loop3A_286 {strides = array<i32>} : memref<128x128xf32, #tpu.memory_space<vmem>>, vector<16xf32>,
        %parallel_loop3A_290 = arith.constant 32 : i32
        %parallel_loop3A_291 = arith.addi %parallel_loop3A_269, %parallel_loop3A_290 : i32
        %parallel_loop3A_292 = arith.index_cast %parallel_loop3A_291 : i32 to index
        %parallel_loop3A_293 = tpu.vector_load %arg5[%parallel_loop3A_292] {strides = array<i32>} : memref<64000xf32, #tpu.memory_space<vmem>>, vector<16xf32>,
        %parallel_loop3A_294 = arith.index_cast %parallel_loop3A_275 : i32 to index
        %parallel_loop3A_295 = arith.constant 32 : index
        %parallel_loop3A_296 = tpu.vector_load %arg9[%parallel_loop3A_294, %parallel_loop3A_295] {strides = array<i32>} : memref<128x128xf32, #tpu.memory_space<vmem>>, vector<16xf32>,
        tpu.vector_store %arg9[%parallel_loop3A_294, %parallel_loop3A_295], %parallel_loop3A_293 {strides = array<i32>} : memref<128x128xf32, #tpu.memory_space<vmem>>, vector<16xf32>,
        %parallel_loop3A_297 = arith.constant 48 : i32
        %parallel_loop3A_298 = arith.addi %parallel_loop3A_269, %parallel_loop3A_297 : i32
        %parallel_loop3A_299 = arith.index_cast %parallel_loop3A_298 : i32 to index
        %parallel_loop3A_300 = tpu.vector_load %arg5[%parallel_loop3A_299] {strides = array<i32>} : memref<64000xf32, #tpu.memory_space<vmem>>, vector<16xf32>,
        %parallel_loop3A_301 = arith.index_cast %parallel_loop3A_275 : i32 to index
        %parallel_loop3A_302 = arith.constant 48 : index
        %parallel_loop3A_303 = tpu.vector_load %arg9[%parallel_loop3A_301, %parallel_loop3A_302] {strides = array<i32>} : memref<128x128xf32, #tpu.memory_space<vmem>>, vector<16xf32>,
        tpu.vector_store %arg9[%parallel_loop3A_301, %parallel_loop3A_302], %parallel_loop3A_300 {strides = array<i32>} : memref<128x128xf32, #tpu.memory_space<vmem>>, vector<16xf32>,
        %parallel_loop3A_304 = arith.constant 0 : i32
        %parallel_loop3A_305 = arith.addi %parallel_loop3A_271, %parallel_loop3A_304 : i32
        %parallel_loop3A_306 = arith.index_cast %parallel_loop3A_305 : i32 to index
        %parallel_loop3A_307 = tpu.vector_load %arg5[%parallel_loop3A_306] {strides = array<i32>} : memref<64000xf32, #tpu.memory_space<vmem>>, vector<16xf32>,
        %parallel_loop3A_308 = arith.index_cast %parallel_loop3A_275 : i32 to index
        %parallel_loop3A_309 = arith.constant 64 : index
        %parallel_loop3A_310 = tpu.vector_load %arg9[%parallel_loop3A_308, %parallel_loop3A_309] {strides = array<i32>} : memref<128x128xf32, #tpu.memory_space<vmem>>, vector<16xf32>,
        tpu.vector_store %arg9[%parallel_loop3A_308, %parallel_loop3A_309], %parallel_loop3A_307 {strides = array<i32>} : memref<128x128xf32, #tpu.memory_space<vmem>>, vector<16xf32>,
        %parallel_loop3A_311 = arith.constant 16 : i32
        %parallel_loop3A_312 = arith.addi %parallel_loop3A_271, %parallel_loop3A_311 : i32
        %parallel_loop3A_313 = arith.index_cast %parallel_loop3A_312 : i32 to index
        %parallel_loop3A_314 = tpu.vector_load %arg5[%parallel_loop3A_313] {strides = array<i32>} : memref<64000xf32, #tpu.memory_space<vmem>>, vector<16xf32>,
        %parallel_loop3A_315 = arith.index_cast %parallel_loop3A_275 : i32 to index
        %parallel_loop3A_316 = arith.constant 80 : index
        %parallel_loop3A_317 = tpu.vector_load %arg9[%parallel_loop3A_315, %parallel_loop3A_316] {strides = array<i32>} : memref<128x128xf32, #tpu.memory_space<vmem>>, vector<16xf32>,
        tpu.vector_store %arg9[%parallel_loop3A_315, %parallel_loop3A_316], %parallel_loop3A_314 {strides = array<i32>} : memref<128x128xf32, #tpu.memory_space<vmem>>, vector<16xf32>,
        %parallel_loop3A_318 = arith.constant 32 : i32
        %parallel_loop3A_319 = arith.addi %parallel_loop3A_271, %parallel_loop3A_318 : i32
        %parallel_loop3A_320 = arith.index_cast %parallel_loop3A_319 : i32 to index
        %parallel_loop3A_321 = tpu.vector_load %arg5[%parallel_loop3A_320] {strides = array<i32>} : memref<64000xf32, #tpu.memory_space<vmem>>, vector<16xf32>,
        %parallel_loop3A_322 = arith.index_cast %parallel_loop3A_275 : i32 to index
        %parallel_loop3A_323 = arith.constant 96 : index
        %parallel_loop3A_324 = tpu.vector_load %arg9[%parallel_loop3A_322, %parallel_loop3A_323] {strides = array<i32>} : memref<128x128xf32, #tpu.memory_space<vmem>>, vector<16xf32>,
        tpu.vector_store %arg9[%parallel_loop3A_322, %parallel_loop3A_323], %parallel_loop3A_321 {strides = array<i32>} : memref<128x128xf32, #tpu.memory_space<vmem>>, vector<16xf32>,
        %parallel_loop3A_325 = arith.constant 48 : i32
        %parallel_loop3A_326 = arith.addi %parallel_loop3A_271, %parallel_loop3A_325 : i32
        %parallel_loop3A_327 = arith.index_cast %parallel_loop3A_326 : i32 to index
        %parallel_loop3A_328 = tpu.vector_load %arg5[%parallel_loop3A_327] {strides = array<i32>} : memref<64000xf32, #tpu.memory_space<vmem>>, vector<16xf32>,
        %parallel_loop3A_329 = arith.index_cast %parallel_loop3A_275 : i32 to index
        %parallel_loop3A_330 = arith.constant 112 : index
        %parallel_loop3A_331 = tpu.vector_load %arg9[%parallel_loop3A_329, %parallel_loop3A_330] {strides = array<i32>} : memref<128x128xf32, #tpu.memory_space<vmem>>, vector<16xf32>,
        tpu.vector_store %arg9[%parallel_loop3A_329, %parallel_loop3A_330], %parallel_loop3A_328 {strides = array<i32>} : memref<128x128xf32, #tpu.memory_space<vmem>>, vector<16xf32>,
        %parallel_loop3A_332 = vector.extract_strided_slice %parallel_loop3A_68 {offsets = [4], sizes = [1], strides = [1]} : vector<16xi32> to vector<1xi32>
        %parallel_loop3A_333 = vector.extract %parallel_loop3A_332[0] : i32 from vector<1xi32>
        %parallel_loop3A_334 = vector.extract_strided_slice %parallel_loop3A_75 {offsets = [4], sizes = [1], strides = [1]} : vector<16xi32> to vector<1xi32>
        %parallel_loop3A_335 = vector.extract %parallel_loop3A_334[0] : i32 from vector<1xi32>
        %parallel_loop3A_336 = arith.constant 16 : i32
        %parallel_loop3A_337 = arith.muli %parallel_loop3A_61, %parallel_loop3A_336 : i32
        %parallel_loop3A_338 = arith.constant 4 : i32
        %parallel_loop3A_339 = arith.addi %parallel_loop3A_337, %parallel_loop3A_338 : i32
        %parallel_loop3A_340 = arith.constant 0 : i32
        %parallel_loop3A_341 = arith.addi %parallel_loop3A_333, %parallel_loop3A_340 : i32
        %parallel_loop3A_342 = arith.index_cast %parallel_loop3A_341 : i32 to index
        %parallel_loop3A_343 = tpu.vector_load %arg5[%parallel_loop3A_342] {strides = array<i32>} : memref<64000xf32, #tpu.memory_space<vmem>>, vector<16xf32>,
        %parallel_loop3A_344 = arith.index_cast %parallel_loop3A_339 : i32 to index
        %parallel_loop3A_345 = arith.constant 0 : index
        %parallel_loop3A_346 = tpu.vector_load %arg9[%parallel_loop3A_344, %parallel_loop3A_345] {strides = array<i32>} : memref<128x128xf32, #tpu.memory_space<vmem>>, vector<16xf32>,
        tpu.vector_store %arg9[%parallel_loop3A_344, %parallel_loop3A_345], %parallel_loop3A_343 {strides = array<i32>} : memref<128x128xf32, #tpu.memory_space<vmem>>, vector<16xf32>,
        %parallel_loop3A_347 = arith.constant 16 : i32
        %parallel_loop3A_348 = arith.addi %parallel_loop3A_333, %parallel_loop3A_347 : i32
        %parallel_loop3A_349 = arith.index_cast %parallel_loop3A_348 : i32 to index
        %parallel_loop3A_350 = tpu.vector_load %arg5[%parallel_loop3A_349] {strides = array<i32>} : memref<64000xf32, #tpu.memory_space<vmem>>, vector<16xf32>,
        %parallel_loop3A_351 = arith.index_cast %parallel_loop3A_339 : i32 to index
        %parallel_loop3A_352 = arith.constant 16 : index
        %parallel_loop3A_353 = tpu.vector_load %arg9[%parallel_loop3A_351, %parallel_loop3A_352] {strides = array<i32>} : memref<128x128xf32, #tpu.memory_space<vmem>>, vector<16xf32>,
        tpu.vector_store %arg9[%parallel_loop3A_351, %parallel_loop3A_352], %parallel_loop3A_350 {strides = array<i32>} : memref<128x128xf32, #tpu.memory_space<vmem>>, vector<16xf32>,
        %parallel_loop3A_354 = arith.constant 32 : i32
        %parallel_loop3A_355 = arith.addi %parallel_loop3A_333, %parallel_loop3A_354 : i32
        %parallel_loop3A_356 = arith.index_cast %parallel_loop3A_355 : i32 to index
        %parallel_loop3A_357 = tpu.vector_load %arg5[%parallel_loop3A_356] {strides = array<i32>} : memref<64000xf32, #tpu.memory_space<vmem>>, vector<16xf32>,
        %parallel_loop3A_358 = arith.index_cast %parallel_loop3A_339 : i32 to index
        %parallel_loop3A_359 = arith.constant 32 : index
        %parallel_loop3A_360 = tpu.vector_load %arg9[%parallel_loop3A_358, %parallel_loop3A_359] {strides = array<i32>} : memref<128x128xf32, #tpu.memory_space<vmem>>, vector<16xf32>,
        tpu.vector_store %arg9[%parallel_loop3A_358, %parallel_loop3A_359], %parallel_loop3A_357 {strides = array<i32>} : memref<128x128xf32, #tpu.memory_space<vmem>>, vector<16xf32>,
        %parallel_loop3A_361 = arith.constant 48 : i32
        %parallel_loop3A_362 = arith.addi %parallel_loop3A_333, %parallel_loop3A_361 : i32
        %parallel_loop3A_363 = arith.index_cast %parallel_loop3A_362 : i32 to index
        %parallel_loop3A_364 = tpu.vector_load %arg5[%parallel_loop3A_363] {strides = array<i32>} : memref<64000xf32, #tpu.memory_space<vmem>>, vector<16xf32>,
        %parallel_loop3A_365 = arith.index_cast %parallel_loop3A_339 : i32 to index
        %parallel_loop3A_366 = arith.constant 48 : index
        %parallel_loop3A_367 = tpu.vector_load %arg9[%parallel_loop3A_365, %parallel_loop3A_366] {strides = array<i32>} : memref<128x128xf32, #tpu.memory_space<vmem>>, vector<16xf32>,
        tpu.vector_store %arg9[%parallel_loop3A_365, %parallel_loop3A_366], %parallel_loop3A_364 {strides = array<i32>} : memref<128x128xf32, #tpu.memory_space<vmem>>, vector<16xf32>,
        %parallel_loop3A_368 = arith.constant 0 : i32
        %parallel_loop3A_369 = arith.addi %parallel_loop3A_335, %parallel_loop3A_368 : i32
        %parallel_loop3A_370 = arith.index_cast %parallel_loop3A_369 : i32 to index
        %parallel_loop3A_371 = tpu.vector_load %arg5[%parallel_loop3A_370] {strides = array<i32>} : memref<64000xf32, #tpu.memory_space<vmem>>, vector<16xf32>,
        %parallel_loop3A_372 = arith.index_cast %parallel_loop3A_339 : i32 to index
        %parallel_loop3A_373 = arith.constant 64 : index
        %parallel_loop3A_374 = tpu.vector_load %arg9[%parallel_loop3A_372, %parallel_loop3A_373] {strides = array<i32>} : memref<128x128xf32, #tpu.memory_space<vmem>>, vector<16xf32>,
        tpu.vector_store %arg9[%parallel_loop3A_372, %parallel_loop3A_373], %parallel_loop3A_371 {strides = array<i32>} : memref<128x128xf32, #tpu.memory_space<vmem>>, vector<16xf32>,
        %parallel_loop3A_375 = arith.constant 16 : i32
        %parallel_loop3A_376 = arith.addi %parallel_loop3A_335, %parallel_loop3A_375 : i32
        %parallel_loop3A_377 = arith.index_cast %parallel_loop3A_376 : i32 to index
        %parallel_loop3A_378 = tpu.vector_load %arg5[%parallel_loop3A_377] {strides = array<i32>} : memref<64000xf32, #tpu.memory_space<vmem>>, vector<16xf32>,
        %parallel_loop3A_379 = arith.index_cast %parallel_loop3A_339 : i32 to index
        %parallel_loop3A_380 = arith.constant 80 : index
        %parallel_loop3A_381 = tpu.vector_load %arg9[%parallel_loop3A_379, %parallel_loop3A_380] {strides = array<i32>} : memref<128x128xf32, #tpu.memory_space<vmem>>, vector<16xf32>,
        tpu.vector_store %arg9[%parallel_loop3A_379, %parallel_loop3A_380], %parallel_loop3A_378 {strides = array<i32>} : memref<128x128xf32, #tpu.memory_space<vmem>>, vector<16xf32>,
        %parallel_loop3A_382 = arith.constant 32 : i32
        %parallel_loop3A_383 = arith.addi %parallel_loop3A_335, %parallel_loop3A_382 : i32
        %parallel_loop3A_384 = arith.index_cast %parallel_loop3A_383 : i32 to index
        %parallel_loop3A_385 = tpu.vector_load %arg5[%parallel_loop3A_384] {strides = array<i32>} : memref<64000xf32, #tpu.memory_space<vmem>>, vector<16xf32>,
        %parallel_loop3A_386 = arith.index_cast %parallel_loop3A_339 : i32 to index
        %parallel_loop3A_387 = arith.constant 96 : index
        %parallel_loop3A_388 = tpu.vector_load %arg9[%parallel_loop3A_386, %parallel_loop3A_387] {strides = array<i32>} : memref<128x128xf32, #tpu.memory_space<vmem>>, vector<16xf32>,
        tpu.vector_store %arg9[%parallel_loop3A_386, %parallel_loop3A_387], %parallel_loop3A_385 {strides = array<i32>} : memref<128x128xf32, #tpu.memory_space<vmem>>, vector<16xf32>,
        %parallel_loop3A_389 = arith.constant 48 : i32
        %parallel_loop3A_390 = arith.addi %parallel_loop3A_335, %parallel_loop3A_389 : i32
        %parallel_loop3A_391 = arith.index_cast %parallel_loop3A_390 : i32 to index
        %parallel_loop3A_392 = tpu.vector_load %arg5[%parallel_loop3A_391] {strides = array<i32>} : memref<64000xf32, #tpu.memory_space<vmem>>, vector<16xf32>,
        %parallel_loop3A_393 = arith.index_cast %parallel_loop3A_339 : i32 to index
        %parallel_loop3A_394 = arith.constant 112 : index
        %parallel_loop3A_395 = tpu.vector_load %arg9[%parallel_loop3A_393, %parallel_loop3A_394] {strides = array<i32>} : memref<128x128xf32, #tpu.memory_space<vmem>>, vector<16xf32>,
        tpu.vector_store %arg9[%parallel_loop3A_393, %parallel_loop3A_394], %parallel_loop3A_392 {strides = array<i32>} : memref<128x128xf32, #tpu.memory_space<vmem>>, vector<16xf32>,
        %parallel_loop3A_396 = vector.extract_strided_slice %parallel_loop3A_68 {offsets = [5], sizes = [1], strides = [1]} : vector<16xi32> to vector<1xi32>
        %parallel_loop3A_397 = vector.extract %parallel_loop3A_396[0] : i32 from vector<1xi32>
        %parallel_loop3A_398 = vector.extract_strided_slice %parallel_loop3A_75 {offsets = [5], sizes = [1], strides = [1]} : vector<16xi32> to vector<1xi32>
        %parallel_loop3A_399 = vector.extract %parallel_loop3A_398[0] : i32 from vector<1xi32>
        %parallel_loop3A_400 = arith.constant 16 : i32
        %parallel_loop3A_401 = arith.muli %parallel_loop3A_61, %parallel_loop3A_400 : i32
        %parallel_loop3A_402 = arith.constant 5 : i32
        %parallel_loop3A_403 = arith.addi %parallel_loop3A_401, %parallel_loop3A_402 : i32
        %parallel_loop3A_404 = arith.constant 0 : i32
        %parallel_loop3A_405 = arith.addi %parallel_loop3A_397, %parallel_loop3A_404 : i32
        %parallel_loop3A_406 = arith.index_cast %parallel_loop3A_405 : i32 to index
        %parallel_loop3A_407 = tpu.vector_load %arg5[%parallel_loop3A_406] {strides = array<i32>} : memref<64000xf32, #tpu.memory_space<vmem>>, vector<16xf32>,
        %parallel_loop3A_408 = arith.index_cast %parallel_loop3A_403 : i32 to index
        %parallel_loop3A_409 = arith.constant 0 : index
        %parallel_loop3A_410 = tpu.vector_load %arg9[%parallel_loop3A_408, %parallel_loop3A_409] {strides = array<i32>} : memref<128x128xf32, #tpu.memory_space<vmem>>, vector<16xf32>,
        tpu.vector_store %arg9[%parallel_loop3A_408, %parallel_loop3A_409], %parallel_loop3A_407 {strides = array<i32>} : memref<128x128xf32, #tpu.memory_space<vmem>>, vector<16xf32>,
        %parallel_loop3A_411 = arith.constant 16 : i32
        %parallel_loop3A_412 = arith.addi %parallel_loop3A_397, %parallel_loop3A_411 : i32
        %parallel_loop3A_413 = arith.index_cast %parallel_loop3A_412 : i32 to index
        %parallel_loop3A_414 = tpu.vector_load %arg5[%parallel_loop3A_413] {strides = array<i32>} : memref<64000xf32, #tpu.memory_space<vmem>>, vector<16xf32>,
        %parallel_loop3A_415 = arith.index_cast %parallel_loop3A_403 : i32 to index
        %parallel_loop3A_416 = arith.constant 16 : index
        %parallel_loop3A_417 = tpu.vector_load %arg9[%parallel_loop3A_415, %parallel_loop3A_416] {strides = array<i32>} : memref<128x128xf32, #tpu.memory_space<vmem>>, vector<16xf32>,
        tpu.vector_store %arg9[%parallel_loop3A_415, %parallel_loop3A_416], %parallel_loop3A_414 {strides = array<i32>} : memref<128x128xf32, #tpu.memory_space<vmem>>, vector<16xf32>,
        %parallel_loop3A_418 = arith.constant 32 : i32
        %parallel_loop3A_419 = arith.addi %parallel_loop3A_397, %parallel_loop3A_418 : i32
        %parallel_loop3A_420 = arith.index_cast %parallel_loop3A_419 : i32 to index
        %parallel_loop3A_421 = tpu.vector_load %arg5[%parallel_loop3A_420] {strides = array<i32>} : memref<64000xf32, #tpu.memory_space<vmem>>, vector<16xf32>,
        %parallel_loop3A_422 = arith.index_cast %parallel_loop3A_403 : i32 to index
        %parallel_loop3A_423 = arith.constant 32 : index
        %parallel_loop3A_424 = tpu.vector_load %arg9[%parallel_loop3A_422, %parallel_loop3A_423] {strides = array<i32>} : memref<128x128xf32, #tpu.memory_space<vmem>>, vector<16xf32>,
        tpu.vector_store %arg9[%parallel_loop3A_422, %parallel_loop3A_423], %parallel_loop3A_421 {strides = array<i32>} : memref<128x128xf32, #tpu.memory_space<vmem>>, vector<16xf32>,
        %parallel_loop3A_425 = arith.constant 48 : i32
        %parallel_loop3A_426 = arith.addi %parallel_loop3A_397, %parallel_loop3A_425 : i32
        %parallel_loop3A_427 = arith.index_cast %parallel_loop3A_426 : i32 to index
        %parallel_loop3A_428 = tpu.vector_load %arg5[%parallel_loop3A_427] {strides = array<i32>} : memref<64000xf32, #tpu.memory_space<vmem>>, vector<16xf32>,
        %parallel_loop3A_429 = arith.index_cast %parallel_loop3A_403 : i32 to index
        %parallel_loop3A_430 = arith.constant 48 : index
        %parallel_loop3A_431 = tpu.vector_load %arg9[%parallel_loop3A_429, %parallel_loop3A_430] {strides = array<i32>} : memref<128x128xf32, #tpu.memory_space<vmem>>, vector<16xf32>,
        tpu.vector_store %arg9[%parallel_loop3A_429, %parallel_loop3A_430], %parallel_loop3A_428 {strides = array<i32>} : memref<128x128xf32, #tpu.memory_space<vmem>>, vector<16xf32>,
        %parallel_loop3A_432 = arith.constant 0 : i32
        %parallel_loop3A_433 = arith.addi %parallel_loop3A_399, %parallel_loop3A_432 : i32
        %parallel_loop3A_434 = arith.index_cast %parallel_loop3A_433 : i32 to index
        %parallel_loop3A_435 = tpu.vector_load %arg5[%parallel_loop3A_434] {strides = array<i32>} : memref<64000xf32, #tpu.memory_space<vmem>>, vector<16xf32>,
        %parallel_loop3A_436 = arith.index_cast %parallel_loop3A_403 : i32 to index
        %parallel_loop3A_437 = arith.constant 64 : index
        %parallel_loop3A_438 = tpu.vector_load %arg9[%parallel_loop3A_436, %parallel_loop3A_437] {strides = array<i32>} : memref<128x128xf32, #tpu.memory_space<vmem>>, vector<16xf32>,
        tpu.vector_store %arg9[%parallel_loop3A_436, %parallel_loop3A_437], %parallel_loop3A_435 {strides = array<i32>} : memref<128x128xf32, #tpu.memory_space<vmem>>, vector<16xf32>,
        %parallel_loop3A_439 = arith.constant 16 : i32
        %parallel_loop3A_440 = arith.addi %parallel_loop3A_399, %parallel_loop3A_439 : i32
        %parallel_loop3A_441 = arith.index_cast %parallel_loop3A_440 : i32 to index
        %parallel_loop3A_442 = tpu.vector_load %arg5[%parallel_loop3A_441] {strides = array<i32>} : memref<64000xf32, #tpu.memory_space<vmem>>, vector<16xf32>,
        %parallel_loop3A_443 = arith.index_cast %parallel_loop3A_403 : i32 to index
        %parallel_loop3A_444 = arith.constant 80 : index
        %parallel_loop3A_445 = tpu.vector_load %arg9[%parallel_loop3A_443, %parallel_loop3A_444] {strides = array<i32>} : memref<128x128xf32, #tpu.memory_space<vmem>>, vector<16xf32>,
        tpu.vector_store %arg9[%parallel_loop3A_443, %parallel_loop3A_444], %parallel_loop3A_442 {strides = array<i32>} : memref<128x128xf32, #tpu.memory_space<vmem>>, vector<16xf32>,
        %parallel_loop3A_446 = arith.constant 32 : i32
        %parallel_loop3A_447 = arith.addi %parallel_loop3A_399, %parallel_loop3A_446 : i32
        %parallel_loop3A_448 = arith.index_cast %parallel_loop3A_447 : i32 to index
        %parallel_loop3A_449 = tpu.vector_load %arg5[%parallel_loop3A_448] {strides = array<i32>} : memref<64000xf32, #tpu.memory_space<vmem>>, vector<16xf32>,
        %parallel_loop3A_450 = arith.index_cast %parallel_loop3A_403 : i32 to index
        %parallel_loop3A_451 = arith.constant 96 : index
        %parallel_loop3A_452 = tpu.vector_load %arg9[%parallel_loop3A_450, %parallel_loop3A_451] {strides = array<i32>} : memref<128x128xf32, #tpu.memory_space<vmem>>, vector<16xf32>,
        tpu.vector_store %arg9[%parallel_loop3A_450, %parallel_loop3A_451], %parallel_loop3A_449 {strides = array<i32>} : memref<128x128xf32, #tpu.memory_space<vmem>>, vector<16xf32>,
        %parallel_loop3A_453 = arith.constant 48 : i32
        %parallel_loop3A_454 = arith.addi %parallel_loop3A_399, %parallel_loop3A_453 : i32
        %parallel_loop3A_455 = arith.index_cast %parallel_loop3A_454 : i32 to index
        %parallel_loop3A_456 = tpu.vector_load %arg5[%parallel_loop3A_455] {strides = array<i32>} : memref<64000xf32, #tpu.memory_space<vmem>>, vector<16xf32>,
        %parallel_loop3A_457 = arith.index_cast %parallel_loop3A_403 : i32 to index
        %parallel_loop3A_458 = arith.constant 112 : index
        %parallel_loop3A_459 = tpu.vector_load %arg9[%parallel_loop3A_457, %parallel_loop3A_458] {strides = array<i32>} : memref<128x128xf32, #tpu.memory_space<vmem>>, vector<16xf32>,
        tpu.vector_store %arg9[%parallel_loop3A_457, %parallel_loop3A_458], %parallel_loop3A_456 {strides = array<i32>} : memref<128x128xf32, #tpu.memory_space<vmem>>, vector<16xf32>,
        %parallel_loop3A_460 = vector.extract_strided_slice %parallel_loop3A_68 {offsets = [6], sizes = [1], strides = [1]} : vector<16xi32> to vector<1xi32>
        %parallel_loop3A_461 = vector.extract %parallel_loop3A_460[0] : i32 from vector<1xi32>
        %parallel_loop3A_462 = vector.extract_strided_slice %parallel_loop3A_75 {offsets = [6], sizes = [1], strides = [1]} : vector<16xi32> to vector<1xi32>
        %parallel_loop3A_463 = vector.extract %parallel_loop3A_462[0] : i32 from vector<1xi32>
        %parallel_loop3A_464 = arith.constant 16 : i32
        %parallel_loop3A_465 = arith.muli %parallel_loop3A_61, %parallel_loop3A_464 : i32
        %parallel_loop3A_466 = arith.constant 6 : i32
        %parallel_loop3A_467 = arith.addi %parallel_loop3A_465, %parallel_loop3A_466 : i32
        %parallel_loop3A_468 = arith.constant 0 : i32
        %parallel_loop3A_469 = arith.addi %parallel_loop3A_461, %parallel_loop3A_468 : i32
        %parallel_loop3A_470 = arith.index_cast %parallel_loop3A_469 : i32 to index
        %parallel_loop3A_471 = tpu.vector_load %arg5[%parallel_loop3A_470] {strides = array<i32>} : memref<64000xf32, #tpu.memory_space<vmem>>, vector<16xf32>,
        %parallel_loop3A_472 = arith.index_cast %parallel_loop3A_467 : i32 to index
        %parallel_loop3A_473 = arith.constant 0 : index
        %parallel_loop3A_474 = tpu.vector_load %arg9[%parallel_loop3A_472, %parallel_loop3A_473] {strides = array<i32>} : memref<128x128xf32, #tpu.memory_space<vmem>>, vector<16xf32>,
        tpu.vector_store %arg9[%parallel_loop3A_472, %parallel_loop3A_473], %parallel_loop3A_471 {strides = array<i32>} : memref<128x128xf32, #tpu.memory_space<vmem>>, vector<16xf32>,
        %parallel_loop3A_475 = arith.constant 16 : i32
        %parallel_loop3A_476 = arith.addi %parallel_loop3A_461, %parallel_loop3A_475 : i32
        %parallel_loop3A_477 = arith.index_cast %parallel_loop3A_476 : i32 to index
        %parallel_loop3A_478 = tpu.vector_load %arg5[%parallel_loop3A_477] {strides = array<i32>} : memref<64000xf32, #tpu.memory_space<vmem>>, vector<16xf32>,
        %parallel_loop3A_479 = arith.index_cast %parallel_loop3A_467 : i32 to index
        %parallel_loop3A_480 = arith.constant 16 : index
        %parallel_loop3A_481 = tpu.vector_load %arg9[%parallel_loop3A_479, %parallel_loop3A_480] {strides = array<i32>} : memref<128x128xf32, #tpu.memory_space<vmem>>, vector<16xf32>,
        tpu.vector_store %arg9[%parallel_loop3A_479, %parallel_loop3A_480], %parallel_loop3A_478 {strides = array<i32>} : memref<128x128xf32, #tpu.memory_space<vmem>>, vector<16xf32>,
        %parallel_loop3A_482 = arith.constant 32 : i32
        %parallel_loop3A_483 = arith.addi %parallel_loop3A_461, %parallel_loop3A_482 : i32
        %parallel_loop3A_484 = arith.index_cast %parallel_loop3A_483 : i32 to index
        %parallel_loop3A_485 = tpu.vector_load %arg5[%parallel_loop3A_484] {strides = array<i32>} : memref<64000xf32, #tpu.memory_space<vmem>>, vector<16xf32>,
        %parallel_loop3A_486 = arith.index_cast %parallel_loop3A_467 : i32 to index
        %parallel_loop3A_487 = arith.constant 32 : index
        %parallel_loop3A_488 = tpu.vector_load %arg9[%parallel_loop3A_486, %parallel_loop3A_487] {strides = array<i32>} : memref<128x128xf32, #tpu.memory_space<vmem>>, vector<16xf32>,
        tpu.vector_store %arg9[%parallel_loop3A_486, %parallel_loop3A_487], %parallel_loop3A_485 {strides = array<i32>} : memref<128x128xf32, #tpu.memory_space<vmem>>, vector<16xf32>,
        %parallel_loop3A_489 = arith.constant 48 : i32
        %parallel_loop3A_490 = arith.addi %parallel_loop3A_461, %parallel_loop3A_489 : i32
        %parallel_loop3A_491 = arith.index_cast %parallel_loop3A_490 : i32 to index
        %parallel_loop3A_492 = tpu.vector_load %arg5[%parallel_loop3A_491] {strides = array<i32>} : memref<64000xf32, #tpu.memory_space<vmem>>, vector<16xf32>,
        %parallel_loop3A_493 = arith.index_cast %parallel_loop3A_467 : i32 to index
        %parallel_loop3A_494 = arith.constant 48 : index
        %parallel_loop3A_495 = tpu.vector_load %arg9[%parallel_loop3A_493, %parallel_loop3A_494] {strides = array<i32>} : memref<128x128xf32, #tpu.memory_space<vmem>>, vector<16xf32>,
        tpu.vector_store %arg9[%parallel_loop3A_493, %parallel_loop3A_494], %parallel_loop3A_492 {strides = array<i32>} : memref<128x128xf32, #tpu.memory_space<vmem>>, vector<16xf32>,
        %parallel_loop3A_496 = arith.constant 0 : i32
        %parallel_loop3A_497 = arith.addi %parallel_loop3A_463, %parallel_loop3A_496 : i32
        %parallel_loop3A_498 = arith.index_cast %parallel_loop3A_497 : i32 to index
        %parallel_loop3A_499 = tpu.vector_load %arg5[%parallel_loop3A_498] {strides = array<i32>} : memref<64000xf32, #tpu.memory_space<vmem>>, vector<16xf32>,
        %parallel_loop3A_500 = arith.index_cast %parallel_loop3A_467 : i32 to index
        %parallel_loop3A_501 = arith.constant 64 : index
        %parallel_loop3A_502 = tpu.vector_load %arg9[%parallel_loop3A_500, %parallel_loop3A_501] {strides = array<i32>} : memref<128x128xf32, #tpu.memory_space<vmem>>, vector<16xf32>,
        tpu.vector_store %arg9[%parallel_loop3A_500, %parallel_loop3A_501], %parallel_loop3A_499 {strides = array<i32>} : memref<128x128xf32, #tpu.memory_space<vmem>>, vector<16xf32>,
        %parallel_loop3A_503 = arith.constant 16 : i32
        %parallel_loop3A_504 = arith.addi %parallel_loop3A_463, %parallel_loop3A_503 : i32
        %parallel_loop3A_505 = arith.index_cast %parallel_loop3A_504 : i32 to index
        %parallel_loop3A_506 = tpu.vector_load %arg5[%parallel_loop3A_505] {strides = array<i32>} : memref<64000xf32, #tpu.memory_space<vmem>>, vector<16xf32>,
        %parallel_loop3A_507 = arith.index_cast %parallel_loop3A_467 : i32 to index
        %parallel_loop3A_508 = arith.constant 80 : index
        %parallel_loop3A_509 = tpu.vector_load %arg9[%parallel_loop3A_507, %parallel_loop3A_508] {strides = array<i32>} : memref<128x128xf32, #tpu.memory_space<vmem>>, vector<16xf32>,
        tpu.vector_store %arg9[%parallel_loop3A_507, %parallel_loop3A_508], %parallel_loop3A_506 {strides = array<i32>} : memref<128x128xf32, #tpu.memory_space<vmem>>, vector<16xf32>,
        %parallel_loop3A_510 = arith.constant 32 : i32
        %parallel_loop3A_511 = arith.addi %parallel_loop3A_463, %parallel_loop3A_510 : i32
        %parallel_loop3A_512 = arith.index_cast %parallel_loop3A_511 : i32 to index
        %parallel_loop3A_513 = tpu.vector_load %arg5[%parallel_loop3A_512] {strides = array<i32>} : memref<64000xf32, #tpu.memory_space<vmem>>, vector<16xf32>,
        %parallel_loop3A_514 = arith.index_cast %parallel_loop3A_467 : i32 to index
        %parallel_loop3A_515 = arith.constant 96 : index
        %parallel_loop3A_516 = tpu.vector_load %arg9[%parallel_loop3A_514, %parallel_loop3A_515] {strides = array<i32>} : memref<128x128xf32, #tpu.memory_space<vmem>>, vector<16xf32>,
        tpu.vector_store %arg9[%parallel_loop3A_514, %parallel_loop3A_515], %parallel_loop3A_513 {strides = array<i32>} : memref<128x128xf32, #tpu.memory_space<vmem>>, vector<16xf32>,
        %parallel_loop3A_517 = arith.constant 48 : i32
        %parallel_loop3A_518 = arith.addi %parallel_loop3A_463, %parallel_loop3A_517 : i32
        %parallel_loop3A_519 = arith.index_cast %parallel_loop3A_518 : i32 to index
        %parallel_loop3A_520 = tpu.vector_load %arg5[%parallel_loop3A_519] {strides = array<i32>} : memref<64000xf32, #tpu.memory_space<vmem>>, vector<16xf32>,
        %parallel_loop3A_521 = arith.index_cast %parallel_loop3A_467 : i32 to index
        %parallel_loop3A_522 = arith.constant 112 : index
        %parallel_loop3A_523 = tpu.vector_load %arg9[%parallel_loop3A_521, %parallel_loop3A_522] {strides = array<i32>} : memref<128x128xf32, #tpu.memory_space<vmem>>, vector<16xf32>,
        tpu.vector_store %arg9[%parallel_loop3A_521, %parallel_loop3A_522], %parallel_loop3A_520 {strides = array<i32>} : memref<128x128xf32, #tpu.memory_space<vmem>>, vector<16xf32>,
        %parallel_loop3A_524 = vector.extract_strided_slice %parallel_loop3A_68 {offsets = [7], sizes = [1], strides = [1]} : vector<16xi32> to vector<1xi32>
        %parallel_loop3A_525 = vector.extract %parallel_loop3A_524[0] : i32 from vector<1xi32>
        %parallel_loop3A_526 = vector.extract_strided_slice %parallel_loop3A_75 {offsets = [7], sizes = [1], strides = [1]} : vector<16xi32> to vector<1xi32>
        %parallel_loop3A_527 = vector.extract %parallel_loop3A_526[0] : i32 from vector<1xi32>
        %parallel_loop3A_528 = arith.constant 16 : i32
        %parallel_loop3A_529 = arith.muli %parallel_loop3A_61, %parallel_loop3A_528 : i32
        %parallel_loop3A_530 = arith.constant 7 : i32
        %parallel_loop3A_531 = arith.addi %parallel_loop3A_529, %parallel_loop3A_530 : i32
        %parallel_loop3A_532 = arith.constant 0 : i32
        %parallel_loop3A_533 = arith.addi %parallel_loop3A_525, %parallel_loop3A_532 : i32
        %parallel_loop3A_534 = arith.index_cast %parallel_loop3A_533 : i32 to index
        %parallel_loop3A_535 = tpu.vector_load %arg5[%parallel_loop3A_534] {strides = array<i32>} : memref<64000xf32, #tpu.memory_space<vmem>>, vector<16xf32>,
        %parallel_loop3A_536 = arith.index_cast %parallel_loop3A_531 : i32 to index
        %parallel_loop3A_537 = arith.constant 0 : index
        %parallel_loop3A_538 = tpu.vector_load %arg9[%parallel_loop3A_536, %parallel_loop3A_537] {strides = array<i32>} : memref<128x128xf32, #tpu.memory_space<vmem>>, vector<16xf32>,
        tpu.vector_store %arg9[%parallel_loop3A_536, %parallel_loop3A_537], %parallel_loop3A_535 {strides = array<i32>} : memref<128x128xf32, #tpu.memory_space<vmem>>, vector<16xf32>,
        %parallel_loop3A_539 = arith.constant 16 : i32
        %parallel_loop3A_540 = arith.addi %parallel_loop3A_525, %parallel_loop3A_539 : i32
        %parallel_loop3A_541 = arith.index_cast %parallel_loop3A_540 : i32 to index
        %parallel_loop3A_542 = tpu.vector_load %arg5[%parallel_loop3A_541] {strides = array<i32>} : memref<64000xf32, #tpu.memory_space<vmem>>, vector<16xf32>,
        %parallel_loop3A_543 = arith.index_cast %parallel_loop3A_531 : i32 to index
        %parallel_loop3A_544 = arith.constant 16 : index
        %parallel_loop3A_545 = tpu.vector_load %arg9[%parallel_loop3A_543, %parallel_loop3A_544] {strides = array<i32>} : memref<128x128xf32, #tpu.memory_space<vmem>>, vector<16xf32>,
        tpu.vector_store %arg9[%parallel_loop3A_543, %parallel_loop3A_544], %parallel_loop3A_542 {strides = array<i32>} : memref<128x128xf32, #tpu.memory_space<vmem>>, vector<16xf32>,
        %parallel_loop3A_546 = arith.constant 32 : i32
        %parallel_loop3A_547 = arith.addi %parallel_loop3A_525, %parallel_loop3A_546 : i32
        %parallel_loop3A_548 = arith.index_cast %parallel_loop3A_547 : i32 to index
        %parallel_loop3A_549 = tpu.vector_load %arg5[%parallel_loop3A_548] {strides = array<i32>} : memref<64000xf32, #tpu.memory_space<vmem>>, vector<16xf32>,
        %parallel_loop3A_550 = arith.index_cast %parallel_loop3A_531 : i32 to index
        %parallel_loop3A_551 = arith.constant 32 : index
        %parallel_loop3A_552 = tpu.vector_load %arg9[%parallel_loop3A_550, %parallel_loop3A_551] {strides = array<i32>} : memref<128x128xf32, #tpu.memory_space<vmem>>, vector<16xf32>,
        tpu.vector_store %arg9[%parallel_loop3A_550, %parallel_loop3A_551], %parallel_loop3A_549 {strides = array<i32>} : memref<128x128xf32, #tpu.memory_space<vmem>>, vector<16xf32>,
        %parallel_loop3A_553 = arith.constant 48 : i32
        %parallel_loop3A_554 = arith.addi %parallel_loop3A_525, %parallel_loop3A_553 : i32
        %parallel_loop3A_555 = arith.index_cast %parallel_loop3A_554 : i32 to index
        %parallel_loop3A_556 = tpu.vector_load %arg5[%parallel_loop3A_555] {strides = array<i32>} : memref<64000xf32, #tpu.memory_space<vmem>>, vector<16xf32>,
        %parallel_loop3A_557 = arith.index_cast %parallel_loop3A_531 : i32 to index
        %parallel_loop3A_558 = arith.constant 48 : index
        %parallel_loop3A_559 = tpu.vector_load %arg9[%parallel_loop3A_557, %parallel_loop3A_558] {strides = array<i32>} : memref<128x128xf32, #tpu.memory_space<vmem>>, vector<16xf32>,
        tpu.vector_store %arg9[%parallel_loop3A_557, %parallel_loop3A_558], %parallel_loop3A_556 {strides = array<i32>} : memref<128x128xf32, #tpu.memory_space<vmem>>, vector<16xf32>,
        %parallel_loop3A_560 = arith.constant 0 : i32
        %parallel_loop3A_561 = arith.addi %parallel_loop3A_527, %parallel_loop3A_560 : i32
        %parallel_loop3A_562 = arith.index_cast %parallel_loop3A_561 : i32 to index
        %parallel_loop3A_563 = tpu.vector_load %arg5[%parallel_loop3A_562] {strides = array<i32>} : memref<64000xf32, #tpu.memory_space<vmem>>, vector<16xf32>,
        %parallel_loop3A_564 = arith.index_cast %parallel_loop3A_531 : i32 to index
        %parallel_loop3A_565 = arith.constant 64 : index
        %parallel_loop3A_566 = tpu.vector_load %arg9[%parallel_loop3A_564, %parallel_loop3A_565] {strides = array<i32>} : memref<128x128xf32, #tpu.memory_space<vmem>>, vector<16xf32>,
        tpu.vector_store %arg9[%parallel_loop3A_564, %parallel_loop3A_565], %parallel_loop3A_563 {strides = array<i32>} : memref<128x128xf32, #tpu.memory_space<vmem>>, vector<16xf32>,
        %parallel_loop3A_567 = arith.constant 16 : i32
        %parallel_loop3A_568 = arith.addi %parallel_loop3A_527, %parallel_loop3A_567 : i32
        %parallel_loop3A_569 = arith.index_cast %parallel_loop3A_568 : i32 to index
        %parallel_loop3A_570 = tpu.vector_load %arg5[%parallel_loop3A_569] {strides = array<i32>} : memref<64000xf32, #tpu.memory_space<vmem>>, vector<16xf32>,
        %parallel_loop3A_571 = arith.index_cast %parallel_loop3A_531 : i32 to index
        %parallel_loop3A_572 = arith.constant 80 : index
        %parallel_loop3A_573 = tpu.vector_load %arg9[%parallel_loop3A_571, %parallel_loop3A_572] {strides = array<i32>} : memref<128x128xf32, #tpu.memory_space<vmem>>, vector<16xf32>,
        tpu.vector_store %arg9[%parallel_loop3A_571, %parallel_loop3A_572], %parallel_loop3A_570 {strides = array<i32>} : memref<128x128xf32, #tpu.memory_space<vmem>>, vector<16xf32>,
        %parallel_loop3A_574 = arith.constant 32 : i32
        %parallel_loop3A_575 = arith.addi %parallel_loop3A_527, %parallel_loop3A_574 : i32
        %parallel_loop3A_576 = arith.index_cast %parallel_loop3A_575 : i32 to index
        %parallel_loop3A_577 = tpu.vector_load %arg5[%parallel_loop3A_576] {strides = array<i32>} : memref<64000xf32, #tpu.memory_space<vmem>>, vector<16xf32>,
        %parallel_loop3A_578 = arith.index_cast %parallel_loop3A_531 : i32 to index
        %parallel_loop3A_579 = arith.constant 96 : index
        %parallel_loop3A_580 = tpu.vector_load %arg9[%parallel_loop3A_578, %parallel_loop3A_579] {strides = array<i32>} : memref<128x128xf32, #tpu.memory_space<vmem>>, vector<16xf32>,
        tpu.vector_store %arg9[%parallel_loop3A_578, %parallel_loop3A_579], %parallel_loop3A_577 {strides = array<i32>} : memref<128x128xf32, #tpu.memory_space<vmem>>, vector<16xf32>,
        %parallel_loop3A_581 = arith.constant 48 : i32
        %parallel_loop3A_582 = arith.addi %parallel_loop3A_527, %parallel_loop3A_581 : i32
        %parallel_loop3A_583 = arith.index_cast %parallel_loop3A_582 : i32 to index
        %parallel_loop3A_584 = tpu.vector_load %arg5[%parallel_loop3A_583] {strides = array<i32>} : memref<64000xf32, #tpu.memory_space<vmem>>, vector<16xf32>,
        %parallel_loop3A_585 = arith.index_cast %parallel_loop3A_531 : i32 to index
        %parallel_loop3A_586 = arith.constant 112 : index
        %parallel_loop3A_587 = tpu.vector_load %arg9[%parallel_loop3A_585, %parallel_loop3A_586] {strides = array<i32>} : memref<128x128xf32, #tpu.memory_space<vmem>>, vector<16xf32>,
        tpu.vector_store %arg9[%parallel_loop3A_585, %parallel_loop3A_586], %parallel_loop3A_584 {strides = array<i32>} : memref<128x128xf32, #tpu.memory_space<vmem>>, vector<16xf32>,
        %parallel_loop3A_588 = vector.extract_strided_slice %parallel_loop3A_68 {offsets = [8], sizes = [1], strides = [1]} : vector<16xi32> to vector<1xi32>
        %parallel_loop3A_589 = vector.extract %parallel_loop3A_588[0] : i32 from vector<1xi32>
        %parallel_loop3A_590 = vector.extract_strided_slice %parallel_loop3A_75 {offsets = [8], sizes = [1], strides = [1]} : vector<16xi32> to vector<1xi32>
        %parallel_loop3A_591 = vector.extract %parallel_loop3A_590[0] : i32 from vector<1xi32>
        %parallel_loop3A_592 = arith.constant 16 : i32
        %parallel_loop3A_593 = arith.muli %parallel_loop3A_61, %parallel_loop3A_592 : i32
        %parallel_loop3A_594 = arith.constant 8 : i32
        %parallel_loop3A_595 = arith.addi %parallel_loop3A_593, %parallel_loop3A_594 : i32
        %parallel_loop3A_596 = arith.constant 0 : i32
        %parallel_loop3A_597 = arith.addi %parallel_loop3A_589, %parallel_loop3A_596 : i32
        %parallel_loop3A_598 = arith.index_cast %parallel_loop3A_597 : i32 to index
        %parallel_loop3A_599 = tpu.vector_load %arg5[%parallel_loop3A_598] {strides = array<i32>} : memref<64000xf32, #tpu.memory_space<vmem>>, vector<16xf32>,
        %parallel_loop3A_600 = arith.index_cast %parallel_loop3A_595 : i32 to index
        %parallel_loop3A_601 = arith.constant 0 : index
        %parallel_loop3A_602 = tpu.vector_load %arg9[%parallel_loop3A_600, %parallel_loop3A_601] {strides = array<i32>} : memref<128x128xf32, #tpu.memory_space<vmem>>, vector<16xf32>,
        tpu.vector_store %arg9[%parallel_loop3A_600, %parallel_loop3A_601], %parallel_loop3A_599 {strides = array<i32>} : memref<128x128xf32, #tpu.memory_space<vmem>>, vector<16xf32>,
        %parallel_loop3A_603 = arith.constant 16 : i32
        %parallel_loop3A_604 = arith.addi %parallel_loop3A_589, %parallel_loop3A_603 : i32
        %parallel_loop3A_605 = arith.index_cast %parallel_loop3A_604 : i32 to index
        %parallel_loop3A_606 = tpu.vector_load %arg5[%parallel_loop3A_605] {strides = array<i32>} : memref<64000xf32, #tpu.memory_space<vmem>>, vector<16xf32>,
        %parallel_loop3A_607 = arith.index_cast %parallel_loop3A_595 : i32 to index
        %parallel_loop3A_608 = arith.constant 16 : index
        %parallel_loop3A_609 = tpu.vector_load %arg9[%parallel_loop3A_607, %parallel_loop3A_608] {strides = array<i32>} : memref<128x128xf32, #tpu.memory_space<vmem>>, vector<16xf32>,
        tpu.vector_store %arg9[%parallel_loop3A_607, %parallel_loop3A_608], %parallel_loop3A_606 {strides = array<i32>} : memref<128x128xf32, #tpu.memory_space<vmem>>, vector<16xf32>,
        %parallel_loop3A_610 = arith.constant 32 : i32
        %parallel_loop3A_611 = arith.addi %parallel_loop3A_589, %parallel_loop3A_610 : i32
        %parallel_loop3A_612 = arith.index_cast %parallel_loop3A_611 : i32 to index
        %parallel_loop3A_613 = tpu.vector_load %arg5[%parallel_loop3A_612] {strides = array<i32>} : memref<64000xf32, #tpu.memory_space<vmem>>, vector<16xf32>,
        %parallel_loop3A_614 = arith.index_cast %parallel_loop3A_595 : i32 to index
        %parallel_loop3A_615 = arith.constant 32 : index
        %parallel_loop3A_616 = tpu.vector_load %arg9[%parallel_loop3A_614, %parallel_loop3A_615] {strides = array<i32>} : memref<128x128xf32, #tpu.memory_space<vmem>>, vector<16xf32>,
        tpu.vector_store %arg9[%parallel_loop3A_614, %parallel_loop3A_615], %parallel_loop3A_613 {strides = array<i32>} : memref<128x128xf32, #tpu.memory_space<vmem>>, vector<16xf32>,
        %parallel_loop3A_617 = arith.constant 48 : i32
        %parallel_loop3A_618 = arith.addi %parallel_loop3A_589, %parallel_loop3A_617 : i32
        %parallel_loop3A_619 = arith.index_cast %parallel_loop3A_618 : i32 to index
        %parallel_loop3A_620 = tpu.vector_load %arg5[%parallel_loop3A_619] {strides = array<i32>} : memref<64000xf32, #tpu.memory_space<vmem>>, vector<16xf32>,
        %parallel_loop3A_621 = arith.index_cast %parallel_loop3A_595 : i32 to index
        %parallel_loop3A_622 = arith.constant 48 : index
        %parallel_loop3A_623 = tpu.vector_load %arg9[%parallel_loop3A_621, %parallel_loop3A_622] {strides = array<i32>} : memref<128x128xf32, #tpu.memory_space<vmem>>, vector<16xf32>,
        tpu.vector_store %arg9[%parallel_loop3A_621, %parallel_loop3A_622], %parallel_loop3A_620 {strides = array<i32>} : memref<128x128xf32, #tpu.memory_space<vmem>>, vector<16xf32>,
        %parallel_loop3A_624 = arith.constant 0 : i32
        %parallel_loop3A_625 = arith.addi %parallel_loop3A_591, %parallel_loop3A_624 : i32
        %parallel_loop3A_626 = arith.index_cast %parallel_loop3A_625 : i32 to index
        %parallel_loop3A_627 = tpu.vector_load %arg5[%parallel_loop3A_626] {strides = array<i32>} : memref<64000xf32, #tpu.memory_space<vmem>>, vector<16xf32>,
        %parallel_loop3A_628 = arith.index_cast %parallel_loop3A_595 : i32 to index
        %parallel_loop3A_629 = arith.constant 64 : index
        %parallel_loop3A_630 = tpu.vector_load %arg9[%parallel_loop3A_628, %parallel_loop3A_629] {strides = array<i32>} : memref<128x128xf32, #tpu.memory_space<vmem>>, vector<16xf32>,
        tpu.vector_store %arg9[%parallel_loop3A_628, %parallel_loop3A_629], %parallel_loop3A_627 {strides = array<i32>} : memref<128x128xf32, #tpu.memory_space<vmem>>, vector<16xf32>,
        %parallel_loop3A_631 = arith.constant 16 : i32
        %parallel_loop3A_632 = arith.addi %parallel_loop3A_591, %parallel_loop3A_631 : i32
        %parallel_loop3A_633 = arith.index_cast %parallel_loop3A_632 : i32 to index
        %parallel_loop3A_634 = tpu.vector_load %arg5[%parallel_loop3A_633] {strides = array<i32>} : memref<64000xf32, #tpu.memory_space<vmem>>, vector<16xf32>,
        %parallel_loop3A_635 = arith.index_cast %parallel_loop3A_595 : i32 to index
        %parallel_loop3A_636 = arith.constant 80 : index
        %parallel_loop3A_637 = tpu.vector_load %arg9[%parallel_loop3A_635, %parallel_loop3A_636] {strides = array<i32>} : memref<128x128xf32, #tpu.memory_space<vmem>>, vector<16xf32>,
        tpu.vector_store %arg9[%parallel_loop3A_635, %parallel_loop3A_636], %parallel_loop3A_634 {strides = array<i32>} : memref<128x128xf32, #tpu.memory_space<vmem>>, vector<16xf32>,
        %parallel_loop3A_638 = arith.constant 32 : i32
        %parallel_loop3A_639 = arith.addi %parallel_loop3A_591, %parallel_loop3A_638 : i32
        %parallel_loop3A_640 = arith.index_cast %parallel_loop3A_639 : i32 to index
        %parallel_loop3A_641 = tpu.vector_load %arg5[%parallel_loop3A_640] {strides = array<i32>} : memref<64000xf32, #tpu.memory_space<vmem>>, vector<16xf32>,
        %parallel_loop3A_642 = arith.index_cast %parallel_loop3A_595 : i32 to index
        %parallel_loop3A_643 = arith.constant 96 : index
        %parallel_loop3A_644 = tpu.vector_load %arg9[%parallel_loop3A_642, %parallel_loop3A_643] {strides = array<i32>} : memref<128x128xf32, #tpu.memory_space<vmem>>, vector<16xf32>,
        tpu.vector_store %arg9[%parallel_loop3A_642, %parallel_loop3A_643], %parallel_loop3A_641 {strides = array<i32>} : memref<128x128xf32, #tpu.memory_space<vmem>>, vector<16xf32>,
        %parallel_loop3A_645 = arith.constant 48 : i32
        %parallel_loop3A_646 = arith.addi %parallel_loop3A_591, %parallel_loop3A_645 : i32
        %parallel_loop3A_647 = arith.index_cast %parallel_loop3A_646 : i32 to index
        %parallel_loop3A_648 = tpu.vector_load %arg5[%parallel_loop3A_647] {strides = array<i32>} : memref<64000xf32, #tpu.memory_space<vmem>>, vector<16xf32>,
        %parallel_loop3A_649 = arith.index_cast %parallel_loop3A_595 : i32 to index
        %parallel_loop3A_650 = arith.constant 112 : index
        %parallel_loop3A_651 = tpu.vector_load %arg9[%parallel_loop3A_649, %parallel_loop3A_650] {strides = array<i32>} : memref<128x128xf32, #tpu.memory_space<vmem>>, vector<16xf32>,
        tpu.vector_store %arg9[%parallel_loop3A_649, %parallel_loop3A_650], %parallel_loop3A_648 {strides = array<i32>} : memref<128x128xf32, #tpu.memory_space<vmem>>, vector<16xf32>,
        %parallel_loop3A_652 = vector.extract_strided_slice %parallel_loop3A_68 {offsets = [9], sizes = [1], strides = [1]} : vector<16xi32> to vector<1xi32>
        %parallel_loop3A_653 = vector.extract %parallel_loop3A_652[0] : i32 from vector<1xi32>
        %parallel_loop3A_654 = vector.extract_strided_slice %parallel_loop3A_75 {offsets = [9], sizes = [1], strides = [1]} : vector<16xi32> to vector<1xi32>
        %parallel_loop3A_655 = vector.extract %parallel_loop3A_654[0] : i32 from vector<1xi32>
        %parallel_loop3A_656 = arith.constant 16 : i32
        %parallel_loop3A_657 = arith.muli %parallel_loop3A_61, %parallel_loop3A_656 : i32
        %parallel_loop3A_658 = arith.constant 9 : i32
        %parallel_loop3A_659 = arith.addi %parallel_loop3A_657, %parallel_loop3A_658 : i32
        %parallel_loop3A_660 = arith.constant 0 : i32
        %parallel_loop3A_661 = arith.addi %parallel_loop3A_653, %parallel_loop3A_660 : i32
        %parallel_loop3A_662 = arith.index_cast %parallel_loop3A_661 : i32 to index
        %parallel_loop3A_663 = tpu.vector_load %arg5[%parallel_loop3A_662] {strides = array<i32>} : memref<64000xf32, #tpu.memory_space<vmem>>, vector<16xf32>,
        %parallel_loop3A_664 = arith.index_cast %parallel_loop3A_659 : i32 to index
        %parallel_loop3A_665 = arith.constant 0 : index
        %parallel_loop3A_666 = tpu.vector_load %arg9[%parallel_loop3A_664, %parallel_loop3A_665] {strides = array<i32>} : memref<128x128xf32, #tpu.memory_space<vmem>>, vector<16xf32>,
        tpu.vector_store %arg9[%parallel_loop3A_664, %parallel_loop3A_665], %parallel_loop3A_663 {strides = array<i32>} : memref<128x128xf32, #tpu.memory_space<vmem>>, vector<16xf32>,
        %parallel_loop3A_667 = arith.constant 16 : i32
        %parallel_loop3A_668 = arith.addi %parallel_loop3A_653, %parallel_loop3A_667 : i32
        %parallel_loop3A_669 = arith.index_cast %parallel_loop3A_668 : i32 to index
        %parallel_loop3A_670 = tpu.vector_load %arg5[%parallel_loop3A_669] {strides = array<i32>} : memref<64000xf32, #tpu.memory_space<vmem>>, vector<16xf32>,
        %parallel_loop3A_671 = arith.index_cast %parallel_loop3A_659 : i32 to index
        %parallel_loop3A_672 = arith.constant 16 : index
        %parallel_loop3A_673 = tpu.vector_load %arg9[%parallel_loop3A_671, %parallel_loop3A_672] {strides = array<i32>} : memref<128x128xf32, #tpu.memory_space<vmem>>, vector<16xf32>,
        tpu.vector_store %arg9[%parallel_loop3A_671, %parallel_loop3A_672], %parallel_loop3A_670 {strides = array<i32>} : memref<128x128xf32, #tpu.memory_space<vmem>>, vector<16xf32>,
        %parallel_loop3A_674 = arith.constant 32 : i32
        %parallel_loop3A_675 = arith.addi %parallel_loop3A_653, %parallel_loop3A_674 : i32
        %parallel_loop3A_676 = arith.index_cast %parallel_loop3A_675 : i32 to index
        %parallel_loop3A_677 = tpu.vector_load %arg5[%parallel_loop3A_676] {strides = array<i32>} : memref<64000xf32, #tpu.memory_space<vmem>>, vector<16xf32>,
        %parallel_loop3A_678 = arith.index_cast %parallel_loop3A_659 : i32 to index
        %parallel_loop3A_679 = arith.constant 32 : index
        %parallel_loop3A_680 = tpu.vector_load %arg9[%parallel_loop3A_678, %parallel_loop3A_679] {strides = array<i32>} : memref<128x128xf32, #tpu.memory_space<vmem>>, vector<16xf32>,
        tpu.vector_store %arg9[%parallel_loop3A_678, %parallel_loop3A_679], %parallel_loop3A_677 {strides = array<i32>} : memref<128x128xf32, #tpu.memory_space<vmem>>, vector<16xf32>,
        %parallel_loop3A_681 = arith.constant 48 : i32
        %parallel_loop3A_682 = arith.addi %parallel_loop3A_653, %parallel_loop3A_681 : i32
        %parallel_loop3A_683 = arith.index_cast %parallel_loop3A_682 : i32 to index
        %parallel_loop3A_684 = tpu.vector_load %arg5[%parallel_loop3A_683] {strides = array<i32>} : memref<64000xf32, #tpu.memory_space<vmem>>, vector<16xf32>,
        %parallel_loop3A_685 = arith.index_cast %parallel_loop3A_659 : i32 to index
        %parallel_loop3A_686 = arith.constant 48 : index
        %parallel_loop3A_687 = tpu.vector_load %arg9[%parallel_loop3A_685, %parallel_loop3A_686] {strides = array<i32>} : memref<128x128xf32, #tpu.memory_space<vmem>>, vector<16xf32>,
        tpu.vector_store %arg9[%parallel_loop3A_685, %parallel_loop3A_686], %parallel_loop3A_684 {strides = array<i32>} : memref<128x128xf32, #tpu.memory_space<vmem>>, vector<16xf32>,
        %parallel_loop3A_688 = arith.constant 0 : i32
        %parallel_loop3A_689 = arith.addi %parallel_loop3A_655, %parallel_loop3A_688 : i32
        %parallel_loop3A_690 = arith.index_cast %parallel_loop3A_689 : i32 to index
        %parallel_loop3A_691 = tpu.vector_load %arg5[%parallel_loop3A_690] {strides = array<i32>} : memref<64000xf32, #tpu.memory_space<vmem>>, vector<16xf32>,
        %parallel_loop3A_692 = arith.index_cast %parallel_loop3A_659 : i32 to index
        %parallel_loop3A_693 = arith.constant 64 : index
        %parallel_loop3A_694 = tpu.vector_load %arg9[%parallel_loop3A_692, %parallel_loop3A_693] {strides = array<i32>} : memref<128x128xf32, #tpu.memory_space<vmem>>, vector<16xf32>,
        tpu.vector_store %arg9[%parallel_loop3A_692, %parallel_loop3A_693], %parallel_loop3A_691 {strides = array<i32>} : memref<128x128xf32, #tpu.memory_space<vmem>>, vector<16xf32>,
        %parallel_loop3A_695 = arith.constant 16 : i32
        %parallel_loop3A_696 = arith.addi %parallel_loop3A_655, %parallel_loop3A_695 : i32
        %parallel_loop3A_697 = arith.index_cast %parallel_loop3A_696 : i32 to index
        %parallel_loop3A_698 = tpu.vector_load %arg5[%parallel_loop3A_697] {strides = array<i32>} : memref<64000xf32, #tpu.memory_space<vmem>>, vector<16xf32>,
        %parallel_loop3A_699 = arith.index_cast %parallel_loop3A_659 : i32 to index
        %parallel_loop3A_700 = arith.constant 80 : index
        %parallel_loop3A_701 = tpu.vector_load %arg9[%parallel_loop3A_699, %parallel_loop3A_700] {strides = array<i32>} : memref<128x128xf32, #tpu.memory_space<vmem>>, vector<16xf32>,
        tpu.vector_store %arg9[%parallel_loop3A_699, %parallel_loop3A_700], %parallel_loop3A_698 {strides = array<i32>} : memref<128x128xf32, #tpu.memory_space<vmem>>, vector<16xf32>,
        %parallel_loop3A_702 = arith.constant 32 : i32
        %parallel_loop3A_703 = arith.addi %parallel_loop3A_655, %parallel_loop3A_702 : i32
        %parallel_loop3A_704 = arith.index_cast %parallel_loop3A_703 : i32 to index
        %parallel_loop3A_705 = tpu.vector_load %arg5[%parallel_loop3A_704] {strides = array<i32>} : memref<64000xf32, #tpu.memory_space<vmem>>, vector<16xf32>,
        %parallel_loop3A_706 = arith.index_cast %parallel_loop3A_659 : i32 to index
        %parallel_loop3A_707 = arith.constant 96 : index
        %parallel_loop3A_708 = tpu.vector_load %arg9[%parallel_loop3A_706, %parallel_loop3A_707] {strides = array<i32>} : memref<128x128xf32, #tpu.memory_space<vmem>>, vector<16xf32>,
        tpu.vector_store %arg9[%parallel_loop3A_706, %parallel_loop3A_707], %parallel_loop3A_705 {strides = array<i32>} : memref<128x128xf32, #tpu.memory_space<vmem>>, vector<16xf32>,
        %parallel_loop3A_709 = arith.constant 48 : i32
        %parallel_loop3A_710 = arith.addi %parallel_loop3A_655, %parallel_loop3A_709 : i32
        %parallel_loop3A_711 = arith.index_cast %parallel_loop3A_710 : i32 to index
        %parallel_loop3A_712 = tpu.vector_load %arg5[%parallel_loop3A_711] {strides = array<i32>} : memref<64000xf32, #tpu.memory_space<vmem>>, vector<16xf32>,
        %parallel_loop3A_713 = arith.index_cast %parallel_loop3A_659 : i32 to index
        %parallel_loop3A_714 = arith.constant 112 : index
        %parallel_loop3A_715 = tpu.vector_load %arg9[%parallel_loop3A_713, %parallel_loop3A_714] {strides = array<i32>} : memref<128x128xf32, #tpu.memory_space<vmem>>, vector<16xf32>,
        tpu.vector_store %arg9[%parallel_loop3A_713, %parallel_loop3A_714], %parallel_loop3A_712 {strides = array<i32>} : memref<128x128xf32, #tpu.memory_space<vmem>>, vector<16xf32>,
        %parallel_loop3A_716 = vector.extract_strided_slice %parallel_loop3A_68 {offsets = [10], sizes = [1], strides = [1]} : vector<16xi32> to vector<1xi32>
        %parallel_loop3A_717 = vector.extract %parallel_loop3A_716[0] : i32 from vector<1xi32>
        %parallel_loop3A_718 = vector.extract_strided_slice %parallel_loop3A_75 {offsets = [10], sizes = [1], strides = [1]} : vector<16xi32> to vector<1xi32>
        %parallel_loop3A_719 = vector.extract %parallel_loop3A_718[0] : i32 from vector<1xi32>
        %parallel_loop3A_720 = arith.constant 16 : i32
        %parallel_loop3A_721 = arith.muli %parallel_loop3A_61, %parallel_loop3A_720 : i32
        %parallel_loop3A_722 = arith.constant 10 : i32
        %parallel_loop3A_723 = arith.addi %parallel_loop3A_721, %parallel_loop3A_722 : i32
        %parallel_loop3A_724 = arith.constant 0 : i32
        %parallel_loop3A_725 = arith.addi %parallel_loop3A_717, %parallel_loop3A_724 : i32
        %parallel_loop3A_726 = arith.index_cast %parallel_loop3A_725 : i32 to index
        %parallel_loop3A_727 = tpu.vector_load %arg5[%parallel_loop3A_726] {strides = array<i32>} : memref<64000xf32, #tpu.memory_space<vmem>>, vector<16xf32>,
        %parallel_loop3A_728 = arith.index_cast %parallel_loop3A_723 : i32 to index
        %parallel_loop3A_729 = arith.constant 0 : index
        %parallel_loop3A_730 = tpu.vector_load %arg9[%parallel_loop3A_728, %parallel_loop3A_729] {strides = array<i32>} : memref<128x128xf32, #tpu.memory_space<vmem>>, vector<16xf32>,
        tpu.vector_store %arg9[%parallel_loop3A_728, %parallel_loop3A_729], %parallel_loop3A_727 {strides = array<i32>} : memref<128x128xf32, #tpu.memory_space<vmem>>, vector<16xf32>,
        %parallel_loop3A_731 = arith.constant 16 : i32
        %parallel_loop3A_732 = arith.addi %parallel_loop3A_717, %parallel_loop3A_731 : i32
        %parallel_loop3A_733 = arith.index_cast %parallel_loop3A_732 : i32 to index
        %parallel_loop3A_734 = tpu.vector_load %arg5[%parallel_loop3A_733] {strides = array<i32>} : memref<64000xf32, #tpu.memory_space<vmem>>, vector<16xf32>,
        %parallel_loop3A_735 = arith.index_cast %parallel_loop3A_723 : i32 to index
        %parallel_loop3A_736 = arith.constant 16 : index
        %parallel_loop3A_737 = tpu.vector_load %arg9[%parallel_loop3A_735, %parallel_loop3A_736] {strides = array<i32>} : memref<128x128xf32, #tpu.memory_space<vmem>>, vector<16xf32>,
        tpu.vector_store %arg9[%parallel_loop3A_735, %parallel_loop3A_736], %parallel_loop3A_734 {strides = array<i32>} : memref<128x128xf32, #tpu.memory_space<vmem>>, vector<16xf32>,
        %parallel_loop3A_738 = arith.constant 32 : i32
        %parallel_loop3A_739 = arith.addi %parallel_loop3A_717, %parallel_loop3A_738 : i32
        %parallel_loop3A_740 = arith.index_cast %parallel_loop3A_739 : i32 to index
        %parallel_loop3A_741 = tpu.vector_load %arg5[%parallel_loop3A_740] {strides = array<i32>} : memref<64000xf32, #tpu.memory_space<vmem>>, vector<16xf32>,
        %parallel_loop3A_742 = arith.index_cast %parallel_loop3A_723 : i32 to index
        %parallel_loop3A_743 = arith.constant 32 : index
        %parallel_loop3A_744 = tpu.vector_load %arg9[%parallel_loop3A_742, %parallel_loop3A_743] {strides = array<i32>} : memref<128x128xf32, #tpu.memory_space<vmem>>, vector<16xf32>,
        tpu.vector_store %arg9[%parallel_loop3A_742, %parallel_loop3A_743], %parallel_loop3A_741 {strides = array<i32>} : memref<128x128xf32, #tpu.memory_space<vmem>>, vector<16xf32>,
        %parallel_loop3A_745 = arith.constant 48 : i32
        %parallel_loop3A_746 = arith.addi %parallel_loop3A_717, %parallel_loop3A_745 : i32
        %parallel_loop3A_747 = arith.index_cast %parallel_loop3A_746 : i32 to index
        %parallel_loop3A_748 = tpu.vector_load %arg5[%parallel_loop3A_747] {strides = array<i32>} : memref<64000xf32, #tpu.memory_space<vmem>>, vector<16xf32>,
        %parallel_loop3A_749 = arith.index_cast %parallel_loop3A_723 : i32 to index
        %parallel_loop3A_750 = arith.constant 48 : index
        %parallel_loop3A_751 = tpu.vector_load %arg9[%parallel_loop3A_749, %parallel_loop3A_750] {strides = array<i32>} : memref<128x128xf32, #tpu.memory_space<vmem>>, vector<16xf32>,
        tpu.vector_store %arg9[%parallel_loop3A_749, %parallel_loop3A_750], %parallel_loop3A_748 {strides = array<i32>} : memref<128x128xf32, #tpu.memory_space<vmem>>, vector<16xf32>,
        %parallel_loop3A_752 = arith.constant 0 : i32
        %parallel_loop3A_753 = arith.addi %parallel_loop3A_719, %parallel_loop3A_752 : i32
        %parallel_loop3A_754 = arith.index_cast %parallel_loop3A_753 : i32 to index
        %parallel_loop3A_755 = tpu.vector_load %arg5[%parallel_loop3A_754] {strides = array<i32>} : memref<64000xf32, #tpu.memory_space<vmem>>, vector<16xf32>,
        %parallel_loop3A_756 = arith.index_cast %parallel_loop3A_723 : i32 to index
        %parallel_loop3A_757 = arith.constant 64 : index
        %parallel_loop3A_758 = tpu.vector_load %arg9[%parallel_loop3A_756, %parallel_loop3A_757] {strides = array<i32>} : memref<128x128xf32, #tpu.memory_space<vmem>>, vector<16xf32>,
        tpu.vector_store %arg9[%parallel_loop3A_756, %parallel_loop3A_757], %parallel_loop3A_755 {strides = array<i32>} : memref<128x128xf32, #tpu.memory_space<vmem>>, vector<16xf32>,
        %parallel_loop3A_759 = arith.constant 16 : i32
        %parallel_loop3A_760 = arith.addi %parallel_loop3A_719, %parallel_loop3A_759 : i32
        %parallel_loop3A_761 = arith.index_cast %parallel_loop3A_760 : i32 to index
        %parallel_loop3A_762 = tpu.vector_load %arg5[%parallel_loop3A_761] {strides = array<i32>} : memref<64000xf32, #tpu.memory_space<vmem>>, vector<16xf32>,
        %parallel_loop3A_763 = arith.index_cast %parallel_loop3A_723 : i32 to index
        %parallel_loop3A_764 = arith.constant 80 : index
        %parallel_loop3A_765 = tpu.vector_load %arg9[%parallel_loop3A_763, %parallel_loop3A_764] {strides = array<i32>} : memref<128x128xf32, #tpu.memory_space<vmem>>, vector<16xf32>,
        tpu.vector_store %arg9[%parallel_loop3A_763, %parallel_loop3A_764], %parallel_loop3A_762 {strides = array<i32>} : memref<128x128xf32, #tpu.memory_space<vmem>>, vector<16xf32>,
        %parallel_loop3A_766 = arith.constant 32 : i32
        %parallel_loop3A_767 = arith.addi %parallel_loop3A_719, %parallel_loop3A_766 : i32
        %parallel_loop3A_768 = arith.index_cast %parallel_loop3A_767 : i32 to index
        %parallel_loop3A_769 = tpu.vector_load %arg5[%parallel_loop3A_768] {strides = array<i32>} : memref<64000xf32, #tpu.memory_space<vmem>>, vector<16xf32>,
        %parallel_loop3A_770 = arith.index_cast %parallel_loop3A_723 : i32 to index
        %parallel_loop3A_771 = arith.constant 96 : index
        %parallel_loop3A_772 = tpu.vector_load %arg9[%parallel_loop3A_770, %parallel_loop3A_771] {strides = array<i32>} : memref<128x128xf32, #tpu.memory_space<vmem>>, vector<16xf32>,
        tpu.vector_store %arg9[%parallel_loop3A_770, %parallel_loop3A_771], %parallel_loop3A_769 {strides = array<i32>} : memref<128x128xf32, #tpu.memory_space<vmem>>, vector<16xf32>,
        %parallel_loop3A_773 = arith.constant 48 : i32
        %parallel_loop3A_774 = arith.addi %parallel_loop3A_719, %parallel_loop3A_773 : i32
        %parallel_loop3A_775 = arith.index_cast %parallel_loop3A_774 : i32 to index
        %parallel_loop3A_776 = tpu.vector_load %arg5[%parallel_loop3A_775] {strides = array<i32>} : memref<64000xf32, #tpu.memory_space<vmem>>, vector<16xf32>,
        %parallel_loop3A_777 = arith.index_cast %parallel_loop3A_723 : i32 to index
        %parallel_loop3A_778 = arith.constant 112 : index
        %parallel_loop3A_779 = tpu.vector_load %arg9[%parallel_loop3A_777, %parallel_loop3A_778] {strides = array<i32>} : memref<128x128xf32, #tpu.memory_space<vmem>>, vector<16xf32>,
        tpu.vector_store %arg9[%parallel_loop3A_777, %parallel_loop3A_778], %parallel_loop3A_776 {strides = array<i32>} : memref<128x128xf32, #tpu.memory_space<vmem>>, vector<16xf32>,
        %parallel_loop3A_780 = vector.extract_strided_slice %parallel_loop3A_68 {offsets = [11], sizes = [1], strides = [1]} : vector<16xi32> to vector<1xi32>
        %parallel_loop3A_781 = vector.extract %parallel_loop3A_780[0] : i32 from vector<1xi32>
        %parallel_loop3A_782 = vector.extract_strided_slice %parallel_loop3A_75 {offsets = [11], sizes = [1], strides = [1]} : vector<16xi32> to vector<1xi32>
        %parallel_loop3A_783 = vector.extract %parallel_loop3A_782[0] : i32 from vector<1xi32>
        %parallel_loop3A_784 = arith.constant 16 : i32
        %parallel_loop3A_785 = arith.muli %parallel_loop3A_61, %parallel_loop3A_784 : i32
        %parallel_loop3A_786 = arith.constant 11 : i32
        %parallel_loop3A_787 = arith.addi %parallel_loop3A_785, %parallel_loop3A_786 : i32
        %parallel_loop3A_788 = arith.constant 0 : i32
        %parallel_loop3A_789 = arith.addi %parallel_loop3A_781, %parallel_loop3A_788 : i32
        %parallel_loop3A_790 = arith.index_cast %parallel_loop3A_789 : i32 to index
        %parallel_loop3A_791 = tpu.vector_load %arg5[%parallel_loop3A_790] {strides = array<i32>} : memref<64000xf32, #tpu.memory_space<vmem>>, vector<16xf32>,
        %parallel_loop3A_792 = arith.index_cast %parallel_loop3A_787 : i32 to index
        %parallel_loop3A_793 = arith.constant 0 : index
        %parallel_loop3A_794 = tpu.vector_load %arg9[%parallel_loop3A_792, %parallel_loop3A_793] {strides = array<i32>} : memref<128x128xf32, #tpu.memory_space<vmem>>, vector<16xf32>,
        tpu.vector_store %arg9[%parallel_loop3A_792, %parallel_loop3A_793], %parallel_loop3A_791 {strides = array<i32>} : memref<128x128xf32, #tpu.memory_space<vmem>>, vector<16xf32>,
        %parallel_loop3A_795 = arith.constant 16 : i32
        %parallel_loop3A_796 = arith.addi %parallel_loop3A_781, %parallel_loop3A_795 : i32
        %parallel_loop3A_797 = arith.index_cast %parallel_loop3A_796 : i32 to index
        %parallel_loop3A_798 = tpu.vector_load %arg5[%parallel_loop3A_797] {strides = array<i32>} : memref<64000xf32, #tpu.memory_space<vmem>>, vector<16xf32>,
        %parallel_loop3A_799 = arith.index_cast %parallel_loop3A_787 : i32 to index
        %parallel_loop3A_800 = arith.constant 16 : index
        %parallel_loop3A_801 = tpu.vector_load %arg9[%parallel_loop3A_799, %parallel_loop3A_800] {strides = array<i32>} : memref<128x128xf32, #tpu.memory_space<vmem>>, vector<16xf32>,
        tpu.vector_store %arg9[%parallel_loop3A_799, %parallel_loop3A_800], %parallel_loop3A_798 {strides = array<i32>} : memref<128x128xf32, #tpu.memory_space<vmem>>, vector<16xf32>,
        %parallel_loop3A_802 = arith.constant 32 : i32
        %parallel_loop3A_803 = arith.addi %parallel_loop3A_781, %parallel_loop3A_802 : i32
        %parallel_loop3A_804 = arith.index_cast %parallel_loop3A_803 : i32 to index
        %parallel_loop3A_805 = tpu.vector_load %arg5[%parallel_loop3A_804] {strides = array<i32>} : memref<64000xf32, #tpu.memory_space<vmem>>, vector<16xf32>,
        %parallel_loop3A_806 = arith.index_cast %parallel_loop3A_787 : i32 to index
        %parallel_loop3A_807 = arith.constant 32 : index
        %parallel_loop3A_808 = tpu.vector_load %arg9[%parallel_loop3A_806, %parallel_loop3A_807] {strides = array<i32>} : memref<128x128xf32, #tpu.memory_space<vmem>>, vector<16xf32>,
        tpu.vector_store %arg9[%parallel_loop3A_806, %parallel_loop3A_807], %parallel_loop3A_805 {strides = array<i32>} : memref<128x128xf32, #tpu.memory_space<vmem>>, vector<16xf32>,
        %parallel_loop3A_809 = arith.constant 48 : i32
        %parallel_loop3A_810 = arith.addi %parallel_loop3A_781, %parallel_loop3A_809 : i32
        %parallel_loop3A_811 = arith.index_cast %parallel_loop3A_810 : i32 to index
        %parallel_loop3A_812 = tpu.vector_load %arg5[%parallel_loop3A_811] {strides = array<i32>} : memref<64000xf32, #tpu.memory_space<vmem>>, vector<16xf32>,
        %parallel_loop3A_813 = arith.index_cast %parallel_loop3A_787 : i32 to index
        %parallel_loop3A_814 = arith.constant 48 : index
        %parallel_loop3A_815 = tpu.vector_load %arg9[%parallel_loop3A_813, %parallel_loop3A_814] {strides = array<i32>} : memref<128x128xf32, #tpu.memory_space<vmem>>, vector<16xf32>,
        tpu.vector_store %arg9[%parallel_loop3A_813, %parallel_loop3A_814], %parallel_loop3A_812 {strides = array<i32>} : memref<128x128xf32, #tpu.memory_space<vmem>>, vector<16xf32>,
        %parallel_loop3A_816 = arith.constant 0 : i32
        %parallel_loop3A_817 = arith.addi %parallel_loop3A_783, %parallel_loop3A_816 : i32
        %parallel_loop3A_818 = arith.index_cast %parallel_loop3A_817 : i32 to index
        %parallel_loop3A_819 = tpu.vector_load %arg5[%parallel_loop3A_818] {strides = array<i32>} : memref<64000xf32, #tpu.memory_space<vmem>>, vector<16xf32>,
        %parallel_loop3A_820 = arith.index_cast %parallel_loop3A_787 : i32 to index
        %parallel_loop3A_821 = arith.constant 64 : index
        %parallel_loop3A_822 = tpu.vector_load %arg9[%parallel_loop3A_820, %parallel_loop3A_821] {strides = array<i32>} : memref<128x128xf32, #tpu.memory_space<vmem>>, vector<16xf32>,
        tpu.vector_store %arg9[%parallel_loop3A_820, %parallel_loop3A_821], %parallel_loop3A_819 {strides = array<i32>} : memref<128x128xf32, #tpu.memory_space<vmem>>, vector<16xf32>,
        %parallel_loop3A_823 = arith.constant 16 : i32
        %parallel_loop3A_824 = arith.addi %parallel_loop3A_783, %parallel_loop3A_823 : i32
        %parallel_loop3A_825 = arith.index_cast %parallel_loop3A_824 : i32 to index
        %parallel_loop3A_826 = tpu.vector_load %arg5[%parallel_loop3A_825] {strides = array<i32>} : memref<64000xf32, #tpu.memory_space<vmem>>, vector<16xf32>,
        %parallel_loop3A_827 = arith.index_cast %parallel_loop3A_787 : i32 to index
        %parallel_loop3A_828 = arith.constant 80 : index
        %parallel_loop3A_829 = tpu.vector_load %arg9[%parallel_loop3A_827, %parallel_loop3A_828] {strides = array<i32>} : memref<128x128xf32, #tpu.memory_space<vmem>>, vector<16xf32>,
        tpu.vector_store %arg9[%parallel_loop3A_827, %parallel_loop3A_828], %parallel_loop3A_826 {strides = array<i32>} : memref<128x128xf32, #tpu.memory_space<vmem>>, vector<16xf32>,
        %parallel_loop3A_830 = arith.constant 32 : i32
        %parallel_loop3A_831 = arith.addi %parallel_loop3A_783, %parallel_loop3A_830 : i32
        %parallel_loop3A_832 = arith.index_cast %parallel_loop3A_831 : i32 to index
        %parallel_loop3A_833 = tpu.vector_load %arg5[%parallel_loop3A_832] {strides = array<i32>} : memref<64000xf32, #tpu.memory_space<vmem>>, vector<16xf32>,
        %parallel_loop3A_834 = arith.index_cast %parallel_loop3A_787 : i32 to index
        %parallel_loop3A_835 = arith.constant 96 : index
        %parallel_loop3A_836 = tpu.vector_load %arg9[%parallel_loop3A_834, %parallel_loop3A_835] {strides = array<i32>} : memref<128x128xf32, #tpu.memory_space<vmem>>, vector<16xf32>,
        tpu.vector_store %arg9[%parallel_loop3A_834, %parallel_loop3A_835], %parallel_loop3A_833 {strides = array<i32>} : memref<128x128xf32, #tpu.memory_space<vmem>>, vector<16xf32>,
        %parallel_loop3A_837 = arith.constant 48 : i32
        %parallel_loop3A_838 = arith.addi %parallel_loop3A_783, %parallel_loop3A_837 : i32
        %parallel_loop3A_839 = arith.index_cast %parallel_loop3A_838 : i32 to index
        %parallel_loop3A_840 = tpu.vector_load %arg5[%parallel_loop3A_839] {strides = array<i32>} : memref<64000xf32, #tpu.memory_space<vmem>>, vector<16xf32>,
        %parallel_loop3A_841 = arith.index_cast %parallel_loop3A_787 : i32 to index
        %parallel_loop3A_842 = arith.constant 112 : index
        %parallel_loop3A_843 = tpu.vector_load %arg9[%parallel_loop3A_841, %parallel_loop3A_842] {strides = array<i32>} : memref<128x128xf32, #tpu.memory_space<vmem>>, vector<16xf32>,
        tpu.vector_store %arg9[%parallel_loop3A_841, %parallel_loop3A_842], %parallel_loop3A_840 {strides = array<i32>} : memref<128x128xf32, #tpu.memory_space<vmem>>, vector<16xf32>,
        %parallel_loop3A_844 = vector.extract_strided_slice %parallel_loop3A_68 {offsets = [12], sizes = [1], strides = [1]} : vector<16xi32> to vector<1xi32>
        %parallel_loop3A_845 = vector.extract %parallel_loop3A_844[0] : i32 from vector<1xi32>
        %parallel_loop3A_846 = vector.extract_strided_slice %parallel_loop3A_75 {offsets = [12], sizes = [1], strides = [1]} : vector<16xi32> to vector<1xi32>
        %parallel_loop3A_847 = vector.extract %parallel_loop3A_846[0] : i32 from vector<1xi32>
        %parallel_loop3A_848 = arith.constant 16 : i32
        %parallel_loop3A_849 = arith.muli %parallel_loop3A_61, %parallel_loop3A_848 : i32
        %parallel_loop3A_850 = arith.constant 12 : i32
        %parallel_loop3A_851 = arith.addi %parallel_loop3A_849, %parallel_loop3A_850 : i32
        %parallel_loop3A_852 = arith.constant 0 : i32
        %parallel_loop3A_853 = arith.addi %parallel_loop3A_845, %parallel_loop3A_852 : i32
        %parallel_loop3A_854 = arith.index_cast %parallel_loop3A_853 : i32 to index
        %parallel_loop3A_855 = tpu.vector_load %arg5[%parallel_loop3A_854] {strides = array<i32>} : memref<64000xf32, #tpu.memory_space<vmem>>, vector<16xf32>,
        %parallel_loop3A_856 = arith.index_cast %parallel_loop3A_851 : i32 to index
        %parallel_loop3A_857 = arith.constant 0 : index
        %parallel_loop3A_858 = tpu.vector_load %arg9[%parallel_loop3A_856, %parallel_loop3A_857] {strides = array<i32>} : memref<128x128xf32, #tpu.memory_space<vmem>>, vector<16xf32>,
        tpu.vector_store %arg9[%parallel_loop3A_856, %parallel_loop3A_857], %parallel_loop3A_855 {strides = array<i32>} : memref<128x128xf32, #tpu.memory_space<vmem>>, vector<16xf32>,
        %parallel_loop3A_859 = arith.constant 16 : i32
        %parallel_loop3A_860 = arith.addi %parallel_loop3A_845, %parallel_loop3A_859 : i32
        %parallel_loop3A_861 = arith.index_cast %parallel_loop3A_860 : i32 to index
        %parallel_loop3A_862 = tpu.vector_load %arg5[%parallel_loop3A_861] {strides = array<i32>} : memref<64000xf32, #tpu.memory_space<vmem>>, vector<16xf32>,
        %parallel_loop3A_863 = arith.index_cast %parallel_loop3A_851 : i32 to index
        %parallel_loop3A_864 = arith.constant 16 : index
        %parallel_loop3A_865 = tpu.vector_load %arg9[%parallel_loop3A_863, %parallel_loop3A_864] {strides = array<i32>} : memref<128x128xf32, #tpu.memory_space<vmem>>, vector<16xf32>,
        tpu.vector_store %arg9[%parallel_loop3A_863, %parallel_loop3A_864], %parallel_loop3A_862 {strides = array<i32>} : memref<128x128xf32, #tpu.memory_space<vmem>>, vector<16xf32>,
        %parallel_loop3A_866 = arith.constant 32 : i32
        %parallel_loop3A_867 = arith.addi %parallel_loop3A_845, %parallel_loop3A_866 : i32
        %parallel_loop3A_868 = arith.index_cast %parallel_loop3A_867 : i32 to index
        %parallel_loop3A_869 = tpu.vector_load %arg5[%parallel_loop3A_868] {strides = array<i32>} : memref<64000xf32, #tpu.memory_space<vmem>>, vector<16xf32>,
        %parallel_loop3A_870 = arith.index_cast %parallel_loop3A_851 : i32 to index
        %parallel_loop3A_871 = arith.constant 32 : index
        %parallel_loop3A_872 = tpu.vector_load %arg9[%parallel_loop3A_870, %parallel_loop3A_871] {strides = array<i32>} : memref<128x128xf32, #tpu.memory_space<vmem>>, vector<16xf32>,
        tpu.vector_store %arg9[%parallel_loop3A_870, %parallel_loop3A_871], %parallel_loop3A_869 {strides = array<i32>} : memref<128x128xf32, #tpu.memory_space<vmem>>, vector<16xf32>,
        %parallel_loop3A_873 = arith.constant 48 : i32
        %parallel_loop3A_874 = arith.addi %parallel_loop3A_845, %parallel_loop3A_873 : i32
        %parallel_loop3A_875 = arith.index_cast %parallel_loop3A_874 : i32 to index
        %parallel_loop3A_876 = tpu.vector_load %arg5[%parallel_loop3A_875] {strides = array<i32>} : memref<64000xf32, #tpu.memory_space<vmem>>, vector<16xf32>,
        %parallel_loop3A_877 = arith.index_cast %parallel_loop3A_851 : i32 to index
        %parallel_loop3A_878 = arith.constant 48 : index
        %parallel_loop3A_879 = tpu.vector_load %arg9[%parallel_loop3A_877, %parallel_loop3A_878] {strides = array<i32>} : memref<128x128xf32, #tpu.memory_space<vmem>>, vector<16xf32>,
        tpu.vector_store %arg9[%parallel_loop3A_877, %parallel_loop3A_878], %parallel_loop3A_876 {strides = array<i32>} : memref<128x128xf32, #tpu.memory_space<vmem>>, vector<16xf32>,
        %parallel_loop3A_880 = arith.constant 0 : i32
        %parallel_loop3A_881 = arith.addi %parallel_loop3A_847, %parallel_loop3A_880 : i32
        %parallel_loop3A_882 = arith.index_cast %parallel_loop3A_881 : i32 to index
        %parallel_loop3A_883 = tpu.vector_load %arg5[%parallel_loop3A_882] {strides = array<i32>} : memref<64000xf32, #tpu.memory_space<vmem>>, vector<16xf32>,
        %parallel_loop3A_884 = arith.index_cast %parallel_loop3A_851 : i32 to index
        %parallel_loop3A_885 = arith.constant 64 : index
        %parallel_loop3A_886 = tpu.vector_load %arg9[%parallel_loop3A_884, %parallel_loop3A_885] {strides = array<i32>} : memref<128x128xf32, #tpu.memory_space<vmem>>, vector<16xf32>,
        tpu.vector_store %arg9[%parallel_loop3A_884, %parallel_loop3A_885], %parallel_loop3A_883 {strides = array<i32>} : memref<128x128xf32, #tpu.memory_space<vmem>>, vector<16xf32>,
        %parallel_loop3A_887 = arith.constant 16 : i32
        %parallel_loop3A_888 = arith.addi %parallel_loop3A_847, %parallel_loop3A_887 : i32
        %parallel_loop3A_889 = arith.index_cast %parallel_loop3A_888 : i32 to index
        %parallel_loop3A_890 = tpu.vector_load %arg5[%parallel_loop3A_889] {strides = array<i32>} : memref<64000xf32, #tpu.memory_space<vmem>>, vector<16xf32>,
        %parallel_loop3A_891 = arith.index_cast %parallel_loop3A_851 : i32 to index
        %parallel_loop3A_892 = arith.constant 80 : index
        %parallel_loop3A_893 = tpu.vector_load %arg9[%parallel_loop3A_891, %parallel_loop3A_892] {strides = array<i32>} : memref<128x128xf32, #tpu.memory_space<vmem>>, vector<16xf32>,
        tpu.vector_store %arg9[%parallel_loop3A_891, %parallel_loop3A_892], %parallel_loop3A_890 {strides = array<i32>} : memref<128x128xf32, #tpu.memory_space<vmem>>, vector<16xf32>,
        %parallel_loop3A_894 = arith.constant 32 : i32
        %parallel_loop3A_895 = arith.addi %parallel_loop3A_847, %parallel_loop3A_894 : i32
        %parallel_loop3A_896 = arith.index_cast %parallel_loop3A_895 : i32 to index
        %parallel_loop3A_897 = tpu.vector_load %arg5[%parallel_loop3A_896] {strides = array<i32>} : memref<64000xf32, #tpu.memory_space<vmem>>, vector<16xf32>,
        %parallel_loop3A_898 = arith.index_cast %parallel_loop3A_851 : i32 to index
        %parallel_loop3A_899 = arith.constant 96 : index
        %parallel_loop3A_900 = tpu.vector_load %arg9[%parallel_loop3A_898, %parallel_loop3A_899] {strides = array<i32>} : memref<128x128xf32, #tpu.memory_space<vmem>>, vector<16xf32>,
        tpu.vector_store %arg9[%parallel_loop3A_898, %parallel_loop3A_899], %parallel_loop3A_897 {strides = array<i32>} : memref<128x128xf32, #tpu.memory_space<vmem>>, vector<16xf32>,
        %parallel_loop3A_901 = arith.constant 48 : i32
        %parallel_loop3A_902 = arith.addi %parallel_loop3A_847, %parallel_loop3A_901 : i32
        %parallel_loop3A_903 = arith.index_cast %parallel_loop3A_902 : i32 to index
        %parallel_loop3A_904 = tpu.vector_load %arg5[%parallel_loop3A_903] {strides = array<i32>} : memref<64000xf32, #tpu.memory_space<vmem>>, vector<16xf32>,
        %parallel_loop3A_905 = arith.index_cast %parallel_loop3A_851 : i32 to index
        %parallel_loop3A_906 = arith.constant 112 : index
        %parallel_loop3A_907 = tpu.vector_load %arg9[%parallel_loop3A_905, %parallel_loop3A_906] {strides = array<i32>} : memref<128x128xf32, #tpu.memory_space<vmem>>, vector<16xf32>,
        tpu.vector_store %arg9[%parallel_loop3A_905, %parallel_loop3A_906], %parallel_loop3A_904 {strides = array<i32>} : memref<128x128xf32, #tpu.memory_space<vmem>>, vector<16xf32>,
        %parallel_loop3A_908 = vector.extract_strided_slice %parallel_loop3A_68 {offsets = [13], sizes = [1], strides = [1]} : vector<16xi32> to vector<1xi32>
        %parallel_loop3A_909 = vector.extract %parallel_loop3A_908[0] : i32 from vector<1xi32>
        %parallel_loop3A_910 = vector.extract_strided_slice %parallel_loop3A_75 {offsets = [13], sizes = [1], strides = [1]} : vector<16xi32> to vector<1xi32>
        %parallel_loop3A_911 = vector.extract %parallel_loop3A_910[0] : i32 from vector<1xi32>
        %parallel_loop3A_912 = arith.constant 16 : i32
        %parallel_loop3A_913 = arith.muli %parallel_loop3A_61, %parallel_loop3A_912 : i32
        %parallel_loop3A_914 = arith.constant 13 : i32
        %parallel_loop3A_915 = arith.addi %parallel_loop3A_913, %parallel_loop3A_914 : i32
        %parallel_loop3A_916 = arith.constant 0 : i32
        %parallel_loop3A_917 = arith.addi %parallel_loop3A_909, %parallel_loop3A_916 : i32
        %parallel_loop3A_918 = arith.index_cast %parallel_loop3A_917 : i32 to index
        %parallel_loop3A_919 = tpu.vector_load %arg5[%parallel_loop3A_918] {strides = array<i32>} : memref<64000xf32, #tpu.memory_space<vmem>>, vector<16xf32>,
        %parallel_loop3A_920 = arith.index_cast %parallel_loop3A_915 : i32 to index
        %parallel_loop3A_921 = arith.constant 0 : index
        %parallel_loop3A_922 = tpu.vector_load %arg9[%parallel_loop3A_920, %parallel_loop3A_921] {strides = array<i32>} : memref<128x128xf32, #tpu.memory_space<vmem>>, vector<16xf32>,
        tpu.vector_store %arg9[%parallel_loop3A_920, %parallel_loop3A_921], %parallel_loop3A_919 {strides = array<i32>} : memref<128x128xf32, #tpu.memory_space<vmem>>, vector<16xf32>,
        %parallel_loop3A_923 = arith.constant 16 : i32
        %parallel_loop3A_924 = arith.addi %parallel_loop3A_909, %parallel_loop3A_923 : i32
        %parallel_loop3A_925 = arith.index_cast %parallel_loop3A_924 : i32 to index
        %parallel_loop3A_926 = tpu.vector_load %arg5[%parallel_loop3A_925] {strides = array<i32>} : memref<64000xf32, #tpu.memory_space<vmem>>, vector<16xf32>,
        %parallel_loop3A_927 = arith.index_cast %parallel_loop3A_915 : i32 to index
        %parallel_loop3A_928 = arith.constant 16 : index
        %parallel_loop3A_929 = tpu.vector_load %arg9[%parallel_loop3A_927, %parallel_loop3A_928] {strides = array<i32>} : memref<128x128xf32, #tpu.memory_space<vmem>>, vector<16xf32>,
        tpu.vector_store %arg9[%parallel_loop3A_927, %parallel_loop3A_928], %parallel_loop3A_926 {strides = array<i32>} : memref<128x128xf32, #tpu.memory_space<vmem>>, vector<16xf32>,
        %parallel_loop3A_930 = arith.constant 32 : i32
        %parallel_loop3A_931 = arith.addi %parallel_loop3A_909, %parallel_loop3A_930 : i32
        %parallel_loop3A_932 = arith.index_cast %parallel_loop3A_931 : i32 to index
        %parallel_loop3A_933 = tpu.vector_load %arg5[%parallel_loop3A_932] {strides = array<i32>} : memref<64000xf32, #tpu.memory_space<vmem>>, vector<16xf32>,
        %parallel_loop3A_934 = arith.index_cast %parallel_loop3A_915 : i32 to index
        %parallel_loop3A_935 = arith.constant 32 : index
        %parallel_loop3A_936 = tpu.vector_load %arg9[%parallel_loop3A_934, %parallel_loop3A_935] {strides = array<i32>} : memref<128x128xf32, #tpu.memory_space<vmem>>, vector<16xf32>,
        tpu.vector_store %arg9[%parallel_loop3A_934, %parallel_loop3A_935], %parallel_loop3A_933 {strides = array<i32>} : memref<128x128xf32, #tpu.memory_space<vmem>>, vector<16xf32>,
        %parallel_loop3A_937 = arith.constant 48 : i32
        %parallel_loop3A_938 = arith.addi %parallel_loop3A_909, %parallel_loop3A_937 : i32
        %parallel_loop3A_939 = arith.index_cast %parallel_loop3A_938 : i32 to index
        %parallel_loop3A_940 = tpu.vector_load %arg5[%parallel_loop3A_939] {strides = array<i32>} : memref<64000xf32, #tpu.memory_space<vmem>>, vector<16xf32>,
        %parallel_loop3A_941 = arith.index_cast %parallel_loop3A_915 : i32 to index
        %parallel_loop3A_942 = arith.constant 48 : index
        %parallel_loop3A_943 = tpu.vector_load %arg9[%parallel_loop3A_941, %parallel_loop3A_942] {strides = array<i32>} : memref<128x128xf32, #tpu.memory_space<vmem>>, vector<16xf32>,
        tpu.vector_store %arg9[%parallel_loop3A_941, %parallel_loop3A_942], %parallel_loop3A_940 {strides = array<i32>} : memref<128x128xf32, #tpu.memory_space<vmem>>, vector<16xf32>,
        %parallel_loop3A_944 = arith.constant 0 : i32
        %parallel_loop3A_945 = arith.addi %parallel_loop3A_911, %parallel_loop3A_944 : i32
        %parallel_loop3A_946 = arith.index_cast %parallel_loop3A_945 : i32 to index
        %parallel_loop3A_947 = tpu.vector_load %arg5[%parallel_loop3A_946] {strides = array<i32>} : memref<64000xf32, #tpu.memory_space<vmem>>, vector<16xf32>,
        %parallel_loop3A_948 = arith.index_cast %parallel_loop3A_915 : i32 to index
        %parallel_loop3A_949 = arith.constant 64 : index
        %parallel_loop3A_950 = tpu.vector_load %arg9[%parallel_loop3A_948, %parallel_loop3A_949] {strides = array<i32>} : memref<128x128xf32, #tpu.memory_space<vmem>>, vector<16xf32>,
        tpu.vector_store %arg9[%parallel_loop3A_948, %parallel_loop3A_949], %parallel_loop3A_947 {strides = array<i32>} : memref<128x128xf32, #tpu.memory_space<vmem>>, vector<16xf32>,
        %parallel_loop3A_951 = arith.constant 16 : i32
        %parallel_loop3A_952 = arith.addi %parallel_loop3A_911, %parallel_loop3A_951 : i32
        %parallel_loop3A_953 = arith.index_cast %parallel_loop3A_952 : i32 to index
        %parallel_loop3A_954 = tpu.vector_load %arg5[%parallel_loop3A_953] {strides = array<i32>} : memref<64000xf32, #tpu.memory_space<vmem>>, vector<16xf32>,
        %parallel_loop3A_955 = arith.index_cast %parallel_loop3A_915 : i32 to index
        %parallel_loop3A_956 = arith.constant 80 : index
        %parallel_loop3A_957 = tpu.vector_load %arg9[%parallel_loop3A_955, %parallel_loop3A_956] {strides = array<i32>} : memref<128x128xf32, #tpu.memory_space<vmem>>, vector<16xf32>,
        tpu.vector_store %arg9[%parallel_loop3A_955, %parallel_loop3A_956], %parallel_loop3A_954 {strides = array<i32>} : memref<128x128xf32, #tpu.memory_space<vmem>>, vector<16xf32>,
        %parallel_loop3A_958 = arith.constant 32 : i32
        %parallel_loop3A_959 = arith.addi %parallel_loop3A_911, %parallel_loop3A_958 : i32
        %parallel_loop3A_960 = arith.index_cast %parallel_loop3A_959 : i32 to index
        %parallel_loop3A_961 = tpu.vector_load %arg5[%parallel_loop3A_960] {strides = array<i32>} : memref<64000xf32, #tpu.memory_space<vmem>>, vector<16xf32>,
        %parallel_loop3A_962 = arith.index_cast %parallel_loop3A_915 : i32 to index
        %parallel_loop3A_963 = arith.constant 96 : index
        %parallel_loop3A_964 = tpu.vector_load %arg9[%parallel_loop3A_962, %parallel_loop3A_963] {strides = array<i32>} : memref<128x128xf32, #tpu.memory_space<vmem>>, vector<16xf32>,
        tpu.vector_store %arg9[%parallel_loop3A_962, %parallel_loop3A_963], %parallel_loop3A_961 {strides = array<i32>} : memref<128x128xf32, #tpu.memory_space<vmem>>, vector<16xf32>,
        %parallel_loop3A_965 = arith.constant 48 : i32
        %parallel_loop3A_966 = arith.addi %parallel_loop3A_911, %parallel_loop3A_965 : i32
        %parallel_loop3A_967 = arith.index_cast %parallel_loop3A_966 : i32 to index
        %parallel_loop3A_968 = tpu.vector_load %arg5[%parallel_loop3A_967] {strides = array<i32>} : memref<64000xf32, #tpu.memory_space<vmem>>, vector<16xf32>,
        %parallel_loop3A_969 = arith.index_cast %parallel_loop3A_915 : i32 to index
        %parallel_loop3A_970 = arith.constant 112 : index
        %parallel_loop3A_971 = tpu.vector_load %arg9[%parallel_loop3A_969, %parallel_loop3A_970] {strides = array<i32>} : memref<128x128xf32, #tpu.memory_space<vmem>>, vector<16xf32>,
        tpu.vector_store %arg9[%parallel_loop3A_969, %parallel_loop3A_970], %parallel_loop3A_968 {strides = array<i32>} : memref<128x128xf32, #tpu.memory_space<vmem>>, vector<16xf32>,
        %parallel_loop3A_972 = vector.extract_strided_slice %parallel_loop3A_68 {offsets = [14], sizes = [1], strides = [1]} : vector<16xi32> to vector<1xi32>
        %parallel_loop3A_973 = vector.extract %parallel_loop3A_972[0] : i32 from vector<1xi32>
        %parallel_loop3A_974 = vector.extract_strided_slice %parallel_loop3A_75 {offsets = [14], sizes = [1], strides = [1]} : vector<16xi32> to vector<1xi32>
        %parallel_loop3A_975 = vector.extract %parallel_loop3A_974[0] : i32 from vector<1xi32>
        %parallel_loop3A_976 = arith.constant 16 : i32
        %parallel_loop3A_977 = arith.muli %parallel_loop3A_61, %parallel_loop3A_976 : i32
        %parallel_loop3A_978 = arith.constant 14 : i32
        %parallel_loop3A_979 = arith.addi %parallel_loop3A_977, %parallel_loop3A_978 : i32
        %parallel_loop3A_980 = arith.constant 0 : i32
        %parallel_loop3A_981 = arith.addi %parallel_loop3A_973, %parallel_loop3A_980 : i32
        %parallel_loop3A_982 = arith.index_cast %parallel_loop3A_981 : i32 to index
        %parallel_loop3A_983 = tpu.vector_load %arg5[%parallel_loop3A_982] {strides = array<i32>} : memref<64000xf32, #tpu.memory_space<vmem>>, vector<16xf32>,
        %parallel_loop3A_984 = arith.index_cast %parallel_loop3A_979 : i32 to index
        %parallel_loop3A_985 = arith.constant 0 : index
        %parallel_loop3A_986 = tpu.vector_load %arg9[%parallel_loop3A_984, %parallel_loop3A_985] {strides = array<i32>} : memref<128x128xf32, #tpu.memory_space<vmem>>, vector<16xf32>,
        tpu.vector_store %arg9[%parallel_loop3A_984, %parallel_loop3A_985], %parallel_loop3A_983 {strides = array<i32>} : memref<128x128xf32, #tpu.memory_space<vmem>>, vector<16xf32>,
        %parallel_loop3A_987 = arith.constant 16 : i32
        %parallel_loop3A_988 = arith.addi %parallel_loop3A_973, %parallel_loop3A_987 : i32
        %parallel_loop3A_989 = arith.index_cast %parallel_loop3A_988 : i32 to index
        %parallel_loop3A_990 = tpu.vector_load %arg5[%parallel_loop3A_989] {strides = array<i32>} : memref<64000xf32, #tpu.memory_space<vmem>>, vector<16xf32>,
        %parallel_loop3A_991 = arith.index_cast %parallel_loop3A_979 : i32 to index
        %parallel_loop3A_992 = arith.constant 16 : index
        %parallel_loop3A_993 = tpu.vector_load %arg9[%parallel_loop3A_991, %parallel_loop3A_992] {strides = array<i32>} : memref<128x128xf32, #tpu.memory_space<vmem>>, vector<16xf32>,
        tpu.vector_store %arg9[%parallel_loop3A_991, %parallel_loop3A_992], %parallel_loop3A_990 {strides = array<i32>} : memref<128x128xf32, #tpu.memory_space<vmem>>, vector<16xf32>,
        %parallel_loop3A_994 = arith.constant 32 : i32
        %parallel_loop3A_995 = arith.addi %parallel_loop3A_973, %parallel_loop3A_994 : i32
        %parallel_loop3A_996 = arith.index_cast %parallel_loop3A_995 : i32 to index
        %parallel_loop3A_997 = tpu.vector_load %arg5[%parallel_loop3A_996] {strides = array<i32>} : memref<64000xf32, #tpu.memory_space<vmem>>, vector<16xf32>,
        %parallel_loop3A_998 = arith.index_cast %parallel_loop3A_979 : i32 to index
        %parallel_loop3A_999 = arith.constant 32 : index
        %parallel_loop3A_1000 = tpu.vector_load %arg9[%parallel_loop3A_998, %parallel_loop3A_999] {strides = array<i32>} : memref<128x128xf32, #tpu.memory_space<vmem>>, vector<16xf32>,
        tpu.vector_store %arg9[%parallel_loop3A_998, %parallel_loop3A_999], %parallel_loop3A_997 {strides = array<i32>} : memref<128x128xf32, #tpu.memory_space<vmem>>, vector<16xf32>,
        %parallel_loop3A_1001 = arith.constant 48 : i32
        %parallel_loop3A_1002 = arith.addi %parallel_loop3A_973, %parallel_loop3A_1001 : i32
        %parallel_loop3A_1003 = arith.index_cast %parallel_loop3A_1002 : i32 to index
        %parallel_loop3A_1004 = tpu.vector_load %arg5[%parallel_loop3A_1003] {strides = array<i32>} : memref<64000xf32, #tpu.memory_space<vmem>>, vector<16xf32>,
        %parallel_loop3A_1005 = arith.index_cast %parallel_loop3A_979 : i32 to index
        %parallel_loop3A_1006 = arith.constant 48 : index
        %parallel_loop3A_1007 = tpu.vector_load %arg9[%parallel_loop3A_1005, %parallel_loop3A_1006] {strides = array<i32>} : memref<128x128xf32, #tpu.memory_space<vmem>>, vector<16xf32>,
        tpu.vector_store %arg9[%parallel_loop3A_1005, %parallel_loop3A_1006], %parallel_loop3A_1004 {strides = array<i32>} : memref<128x128xf32, #tpu.memory_space<vmem>>, vector<16xf32>,
        %parallel_loop3A_1008 = arith.constant 0 : i32
        %parallel_loop3A_1009 = arith.addi %parallel_loop3A_975, %parallel_loop3A_1008 : i32
        %parallel_loop3A_1010 = arith.index_cast %parallel_loop3A_1009 : i32 to index
        %parallel_loop3A_1011 = tpu.vector_load %arg5[%parallel_loop3A_1010] {strides = array<i32>} : memref<64000xf32, #tpu.memory_space<vmem>>, vector<16xf32>,
        %parallel_loop3A_1012 = arith.index_cast %parallel_loop3A_979 : i32 to index
        %parallel_loop3A_1013 = arith.constant 64 : index
        %parallel_loop3A_1014 = tpu.vector_load %arg9[%parallel_loop3A_1012, %parallel_loop3A_1013] {strides = array<i32>} : memref<128x128xf32, #tpu.memory_space<vmem>>, vector<16xf32>,
        tpu.vector_store %arg9[%parallel_loop3A_1012, %parallel_loop3A_1013], %parallel_loop3A_1011 {strides = array<i32>} : memref<128x128xf32, #tpu.memory_space<vmem>>, vector<16xf32>,
        %parallel_loop3A_1015 = arith.constant 16 : i32
        %parallel_loop3A_1016 = arith.addi %parallel_loop3A_975, %parallel_loop3A_1015 : i32
        %parallel_loop3A_1017 = arith.index_cast %parallel_loop3A_1016 : i32 to index
        %parallel_loop3A_1018 = tpu.vector_load %arg5[%parallel_loop3A_1017] {strides = array<i32>} : memref<64000xf32, #tpu.memory_space<vmem>>, vector<16xf32>,
        %parallel_loop3A_1019 = arith.index_cast %parallel_loop3A_979 : i32 to index
        %parallel_loop3A_1020 = arith.constant 80 : index
        %parallel_loop3A_1021 = tpu.vector_load %arg9[%parallel_loop3A_1019, %parallel_loop3A_1020] {strides = array<i32>} : memref<128x128xf32, #tpu.memory_space<vmem>>, vector<16xf32>,
        tpu.vector_store %arg9[%parallel_loop3A_1019, %parallel_loop3A_1020], %parallel_loop3A_1018 {strides = array<i32>} : memref<128x128xf32, #tpu.memory_space<vmem>>, vector<16xf32>,
        %parallel_loop3A_1022 = arith.constant 32 : i32
        %parallel_loop3A_1023 = arith.addi %parallel_loop3A_975, %parallel_loop3A_1022 : i32
        %parallel_loop3A_1024 = arith.index_cast %parallel_loop3A_1023 : i32 to index
        %parallel_loop3A_1025 = tpu.vector_load %arg5[%parallel_loop3A_1024] {strides = array<i32>} : memref<64000xf32, #tpu.memory_space<vmem>>, vector<16xf32>,
        %parallel_loop3A_1026 = arith.index_cast %parallel_loop3A_979 : i32 to index
        %parallel_loop3A_1027 = arith.constant 96 : index
        %parallel_loop3A_1028 = tpu.vector_load %arg9[%parallel_loop3A_1026, %parallel_loop3A_1027] {strides = array<i32>} : memref<128x128xf32, #tpu.memory_space<vmem>>, vector<16xf32>,
        tpu.vector_store %arg9[%parallel_loop3A_1026, %parallel_loop3A_1027], %parallel_loop3A_1025 {strides = array<i32>} : memref<128x128xf32, #tpu.memory_space<vmem>>, vector<16xf32>,
        %parallel_loop3A_1029 = arith.constant 48 : i32
        %parallel_loop3A_1030 = arith.addi %parallel_loop3A_975, %parallel_loop3A_1029 : i32
        %parallel_loop3A_1031 = arith.index_cast %parallel_loop3A_1030 : i32 to index
        %parallel_loop3A_1032 = tpu.vector_load %arg5[%parallel_loop3A_1031] {strides = array<i32>} : memref<64000xf32, #tpu.memory_space<vmem>>, vector<16xf32>,
        %parallel_loop3A_1033 = arith.index_cast %parallel_loop3A_979 : i32 to index
        %parallel_loop3A_1034 = arith.constant 112 : index
        %parallel_loop3A_1035 = tpu.vector_load %arg9[%parallel_loop3A_1033, %parallel_loop3A_1034] {strides = array<i32>} : memref<128x128xf32, #tpu.memory_space<vmem>>, vector<16xf32>,
        tpu.vector_store %arg9[%parallel_loop3A_1033, %parallel_loop3A_1034], %parallel_loop3A_1032 {strides = array<i32>} : memref<128x128xf32, #tpu.memory_space<vmem>>, vector<16xf32>,
        %parallel_loop3A_1036 = vector.extract_strided_slice %parallel_loop3A_68 {offsets = [15], sizes = [1], strides = [1]} : vector<16xi32> to vector<1xi32>
        %parallel_loop3A_1037 = vector.extract %parallel_loop3A_1036[0] : i32 from vector<1xi32>
        %parallel_loop3A_1038 = vector.extract_strided_slice %parallel_loop3A_75 {offsets = [15], sizes = [1], strides = [1]} : vector<16xi32> to vector<1xi32>
        %parallel_loop3A_1039 = vector.extract %parallel_loop3A_1038[0] : i32 from vector<1xi32>
        %parallel_loop3A_1040 = arith.constant 16 : i32
        %parallel_loop3A_1041 = arith.muli %parallel_loop3A_61, %parallel_loop3A_1040 : i32
        %parallel_loop3A_1042 = arith.constant 15 : i32
        %parallel_loop3A_1043 = arith.addi %parallel_loop3A_1041, %parallel_loop3A_1042 : i32
        %parallel_loop3A_1044 = arith.constant 0 : i32
        %parallel_loop3A_1045 = arith.addi %parallel_loop3A_1037, %parallel_loop3A_1044 : i32
        %parallel_loop3A_1046 = arith.index_cast %parallel_loop3A_1045 : i32 to index
        %parallel_loop3A_1047 = tpu.vector_load %arg5[%parallel_loop3A_1046] {strides = array<i32>} : memref<64000xf32, #tpu.memory_space<vmem>>, vector<16xf32>,
        %parallel_loop3A_1048 = arith.index_cast %parallel_loop3A_1043 : i32 to index
        %parallel_loop3A_1049 = arith.constant 0 : index
        %parallel_loop3A_1050 = tpu.vector_load %arg9[%parallel_loop3A_1048, %parallel_loop3A_1049] {strides = array<i32>} : memref<128x128xf32, #tpu.memory_space<vmem>>, vector<16xf32>,
        tpu.vector_store %arg9[%parallel_loop3A_1048, %parallel_loop3A_1049], %parallel_loop3A_1047 {strides = array<i32>} : memref<128x128xf32, #tpu.memory_space<vmem>>, vector<16xf32>,
        %parallel_loop3A_1051 = arith.constant 16 : i32
        %parallel_loop3A_1052 = arith.addi %parallel_loop3A_1037, %parallel_loop3A_1051 : i32
        %parallel_loop3A_1053 = arith.index_cast %parallel_loop3A_1052 : i32 to index
        %parallel_loop3A_1054 = tpu.vector_load %arg5[%parallel_loop3A_1053] {strides = array<i32>} : memref<64000xf32, #tpu.memory_space<vmem>>, vector<16xf32>,
        %parallel_loop3A_1055 = arith.index_cast %parallel_loop3A_1043 : i32 to index
        %parallel_loop3A_1056 = arith.constant 16 : index
        %parallel_loop3A_1057 = tpu.vector_load %arg9[%parallel_loop3A_1055, %parallel_loop3A_1056] {strides = array<i32>} : memref<128x128xf32, #tpu.memory_space<vmem>>, vector<16xf32>,
        tpu.vector_store %arg9[%parallel_loop3A_1055, %parallel_loop3A_1056], %parallel_loop3A_1054 {strides = array<i32>} : memref<128x128xf32, #tpu.memory_space<vmem>>, vector<16xf32>,
        %parallel_loop3A_1058 = arith.constant 32 : i32
        %parallel_loop3A_1059 = arith.addi %parallel_loop3A_1037, %parallel_loop3A_1058 : i32
        %parallel_loop3A_1060 = arith.index_cast %parallel_loop3A_1059 : i32 to index
        %parallel_loop3A_1061 = tpu.vector_load %arg5[%parallel_loop3A_1060] {strides = array<i32>} : memref<64000xf32, #tpu.memory_space<vmem>>, vector<16xf32>,
        %parallel_loop3A_1062 = arith.index_cast %parallel_loop3A_1043 : i32 to index
        %parallel_loop3A_1063 = arith.constant 32 : index
        %parallel_loop3A_1064 = tpu.vector_load %arg9[%parallel_loop3A_1062, %parallel_loop3A_1063] {strides = array<i32>} : memref<128x128xf32, #tpu.memory_space<vmem>>, vector<16xf32>,
        tpu.vector_store %arg9[%parallel_loop3A_1062, %parallel_loop3A_1063], %parallel_loop3A_1061 {strides = array<i32>} : memref<128x128xf32, #tpu.memory_space<vmem>>, vector<16xf32>,
        %parallel_loop3A_1065 = arith.constant 48 : i32
        %parallel_loop3A_1066 = arith.addi %parallel_loop3A_1037, %parallel_loop3A_1065 : i32
        %parallel_loop3A_1067 = arith.index_cast %parallel_loop3A_1066 : i32 to index
        %parallel_loop3A_1068 = tpu.vector_load %arg5[%parallel_loop3A_1067] {strides = array<i32>} : memref<64000xf32, #tpu.memory_space<vmem>>, vector<16xf32>,
        %parallel_loop3A_1069 = arith.index_cast %parallel_loop3A_1043 : i32 to index
        %parallel_loop3A_1070 = arith.constant 48 : index
        %parallel_loop3A_1071 = tpu.vector_load %arg9[%parallel_loop3A_1069, %parallel_loop3A_1070] {strides = array<i32>} : memref<128x128xf32, #tpu.memory_space<vmem>>, vector<16xf32>,
        tpu.vector_store %arg9[%parallel_loop3A_1069, %parallel_loop3A_1070], %parallel_loop3A_1068 {strides = array<i32>} : memref<128x128xf32, #tpu.memory_space<vmem>>, vector<16xf32>,
        %parallel_loop3A_1072 = arith.constant 0 : i32
        %parallel_loop3A_1073 = arith.addi %parallel_loop3A_1039, %parallel_loop3A_1072 : i32
        %parallel_loop3A_1074 = arith.index_cast %parallel_loop3A_1073 : i32 to index
        %parallel_loop3A_1075 = tpu.vector_load %arg5[%parallel_loop3A_1074] {strides = array<i32>} : memref<64000xf32, #tpu.memory_space<vmem>>, vector<16xf32>,
        %parallel_loop3A_1076 = arith.index_cast %parallel_loop3A_1043 : i32 to index
        %parallel_loop3A_1077 = arith.constant 64 : index
        %parallel_loop3A_1078 = tpu.vector_load %arg9[%parallel_loop3A_1076, %parallel_loop3A_1077] {strides = array<i32>} : memref<128x128xf32, #tpu.memory_space<vmem>>, vector<16xf32>,
        tpu.vector_store %arg9[%parallel_loop3A_1076, %parallel_loop3A_1077], %parallel_loop3A_1075 {strides = array<i32>} : memref<128x128xf32, #tpu.memory_space<vmem>>, vector<16xf32>,
        %parallel_loop3A_1079 = arith.constant 16 : i32
        %parallel_loop3A_1080 = arith.addi %parallel_loop3A_1039, %parallel_loop3A_1079 : i32
        %parallel_loop3A_1081 = arith.index_cast %parallel_loop3A_1080 : i32 to index
        %parallel_loop3A_1082 = tpu.vector_load %arg5[%parallel_loop3A_1081] {strides = array<i32>} : memref<64000xf32, #tpu.memory_space<vmem>>, vector<16xf32>,
        %parallel_loop3A_1083 = arith.index_cast %parallel_loop3A_1043 : i32 to index
        %parallel_loop3A_1084 = arith.constant 80 : index
        %parallel_loop3A_1085 = tpu.vector_load %arg9[%parallel_loop3A_1083, %parallel_loop3A_1084] {strides = array<i32>} : memref<128x128xf32, #tpu.memory_space<vmem>>, vector<16xf32>,
        tpu.vector_store %arg9[%parallel_loop3A_1083, %parallel_loop3A_1084], %parallel_loop3A_1082 {strides = array<i32>} : memref<128x128xf32, #tpu.memory_space<vmem>>, vector<16xf32>,
        %parallel_loop3A_1086 = arith.constant 32 : i32
        %parallel_loop3A_1087 = arith.addi %parallel_loop3A_1039, %parallel_loop3A_1086 : i32
        %parallel_loop3A_1088 = arith.index_cast %parallel_loop3A_1087 : i32 to index
        %parallel_loop3A_1089 = tpu.vector_load %arg5[%parallel_loop3A_1088] {strides = array<i32>} : memref<64000xf32, #tpu.memory_space<vmem>>, vector<16xf32>,
        %parallel_loop3A_1090 = arith.index_cast %parallel_loop3A_1043 : i32 to index
        %parallel_loop3A_1091 = arith.constant 96 : index
        %parallel_loop3A_1092 = tpu.vector_load %arg9[%parallel_loop3A_1090, %parallel_loop3A_1091] {strides = array<i32>} : memref<128x128xf32, #tpu.memory_space<vmem>>, vector<16xf32>,
        tpu.vector_store %arg9[%parallel_loop3A_1090, %parallel_loop3A_1091], %parallel_loop3A_1089 {strides = array<i32>} : memref<128x128xf32, #tpu.memory_space<vmem>>, vector<16xf32>,
        %parallel_loop3A_1093 = arith.constant 48 : i32
        %parallel_loop3A_1094 = arith.addi %parallel_loop3A_1039, %parallel_loop3A_1093 : i32
        %parallel_loop3A_1095 = arith.index_cast %parallel_loop3A_1094 : i32 to index
        %parallel_loop3A_1096 = tpu.vector_load %arg5[%parallel_loop3A_1095] {strides = array<i32>} : memref<64000xf32, #tpu.memory_space<vmem>>, vector<16xf32>,
        %parallel_loop3A_1097 = arith.index_cast %parallel_loop3A_1043 : i32 to index
        %parallel_loop3A_1098 = arith.constant 112 : index
        %parallel_loop3A_1099 = tpu.vector_load %arg9[%parallel_loop3A_1097, %parallel_loop3A_1098] {strides = array<i32>} : memref<128x128xf32, #tpu.memory_space<vmem>>, vector<16xf32>,
        tpu.vector_store %arg9[%parallel_loop3A_1097, %parallel_loop3A_1098], %parallel_loop3A_1096 {strides = array<i32>} : memref<128x128xf32, #tpu.memory_space<vmem>>, vector<16xf32>,
      } {sc.loop_unroll_factor = 2 : i64, sc.parallel_access}
      %mul3A_54 = arith.constant 128 : i32
      %mul3A_55 = arith.muli %add3A_45, %mul3A_54 : i32
      %add3A_56 = arith.addi %mul3A_2, %mul3A_55 : i32
      %dma_start3A_57 = arith.constant 0 : i32
      %dma_start3A_58 = tpu.memref_slice %arg4[%add3A_56, %dma_start3A_57] : memref<262144x128xf32, #tpu.memory_space<hbm>> -> memref<128x128xf32, #tpu.memory_space<hbm>>
      %dma_start3A_59 = arith.constant 0 : i32
      %dma_start3A_60 = tpu.memref_slice %arg4[%add3A_56, %dma_start3A_59] : memref<262144x128xf32, #tpu.memory_space<hbm>> -> memref<128x128xf32, #tpu.memory_space<hbm>>
      tpu.enqueue_dma source(%arg9 : memref<128x128xf32, #tpu.memory_space<vmem>>) target(%dma_start3A_60 : memref<128x128xf32, #tpu.memory_space<hbm>>) target_semaphore(%arg13 : memref<!tpu.dma_semaphore, #tpu.memory_space<semaphore_mem>>)
    }
    %scan3A_15 = arith.constant 32 : i32
    %add3A_16 = arith.constant 7936 : i32
    %add3A_17 = arith.addi %mul3A_2, %add3A_16 : i32
    %dma_wait3A_18 = arith.constant 0 : i32
    %dma_wait3A_19 = tpu.memref_slice %arg4[%add3A_17, %dma_wait3A_18] : memref<262144x128xf32, #tpu.memory_space<hbm>> -> memref<128x128xf32, #tpu.memory_space<hbm>>
    %dma_wait3A_20 = arith.constant 0 : i32
    %dma_wait3A_21 = tpu.memref_slice %arg4[%add3A_17, %dma_wait3A_20] : memref<262144x128xf32, #tpu.memory_space<hbm>> -> memref<128x128xf32, #tpu.memory_space<hbm>>
    tpu.wait_dma2 semaphore(%arg12 : memref<!tpu.dma_semaphore, #tpu.memory_space<semaphore_mem>>) src(%arg8 : memref<128x128xf32, #tpu.memory_space<vmem>>) dst(%dma_wait3A_21 : memref<128x128xf32, #tpu.memory_space<hbm>>)
    %add3A_22 = arith.constant 8064 : i32
    %add3A_23 = arith.addi %mul3A_2, %add3A_22 : i32
    %dma_wait3A_24 = arith.constant 0 : i32
    %dma_wait3A_25 = tpu.memref_slice %arg4[%add3A_23, %dma_wait3A_24] : memref<262144x128xf32, #tpu.memory_space<hbm>> -> memref<128x128xf32, #tpu.memory_space<hbm>>
    %dma_wait3A_26 = arith.constant 0 : i32
    %dma_wait3A_27 = tpu.memref_slice %arg4[%add3A_23, %dma_wait3A_26] : memref<262144x128xf32, #tpu.memory_space<hbm>> -> memref<128x128xf32, #tpu.memory_space<hbm>>
    tpu.wait_dma2 semaphore(%arg13 : memref<!tpu.dma_semaphore, #tpu.memory_space<semaphore_mem>>) src(%arg9 : memref<128x128xf32, #tpu.memory_space<vmem>>) dst(%dma_wait3A_27 : memref<128x128xf32, #tpu.memory_space<hbm>>)
    return
  }
}

module attributes {stable_mosaic.version = 14 : i64} {
  func.func @_index_body(%arg0: memref<2x2048x128xf32, #tpu.memory_space<vmem>>, %arg1: memref<2x2048x128xi32, #tpu.memory_space<vmem>>) attributes {dimension_semantics = [], scalar_prefetch = 0 : i64, scratch_operands = 0 : i64, tpu.core_type = #tpu.core_type<tc>} {
    %get3A = arith.constant 0 : index
    %get3A_0 = arith.constant 0 : index
    %get3A_1 = arith.constant 0 : index
    %get3A_2 = vector.load %arg0[%get3A, %get3A_0, %get3A_1] : memref<2x2048x128xf32, #tpu.memory_space<vmem>>, vector<2x2048x128xf32>
    %slice3A = vector.extract_strided_slice %get3A_2 {offsets = [0, 0, 0], sizes = [1, 2048, 128], strides = [1, 1, 1]} : vector<2x2048x128xf32> to vector<1x2048x128xf32>
    %squeeze3A = vector.shape_cast %slice3A : vector<1x2048x128xf32> to vector<2048x128xf32>
    %reduce_min3A = vector.shape_cast %squeeze3A : vector<2048x128xf32> to vector<1x2048x128xf32>
    %reduce_min3A_3 = arith.constant dense<0x7F800000> : vector<1xf32>
    %reduce_min3A_4 = vector.multi_reduction <minimumf>, %reduce_min3A, %reduce_min3A_3 [1, 2] : vector<1x2048x128xf32> to vector<1xf32>
    %reduce_min3A_5 = vector.shape_cast %reduce_min3A_4 : vector<1xf32> to vector<1x1x1xf32>
    %reduce_min3A_6 = vector.extract %reduce_min3A_5[0, 0, 0] : f32 from vector<1x1x1xf32>
    %reduce_max3A = vector.shape_cast %squeeze3A : vector<2048x128xf32> to vector<1x2048x128xf32>
    %reduce_max3A_7 = arith.constant dense<0xFF800000> : vector<1xf32>
    %reduce_max3A_8 = vector.multi_reduction <maximumf>, %reduce_max3A, %reduce_max3A_7 [1, 2] : vector<1x2048x128xf32> to vector<1xf32>
    %reduce_max3A_9 = vector.shape_cast %reduce_max3A_8 : vector<1xf32> to vector<1x1x1xf32>
    %reduce_max3A_10 = vector.extract %reduce_max3A_9[0, 0, 0] : f32 from vector<1x1x1xf32>
    %sub3A = arith.subf %reduce_max3A_10, %reduce_min3A_6 : f32
    %add3A = arith.constant 9.99999993E-9 : f32
    %add3A_11 = arith.addf %sub3A, %add3A : f32
    %sub3A_12 = vector.broadcast %reduce_min3A_6 : f32 to vector<2048x128xf32>
    %sub3A_13 = arith.subf %squeeze3A, %sub3A_12 : vector<2048x128xf32>
    %div3A = vector.broadcast %add3A_11 : f32 to vector<2048x128xf32>
    %div3A_14 = arith.divf %sub3A_13, %div3A : vector<2048x128xf32>
    %jit3A = arith.constant 0.000000e+00 : f32
    %jit3A_15 = arith.constant 1.000000e+00 : f32
    %max3A = vector.broadcast %jit3A : f32 to vector<2048x128xf32>
    %max3A_16 = arith.maximumf %max3A, %div3A_14 : vector<2048x128xf32>
    %min3A = vector.broadcast %jit3A_15 : f32 to vector<2048x128xf32>
    %min3A_17 = arith.minimumf %min3A, %max3A_16 : vector<2048x128xf32>
    %mul3A = arith.constant 9.990000e+02 : f32
    %mul3A_18 = vector.broadcast %mul3A : f32 to vector<2048x128xf32>
    %mul3A_19 = arith.mulf %min3A_17, %mul3A_18 : vector<2048x128xf32>
    %convert_element_type3A = arith.fptosi %mul3A_19 : vector<2048x128xf32> to vector<2048x128xi32>
    %mul3A_20 = arith.constant 64 : i32
    %mul3A_21 = vector.broadcast %mul3A_20 : i32 to vector<2048x128xi32>
    %mul3A_22 = arith.muli %convert_element_type3A, %mul3A_21 : vector<2048x128xi32>
    %slice3A_23 = vector.extract_strided_slice %get3A_2 {offsets = [1, 0, 0], sizes = [1, 2048, 128], strides = [1, 1, 1]} : vector<2x2048x128xf32> to vector<1x2048x128xf32>
    %squeeze3A_24 = vector.shape_cast %slice3A_23 : vector<1x2048x128xf32> to vector<2048x128xf32>
    %reduce_min3A_25 = vector.shape_cast %squeeze3A_24 : vector<2048x128xf32> to vector<1x2048x128xf32>
    %reduce_min3A_26 = arith.constant dense<0x7F800000> : vector<1xf32>
    %reduce_min3A_27 = vector.multi_reduction <minimumf>, %reduce_min3A_25, %reduce_min3A_26 [1, 2] : vector<1x2048x128xf32> to vector<1xf32>
    %reduce_min3A_28 = vector.shape_cast %reduce_min3A_27 : vector<1xf32> to vector<1x1x1xf32>
    %reduce_min3A_29 = vector.extract %reduce_min3A_28[0, 0, 0] : f32 from vector<1x1x1xf32>
    %reduce_max3A_30 = vector.shape_cast %squeeze3A_24 : vector<2048x128xf32> to vector<1x2048x128xf32>
    %reduce_max3A_31 = arith.constant dense<0xFF800000> : vector<1xf32>
    %reduce_max3A_32 = vector.multi_reduction <maximumf>, %reduce_max3A_30, %reduce_max3A_31 [1, 2] : vector<1x2048x128xf32> to vector<1xf32>
    %reduce_max3A_33 = vector.shape_cast %reduce_max3A_32 : vector<1xf32> to vector<1x1x1xf32>
    %reduce_max3A_34 = vector.extract %reduce_max3A_33[0, 0, 0] : f32 from vector<1x1x1xf32>
    %sub3A_35 = arith.subf %reduce_max3A_34, %reduce_min3A_29 : f32
    %add3A_36 = arith.constant 9.99999993E-9 : f32
    %add3A_37 = arith.addf %sub3A_35, %add3A_36 : f32
    %sub3A_38 = vector.broadcast %reduce_min3A_29 : f32 to vector<2048x128xf32>
    %sub3A_39 = arith.subf %squeeze3A_24, %sub3A_38 : vector<2048x128xf32>
    %div3A_40 = vector.broadcast %add3A_37 : f32 to vector<2048x128xf32>
    %div3A_41 = arith.divf %sub3A_39, %div3A_40 : vector<2048x128xf32>
    %jit3A_42 = arith.constant 0.000000e+00 : f32
    %jit3A_43 = arith.constant 1.000000e+00 : f32
    %max3A_44 = vector.broadcast %jit3A_42 : f32 to vector<2048x128xf32>
    %max3A_45 = arith.maximumf %max3A_44, %div3A_41 : vector<2048x128xf32>
    %min3A_46 = vector.broadcast %jit3A_43 : f32 to vector<2048x128xf32>
    %min3A_47 = arith.minimumf %min3A_46, %max3A_45 : vector<2048x128xf32>
    %mul3A_48 = arith.constant 9.990000e+02 : f32
    %mul3A_49 = vector.broadcast %mul3A_48 : f32 to vector<2048x128xf32>
    %mul3A_50 = arith.mulf %min3A_47, %mul3A_49 : vector<2048x128xf32>
    %convert_element_type3A_51 = arith.fptosi %mul3A_50 : vector<2048x128xf32> to vector<2048x128xi32>
    %mul3A_52 = arith.constant 64 : i32
    %mul3A_53 = vector.broadcast %mul3A_52 : i32 to vector<2048x128xi32>
    %mul3A_54 = arith.muli %convert_element_type3A_51, %mul3A_53 : vector<2048x128xi32>
    %broadcast_in_dim3A = vector.shape_cast %mul3A_22 : vector<2048x128xi32> to vector<1x2048x128xi32>
    %broadcast_in_dim3A_55 = vector.shape_cast %mul3A_54 : vector<2048x128xi32> to vector<1x2048x128xi32>
    %concatenate3A = tpu.concatenate %broadcast_in_dim3A, %broadcast_in_dim3A_55 in 0 : vector<1x2048x128xi32>, vector<1x2048x128xi32> -> vector<2x2048x128xi32>
    %swap3A = arith.constant 0 : index
    %swap3A_56 = arith.constant 0 : index
    %swap3A_57 = arith.constant 0 : index
    %swap3A_58 = vector.load %arg1[%swap3A, %swap3A_56, %swap3A_57] : memref<2x2048x128xi32, #tpu.memory_space<vmem>>, vector<2x2048x128xi32>
    tpu.vector_store %arg1[%swap3A, %swap3A_56, %swap3A_57], %concatenate3A {strides = array<i32>} : memref<2x2048x128xi32, #tpu.memory_space<vmem>>, vector<2x2048x128xi32>,
    return
  }
}

</mosaic_0001>

<sc_bundles>
// kernel: kernel.4.cloned.1.call-start
scs
__scs_entry_jumppad:
0x0: {  	(pc) =	sbr.rel $0x88, $3  }
0x1: {  	(tag) =	ssettag $0x0;
	lr =	simm.s32 $0x1  }
0x2: {  	[smem:$0x3F9F] =	sst lr;
	_ =	strace $0xD0000000  }
0x3: {  	_ = 	snop  }
0x4: {  	_ = 	snop  }
0x5: {  	_ = 	snop  }
0x6: {  	_ = 	snop  }
0x7: {  	_ = 	snop  }
__scs_overlays_trampoline_lowered:
0x8: {  	[smem:$0x3FAE] =	sst s0  }
0x9: {  	[smem:$0x3FAF] =	sst s1  }
0xa: {  	[smem:$0x3FB0] =	sst s2  }
0xb: {  	[smem:$0x3FB1] =	sst s3  }
0xc: {  	[smem:$0x3FB2] =	sst s4  }
0xd: {  	[smem:$0x3FB3] =	sst s5  }
0xe: {  	[smem:$0x3FB4] =	sst s6  }
0xf: {  	[smem:$0x3FB5] =	sst s7  }
0x10: {  	[smem:$0x3FB6] =	sst s8  }
0x11: {  	[smem:$0x3FB7] =	sst s9;
	s0 =	simm.s32 @!p0 $0x0  }
0x12: {  	s1 =	sld [smem:$0x3F9D];
	s0 =	simm.s32 @p0 $0x1  }
0x13: {  	[smem:$0x3FB8] =	sst s0;
	s0 =	simm.s32 @!p1 $0x0  }
0x14: {  	s2 =	sld [smem:$0x3F9C];
	s0 =	simm.s32 @p1 $0x1  }
0x15: {  	[smem:$0x3FB9] =	sst s0;
	s0 =	simm.s32 @!p2 $0x0  }
0x16: {  	s3 =	sld [smem:$0x3FDB];
	s0 =	simm.s32 @p2 $0x1  }
0x17: {  	s4 =	simm.s32 $0x1BF5;
	[smem:$0x3FBB] =	sst s0  }
0x18: {  	s0 =	sld [smem:$0x3F9E];
	_ =	swait.ge [sflag:s4], $0x0  }
0x19: {  	s7 =	sld [smem:$0x3F9F]  }
0x1a: {  	s8 =	sadd.s32 $0xFFFFE003, lr  }
0x1b: {  	s9 =	sadd.s32 $0xFFFFFEF7, lr;
	s5 =	simm.s32 $0xFFFFFFFF;
	p2 =	slt.u32 s8, $0xFFFFF086  }
0x1c: {  	p1 =	slt.u32 s9, $0xF7A;
	s5 =	simm.s32 @!p2 $0x0  }
0x1d: {  	s5 =	simm.s32 @p1 $0x1;
	p0 =	seq.s32 s7, s2  }
0x1e: {  	s7 =	smul.u32 @!p0 $0xF7A, s2;
	p2 =	seq.s32 @!p0 s5, $0x0  }
0x1f: {  	s9 =	smul.u32 $0xF7A, s1;
	s8 =	simm.s32 @!p0 $0x1BF5;
	p2 =	por !p2, p0  }
0x20: {  	[sflag:s8] =	ssyncset.s32 @!p0 $0xFFFFF086;
	s6 =	sadd.s32 @!p0 s3, s7;
	s7 =	simm.s32 @!p0 $0x108  }
0x21: {  	s3 =	sadd.s32 s3, s9;
	s6 =	sadd.s32 @!p0 $0x88, s6;
	s7 =	simm.s32 @p2 $0x1082  }
0x22: {  	[simem:s7], [sflag:s8] =	dma.local @!p0 [hbm:s6], $0xF7A  }
0x23: {  	s9 =	sor.u32 $0xD0000000, s2;
	s6 =	simm.s32 $0x108;
	_ =	swait.ge @!p0 [sflag:s8], $0x0  }
0x24: {  	s3 =	sadd.s32 $0x88, s3;
	s6 =	simm.s32 @!p1 $0x1082;
	[sflag:s4] =	ssyncset.s32 $0xFFFFF086  }
0x25: {  	[simem:s6], [sflag:s4] =	dma.local [hbm:s3], $0xF7A  }
0x26: {  	[smem:$0x3F9F] =	sst s1;
	(tag) =	ssettag s2;
	_ =	strace s9  }
0x27: {  	s1 =	sld [smem:$0x3FAF]  }
0x28: {  	s2 =	sld [smem:$0x3FB0]  }
0x29: {  	s4 =	sld [smem:$0x3FB2]  }
0x2a: {  	p0 =	seq.s32 s5, $0x0;
	s5 =	sld [smem:$0x3FB3]  }
0x2b: {  	s6 =	sld [smem:$0x3FB4]  }
0x2c: {  	s7 =	sld [smem:$0x3FB5]  }
0x2d: {  	s3 =	simm.s32 $0x108;
	s8 =	sld [smem:$0x3FB6]  }
0x2e: {  	s3 =	simm.s32 @!p0 $0x1082;
	s9 =	sld [smem:$0x3FB7]  }
0x2f: {  	lr =	sadd.s32 s0, s3;
	s0 =	sld [smem:$0x3FAE]  }
0x30: {  	s3 =	sld [smem:$0x3FB1]  }
0x31: {  	[smem:$0x3FBA] =	sst s10  }
0x32: {  	s10 =	sld [smem:$0x3FB8];
	_ =	sdelay $0x3  }
0x33: {  	p0 =	seq.s32 s10, $0x1;
	s10 =	sld [smem:$0x3FBA];
	_ =	sdelay $0x3  }
0x34: {  	[smem:$0x3FBA] =	sst s10  }
0x35: {  	s10 =	sld [smem:$0x3FB9];
	_ =	sdelay $0x3  }
0x36: {  	p1 =	seq.s32 s10, $0x1;
	s10 =	sld [smem:$0x3FBA];
	_ =	sdelay $0x3  }
0x37: {  	[smem:$0x3FBA] =	sst s10  }
0x38: {  	s10 =	sld [smem:$0x3FBB]  }
0x39: {  	_ = 	snop;
	(pc) =	sbr.ind lr, $3  }
0x3a: {  	_ = 	snop  }
0x3b: {  	_ = 	snop  }
0x3c: {  	p2 =	seq.s32 s10, $0x1;
	s10 =	sld [smem:$0x3FBA]  }
0x3d: {  	_ =	shalt  }
0x3e: {  	_ =	shalt  }
0x3f: {  	_ =	shalt  }
0x40: {  	_ =	shalt  }
0x41: {  	_ =	shalt  }
0x42: {  	_ =	shalt  }
0x43: {  	_ =	shalt  }
0x44: {  	_ =	shalt  }
0x45: {  	_ =	shalt  }
0x46: {  	_ =	shalt  }
0x47: {  	_ =	shalt  }
0x48: {  	_ =	shalt  }
0x49: {  	_ =	shalt  }
0x4a: {  	_ =	shalt  }
0x4b: {  	_ =	shalt  }
0x4c: {  	_ =	shalt  }
0x4d: {  	_ =	shalt  }
0x4e: {  	_ =	shalt  }
0x4f: {  	_ =	shalt  }
0x50: {  	_ =	shalt  }
0x51: {  	_ =	shalt  }
0x52: {  	_ =	shalt  }
0x53: {  	_ =	shalt  }
0x54: {  	_ =	shalt  }
0x55: {  	_ =	shalt  }
0x56: {  	_ =	shalt  }
0x57: {  	_ =	shalt  }
0x58: {  	_ =	shalt  }
0x59: {  	_ =	shalt  }
0x5a: {  	_ =	shalt  }
0x5b: {  	_ =	shalt  }
0x5c: {  	_ =	shalt  }
0x5d: {  	_ =	shalt  }
0x5e: {  	_ =	shalt  }
0x5f: {  	_ =	shalt  }
0x60: {  	_ =	shalt  }
0x61: {  	_ =	shalt  }
0x62: {  	_ =	shalt  }
0x63: {  	_ =	shalt  }
0x64: {  	_ =	shalt  }
0x65: {  	_ =	shalt  }
0x66: {  	_ =	shalt  }
0x67: {  	_ =	shalt  }
0x68: {  	_ =	shalt  }
0x69: {  	_ =	shalt  }
0x6a: {  	_ =	shalt  }
0x6b: {  	_ =	shalt  }
0x6c: {  	_ =	shalt  }
0x6d: {  	_ =	shalt  }
0x6e: {  	_ =	shalt  }
0x6f: {  	_ =	shalt  }
0x70: {  	_ =	shalt  }
0x71: {  	_ =	shalt  }
0x72: {  	_ =	shalt  }
0x73: {  	_ =	shalt  }
0x74: {  	_ =	shalt  }
0x75: {  	_ =	shalt  }
0x76: {  	_ =	shalt  }
0x77: {  	_ =	shalt  }
0x78: {  	_ =	shalt  }
0x79: {  	_ =	shalt  }
0x7a: {  	_ =	shalt  }
0x7b: {  	_ =	shalt  }
0x7c: {  	_ =	shalt  }
0x7d: {  	_ =	shalt  }
0x7e: {  	_ =	shalt  }
0x7f: {  	_ =	shalt  }
0x80: {  	_ =	shalt  }
0x81: {  	_ =	shalt  }
0x82: {  	_ =	shalt  }
0x83: {  	_ =	shalt  }
0x84: {  	_ =	shalt  }
0x85: {  	_ =	shalt  }
0x86: {  	_ =	shalt  }
0x87: {  	_ =	shalt  }
.Lfunc_end0:
.L_simem_size_0:
called_computation_lowered:
.L_overlay_start_0:
0x88: {  	s2 =	sld [smem:$0x3FD9]  }
0x89: {  	s3 =	sld [smem:$0x3FFE];
	_ =	sdelay $0x1  }
0x8a: {  	s1 =	srdreg.scid  }
0x8b: {  	s0 =	sand.u32 $0x1, s1  }
0x8c: {  	s17 =	sshll.u32 s0, $0xA;
	s2 =	sadd.s32 s3, s2  }
0x8d: {  	s2 =	sadd.s32 s2, s17  }
0x8e: {  	[smem:$0x3FC6] =	sst s2  }
0x8f: {  	_ = 	snop  }
0x90: {  	s2 =	sld [smem:$0x3FD0];
	(tm) =	ssettm $0x1  }
0x91: {  	s18 =	sld [smem:$0x3FFB];
	_ =	sdelay $0x3  }
0x92: {  	_ =	strace s18  }
0x93: {  	s3 =	sld [smem:$0x3FFC];
	_ =	sdelay $0x3  }
0x94: {  	_ =	strace s3  }
0x95: {  	s3 =	sld [smem:$0x3FFD];
	_ =	sdelay $0x3  }
0x96: {  	_ =	strace s3  }
0x97: {  	_ =	strace $0x8FFFFFFF  }
0x98: {  	s19 =	sld [smem:$0x3FDB];
	_ =	sdelay $0x1  }
0x99: {  	s4 =	simm.s32 $_scs_section_size  }
0x9a: {  	s5 =	simm.s32 $_size__tile_overlayer_lowered;
	s6 =	simm.s32 $_tile_overlayer_lowered  }
0x9b: {  	s22 =	simm.s32 $0x1BFF;
	s21 =	sshll.u32 s6, $0x1;
	s3 =	sadd.s32 s4, s19  }
0x9c: {  	s7 =	simm.s32 $0x0;
	s20 =	sshll.u32 s5, $0x1;
	s5 =	sadd.s32 s21, s3  }
0x9d: {  	[timem:s7], [sflag:s22] =	dma.local [hbm:s5], s20  }
0x9e: {  	_ =	swait.ge [sflag:s22], s20  }
0x9f: {  	s4 =	ssub.s32 $0x0, s20;
	[sflag:s22] =	ssyncset.done $0x0  }
0xa0: {  	[sflag:s22] =	ssyncadd.s32 s4;
	_ =	sdelay $0x1  }
0xa1: {  	s23 =	simm.s32 $0x1B8B  }
0xa2: {  	_ =	swait.ge [sflag:s23], $0x1  }
0xa3: {  	[sflag:s23] =	ssyncset.done $0x0  }
0xa4: {  	s25 =	simm.s32 $0x1B8E;
	s24 =	sld [smem:$0x3FFE];
	[sflag:s23] =	ssyncadd.s32 $0xFFFFFFFF  }
0xa5: {  	s26 =	simm.s32 $execute0_lowered;
	[smem:$0x3FD2] =	sst s25  }
0xa6: {  	s5 =	sshll.u32 s26, $0x1;
	_ =	strace $0x80000046;
	[dreg:$0x1] =	wrdreg $0xFFFFFFFF  }
0xa7: {  	s28 =	simm.s32 $_size_execute0_lowered;
	s3 =	sadd.s32 s3, s5;
	[dreg:$0x0] =	wrdreg $0x0  }
0xa8: {  	s5 =	sshll.u32 s28, $0x1;
	[dreg:$0x2] =	wrdreg s3  }
0xa9: {  	[dreg:$0x3] =	wrdreg s5  }
0xaa: {  	[dreg:$0x4] =	wrdreg $0xC0  }
0xab: {  	_ =	task [dreg:s7], $0x5FFFF  }
0xac: {  	[dreg:$0x1] =	wrdreg $0xFFFFFFFF  }
0xad: {  	[dreg:$0x0] =	wrdreg $0x60  }
0xae: {  	[dreg:$0x2] =	wrdreg s24  }
0xaf: {  	[dreg:$0x3] =	wrdreg s2  }
0xb0: {  	[dreg:$0x4] =	wrdreg $0x9  }
0xb1: {  	_ =	task.clear_ibuf [dreg:s7], $0x5FFFF;
	_ =	strace $0x90000046  }
0xb2: {  	s29 =	simm.s32 $0x9;
	_ =	strace $0x80000048  }
0xb3: {  	_ =	swait.ge [sflag:s29], $0x1  }
0xb4: {  	[sflag:s29] =	ssyncadd.s32 $0xFFFFFFFF  }
0xb5: {  	_ =	strace $0x90000048  }
0xb6: {  	_ =	sfence  }
0xb7: {  	s30 =	sld [smem:$0x0];
	_ =	sdelay $0x2  }
0xb8: {  	s31 =	sshll.u32 s1, $0xD;
	s1 =	sshrl.u32 s1, $0x2  }
0xb9: {  	s3 =	sand.u32 $0x4000, s31;
	s1 =	sadd.s32 s1, s30  }
0xba: {  	s0 =	sor.u32 s3, s0;
	s1 =	sshll.u32 s1, $0x11  }
0xbb: {  	s0 =	sor.u32 s1, s0  }
0xbc: {  	s0 =	sadd.s32 $0x8F2B, s0  }
0xbd: {  	[sflag:s0] =	ssyncadd.remote.s32 $0x1  }
0xbe: {  	_ =	sfence.sel $0xFFFF  }
0xbf: {  	[dreg:$0x0] =	wrdreg $0xFFFFFFFF;
	(pc) =	sbr.abs _section_cstart, $3  }
0xc0: {  	[dreg:$0x1] =	wrdreg $0xFFFFFFFF  }
0xc1: {  	_ =	task.clear_ibuf [dreg:s7], $0x2FFFF;
	_ =	strace $0x9FFFFFFF  }
0xc2: {  	(tm) =	ssettm $0x7FFFFFFF  }
0xc3: {  	_ =	shalt  }
tec
execute0_lowered:
.L_overlay_start_1:
0x0: {  	(tag) =	ssettag $0x1  }
0x1: {  	s0 =	rddreg [dreg:$0x0]  }
0x2: {  	s1 =	rddreg [dreg:$0x1];
	s2 =	srdreg.scid  }
0x3: {  	s4 =	stileid.u32;
	s10 =	simm.s32 $0x2;
	s11 =	simm.s32 $0x1  }
0x4: {  	s12 =	simm.s32 $0x13A00;
	s13 =	simm.s32 $0x17A00;
	s14 =	simm.s32 $0x3  }
0x5: {  	s3 =	sand.u32 $0x1, s2;
	s2 =	simm.s32 $0x0;
	s4 =	sshll.u32 s4, $0xE  }
0x6: {  	s6 =	sadd.s32 $0x600, s0;
	s5 =	sshll.u32 s3, $0xD;
	s3 =	ssub.s32 $0x2, s3  }
0x7: {  	[smem:$0x7FF] =	sst s2;
	s4 =	sor.u32 s5, s4;
	s29 =	sshrl.u32 s3, $0x1  }
0x8: {  	_ =	strace $0x80000047;
	s5 =	sshrl.u32 s4, $0x3;
	s3 =	ssub.s32 s3, s29  }
0x9: {  	[dreg:$0x3] =	wrdreg s6;
	s0 =	sadd.s32 s5, s0;
	s31 =	smax.u32 s3, $0x1  }
0xa: {  	s15 =	simm.s32 $0x4;
	s30 =	sadd.s32 $0x2600, s0;
	[dreg:$0x6] =	wrdreg s31  }
0xb: {  	s4 =	sshll.u32 s4, $0x4;
	s0 =	sadd.s32 $0xA600, s0;
	[dreg:$0x4] =	wrdreg s30  }
0xc: {  	s16 =	simm.s32 $0x0;
	s6 =	sadd.s32 s1, s4;
	[dreg:$0x5] =	wrdreg s0  }
.LBB2_1:
0xd: {  	s0 =	rddreg [dreg:$0x3]  }
0xe: {  	[tilespmem:s2], [sflag:$0x1] =	stream.linear.gather [hbm4b:s0+s2], $0xFA00, $0x38;
	[tilespmem:$0x1BA00] =	vst v63  }
0xf: {  	s29 =	rddreg [dreg:$0x4];
	s1 =	simm.s32 $0xFA00  }
0x10: {  	[tilespmem:s1], [sflag:$0x2] =	stream.linear.gather [hbm4b:s29+s2], $0x2000, $0x38;
	[tilespmem:$0x1BA00] =	vst v63  }
0x11: {  	s30 =	rddreg [dreg:$0x5];
	s31 =	simm.s32 $0x11A00  }
0x12: {  	[tilespmem:s31], [sflag:$0x2] =	stream.linear.gather [hbm4b:s30+s2], $0x2000, $0x38;
	[tilespmem:$0x1BA00] =	vst v63  }
0x13: {  	_ =	swait.ge [sflag:s10], $0x2000  }
0x14: {  	[sflag:s10] =	ssyncset.done $0x0  }
0x15: {  	[sflag:s10] =	ssyncadd.s32 $0xFFFFE000  }
0x16: {  	_ =	swait.ge [sflag:s10], $0x2000  }
0x17: {  	[sflag:s10] =	ssyncset.done $0x0  }
0x18: {  	[sflag:s10] =	ssyncadd.s32 $0xFFFFE000  }
0x19: {  	_ =	swait.ge [sflag:s11], $0xFA00  }
0x1a: {  	[sflag:s11] =	ssyncset.done $0x0  }
0x1b: {  	s17 =	simm.s32 $0x0;
	[sflag:s11] =	ssyncadd.s32 $0xFFFF0600  }
.LBB2_2:
0x1c: {  	p0 =	seq.s32 s17, $0x0  }
0x1d: {  	s0 =	simm.s32 @!p0 $0x3  }
0x1e: {  	_ =	swait.ge @!p0 [sflag:s0], $0x4000  }
0x1f: {  	s21 =	sshll.u32 s17, $0x8;
	s1 =	simm.s32 $0x0;
	[sflag:s0] =	ssyncset.done @!p0 $0x0  }
0x20: {  	s25 =	sor.u32 s21, s1;
	[sflag:s0] =	ssyncadd.s32 @!p0 $0xFFFFC000  }
0x21: {  	v7 =	vld [tilespmem:s25+$0xFA00];
	_ =	sdelay $0x4  }
0x22: {  	(v2sf) =	vpush v7, $0x0;
	_ =	sdelay $0xe  }
0x23: {  	s3 =	spop (v2sf)  }
0x24: {  	v0 =	vld [tilespmem:s3+$0x0];
	_ =	sdelay $0x2  }
0x25: {  	s26 =	simm.s32 $0x0;
	v4 =	vld [tilespmem:s25+$0x11A00]  }
0x26: {  	s18 =	sand.u32 $0x3FFFF800, s26  }
0x27: {  	[tilespmem:s18+$0x13A00] =	vst v0  }
0x28: {  	v0 =	vld [tilespmem:s3+$0x10];
	_ =	sdelay $0x1  }
0x29: {  	(v2sf) =	vpush v4, $0x0;
	_ =	sdelay $0x2  }
0x2a: {  	[tilespmem:s18+$0x13A10] =	vst v0  }
0x2b: {  	v0 =	vld [tilespmem:s3+$0x20];
	_ =	sdelay $0x4  }
0x2c: {  	[tilespmem:s18+$0x13A20] =	vst v0  }
0x2d: {  	v0 =	vld [tilespmem:s3+$0x30];
	_ =	sdelay $0x4  }
0x2e: {  	s28 =	spop (v2sf);
	[tilespmem:s18+$0x13A30] =	vst v0  }
0x2f: {  	v0 =	vld [tilespmem:s28+$0x0];
	_ =	sdelay $0x4  }
0x30: {  	[tilespmem:s18+$0x13A40] =	vst v0  }
0x31: {  	v0 =	vld [tilespmem:s28+$0x10];
	_ =	sdelay $0x1  }
0x32: {  	(v2sf) =	vpush v7, $0x1;
	_ =	sdelay $0x2  }
0x33: {  	[tilespmem:s18+$0x13A50] =	vst v0  }
0x34: {  	v0 =	vld [tilespmem:s28+$0x20];
	_ =	sdelay $0x4  }
0x35: {  	s1 =	sor.u32 $0x10, s1;
	[tilespmem:s18+$0x13A60] =	vst v0  }
0x36: {  	s29 =	sor.u32 s21, s1;
	v0 =	vld [tilespmem:s28+$0x30]  }
0x37: {  	v3 =	vld [tilespmem:s29+$0xFA00];
	_ =	sdelay $0x3  }
0x38: {  	s30 =	spop (v2sf);
	[tilespmem:s18+$0x13A70] =	vst v0  }
0x39: {  	(v2sf) =	vpush v3, $0x0;
	v0 =	vld [tilespmem:s30+$0x0];
	_ =	sdelay $0x4  }
0x3a: {  	[tilespmem:s18+$0x13A80] =	vst v0  }
0x3b: {  	v0 =	vld [tilespmem:s30+$0x10];
	_ =	sdelay $0x1  }
0x3c: {  	(v2sf) =	vpush v4, $0x1;
	_ =	sdelay $0x2  }
0x3d: {  	[tilespmem:s18+$0x13A90] =	vst v0  }
0x3e: {  	v0 =	vld [tilespmem:s30+$0x20];
	_ =	sdelay $0x2  }
0x3f: {  	s4 =	spop (v2sf)  }
0x40: {  	v1 =	vld [tilespmem:s4+$0x0]  }
0x41: {  	[tilespmem:s18+$0x13AA0] =	vst v0  }
0x42: {  	v2 =	vld [tilespmem:s30+$0x30]  }
0x43: {  	s1 =	sshll.u32 s1, $0x7;
	v0 =	vld [tilespmem:s29+$0x11A00]  }
0x44: {  	s31 =	sand.u32 $0x3FFFF800, s1  }
0x45: {  	[tilespmem:s31+$0x13A00] =	vst v1  }
0x46: {  	v1 =	vld [tilespmem:s4+$0x10]  }
0x47: {  	s3 =	spop (v2sf);
	[tilespmem:s18+$0x13AB0] =	vst v2  }
0x48: {  	(v2sf) =	vpush v0, $0x0;
	v2 =	vld [tilespmem:s3+$0x0];
	_ =	sdelay $0x2  }
0x49: {  	[tilespmem:s31+$0x13A10] =	vst v1  }
0x4a: {  	v1 =	vld [tilespmem:s4+$0x20]  }
0x4b: {  	[tilespmem:s18+$0x13AC0] =	vst v2  }
0x4c: {  	v2 =	vld [tilespmem:s3+$0x10];
	_ =	sdelay $0x1  }
0x4d: {  	(v2sf) =	vpush v7, $0x2  }
0x4e: {  	[tilespmem:s31+$0x13A20] =	vst v1  }
0x4f: {  	v1 =	vld [tilespmem:s4+$0x30]  }
0x50: {  	[tilespmem:s18+$0x13AD0] =	vst v2  }
0x51: {  	v2 =	vld [tilespmem:s3+$0x20];
	_ =	sdelay $0x2  }
0x52: {  	[tilespmem:s31+$0x13A30] =	vst v1;
	s5 =	spop (v2sf)  }
0x53: {  	v1 =	vld [tilespmem:s5+$0x0]  }
0x54: {  	[tilespmem:s18+$0x13AE0] =	vst v2  }
0x55: {  	v2 =	vld [tilespmem:s3+$0x30];
	_ =	sdelay $0x2  }
0x56: {  	[tilespmem:s31+$0x13A40] =	vst v1  }
0x57: {  	v1 =	vld [tilespmem:s5+$0x10]  }
0x58: {  	s7 =	spop (v2sf);
	[tilespmem:s18+$0x13AF0] =	vst v2  }
0x59: {  	(v2sf) =	vpush v3, $0x1;
	v2 =	vld [tilespmem:s7+$0x0];
	_ =	sdelay $0x2  }
0x5a: {  	[tilespmem:s31+$0x13A50] =	vst v1  }
0x5b: {  	v1 =	vld [tilespmem:s5+$0x20]  }
0x5c: {  	[tilespmem:s18+$0x13B00] =	vst v2  }
0x5d: {  	v2 =	vld [tilespmem:s7+$0x10];
	_ =	sdelay $0x1  }
0x5e: {  	(v2sf) =	vpush v4, $0x2  }
0x5f: {  	[tilespmem:s31+$0x13A60] =	vst v1  }
0x60: {  	v1 =	vld [tilespmem:s5+$0x30]  }
0x61: {  	[tilespmem:s18+$0x13B10] =	vst v2  }
0x62: {  	v2 =	vld [tilespmem:s7+$0x20];
	_ =	sdelay $0x2  }
0x63: {  	s8 =	spop (v2sf);
	[tilespmem:s31+$0x13A70] =	vst v1  }
0x64: {  	v1 =	vld [tilespmem:s8+$0x0]  }
0x65: {  	[tilespmem:s18+$0x13B20] =	vst v2  }
0x66: {  	v2 =	vld [tilespmem:s7+$0x30];
	_ =	sdelay $0x2  }
0x67: {  	[tilespmem:s18+$0x14280] =	vst v1  }
0x68: {  	v1 =	vld [tilespmem:s8+$0x10]  }
0x69: {  	s9 =	spop (v2sf);
	[tilespmem:s18+$0x13B30] =	vst v2  }
0x6a: {  	(v2sf) =	vpush v0, $0x1;
	v2 =	vld [tilespmem:s9+$0x0];
	_ =	sdelay $0x2  }
0x6b: {  	[tilespmem:s18+$0x14290] =	vst v1  }
0x6c: {  	v1 =	vld [tilespmem:s8+$0x20]  }
0x6d: {  	[tilespmem:s18+$0x13B40] =	vst v2  }
0x6e: {  	v2 =	vld [tilespmem:s9+$0x10];
	_ =	sdelay $0x1  }
0x6f: {  	(v2sf) =	vpush v7, $0x3  }
0x70: {  	[tilespmem:s18+$0x142A0] =	vst v1  }
0x71: {  	v1 =	vld [tilespmem:s8+$0x30]  }
0x72: {  	[tilespmem:s18+$0x13B50] =	vst v2  }
0x73: {  	v2 =	vld [tilespmem:s9+$0x20];
	_ =	sdelay $0x2  }
0x74: {  	s19 =	spop (v2sf);
	[tilespmem:s18+$0x142B0] =	vst v1  }
0x75: {  	v1 =	vld [tilespmem:s19+$0x0]  }
0x76: {  	[tilespmem:s18+$0x13B60] =	vst v2  }
0x77: {  	v2 =	vld [tilespmem:s9+$0x30];
	_ =	sdelay $0x2  }
0x78: {  	[tilespmem:s18+$0x142C0] =	vst v1  }
0x79: {  	v1 =	vld [tilespmem:s19+$0x10]  }
0x7a: {  	s20 =	spop (v2sf);
	[tilespmem:s18+$0x13B70] =	vst v2  }
0x7b: {  	(v2sf) =	vpush v3, $0x2;
	v2 =	vld [tilespmem:s20+$0x0];
	_ =	sdelay $0x2  }
0x7c: {  	[tilespmem:s18+$0x142D0] =	vst v1  }
0x7d: {  	v1 =	vld [tilespmem:s19+$0x20]  }
0x7e: {  	[tilespmem:s18+$0x13B80] =	vst v2  }
0x7f: {  	v2 =	vld [tilespmem:s20+$0x10];
	_ =	sdelay $0x1  }
0x80: {  	(v2sf) =	vpush v4, $0x3  }
0x81: {  	[tilespmem:s18+$0x142E0] =	vst v1  }
0x82: {  	v1 =	vld [tilespmem:s19+$0x30]  }
0x83: {  	[tilespmem:s18+$0x13B90] =	vst v2  }
0x84: {  	v2 =	vld [tilespmem:s20+$0x20];
	_ =	sdelay $0x2  }
0x85: {  	s22 =	spop (v2sf);
	[tilespmem:s18+$0x142F0] =	vst v1  }
0x86: {  	v1 =	vld [tilespmem:s22+$0x0]  }
0x87: {  	[tilespmem:s18+$0x13BA0] =	vst v2  }
0x88: {  	v2 =	vld [tilespmem:s20+$0x30];
	_ =	sdelay $0x2  }
0x89: {  	[tilespmem:s18+$0x14300] =	vst v1  }
0x8a: {  	v1 =	vld [tilespmem:s22+$0x10]  }
0x8b: {  	s23 =	spop (v2sf);
	[tilespmem:s18+$0x13BB0] =	vst v2  }
0x8c: {  	(v2sf) =	vpush v0, $0x2;
	v2 =	vld [tilespmem:s23+$0x0];
	_ =	sdelay $0x2  }
0x8d: {  	[tilespmem:s18+$0x14310] =	vst v1  }
0x8e: {  	v1 =	vld [tilespmem:s22+$0x20]  }
0x8f: {  	[tilespmem:s18+$0x13BC0] =	vst v2  }
0x90: {  	v2 =	vld [tilespmem:s23+$0x10];
	_ =	sdelay $0x1  }
0x91: {  	(v2sf) =	vpush v7, $0x4  }
0x92: {  	[tilespmem:s18+$0x14320] =	vst v1  }
0x93: {  	v1 =	vld [tilespmem:s22+$0x30]  }
0x94: {  	[tilespmem:s18+$0x13BD0] =	vst v2  }
0x95: {  	v2 =	vld [tilespmem:s23+$0x20];
	_ =	sdelay $0x2  }
0x96: {  	s24 =	spop (v2sf);
	[tilespmem:s18+$0x14330] =	vst v1  }
0x97: {  	v1 =	vld [tilespmem:s24+$0x0]  }
0x98: {  	[tilespmem:s18+$0x13BE0] =	vst v2  }
0x99: {  	v2 =	vld [tilespmem:s23+$0x30];
	_ =	sdelay $0x2  }
0x9a: {  	[tilespmem:s18+$0x14340] =	vst v1  }
0x9b: {  	v1 =	vld [tilespmem:s24+$0x10]  }
0x9c: {  	s1 =	spop (v2sf);
	[tilespmem:s18+$0x13BF0] =	vst v2  }
0x9d: {  	(v2sf) =	vpush v3, $0x3;
	v2 =	vld [tilespmem:s1+$0x0];
	_ =	sdelay $0x2  }
0x9e: {  	[tilespmem:s18+$0x14350] =	vst v1  }
0x9f: {  	v1 =	vld [tilespmem:s24+$0x20]  }
0xa0: {  	[tilespmem:s18+$0x13C00] =	vst v2  }
0xa1: {  	v2 =	vld [tilespmem:s1+$0x10];
	_ =	sdelay $0x1  }
0xa2: {  	(v2sf) =	vpush v4, $0x4  }
0xa3: {  	[tilespmem:s18+$0x14360] =	vst v1  }
0xa4: {  	v1 =	vld [tilespmem:s24+$0x30]  }
0xa5: {  	[tilespmem:s18+$0x13C10] =	vst v2  }
0xa6: {  	v2 =	vld [tilespmem:s1+$0x20];
	_ =	sdelay $0x2  }
0xa7: {  	s25 =	spop (v2sf);
	[tilespmem:s18+$0x14370] =	vst v1  }
0xa8: {  	v1 =	vld [tilespmem:s25+$0x0]  }
0xa9: {  	[tilespmem:s18+$0x13C20] =	vst v2  }
0xaa: {  	v2 =	vld [tilespmem:s1+$0x30];
	_ =	sdelay $0x2  }
0xab: {  	[tilespmem:s18+$0x14380] =	vst v1  }
0xac: {  	v1 =	vld [tilespmem:s25+$0x10]  }
0xad: {  	s26 =	spop (v2sf);
	[tilespmem:s18+$0x13C30] =	vst v2  }
0xae: {  	(v2sf) =	vpush v0, $0x3;
	v2 =	vld [tilespmem:s26+$0x0];
	_ =	sdelay $0x2  }
0xaf: {  	[tilespmem:s18+$0x14390] =	vst v1  }
0xb0: {  	v1 =	vld [tilespmem:s25+$0x20]  }
0xb1: {  	[tilespmem:s18+$0x13C40] =	vst v2  }
0xb2: {  	v2 =	vld [tilespmem:s26+$0x10];
	_ =	sdelay $0x1  }
0xb3: {  	(v2sf) =	vpush v7, $0x5  }
0xb4: {  	[tilespmem:s18+$0x143A0] =	vst v1  }
0xb5: {  	v1 =	vld [tilespmem:s25+$0x30]  }
0xb6: {  	[tilespmem:s18+$0x13C50] =	vst v2  }
0xb7: {  	v2 =	vld [tilespmem:s26+$0x20];
	_ =	sdelay $0x2  }
0xb8: {  	s28 =	spop (v2sf);
	[tilespmem:s18+$0x143B0] =	vst v1  }
0xb9: {  	v1 =	vld [tilespmem:s28+$0x0]  }
0xba: {  	[tilespmem:s18+$0x13C60] =	vst v2  }
0xbb: {  	v2 =	vld [tilespmem:s26+$0x30];
	_ =	sdelay $0x2  }
0xbc: {  	[tilespmem:s18+$0x143C0] =	vst v1  }
0xbd: {  	v1 =	vld [tilespmem:s28+$0x10]  }
0xbe: {  	s29 =	spop (v2sf);
	[tilespmem:s18+$0x13C70] =	vst v2  }
0xbf: {  	(v2sf) =	vpush v3, $0x4;
	v2 =	vld [tilespmem:s29+$0x0];
	_ =	sdelay $0x2  }
0xc0: {  	[tilespmem:s18+$0x143D0] =	vst v1  }
0xc1: {  	v1 =	vld [tilespmem:s28+$0x20]  }
0xc2: {  	[tilespmem:s18+$0x13C80] =	vst v2  }
0xc3: {  	v2 =	vld [tilespmem:s29+$0x10];
	_ =	sdelay $0x1  }
0xc4: {  	(v2sf) =	vpush v4, $0x5  }
0xc5: {  	[tilespmem:s18+$0x143E0] =	vst v1  }
0xc6: {  	v1 =	vld [tilespmem:s28+$0x30]  }
0xc7: {  	[tilespmem:s18+$0x13C90] =	vst v2  }
0xc8: {  	v2 =	vld [tilespmem:s29+$0x20];
	_ =	sdelay $0x2  }
0xc9: {  	s30 =	spop (v2sf);
	[tilespmem:s18+$0x143F0] =	vst v1  }
0xca: {  	v1 =	vld [tilespmem:s30+$0x0]  }
0xcb: {  	[tilespmem:s18+$0x13CA0] =	vst v2  }
0xcc: {  	v2 =	vld [tilespmem:s29+$0x30];
	_ =	sdelay $0x2  }
0xcd: {  	s31 =	simm.s32 $0x20;
	[tilespmem:s18+$0x14400] =	vst v1  }
0xce: {  	s8 =	sor.u32 s21, s31;
	v1 =	vld [tilespmem:s30+$0x10]  }
0xcf: {  	s7 =	spop (v2sf);
	[tilespmem:s18+$0x13CB0] =	vst v2;
	v2 =	vld [tilespmem:s8+$0xFA00]  }
0xd0: {  	v5 =	vld [tilespmem:s7+$0x0]  }
0xd1: {  	(v2sf) =	vpush v0, $0x4;
	_ =	sdelay $0x2  }
0xd2: {  	[tilespmem:s18+$0x14410] =	vst v1  }
0xd3: {  	v1 =	vld [tilespmem:s30+$0x20];
	(v2sf) =	vpush v2, $0x0;
	[tilespmem:s18+$0x13CC0] =	vst v5  }
0xd4: {  	v5 =	vld [tilespmem:s7+$0x10];
	_ =	sdelay $0x1  }
0xd5: {  	(v2sf) =	vpush v7, $0x6;
	_ =	sdelay $0x1  }
0xd6: {  	[tilespmem:s18+$0x14420] =	vst v1  }
0xd7: {  	v1 =	vld [tilespmem:s30+$0x30];
	[tilespmem:s18+$0x13CD0] =	vst v5  }
0xd8: {  	v5 =	vld [tilespmem:s7+$0x20];
	_ =	sdelay $0x3  }
0xd9: {  	s9 =	spop (v2sf);
	[tilespmem:s18+$0x14430] =	vst v1  }
0xda: {  	v1 =	vld [tilespmem:s9+$0x0];
	[tilespmem:s18+$0x13CE0] =	vst v5  }
0xdb: {  	v5 =	vld [tilespmem:s7+$0x30];
	_ =	sdelay $0x1  }
0xdc: {  	s20 =	spop (v2sf)  }
0xdd: {  	v6 =	vld [tilespmem:s20+$0x0]  }
0xde: {  	[tilespmem:s18+$0x14440] =	vst v1;
	v1 =	vld [tilespmem:s8+$0x11A00]  }
0xdf: {  	s5 =	spop (v2sf);
	[tilespmem:s18+$0x13CF0] =	vst v5;
	v5 =	vld [tilespmem:s9+$0x10]  }
0xe0: {  	s22 =	simm.s32 $0x1000;
	v8 =	vld [tilespmem:s5+$0x0]  }
0xe1: {  	s19 =	sand.u32 $0x3FFFF800, s22;
	(v2sf) =	vpush v3, $0x5  }
0xe2: {  	[tilespmem:s19+$0x13A00] =	vst v6  }
0xe3: {  	v6 =	vld [tilespmem:s20+$0x10]  }
0xe4: {  	[tilespmem:s18+$0x14450] =	vst v5  }
0xe5: {  	(v2sf) =	vpush v1, $0x0;
	[tilespmem:s18+$0x13D00] =	vst v8;
	v5 =	vld [tilespmem:s9+$0x20]  }
0xe6: {  	v8 =	vld [tilespmem:s5+$0x10];
	_ =	sdelay $0x1  }
0xe7: {  	(v2sf) =	vpush v4, $0x6;
	[tilespmem:s19+$0x13A10] =	vst v6  }
0xe8: {  	v6 =	vld [tilespmem:s20+$0x20]  }
0xe9: {  	[tilespmem:s18+$0x14460] =	vst v5  }
0xea: {  	[tilespmem:s18+$0x13D10] =	vst v8;
	v5 =	vld [tilespmem:s9+$0x30]  }
0xeb: {  	v8 =	vld [tilespmem:s5+$0x20];
	_ =	sdelay $0x1  }
0xec: {  	[tilespmem:s19+$0x13A20] =	vst v6  }
0xed: {  	v6 =	vld [tilespmem:s20+$0x30]  }
0xee: {  	s23 =	spop (v2sf);
	[tilespmem:s18+$0x14470] =	vst v5  }
0xef: {  	[tilespmem:s18+$0x13D20] =	vst v8;
	v5 =	vld [tilespmem:s23+$0x0]  }
0xf0: {  	v8 =	vld [tilespmem:s5+$0x30];
	_ =	sdelay $0x1  }
0xf1: {  	s24 =	spop (v2sf);
	[tilespmem:s19+$0x13A30] =	vst v6  }
0xf2: {  	v6 =	vld [tilespmem:s24+$0x0]  }
0xf3: {  	[tilespmem:s18+$0x14480] =	vst v5  }
0xf4: {  	s25 =	spop (v2sf);
	[tilespmem:s18+$0x13D30] =	vst v8;
	v5 =	vld [tilespmem:s23+$0x10]  }
0xf5: {  	v8 =	vld [tilespmem:s25+$0x0]  }
0xf6: {  	(v2sf) =	vpush v0, $0x5  }
0xf7: {  	[tilespmem:s19+$0x13A40] =	vst v6  }
0xf8: {  	v6 =	vld [tilespmem:s24+$0x10]  }
0xf9: {  	[tilespmem:s18+$0x14490] =	vst v5  }
0xfa: {  	[tilespmem:s18+$0x13D40] =	vst v8;
	v5 =	vld [tilespmem:s23+$0x20]  }
0xfb: {  	(v2sf) =	vpush v2, $0x1;
	v8 =	vld [tilespmem:s25+$0x10];
	_ =	sdelay $0x1  }
0xfc: {  	(v2sf) =	vpush v7, $0x7;
	[tilespmem:s19+$0x13A50] =	vst v6  }
0xfd: {  	v6 =	vld [tilespmem:s24+$0x20]  }
0xfe: {  	[tilespmem:s18+$0x144A0] =	vst v5  }
0xff: {  	[tilespmem:s18+$0x13D50] =	vst v8;
	v5 =	vld [tilespmem:s23+$0x30]  }
0x100: {  	v8 =	vld [tilespmem:s25+$0x20];
	_ =	sdelay $0x1  }
0x101: {  	s0 =	sor.u32 $0x10, s31;
	[tilespmem:s19+$0x13A60] =	vst v6  }
0x102: {  	s26 =	sor.u32 s21, s0;
	v6 =	vld [tilespmem:s24+$0x30]  }
0x103: {  	s28 =	spop (v2sf);
	[tilespmem:s18+$0x144B0] =	vst v5;
	v5 =	vld [tilespmem:s26+$0xFA00]  }
0x104: {  	[tilespmem:s18+$0x13D60] =	vst v8;
	v8 =	vld [tilespmem:s28+$0x0]  }
0x105: {  	v9 =	vld [tilespmem:s25+$0x30];
	_ =	sdelay $0x2  }
0x106: {  	s29 =	spop (v2sf);
	[tilespmem:s19+$0x13A70] =	vst v6;
	(v2sf) =	vpush v5, $0x0  }
0x107: {  	v6 =	vld [tilespmem:s29+$0x0];
	[tilespmem:s18+$0x144C0] =	vst v8  }
0x108: {  	s30 =	spop (v2sf);
	[tilespmem:s18+$0x13D70] =	vst v9;
	v8 =	vld [tilespmem:s28+$0x10]  }
0x109: {  	v9 =	vld [tilespmem:s30+$0x0]  }
0x10a: {  	(v2sf) =	vpush v3, $0x6;
	_ =	sdelay $0x1  }
0x10b: {  	[tilespmem:s19+$0x13A80] =	vst v6  }
0x10c: {  	v6 =	vld [tilespmem:s29+$0x10];
	[tilespmem:s18+$0x144D0] =	vst v8  }
0x10d: {  	[tilespmem:s18+$0x13D80] =	vst v9;
	v8 =	vld [tilespmem:s28+$0x20]  }
0x10e: {  	(v2sf) =	vpush v1, $0x1;
	v9 =	vld [tilespmem:s30+$0x10];
	_ =	sdelay $0x1  }
0x10f: {  	(v2sf) =	vpush v4, $0x7  }
0x110: {  	[tilespmem:s19+$0x13A90] =	vst v6  }
0x111: {  	v6 =	vld [tilespmem:s29+$0x20];
	[tilespmem:s18+$0x144E0] =	vst v8  }
0x112: {  	[tilespmem:s18+$0x13D90] =	vst v9;
	v8 =	vld [tilespmem:s28+$0x30]  }
0x113: {  	s31 =	spop (v2sf);
	v9 =	vld [tilespmem:s30+$0x20]  }
0x114: {  	v10 =	vld [tilespmem:s31+$0x0];
	_ =	sdelay $0x1  }
0x115: {  	[tilespmem:s19+$0x13AA0] =	vst v6;
	v6 =	vld [tilespmem:s26+$0x11A00]  }
0x116: {  	s0 =	sshll.u32 s0, $0x7;
	s4 =	spop (v2sf);
	v11 =	vld [tilespmem:s29+$0x30];
	[tilespmem:s18+$0x144F0] =	vst v8  }
0x117: {  	s0 =	sand.u32 $0x3FFFF800, s0;
	[tilespmem:s18+$0x13DA0] =	vst v9;
	v8 =	vld [tilespmem:s4+$0x0]  }
0x118: {  	[tilespmem:s0+$0x13A00] =	vst v10;
	v9 =	vld [tilespmem:s30+$0x30]  }
0x119: {  	v10 =	vld [tilespmem:s31+$0x10];
	_ =	sdelay $0x1  }
0x11a: {  	s5 =	spop (v2sf);
	(v2sf) =	vpush v6, $0x0;
	[tilespmem:s19+$0x13AB0] =	vst v11  }
0x11b: {  	v11 =	vld [tilespmem:s5+$0x0];
	[tilespmem:s18+$0x14500] =	vst v8  }
0x11c: {  	s7 =	spop (v2sf);
	[tilespmem:s18+$0x13DB0] =	vst v9;
	v8 =	vld [tilespmem:s4+$0x10]  }
0x11d: {  	[tilespmem:s0+$0x13A10] =	vst v10;
	v9 =	vld [tilespmem:s7+$0x0]  }
0x11e: {  	(v2sf) =	vpush v0, $0x6;
	v10 =	vld [tilespmem:s31+$0x20];
	_ =	sdelay $0x1  }
0x11f: {  	[tilespmem:s19+$0x13AC0] =	vst v11  }
0x120: {  	v11 =	vld [tilespmem:s5+$0x10];
	[tilespmem:s18+$0x14510] =	vst v8  }
0x121: {  	[tilespmem:s18+$0x13DC0] =	vst v9;
	v8 =	vld [tilespmem:s4+$0x20]  }
0x122: {  	(v2sf) =	vpush v2, $0x2;
	[tilespmem:s0+$0x13A20] =	vst v10;
	v9 =	vld [tilespmem:s7+$0x10]  }
0x123: {  	v10 =	vld [tilespmem:s31+$0x30]  }
0x124: {  	(v2sf) =	vpush v7, $0x8  }
0x125: {  	[tilespmem:s19+$0x13AD0] =	vst v11  }
0x126: {  	v11 =	vld [tilespmem:s5+$0x20];
	[tilespmem:s18+$0x14520] =	vst v8  }
0x127: {  	[tilespmem:s18+$0x13DD0] =	vst v9;
	v8 =	vld [tilespmem:s4+$0x30]  }
0x128: {  	s8 =	spop (v2sf);
	[tilespmem:s0+$0x13A30] =	vst v10;
	v9 =	vld [tilespmem:s7+$0x20]  }
0x129: {  	v10 =	vld [tilespmem:s8+$0x0];
	_ =	sdelay $0x1  }
0x12a: {  	[tilespmem:s19+$0x13AE0] =	vst v11  }
0x12b: {  	s9 =	spop (v2sf);
	v11 =	vld [tilespmem:s5+$0x30];
	[tilespmem:s18+$0x14530] =	vst v8  }
0x12c: {  	[tilespmem:s18+$0x13DE0] =	vst v9;
	v8 =	vld [tilespmem:s9+$0x0]  }
0x12d: {  	[tilespmem:s0+$0x13A40] =	vst v10;
	v9 =	vld [tilespmem:s7+$0x30]  }
0x12e: {  	v10 =	vld [tilespmem:s8+$0x10];
	_ =	sdelay $0x1  }
0x12f: {  	(v2sf) =	vpush v5, $0x1;
	s20 =	spop (v2sf);
	[tilespmem:s19+$0x13AF0] =	vst v11  }
0x130: {  	v11 =	vld [tilespmem:s20+$0x0];
	[tilespmem:s18+$0x14540] =	vst v8  }
0x131: {  	s22 =	spop (v2sf);
	[tilespmem:s18+$0x13DF0] =	vst v9;
	v8 =	vld [tilespmem:s9+$0x10]  }
0x132: {  	[tilespmem:s0+$0x13A50] =	vst v10;
	v9 =	vld [tilespmem:s22+$0x0]  }
0x133: {  	(v2sf) =	vpush v3, $0x7;
	v10 =	vld [tilespmem:s8+$0x20];
	_ =	sdelay $0x1  }
0x134: {  	[tilespmem:s19+$0x13B00] =	vst v11  }
0x135: {  	v11 =	vld [tilespmem:s20+$0x10];
	[tilespmem:s18+$0x14550] =	vst v8  }
0x136: {  	[tilespmem:s18+$0x13E00] =	vst v9;
	v8 =	vld [tilespmem:s9+$0x20]  }
0x137: {  	(v2sf) =	vpush v1, $0x2;
	[tilespmem:s0+$0x13A60] =	vst v10;
	v9 =	vld [tilespmem:s22+$0x10]  }
0x138: {  	v10 =	vld [tilespmem:s8+$0x30]  }
0x139: {  	(v2sf) =	vpush v4, $0x8  }
0x13a: {  	[tilespmem:s19+$0x13B10] =	vst v11  }
0x13b: {  	v11 =	vld [tilespmem:s20+$0x20];
	[tilespmem:s18+$0x14560] =	vst v8  }
0x13c: {  	[tilespmem:s18+$0x13E10] =	vst v9;
	v8 =	vld [tilespmem:s9+$0x30]  }
0x13d: {  	s23 =	spop (v2sf);
	[tilespmem:s0+$0x13A70] =	vst v10;
	v9 =	vld [tilespmem:s22+$0x20]  }
0x13e: {  	v10 =	vld [tilespmem:s23+$0x0];
	_ =	sdelay $0x1  }
0x13f: {  	[tilespmem:s19+$0x13B20] =	vst v11  }
0x140: {  	s24 =	spop (v2sf);
	v11 =	vld [tilespmem:s20+$0x30];
	[tilespmem:s18+$0x14570] =	vst v8  }
0x141: {  	[tilespmem:s18+$0x13E20] =	vst v9;
	v8 =	vld [tilespmem:s24+$0x0]  }
0x142: {  	[tilespmem:s19+$0x14280] =	vst v10;
	v9 =	vld [tilespmem:s22+$0x30]  }
0x143: {  	v10 =	vld [tilespmem:s23+$0x10];
	_ =	sdelay $0x1  }
0x144: {  	(v2sf) =	vpush v6, $0x1;
	s25 =	spop (v2sf);
	[tilespmem:s19+$0x13B30] =	vst v11  }
0x145: {  	v11 =	vld [tilespmem:s25+$0x0];
	[tilespmem:s18+$0x14580] =	vst v8  }
0x146: {  	s26 =	spop (v2sf);
	[tilespmem:s18+$0x13E30] =	vst v9;
	v8 =	vld [tilespmem:s24+$0x10]  }
0x147: {  	[tilespmem:s19+$0x14290] =	vst v10;
	v9 =	vld [tilespmem:s26+$0x0]  }
0x148: {  	(v2sf) =	vpush v0, $0x7;
	v10 =	vld [tilespmem:s23+$0x20];
	_ =	sdelay $0x1  }
0x149: {  	[tilespmem:s19+$0x13B40] =	vst v11  }
0x14a: {  	v11 =	vld [tilespmem:s25+$0x10];
	[tilespmem:s18+$0x14590] =	vst v8  }
0x14b: {  	[tilespmem:s18+$0x13E40] =	vst v9;
	v8 =	vld [tilespmem:s24+$0x20]  }
0x14c: {  	(v2sf) =	vpush v2, $0x3;
	[tilespmem:s19+$0x142A0] =	vst v10;
	v9 =	vld [tilespmem:s26+$0x10]  }
0x14d: {  	v10 =	vld [tilespmem:s23+$0x30]  }
0x14e: {  	(v2sf) =	vpush v7, $0x9  }
0x14f: {  	[tilespmem:s19+$0x13B50] =	vst v11  }
0x150: {  	v11 =	vld [tilespmem:s25+$0x20];
	[tilespmem:s18+$0x145A0] =	vst v8  }
0x151: {  	[tilespmem:s18+$0x13E50] =	vst v9;
	v8 =	vld [tilespmem:s24+$0x30]  }
0x152: {  	s28 =	spop (v2sf);
	[tilespmem:s19+$0x142B0] =	vst v10;
	v9 =	vld [tilespmem:s26+$0x20]  }
0x153: {  	v10 =	vld [tilespmem:s28+$0x0];
	_ =	sdelay $0x1  }
0x154: {  	[tilespmem:s19+$0x13B60] =	vst v11  }
0x155: {  	s29 =	spop (v2sf);
	v11 =	vld [tilespmem:s25+$0x30];
	[tilespmem:s18+$0x145B0] =	vst v8  }
0x156: {  	[tilespmem:s18+$0x13E60] =	vst v9;
	v8 =	vld [tilespmem:s29+$0x0]  }
0x157: {  	[tilespmem:s19+$0x142C0] =	vst v10;
	v9 =	vld [tilespmem:s26+$0x30]  }
0x158: {  	v10 =	vld [tilespmem:s28+$0x10];
	_ =	sdelay $0x1  }
0x159: {  	(v2sf) =	vpush v5, $0x2;
	s30 =	spop (v2sf);
	[tilespmem:s19+$0x13B70] =	vst v11  }
0x15a: {  	v11 =	vld [tilespmem:s30+$0x0];
	[tilespmem:s18+$0x145C0] =	vst v8  }
0x15b: {  	s31 =	spop (v2sf);
	[tilespmem:s18+$0x13E70] =	vst v9;
	v8 =	vld [tilespmem:s29+$0x10]  }
0x15c: {  	[tilespmem:s19+$0x142D0] =	vst v10;
	v9 =	vld [tilespmem:s31+$0x0]  }
0x15d: {  	(v2sf) =	vpush v3, $0x8;
	v10 =	vld [tilespmem:s28+$0x20];
	_ =	sdelay $0x1  }
0x15e: {  	[tilespmem:s19+$0x13B80] =	vst v11  }
0x15f: {  	v11 =	vld [tilespmem:s30+$0x10];
	[tilespmem:s18+$0x145D0] =	vst v8  }
0x160: {  	[tilespmem:s18+$0x13E80] =	vst v9;
	v8 =	vld [tilespmem:s29+$0x20]  }
0x161: {  	(v2sf) =	vpush v1, $0x3;
	[tilespmem:s19+$0x142E0] =	vst v10;
	v9 =	vld [tilespmem:s31+$0x10]  }
0x162: {  	v10 =	vld [tilespmem:s28+$0x30]  }
0x163: {  	(v2sf) =	vpush v4, $0x9  }
0x164: {  	[tilespmem:s19+$0x13B90] =	vst v11  }
0x165: {  	v11 =	vld [tilespmem:s30+$0x20];
	[tilespmem:s18+$0x145E0] =	vst v8  }
0x166: {  	[tilespmem:s18+$0x13E90] =	vst v9;
	v8 =	vld [tilespmem:s29+$0x30]  }
0x167: {  	s1 =	spop (v2sf);
	[tilespmem:s19+$0x142F0] =	vst v10;
	v9 =	vld [tilespmem:s31+$0x20]  }
0x168: {  	v10 =	vld [tilespmem:s1+$0x0];
	_ =	sdelay $0x1  }
0x169: {  	[tilespmem:s19+$0x13BA0] =	vst v11  }
0x16a: {  	s3 =	spop (v2sf);
	v11 =	vld [tilespmem:s30+$0x30];
	[tilespmem:s18+$0x145F0] =	vst v8  }
0x16b: {  	[tilespmem:s18+$0x13EA0] =	vst v9;
	v8 =	vld [tilespmem:s3+$0x0]  }
0x16c: {  	[tilespmem:s19+$0x14300] =	vst v10;
	v9 =	vld [tilespmem:s31+$0x30]  }
0x16d: {  	v10 =	vld [tilespmem:s1+$0x10];
	_ =	sdelay $0x1  }
0x16e: {  	(v2sf) =	vpush v6, $0x2;
	s5 =	spop (v2sf);
	[tilespmem:s19+$0x13BB0] =	vst v11  }
0x16f: {  	v11 =	vld [tilespmem:s5+$0x0];
	[tilespmem:s18+$0x14600] =	vst v8  }
0x170: {  	s7 =	spop (v2sf);
	[tilespmem:s18+$0x13EB0] =	vst v9;
	v8 =	vld [tilespmem:s3+$0x10]  }
0x171: {  	[tilespmem:s19+$0x14310] =	vst v10;
	v9 =	vld [tilespmem:s7+$0x0]  }
0x172: {  	(v2sf) =	vpush v0, $0x8;
	v10 =	vld [tilespmem:s1+$0x20];
	_ =	sdelay $0x1  }
0x173: {  	[tilespmem:s19+$0x13BC0] =	vst v11  }
0x174: {  	v11 =	vld [tilespmem:s5+$0x10];
	[tilespmem:s18+$0x14610] =	vst v8  }
0x175: {  	[tilespmem:s18+$0x13EC0] =	vst v9;
	v8 =	vld [tilespmem:s3+$0x20]  }
0x176: {  	(v2sf) =	vpush v2, $0x4;
	[tilespmem:s19+$0x14320] =	vst v10;
	v9 =	vld [tilespmem:s7+$0x10]  }
0x177: {  	v10 =	vld [tilespmem:s1+$0x30]  }
0x178: {  	(v2sf) =	vpush v7, $0xA  }
0x179: {  	[tilespmem:s19+$0x13BD0] =	vst v11  }
0x17a: {  	v11 =	vld [tilespmem:s5+$0x20];
	[tilespmem:s18+$0x14620] =	vst v8  }
0x17b: {  	[tilespmem:s18+$0x13ED0] =	vst v9;
	v8 =	vld [tilespmem:s3+$0x30]  }
0x17c: {  	s8 =	spop (v2sf);
	[tilespmem:s19+$0x14330] =	vst v10;
	v9 =	vld [tilespmem:s7+$0x20]  }
0x17d: {  	v10 =	vld [tilespmem:s8+$0x0];
	_ =	sdelay $0x1  }
0x17e: {  	[tilespmem:s19+$0x13BE0] =	vst v11  }
0x17f: {  	s9 =	spop (v2sf);
	v11 =	vld [tilespmem:s5+$0x30];
	[tilespmem:s18+$0x14630] =	vst v8  }
0x180: {  	[tilespmem:s18+$0x13EE0] =	vst v9;
	v8 =	vld [tilespmem:s9+$0x0]  }
0x181: {  	[tilespmem:s19+$0x14340] =	vst v10;
	v9 =	vld [tilespmem:s7+$0x30]  }
0x182: {  	v10 =	vld [tilespmem:s8+$0x10];
	_ =	sdelay $0x1  }
0x183: {  	(v2sf) =	vpush v5, $0x3;
	s20 =	spop (v2sf);
	[tilespmem:s19+$0x13BF0] =	vst v11  }
0x184: {  	v11 =	vld [tilespmem:s20+$0x0];
	[tilespmem:s18+$0x14640] =	vst v8  }
0x185: {  	s22 =	spop (v2sf);
	[tilespmem:s18+$0x13EF0] =	vst v9;
	v8 =	vld [tilespmem:s9+$0x10]  }
0x186: {  	[tilespmem:s19+$0x14350] =	vst v10;
	v9 =	vld [tilespmem:s22+$0x0]  }
0x187: {  	(v2sf) =	vpush v3, $0x9;
	v10 =	vld [tilespmem:s8+$0x20];
	_ =	sdelay $0x1  }
0x188: {  	[tilespmem:s19+$0x13C00] =	vst v11  }
0x189: {  	v11 =	vld [tilespmem:s20+$0x10];
	[tilespmem:s18+$0x14650] =	vst v8  }
0x18a: {  	[tilespmem:s18+$0x13F00] =	vst v9;
	v8 =	vld [tilespmem:s9+$0x20]  }
0x18b: {  	(v2sf) =	vpush v1, $0x4;
	[tilespmem:s19+$0x14360] =	vst v10;
	v9 =	vld [tilespmem:s22+$0x10]  }
0x18c: {  	v10 =	vld [tilespmem:s8+$0x30]  }
0x18d: {  	(v2sf) =	vpush v4, $0xA  }
0x18e: {  	[tilespmem:s19+$0x13C10] =	vst v11  }
0x18f: {  	v11 =	vld [tilespmem:s20+$0x20];
	[tilespmem:s18+$0x14660] =	vst v8  }
0x190: {  	[tilespmem:s18+$0x13F10] =	vst v9;
	v8 =	vld [tilespmem:s9+$0x30]  }
0x191: {  	s23 =	spop (v2sf);
	[tilespmem:s19+$0x14370] =	vst v10;
	v9 =	vld [tilespmem:s22+$0x20]  }
0x192: {  	v10 =	vld [tilespmem:s23+$0x0];
	_ =	sdelay $0x1  }
0x193: {  	[tilespmem:s19+$0x13C20] =	vst v11  }
0x194: {  	s24 =	spop (v2sf);
	v11 =	vld [tilespmem:s20+$0x30];
	[tilespmem:s18+$0x14670] =	vst v8  }
0x195: {  	[tilespmem:s18+$0x13F20] =	vst v9;
	v8 =	vld [tilespmem:s24+$0x0]  }
0x196: {  	[tilespmem:s19+$0x14380] =	vst v10;
	v9 =	vld [tilespmem:s22+$0x30]  }
0x197: {  	v10 =	vld [tilespmem:s23+$0x10];
	_ =	sdelay $0x1  }
0x198: {  	(v2sf) =	vpush v6, $0x3;
	s25 =	spop (v2sf);
	[tilespmem:s19+$0x13C30] =	vst v11  }
0x199: {  	v11 =	vld [tilespmem:s25+$0x0];
	[tilespmem:s18+$0x14680] =	vst v8  }
0x19a: {  	s26 =	spop (v2sf);
	[tilespmem:s18+$0x13F30] =	vst v9;
	v8 =	vld [tilespmem:s24+$0x10]  }
0x19b: {  	(v2sf) =	vpush v0, $0x9;
	[tilespmem:s19+$0x14390] =	vst v10;
	v9 =	vld [tilespmem:s26+$0x0]  }
0x19c: {  	v10 =	vld [tilespmem:s23+$0x20];
	_ =	sdelay $0x1  }
0x19d: {  	[tilespmem:s19+$0x13C40] =	vst v11  }
0x19e: {  	v11 =	vld [tilespmem:s25+$0x10];
	[tilespmem:s18+$0x14690] =	vst v8  }
0x19f: {  	[tilespmem:s18+$0x13F40] =	vst v9;
	v8 =	vld [tilespmem:s24+$0x20]  }
0x1a0: {  	(v2sf) =	vpush v2, $0x5;
	[tilespmem:s19+$0x143A0] =	vst v10;
	v9 =	vld [tilespmem:s26+$0x10]  }
0x1a1: {  	v10 =	vld [tilespmem:s23+$0x30]  }
0x1a2: {  	(v2sf) =	vpush v7, $0xB  }
0x1a3: {  	[tilespmem:s19+$0x13C50] =	vst v11  }
0x1a4: {  	v11 =	vld [tilespmem:s25+$0x20];
	[tilespmem:s18+$0x146A0] =	vst v8  }
0x1a5: {  	[tilespmem:s18+$0x13F50] =	vst v9;
	v8 =	vld [tilespmem:s24+$0x30]  }
0x1a6: {  	s28 =	spop (v2sf);
	[tilespmem:s19+$0x143B0] =	vst v10;
	v9 =	vld [tilespmem:s26+$0x20]  }
0x1a7: {  	v10 =	vld [tilespmem:s28+$0x0]  }
0x1a8: {  	(v2sf) =	vpush v5, $0x4  }
0x1a9: {  	s29 =	spop (v2sf);
	(v2sf) =	vpush v3, $0xA;
	[tilespmem:s19+$0x13C60] =	vst v11  }
0x1aa: {  	v11 =	vld [tilespmem:s25+$0x30];
	[tilespmem:s18+$0x146B0] =	vst v8  }
0x1ab: {  	[tilespmem:s18+$0x13F60] =	vst v9;
	v8 =	vld [tilespmem:s29+$0x0]  }
0x1ac: {  	[tilespmem:s19+$0x143C0] =	vst v10;
	v9 =	vld [tilespmem:s26+$0x30]  }
0x1ad: {  	v10 =	vld [tilespmem:s28+$0x10];
	_ =	sdelay $0x1  }
0x1ae: {  	s30 =	spop (v2sf);
	[tilespmem:s19+$0x13C70] =	vst v11  }
0x1af: {  	v11 =	vld [tilespmem:s30+$0x0];
	[tilespmem:s18+$0x146C0] =	vst v8  }
0x1b0: {  	s31 =	spop (v2sf);
	[tilespmem:s18+$0x13F70] =	vst v9;
	v8 =	vld [tilespmem:s29+$0x10]  }
0x1b1: {  	[tilespmem:s19+$0x143D0] =	vst v10;
	v9 =	vld [tilespmem:s31+$0x0]  }
0x1b2: {  	v10 =	vld [tilespmem:s28+$0x20];
	_ =	sdelay $0x1  }
0x1b3: {  	[tilespmem:s19+$0x13C80] =	vst v11  }
0x1b4: {  	v11 =	vld [tilespmem:s30+$0x10];
	[tilespmem:s18+$0x146D0] =	vst v8  }
0x1b5: {  	s8 =	spop (v2sf);
	[tilespmem:s18+$0x13F80] =	vst v9;
	v8 =	vld [tilespmem:s29+$0x20]  }
0x1b6: {  	s9 =	spop (v2sf);
	(v2sf) =	vpush v1, $0x5;
	[tilespmem:s19+$0x143E0] =	vst v10;
	v9 =	vld [tilespmem:s31+$0x10]  }
0x1b7: {  	v10 =	vld [tilespmem:s28+$0x30];
	_ =	sdelay $0x1  }
0x1b8: {  	(v2sf) =	vpush v4, $0xB;
	[tilespmem:s19+$0x13C90] =	vst v11  }
0x1b9: {  	v11 =	vld [tilespmem:s30+$0x20];
	[tilespmem:s18+$0x146E0] =	vst v8  }
0x1ba: {  	[tilespmem:s18+$0x13F90] =	vst v9;
	v8 =	vld [tilespmem:s29+$0x30]  }
0x1bb: {  	[tilespmem:s19+$0x143F0] =	vst v10;
	v9 =	vld [tilespmem:s31+$0x20]  }
0x1bc: {  	v10 =	vld [tilespmem:s8+$0x0];
	_ =	sdelay $0x1  }
0x1bd: {  	[tilespmem:s19+$0x13CA0] =	vst v11  }
0x1be: {  	v11 =	vld [tilespmem:s30+$0x30];
	[tilespmem:s18+$0x146F0] =	vst v8  }
0x1bf: {  	[tilespmem:s18+$0x13FA0] =	vst v9;
	v9 =	vld [tilespmem:s9+$0x0]  }
0x1c0: {  	[tilespmem:s19+$0x14400] =	vst v10;
	v8 =	vld [tilespmem:s31+$0x30]  }
0x1c1: {  	s0 =	simm.s32 $0x4;
	s20 =	sshll.u32 s17, $0x1;
	v10 =	vld [tilespmem:s8+$0x10]  }
.LBB2_3:
0x1c2: {  	s1 =	sshll.u32 s0, $0x4  }
0x1c3: {  	[tilespmem:s19+$0x13CB0] =	vst v11;
	s5 =	spop (v2sf);
	s3 =	smov.u32 s0;
	s22 =	sadd.s32 $0x2, s0  }
0x1c4: {  	p1 =	slt.u32 s0, $0x6;
	s23 =	sor.u32 s21, s1;
	s1 =	sor.u32 $0x10, s1;
	v12 =	vld [tilespmem:s5+$0x0];
	(v2sf) =	vpush v6, $0x4  }
0x1c5: {  	v11 =	vld [tilespmem:s23+$0xFA00];
	s0 =	sshll.u32 s1, $0x7;
	[tilespmem:s18+$0x14700] =	vst v9  }
0x1c6: {  	[tilespmem:s18+$0x13FB0] =	vst v8;
	v8 =	vld [tilespmem:s9+$0x10];
	s24 =	spop (v2sf)  }
0x1c7: {  	[tilespmem:s19+$0x14410] =	vst v10;
	v9 =	vld [tilespmem:s24+$0x0]  }
0x1c8: {  	v10 =	vld [tilespmem:s8+$0x20];
	(v2sf) =	vpush v0, $0xA  }
0x1c9: {  	[tilespmem:s19+$0x13CC0] =	vst v12  }
0x1ca: {  	(v2sf) =	vpush v11, $0x0;
	v12 =	vld [tilespmem:s5+$0x10]  }
0x1cb: {  	[tilespmem:s18+$0x14710] =	vst v8  }
0x1cc: {  	(v2sf) =	vpush v2, $0x6;
	[tilespmem:s18+$0x13FC0] =	vst v9;
	v8 =	vld [tilespmem:s9+$0x20]  }
0x1cd: {  	[tilespmem:s19+$0x14420] =	vst v10;
	v9 =	vld [tilespmem:s24+$0x10]  }
0x1ce: {  	v10 =	vld [tilespmem:s8+$0x30]  }
0x1cf: {  	[tilespmem:s19+$0x13CD0] =	vst v12;
	(v2sf) =	vpush v7, $0xC  }
0x1d0: {  	v12 =	vld [tilespmem:s5+$0x20]  }
0x1d1: {  	[tilespmem:s18+$0x14720] =	vst v8  }
0x1d2: {  	[tilespmem:s18+$0x13FD0] =	vst v9;
	v8 =	vld [tilespmem:s9+$0x30]  }
0x1d3: {  	[tilespmem:s19+$0x14430] =	vst v10;
	s4 =	spop (v2sf);
	v9 =	vld [tilespmem:s24+$0x20]  }
0x1d4: {  	v10 =	vld [tilespmem:s4+$0x0]  }
0x1d5: {  	[tilespmem:s19+$0x13CE0] =	vst v12  }
0x1d6: {  	v12 =	vld [tilespmem:s5+$0x30]  }
0x1d7: {  	[tilespmem:s18+$0x14730] =	vst v8;
	s5 =	spop (v2sf)  }
0x1d8: {  	[tilespmem:s18+$0x13FE0] =	vst v9;
	v9 =	vld [tilespmem:s5+$0x0]  }
0x1d9: {  	s8 =	spop (v2sf);
	[tilespmem:s19+$0x14440] =	vst v10;
	v10 =	vld [tilespmem:s24+$0x30]  }
0x1da: {  	v13 =	vld [tilespmem:s8+$0x0]  }
0x1db: {  	[tilespmem:s19+$0x13CF0] =	vst v12;
	v12 =	vld [tilespmem:s4+$0x10];
	s9 =	spop (v2sf)  }
0x1dc: {  	v14 =	vld [tilespmem:s9+$0x0]  }
0x1dd: {  	s3 =	sshll.u32 s3, $0xB;
	v8 =	vld [tilespmem:s23+$0x11A00];
	(v2sf) =	vpush v5, $0x5;
	[tilespmem:s18+$0x14740] =	vst v9  }
0x1de: {  	s23 =	sand.u32 $0x3FFFF800, s3;
	[tilespmem:s18+$0x13FF0] =	vst v10;
	v9 =	vld [tilespmem:s5+$0x10];
	s3 =	spop (v2sf)  }
0x1df: {  	[tilespmem:s23+$0x13A00] =	vst v13;
	v10 =	vld [tilespmem:s3+$0x0]  }
0x1e0: {  	v13 =	vld [tilespmem:s8+$0x10];
	[tilespmem:s19+$0x14450] =	vst v12;
	(v2sf) =	vpush v3, $0xB  }
0x1e1: {  	[tilespmem:s19+$0x13D00] =	vst v14;
	v12 =	vld [tilespmem:s4+$0x20]  }
0x1e2: {  	(v2sf) =	vpush v8, $0x0;
	v14 =	vld [tilespmem:s9+$0x10]  }
0x1e3: {  	[tilespmem:s18+$0x14750] =	vst v9  }
0x1e4: {  	(v2sf) =	vpush v1, $0x6;
	[tilespmem:s18+$0x14000] =	vst v10;
	v9 =	vld [tilespmem:s5+$0x20]  }
0x1e5: {  	[tilespmem:s23+$0x13A10] =	vst v13;
	v10 =	vld [tilespmem:s3+$0x10]  }
0x1e6: {  	v13 =	vld [tilespmem:s8+$0x20];
	[tilespmem:s19+$0x14460] =	vst v12  }
0x1e7: {  	[tilespmem:s19+$0x13D10] =	vst v14;
	v12 =	vld [tilespmem:s4+$0x30];
	(v2sf) =	vpush v4, $0xC  }
0x1e8: {  	v14 =	vld [tilespmem:s9+$0x20]  }
0x1e9: {  	[tilespmem:s18+$0x14760] =	vst v9  }
0x1ea: {  	[tilespmem:s18+$0x14010] =	vst v10;
	v9 =	vld [tilespmem:s5+$0x30]  }
0x1eb: {  	[tilespmem:s23+$0x13A20] =	vst v13;
	v10 =	vld [tilespmem:s3+$0x20]  }
0x1ec: {  	v13 =	vld [tilespmem:s8+$0x30];
	[tilespmem:s19+$0x14470] =	vst v12;
	s4 =	spop (v2sf)  }
0x1ed: {  	[tilespmem:s19+$0x13D20] =	vst v14;
	v12 =	vld [tilespmem:s4+$0x0]  }
0x1ee: {  	v14 =	vld [tilespmem:s9+$0x30]  }
0x1ef: {  	[tilespmem:s18+$0x14770] =	vst v9;
	s5 =	spop (v2sf)  }
0x1f0: {  	[tilespmem:s18+$0x14020] =	vst v10;
	v9 =	vld [tilespmem:s5+$0x0]  }
0x1f1: {  	[tilespmem:s23+$0x13A30] =	vst v13;
	s8 =	spop (v2sf);
	v10 =	vld [tilespmem:s3+$0x30]  }
0x1f2: {  	v13 =	vld [tilespmem:s8+$0x0];
	[tilespmem:s19+$0x14480] =	vst v12  }
0x1f3: {  	[tilespmem:s19+$0x13D30] =	vst v14;
	v12 =	vld [tilespmem:s4+$0x10];
	s9 =	spop (v2sf)  }
0x1f4: {  	v14 =	vld [tilespmem:s9+$0x0]  }
0x1f5: {  	[tilespmem:s18+$0x14780] =	vst v9  }
0x1f6: {  	(v2sf) =	vpush v6, $0x5;
	[tilespmem:s18+$0x14030] =	vst v10;
	v9 =	vld [tilespmem:s5+$0x10];
	s24 =	spop (v2sf)  }
0x1f7: {  	[tilespmem:s23+$0x13A40] =	vst v13;
	v10 =	vld [tilespmem:s24+$0x0]  }
0x1f8: {  	v13 =	vld [tilespmem:s8+$0x10];
	[tilespmem:s19+$0x14490] =	vst v12;
	(v2sf) =	vpush v0, $0xB  }
0x1f9: {  	[tilespmem:s19+$0x13D40] =	vst v14;
	v12 =	vld [tilespmem:s4+$0x20]  }
0x1fa: {  	(v2sf) =	vpush v11, $0x1;
	v14 =	vld [tilespmem:s9+$0x10]  }
0x1fb: {  	[tilespmem:s18+$0x14790] =	vst v9  }
0x1fc: {  	[tilespmem:s18+$0x14040] =	vst v10;
	v9 =	vld [tilespmem:s5+$0x20]  }
0x1fd: {  	[tilespmem:s23+$0x13A50] =	vst v13;
	(v2sf) =	vpush v2, $0x7;
	v10 =	vld [tilespmem:s24+$0x10]  }
0x1fe: {  	v13 =	vld [tilespmem:s8+$0x20];
	[tilespmem:s19+$0x144A0] =	vst v12  }
0x1ff: {  	[tilespmem:s19+$0x13D50] =	vst v14;
	v12 =	vld [tilespmem:s4+$0x30];
	(v2sf) =	vpush v7, $0xD  }
0x200: {  	v14 =	vld [tilespmem:s9+$0x20]  }
0x201: {  	[tilespmem:s18+$0x147A0] =	vst v9  }
0x202: {  	[tilespmem:s18+$0x14050] =	vst v10;
	v9 =	vld [tilespmem:s5+$0x30]  }
0x203: {  	[tilespmem:s23+$0x13A60] =	vst v13;
	v13 =	vld [tilespmem:s24+$0x20]  }
0x204: {  	s3 =	sor.u32 s21, s1;
	v15 =	vld [tilespmem:s8+$0x30];
	[tilespmem:s19+$0x144B0] =	vst v12  }
0x205: {  	v10 =	vld [tilespmem:s3+$0xFA00];
	[tilespmem:s19+$0x13D60] =	vst v14;
	s4 =	spop (v2sf)  }
0x206: {  	v12 =	vld [tilespmem:s4+$0x0]  }
0x207: {  	v14 =	vld [tilespmem:s9+$0x30];
	[tilespmem:s18+$0x147B0] =	vst v9;
	s8 =	spop (v2sf)  }
0x208: {  	[tilespmem:s18+$0x14060] =	vst v13;
	v9 =	vld [tilespmem:s8+$0x0]  }
0x209: {  	[tilespmem:s23+$0x13A70] =	vst v15;
	s5 =	spop (v2sf);
	v13 =	vld [tilespmem:s24+$0x30]  }
0x20a: {  	v15 =	vld [tilespmem:s5+$0x0];
	(v2sf) =	vpush v10, $0x0  }
0x20b: {  	[tilespmem:s19+$0x144C0] =	vst v12  }
0x20c: {  	[tilespmem:s19+$0x13D70] =	vst v14;
	v12 =	vld [tilespmem:s4+$0x10];
	s9 =	spop (v2sf)  }
0x20d: {  	v14 =	vld [tilespmem:s9+$0x0];
	[tilespmem:s18+$0x147C0] =	vst v9  }
0x20e: {  	(v2sf) =	vpush v5, $0x6;
	[tilespmem:s18+$0x14070] =	vst v13;
	v9 =	vld [tilespmem:s8+$0x10];
	s1 =	spop (v2sf)  }
0x20f: {  	[tilespmem:s23+$0x13A80] =	vst v15;
	v13 =	vld [tilespmem:s1+$0x0]  }
0x210: {  	v15 =	vld [tilespmem:s5+$0x10]  }
0x211: {  	[tilespmem:s19+$0x144D0] =	vst v12;
	(v2sf) =	vpush v3, $0xC  }
0x212: {  	(v2sf) =	vpush v8, $0x1;
	[tilespmem:s19+$0x13D80] =	vst v14;
	v12 =	vld [tilespmem:s4+$0x20]  }
0x213: {  	v14 =	vld [tilespmem:s9+$0x10];
	[tilespmem:s18+$0x147D0] =	vst v9  }
0x214: {  	[tilespmem:s18+$0x14080] =	vst v13;
	v9 =	vld [tilespmem:s8+$0x20]  }
0x215: {  	[tilespmem:s23+$0x13A90] =	vst v15;
	(v2sf) =	vpush v1, $0x7;
	v13 =	vld [tilespmem:s1+$0x10]  }
0x216: {  	v15 =	vld [tilespmem:s5+$0x20]  }
0x217: {  	[tilespmem:s19+$0x144E0] =	vst v12  }
0x218: {  	[tilespmem:s19+$0x13D90] =	vst v14;
	v12 =	vld [tilespmem:s4+$0x30]  }
0x219: {  	s4 =	spop (v2sf);
	v14 =	vld [tilespmem:s9+$0x20];
	[tilespmem:s18+$0x147E0] =	vst v9  }
0x21a: {  	v16 =	vld [tilespmem:s4+$0x0];
	[tilespmem:s18+$0x14090] =	vst v13  }
0x21b: {  	[tilespmem:s23+$0x13AA0] =	vst v15;
	v13 =	vld [tilespmem:s8+$0x30]  }
0x21c: {  	v15 =	vld [tilespmem:s5+$0x30]  }
0x21d: {  	v9 =	vld [tilespmem:s3+$0x11A00];
	[tilespmem:s19+$0x144F0] =	vst v12;
	s3 =	spop (v2sf)  }
0x21e: {  	s0 =	sand.u32 $0x3FFFF800, s0;
	[tilespmem:s19+$0x13DA0] =	vst v14;
	v12 =	vld [tilespmem:s3+$0x0]  }
0x21f: {  	[tilespmem:s0+$0x13A00] =	vst v16;
	v14 =	vld [tilespmem:s9+$0x30];
	(v2sf) =	vpush v4, $0xD  }
0x220: {  	v16 =	vld [tilespmem:s4+$0x10];
	[tilespmem:s18+$0x147F0] =	vst v13;
	s8 =	spop (v2sf)  }
0x221: {  	[tilespmem:s23+$0x13AB0] =	vst v15;
	s24 =	spop (v2sf);
	v13 =	vld [tilespmem:s8+$0x0]  }
0x222: {  	v15 =	vld [tilespmem:s24+$0x0];
	(v2sf) =	vpush v9, $0x0  }
0x223: {  	[tilespmem:s19+$0x14500] =	vst v12;
	v12 =	vld [tilespmem:s1+$0x20]  }
0x224: {  	[tilespmem:s19+$0x13DB0] =	vst v14;
	v14 =	vld [tilespmem:s3+$0x10];
	s25 =	spop (v2sf)  }
0x225: {  	[tilespmem:s0+$0x13A10] =	vst v16;
	v16 =	vld [tilespmem:s25+$0x0]  }
0x226: {  	v17 =	vld [tilespmem:s4+$0x20];
	(v2sf) =	vpush v6, $0x6;
	[tilespmem:s18+$0x14800] =	vst v13  }
0x227: {  	[tilespmem:s23+$0x13AC0] =	vst v15;
	v13 =	vld [tilespmem:s8+$0x10]  }
0x228: {  	v15 =	vld [tilespmem:s24+$0x10];
	[tilespmem:s18+$0x140A0] =	vst v12  }
0x229: {  	[tilespmem:s19+$0x14510] =	vst v14;
	v12 =	vld [tilespmem:s1+$0x30];
	(v2sf) =	vpush v0, $0xC  }
0x22a: {  	(v2sf) =	vpush v11, $0x2;
	[tilespmem:s19+$0x13DC0] =	vst v16;
	v14 =	vld [tilespmem:s3+$0x20]  }
0x22b: {  	[tilespmem:s0+$0x13A20] =	vst v17;
	v16 =	vld [tilespmem:s25+$0x10]  }
0x22c: {  	v17 =	vld [tilespmem:s4+$0x30];
	[tilespmem:s18+$0x14810] =	vst v13  }
0x22d: {  	[tilespmem:s23+$0x13AD0] =	vst v15;
	(v2sf) =	vpush v2, $0x8;
	v13 =	vld [tilespmem:s8+$0x20]  }
0x22e: {  	v15 =	vld [tilespmem:s24+$0x20];
	[tilespmem:s18+$0x140B0] =	vst v12;
	s9 =	spop (v2sf)  }
0x22f: {  	[tilespmem:s19+$0x14520] =	vst v14;
	v12 =	vld [tilespmem:s9+$0x0]  }
0x230: {  	[tilespmem:s19+$0x13DD0] =	vst v16;
	v14 =	vld [tilespmem:s3+$0x30]  }
0x231: {  	[tilespmem:s0+$0x13A30] =	vst v17;
	s3 =	spop (v2sf);
	v16 =	vld [tilespmem:s25+$0x20]  }
0x232: {  	v17 =	vld [tilespmem:s3+$0x0];
	[tilespmem:s18+$0x14820] =	vst v13  }
0x233: {  	[tilespmem:s23+$0x13AE0] =	vst v15;
	v13 =	vld [tilespmem:s8+$0x30]  }
0x234: {  	v15 =	vld [tilespmem:s24+$0x30];
	[tilespmem:s18+$0x140C0] =	vst v12  }
0x235: {  	[tilespmem:s19+$0x14530] =	vst v14;
	s1 =	spop (v2sf);
	v12 =	vld [tilespmem:s9+$0x10]  }
0x236: {  	[tilespmem:s19+$0x13DE0] =	vst v16;
	v14 =	vld [tilespmem:s1+$0x0]  }
0x237: {  	[tilespmem:s0+$0x13A40] =	vst v17;
	v16 =	vld [tilespmem:s25+$0x30];
	(v2sf) =	vpush v7, $0xE  }
0x238: {  	v17 =	vld [tilespmem:s3+$0x10];
	[tilespmem:s18+$0x14830] =	vst v13;
	s4 =	spop (v2sf)  }
0x239: {  	[tilespmem:s23+$0x13AF0] =	vst v15;
	s8 =	spop (v2sf);
	v13 =	vld [tilespmem:s4+$0x0]  }
0x23a: {  	v15 =	vld [tilespmem:s8+$0x0];
	(v2sf) =	vpush v10, $0x1;
	[tilespmem:s18+$0x140D0] =	vst v12  }
0x23b: {  	[tilespmem:s19+$0x14540] =	vst v14;
	v12 =	vld [tilespmem:s9+$0x20]  }
0x23c: {  	[tilespmem:s19+$0x13DF0] =	vst v16;
	v14 =	vld [tilespmem:s1+$0x10];
	s24 =	spop (v2sf)  }
0x23d: {  	[tilespmem:s0+$0x13A50] =	vst v17;
	v16 =	vld [tilespmem:s24+$0x0]  }
0x23e: {  	v17 =	vld [tilespmem:s3+$0x20];
	(v2sf) =	vpush v5, $0x7;
	[tilespmem:s18+$0x14840] =	vst v13  }
0x23f: {  	[tilespmem:s23+$0x13B00] =	vst v15;
	v13 =	vld [tilespmem:s4+$0x10]  }
0x240: {  	v15 =	vld [tilespmem:s8+$0x10];
	[tilespmem:s18+$0x140E0] =	vst v12  }
0x241: {  	[tilespmem:s19+$0x14550] =	vst v14;
	v12 =	vld [tilespmem:s9+$0x30];
	(v2sf) =	vpush v3, $0xD  }
0x242: {  	(v2sf) =	vpush v8, $0x2;
	[tilespmem:s19+$0x13E00] =	vst v16;
	v14 =	vld [tilespmem:s1+$0x20]  }
0x243: {  	[tilespmem:s0+$0x13A60] =	vst v17;
	v16 =	vld [tilespmem:s24+$0x10]  }
0x244: {  	v17 =	vld [tilespmem:s3+$0x30];
	[tilespmem:s18+$0x14850] =	vst v13  }
0x245: {  	[tilespmem:s23+$0x13B10] =	vst v15;
	(v2sf) =	vpush v1, $0x8;
	v13 =	vld [tilespmem:s4+$0x20]  }
0x246: {  	v15 =	vld [tilespmem:s8+$0x20];
	[tilespmem:s18+$0x140F0] =	vst v12;
	s3 =	spop (v2sf)  }
0x247: {  	[tilespmem:s19+$0x14560] =	vst v14;
	v12 =	vld [tilespmem:s3+$0x0]  }
0x248: {  	[tilespmem:s19+$0x13E10] =	vst v16;
	v14 =	vld [tilespmem:s1+$0x30]  }
0x249: {  	[tilespmem:s0+$0x13A70] =	vst v17;
	s1 =	spop (v2sf);
	v16 =	vld [tilespmem:s24+$0x20]  }
0x24a: {  	v17 =	vld [tilespmem:s1+$0x0];
	[tilespmem:s18+$0x14860] =	vst v13  }
0x24b: {  	[tilespmem:s23+$0x13B20] =	vst v15;
	v13 =	vld [tilespmem:s4+$0x30]  }
0x24c: {  	v15 =	vld [tilespmem:s8+$0x30];
	[tilespmem:s18+$0x14100] =	vst v12  }
0x24d: {  	[tilespmem:s19+$0x14570] =	vst v14;
	s0 =	spop (v2sf);
	v12 =	vld [tilespmem:s3+$0x10]  }
0x24e: {  	[tilespmem:s19+$0x13E20] =	vst v16;
	v14 =	vld [tilespmem:s0+$0x0]  }
0x24f: {  	[tilespmem:s23+$0x14280] =	vst v17;
	v16 =	vld [tilespmem:s24+$0x30];
	(v2sf) =	vpush v4, $0xE  }
0x250: {  	v17 =	vld [tilespmem:s1+$0x10];
	[tilespmem:s18+$0x14870] =	vst v13;
	s4 =	spop (v2sf)  }
0x251: {  	[tilespmem:s23+$0x13B30] =	vst v15;
	s8 =	spop (v2sf);
	v13 =	vld [tilespmem:s4+$0x0]  }
0x252: {  	v15 =	vld [tilespmem:s8+$0x0];
	(v2sf) =	vpush v9, $0x1;
	[tilespmem:s18+$0x14110] =	vst v12  }
0x253: {  	[tilespmem:s19+$0x14580] =	vst v14;
	v12 =	vld [tilespmem:s3+$0x20]  }
0x254: {  	[tilespmem:s19+$0x13E30] =	vst v16;
	v14 =	vld [tilespmem:s0+$0x10];
	s9 =	spop (v2sf)  }
0x255: {  	[tilespmem:s23+$0x14290] =	vst v17;
	v16 =	vld [tilespmem:s9+$0x0]  }
0x256: {  	v17 =	vld [tilespmem:s1+$0x20];
	(v2sf) =	vpush v6, $0x7;
	[tilespmem:s18+$0x14880] =	vst v13  }
0x257: {  	[tilespmem:s23+$0x13B40] =	vst v15;
	v13 =	vld [tilespmem:s4+$0x10]  }
0x258: {  	v15 =	vld [tilespmem:s8+$0x10];
	[tilespmem:s18+$0x14120] =	vst v12  }
0x259: {  	[tilespmem:s19+$0x14590] =	vst v14;
	v12 =	vld [tilespmem:s3+$0x30];
	(v2sf) =	vpush v0, $0xD  }
0x25a: {  	(v2sf) =	vpush v11, $0x3;
	[tilespmem:s19+$0x13E40] =	vst v16;
	v14 =	vld [tilespmem:s0+$0x20]  }
0x25b: {  	[tilespmem:s23+$0x142A0] =	vst v17;
	v16 =	vld [tilespmem:s9+$0x10]  }
0x25c: {  	v17 =	vld [tilespmem:s1+$0x30];
	[tilespmem:s18+$0x14890] =	vst v13  }
0x25d: {  	[tilespmem:s23+$0x13B50] =	vst v15;
	(v2sf) =	vpush v2, $0x9;
	v13 =	vld [tilespmem:s4+$0x20]  }
0x25e: {  	v15 =	vld [tilespmem:s8+$0x20];
	[tilespmem:s18+$0x14130] =	vst v12;
	s3 =	spop (v2sf)  }
0x25f: {  	[tilespmem:s19+$0x145A0] =	vst v14;
	v12 =	vld [tilespmem:s3+$0x0]  }
0x260: {  	[tilespmem:s19+$0x13E50] =	vst v16;
	v14 =	vld [tilespmem:s0+$0x30]  }
0x261: {  	[tilespmem:s23+$0x142B0] =	vst v17;
	s1 =	spop (v2sf);
	v16 =	vld [tilespmem:s9+$0x20]  }
0x262: {  	v17 =	vld [tilespmem:s1+$0x0];
	[tilespmem:s18+$0x148A0] =	vst v13  }
0x263: {  	[tilespmem:s23+$0x13B60] =	vst v15;
	v13 =	vld [tilespmem:s4+$0x30]  }
0x264: {  	v15 =	vld [tilespmem:s8+$0x30];
	[tilespmem:s18+$0x14140] =	vst v12  }
0x265: {  	[tilespmem:s19+$0x145B0] =	vst v14;
	s0 =	spop (v2sf);
	v12 =	vld [tilespmem:s3+$0x10]  }
0x266: {  	[tilespmem:s19+$0x13E60] =	vst v16;
	v14 =	vld [tilespmem:s0+$0x0]  }
0x267: {  	[tilespmem:s23+$0x142C0] =	vst v17;
	v16 =	vld [tilespmem:s9+$0x30];
	(v2sf) =	vpush v7, $0xF;
	v7 =	vmov v2;
	v2 =	vmov v11  }
0x268: {  	v11 =	vld [tilespmem:s1+$0x10];
	[tilespmem:s18+$0x148B0] =	vst v13;
	s4 =	spop (v2sf)  }
0x269: {  	[tilespmem:s23+$0x13B70] =	vst v15;
	s8 =	spop (v2sf);
	v13 =	vld [tilespmem:s4+$0x0]  }
0x26a: {  	v15 =	vld [tilespmem:s8+$0x0];
	(v2sf) =	vpush v10, $0x2;
	[tilespmem:s18+$0x14150] =	vst v12  }
0x26b: {  	[tilespmem:s19+$0x145C0] =	vst v14;
	v12 =	vld [tilespmem:s3+$0x20]  }
0x26c: {  	[tilespmem:s19+$0x13E70] =	vst v16;
	v14 =	vld [tilespmem:s0+$0x10];
	s9 =	spop (v2sf)  }
0x26d: {  	[tilespmem:s23+$0x142D0] =	vst v11;
	v11 =	vld [tilespmem:s9+$0x0]  }
0x26e: {  	v16 =	vld [tilespmem:s1+$0x20];
	(v2sf) =	vpush v5, $0x8;
	[tilespmem:s18+$0x148C0] =	vst v13  }
0x26f: {  	[tilespmem:s23+$0x13B80] =	vst v15;
	v13 =	vld [tilespmem:s4+$0x10]  }
0x270: {  	v15 =	vld [tilespmem:s8+$0x10];
	[tilespmem:s18+$0x14160] =	vst v12  }
0x271: {  	[tilespmem:s19+$0x145D0] =	vst v14;
	v12 =	vld [tilespmem:s3+$0x30];
	(v2sf) =	vpush v3, $0xE  }
0x272: {  	(v2sf) =	vpush v8, $0x3;
	[tilespmem:s19+$0x13E80] =	vst v11;
	v11 =	vld [tilespmem:s0+$0x20]  }
0x273: {  	[tilespmem:s23+$0x142E0] =	vst v16;
	v14 =	vld [tilespmem:s9+$0x10]  }
0x274: {  	v16 =	vld [tilespmem:s1+$0x30];
	[tilespmem:s18+$0x148D0] =	vst v13  }
0x275: {  	[tilespmem:s23+$0x13B90] =	vst v15;
	(v2sf) =	vpush v1, $0x9;
	v13 =	vld [tilespmem:s4+$0x20]  }
0x276: {  	v15 =	vld [tilespmem:s8+$0x20];
	[tilespmem:s18+$0x14170] =	vst v12;
	s3 =	spop (v2sf)  }
0x277: {  	[tilespmem:s19+$0x145E0] =	vst v11;
	v11 =	vld [tilespmem:s3+$0x0]  }
0x278: {  	[tilespmem:s19+$0x13E90] =	vst v14;
	v12 =	vld [tilespmem:s0+$0x30]  }
0x279: {  	[tilespmem:s23+$0x142F0] =	vst v16;
	s1 =	spop (v2sf);
	v14 =	vld [tilespmem:s9+$0x20]  }
0x27a: {  	v16 =	vld [tilespmem:s1+$0x0];
	[tilespmem:s18+$0x148E0] =	vst v13  }
0x27b: {  	[tilespmem:s23+$0x13BA0] =	vst v15;
	v13 =	vld [tilespmem:s4+$0x30]  }
0x27c: {  	v15 =	vld [tilespmem:s8+$0x30];
	[tilespmem:s18+$0x14180] =	vst v11  }
0x27d: {  	[tilespmem:s19+$0x145F0] =	vst v12;
	s0 =	spop (v2sf);
	v11 =	vld [tilespmem:s3+$0x10]  }
0x27e: {  	[tilespmem:s19+$0x13EA0] =	vst v14;
	v12 =	vld [tilespmem:s0+$0x0]  }
0x27f: {  	[tilespmem:s23+$0x14300] =	vst v16;
	v14 =	vld [tilespmem:s9+$0x30];
	(v2sf) =	vpush v4, $0xF;
	v4 =	vmov v1;
	v1 =	vmov v8  }
0x280: {  	v8 =	vld [tilespmem:s1+$0x10];
	[tilespmem:s18+$0x148F0] =	vst v13;
	s4 =	spop (v2sf)  }
0x281: {  	[tilespmem:s23+$0x13BB0] =	vst v15;
	s8 =	spop (v2sf);
	v13 =	vld [tilespmem:s4+$0x0]  }
0x282: {  	v15 =	vld [tilespmem:s8+$0x0];
	(v2sf) =	vpush v9, $0x2;
	[tilespmem:s18+$0x14190] =	vst v11  }
0x283: {  	[tilespmem:s19+$0x14600] =	vst v12;
	v11 =	vld [tilespmem:s3+$0x20]  }
0x284: {  	[tilespmem:s19+$0x13EB0] =	vst v14;
	v12 =	vld [tilespmem:s0+$0x10];
	s9 =	spop (v2sf)  }
0x285: {  	[tilespmem:s23+$0x14310] =	vst v8;
	v8 =	vld [tilespmem:s9+$0x0]  }
0x286: {  	v14 =	vld [tilespmem:s1+$0x20];
	(v2sf) =	vpush v6, $0x8;
	[tilespmem:s18+$0x14900] =	vst v13  }
0x287: {  	[tilespmem:s23+$0x13BC0] =	vst v15;
	v13 =	vld [tilespmem:s4+$0x10]  }
0x288: {  	v15 =	vld [tilespmem:s8+$0x10];
	[tilespmem:s18+$0x141A0] =	vst v11  }
0x289: {  	[tilespmem:s19+$0x14610] =	vst v12;
	v11 =	vld [tilespmem:s3+$0x30];
	(v2sf) =	vpush v0, $0xE  }
0x28a: {  	(v2sf) =	vpush v2, $0x4;
	[tilespmem:s19+$0x13EC0] =	vst v8;
	v8 =	vld [tilespmem:s0+$0x20]  }
0x28b: {  	[tilespmem:s23+$0x14320] =	vst v14;
	v12 =	vld [tilespmem:s9+$0x10]  }
0x28c: {  	v14 =	vld [tilespmem:s1+$0x30];
	[tilespmem:s18+$0x14910] =	vst v13  }
0x28d: {  	[tilespmem:s23+$0x13BD0] =	vst v15;
	(v2sf) =	vpush v7, $0xA;
	v13 =	vld [tilespmem:s4+$0x20]  }
0x28e: {  	v15 =	vld [tilespmem:s8+$0x20];
	[tilespmem:s18+$0x141B0] =	vst v11;
	s24 =	spop (v2sf)  }
0x28f: {  	[tilespmem:s19+$0x14620] =	vst v8;
	v8 =	vld [tilespmem:s24+$0x0]  }
0x290: {  	[tilespmem:s19+$0x13ED0] =	vst v12;
	v11 =	vld [tilespmem:s0+$0x30]  }
0x291: {  	[tilespmem:s23+$0x14330] =	vst v14;
	s0 =	spop (v2sf);
	v12 =	vld [tilespmem:s9+$0x20]  }
0x292: {  	v14 =	vld [tilespmem:s0+$0x0];
	[tilespmem:s18+$0x14920] =	vst v13  }
0x293: {  	[tilespmem:s23+$0x13BE0] =	vst v15;
	v13 =	vld [tilespmem:s4+$0x30]  }
0x294: {  	v15 =	vld [tilespmem:s8+$0x30];
	[tilespmem:s18+$0x141C0] =	vst v8  }
0x295: {  	[tilespmem:s19+$0x14630] =	vst v11;
	s1 =	spop (v2sf);
	v8 =	vld [tilespmem:s24+$0x10]  }
0x296: {  	[tilespmem:s19+$0x13EE0] =	vst v12;
	v11 =	vld [tilespmem:s1+$0x0]  }
0x297: {  	[tilespmem:s23+$0x14340] =	vst v14;
	v12 =	vld [tilespmem:s9+$0x30]  }
0x298: {  	v14 =	vld [tilespmem:s0+$0x10];
	[tilespmem:s18+$0x14930] =	vst v13;
	s3 =	spop (v2sf)  }
0x299: {  	[tilespmem:s23+$0x13BF0] =	vst v15;
	s4 =	spop (v2sf);
	v13 =	vld [tilespmem:s3+$0x0]  }
0x29a: {  	v15 =	vld [tilespmem:s4+$0x0];
	(v2sf) =	vpush v10, $0x3;
	[tilespmem:s18+$0x141D0] =	vst v8  }
0x29b: {  	[tilespmem:s19+$0x14640] =	vst v11;
	v8 =	vld [tilespmem:s24+$0x20]  }
0x29c: {  	[tilespmem:s19+$0x13EF0] =	vst v12;
	v11 =	vld [tilespmem:s1+$0x10];
	s5 =	spop (v2sf)  }
0x29d: {  	[tilespmem:s23+$0x14350] =	vst v14;
	v12 =	vld [tilespmem:s5+$0x0]  }
0x29e: {  	v14 =	vld [tilespmem:s0+$0x20];
	(v2sf) =	vpush v5, $0x9;
	[tilespmem:s18+$0x14940] =	vst v13  }
0x29f: {  	[tilespmem:s23+$0x13C00] =	vst v15;
	v13 =	vld [tilespmem:s3+$0x10]  }
0x2a0: {  	v15 =	vld [tilespmem:s4+$0x10];
	[tilespmem:s18+$0x141E0] =	vst v8  }
0x2a1: {  	[tilespmem:s19+$0x14650] =	vst v11;
	v8 =	vld [tilespmem:s24+$0x30];
	(v2sf) =	vpush v3, $0xF;
	v3 =	vmov v5;
	v5 =	vmov v10  }
0x2a2: {  	(v2sf) =	vpush v1, $0x4;
	[tilespmem:s19+$0x13F00] =	vst v12;
	v10 =	vld [tilespmem:s1+$0x20]  }
0x2a3: {  	[tilespmem:s23+$0x14360] =	vst v14;
	v11 =	vld [tilespmem:s5+$0x10]  }
0x2a4: {  	v12 =	vld [tilespmem:s0+$0x30];
	[tilespmem:s18+$0x14950] =	vst v13  }
0x2a5: {  	[tilespmem:s23+$0x13C10] =	vst v15;
	(v2sf) =	vpush v4, $0xA;
	v13 =	vld [tilespmem:s3+$0x20]  }
0x2a6: {  	v14 =	vld [tilespmem:s4+$0x20];
	[tilespmem:s18+$0x141F0] =	vst v8  }
0x2a7: {  	[tilespmem:s19+$0x14660] =	vst v10  }
0x2a8: {  	[tilespmem:s19+$0x13F10] =	vst v11;
	v8 =	vld [tilespmem:s1+$0x30]  }
0x2a9: {  	[tilespmem:s23+$0x14370] =	vst v12;
	s0 =	spop (v2sf);
	v10 =	vld [tilespmem:s5+$0x20]  }
0x2aa: {  	v11 =	vld [tilespmem:s0+$0x0];
	[tilespmem:s18+$0x14960] =	vst v13  }
0x2ab: {  	[tilespmem:s23+$0x13C20] =	vst v14;
	v12 =	vld [tilespmem:s3+$0x30]  }
0x2ac: {  	v13 =	vld [tilespmem:s4+$0x30]  }
0x2ad: {  	[tilespmem:s19+$0x14670] =	vst v8;
	s1 =	spop (v2sf)  }
0x2ae: {  	[tilespmem:s19+$0x13F20] =	vst v10;
	v8 =	vld [tilespmem:s1+$0x0]  }
0x2af: {  	[tilespmem:s23+$0x14380] =	vst v11;
	v10 =	vld [tilespmem:s5+$0x30]  }
0x2b0: {  	v11 =	vld [tilespmem:s0+$0x10];
	[tilespmem:s18+$0x14970] =	vst v12;
	s3 =	spop (v2sf)  }
0x2b1: {  	[tilespmem:s23+$0x13C30] =	vst v13;
	s4 =	spop (v2sf);
	v12 =	vld [tilespmem:s3+$0x0]  }
0x2b2: {  	v13 =	vld [tilespmem:s4+$0x0];
	(v2sf) =	vpush v9, $0x3  }
0x2b3: {  	[tilespmem:s19+$0x14680] =	vst v8  }
0x2b4: {  	[tilespmem:s19+$0x13F30] =	vst v10;
	v8 =	vld [tilespmem:s1+$0x10];
	s5 =	spop (v2sf)  }
0x2b5: {  	[tilespmem:s23+$0x14390] =	vst v11;
	v10 =	vld [tilespmem:s5+$0x0]  }
0x2b6: {  	v11 =	vld [tilespmem:s0+$0x20];
	(v2sf) =	vpush v6, $0x9;
	[tilespmem:s18+$0x14980] =	vst v12  }
0x2b7: {  	[tilespmem:s23+$0x13C40] =	vst v13;
	v12 =	vld [tilespmem:s3+$0x10]  }
0x2b8: {  	v13 =	vld [tilespmem:s4+$0x10]  }
0x2b9: {  	[tilespmem:s19+$0x14690] =	vst v8;
	(v2sf) =	vpush v0, $0xF;
	v0 =	vmov v6;
	v6 =	vmov v9  }
0x2ba: {  	(v2sf) =	vpush v2, $0x5;
	[tilespmem:s19+$0x13F40] =	vst v10;
	v8 =	vld [tilespmem:s1+$0x20]  }
0x2bb: {  	[tilespmem:s23+$0x143A0] =	vst v11;
	v9 =	vld [tilespmem:s5+$0x10]  }
0x2bc: {  	v10 =	vld [tilespmem:s0+$0x30];
	[tilespmem:s18+$0x14990] =	vst v12  }
0x2bd: {  	[tilespmem:s23+$0x13C50] =	vst v13;
	(v2sf) =	vpush v7, $0xB;
	v11 =	vld [tilespmem:s3+$0x20]  }
0x2be: {  	v12 =	vld [tilespmem:s4+$0x20]  }
0x2bf: {  	[tilespmem:s19+$0x146A0] =	vst v8  }
0x2c0: {  	[tilespmem:s19+$0x13F50] =	vst v9;
	v8 =	vld [tilespmem:s1+$0x30]  }
0x2c1: {  	[tilespmem:s23+$0x143B0] =	vst v10;
	s0 =	spop (v2sf);
	v9 =	vld [tilespmem:s5+$0x20]  }
0x2c2: {  	v10 =	vld [tilespmem:s0+$0x0];
	[tilespmem:s18+$0x149A0] =	vst v11  }
0x2c3: {  	[tilespmem:s23+$0x13C60] =	vst v12;
	v11 =	vld [tilespmem:s3+$0x30]  }
0x2c4: {  	v12 =	vld [tilespmem:s4+$0x30]  }
0x2c5: {  	[tilespmem:s19+$0x146B0] =	vst v8;
	s1 =	spop (v2sf)  }
0x2c6: {  	[tilespmem:s19+$0x13F60] =	vst v9;
	v8 =	vld [tilespmem:s1+$0x0]  }
0x2c7: {  	[tilespmem:s23+$0x143C0] =	vst v10;
	v9 =	vld [tilespmem:s5+$0x30]  }
0x2c8: {  	v10 =	vld [tilespmem:s0+$0x10];
	[tilespmem:s18+$0x149B0] =	vst v11;
	s3 =	spop (v2sf)  }
0x2c9: {  	[tilespmem:s23+$0x13C70] =	vst v12;
	s4 =	spop (v2sf);
	v11 =	vld [tilespmem:s3+$0x0]  }
0x2ca: {  	v12 =	vld [tilespmem:s4+$0x0];
	(v2sf) =	vpush v5, $0x4  }
0x2cb: {  	[tilespmem:s19+$0x146C0] =	vst v8  }
0x2cc: {  	[tilespmem:s19+$0x13F70] =	vst v9;
	v8 =	vld [tilespmem:s1+$0x10];
	s5 =	spop (v2sf)  }
0x2cd: {  	[tilespmem:s23+$0x143D0] =	vst v10;
	v9 =	vld [tilespmem:s5+$0x0]  }
0x2ce: {  	v10 =	vld [tilespmem:s0+$0x20];
	(v2sf) =	vpush v3, $0xA;
	[tilespmem:s18+$0x149C0] =	vst v11  }
0x2cf: {  	[tilespmem:s23+$0x13C80] =	vst v12;
	v11 =	vld [tilespmem:s3+$0x10]  }
0x2d0: {  	v12 =	vld [tilespmem:s4+$0x10]  }
0x2d1: {  	[tilespmem:s19+$0x146D0] =	vst v8  }
0x2d2: {  	(v2sf) =	vpush v1, $0x5;
	[tilespmem:s19+$0x13F80] =	vst v9;
	v8 =	vld [tilespmem:s1+$0x20]  }
0x2d3: {  	[tilespmem:s23+$0x143E0] =	vst v10;
	v9 =	vld [tilespmem:s5+$0x10]  }
0x2d4: {  	v10 =	vld [tilespmem:s0+$0x30];
	[tilespmem:s18+$0x149D0] =	vst v11  }
0x2d5: {  	[tilespmem:s23+$0x13C90] =	vst v12;
	(v2sf) =	vpush v4, $0xB;
	v11 =	vld [tilespmem:s3+$0x20]  }
0x2d6: {  	v12 =	vld [tilespmem:s4+$0x20]  }
0x2d7: {  	[tilespmem:s19+$0x146E0] =	vst v8  }
0x2d8: {  	[tilespmem:s19+$0x13F90] =	vst v9;
	v8 =	vld [tilespmem:s1+$0x30]  }
0x2d9: {  	[tilespmem:s23+$0x143F0] =	vst v10;
	s8 =	spop (v2sf);
	v9 =	vld [tilespmem:s5+$0x20]  }
0x2da: {  	v10 =	vld [tilespmem:s8+$0x0];
	[tilespmem:s18+$0x149E0] =	vst v11  }
0x2db: {  	[tilespmem:s23+$0x13CA0] =	vst v12;
	v12 =	vld [tilespmem:s3+$0x30]  }
.Ltmp0:
0x2dc: {  	v11 =	vld [tilespmem:s4+$0x30];
	(pc) =	sbr.rel @p1 .LBB2_3-.Ltmp0, $4  }
0x2dd: {  	[tilespmem:s19+$0x146F0] =	vst v8;
	s9 =	spop (v2sf)  }
0x2de: {  	[tilespmem:s19+$0x13FA0] =	vst v9;
	v9 =	vld [tilespmem:s9+$0x0]  }
0x2df: {  	[tilespmem:s23+$0x14400] =	vst v10;
	v8 =	vld [tilespmem:s5+$0x30]  }
0x2e0: {  	s0 =	smov.u32 s22;
	v10 =	vld [tilespmem:s8+$0x10];
	[tilespmem:s18+$0x149F0] =	vst v12;
	s18 =	smov.u32 s19;
	s19 =	smov.u32 s23  }
0x2e1: {  	_ = 	snop  }
0x2e2: {  	s0 =	spop (v2sf);
	(v2sf) =	vpush v6, $0x4  }
0x2e3: {  	[tilespmem:s19+$0x13CB0] =	vst v11  }
0x2e4: {  	v11 =	vld [tilespmem:s0+$0x0];
	[tilespmem:s18+$0x14700] =	vst v9  }
0x2e5: {  	v9 =	vld [tilespmem:s9+$0x10];
	[tilespmem:s19+$0x14410] =	vst v10  }
0x2e6: {  	v10 =	vld [tilespmem:s8+$0x20]  }
0x2e7: {  	(v2sf) =	vpush v0, $0xA;
	_ =	sdelay $0x1  }
0x2e8: {  	[tilespmem:s19+$0x13CC0] =	vst v11  }
0x2e9: {  	v11 =	vld [tilespmem:s0+$0x10];
	[tilespmem:s18+$0x14710] =	vst v9  }
0x2ea: {  	v9 =	vld [tilespmem:s9+$0x20];
	[tilespmem:s19+$0x14420] =	vst v10  }
0x2eb: {  	(v2sf) =	vpush v2, $0x6;
	v10 =	vld [tilespmem:s8+$0x30];
	_ =	sdelay $0x1  }
0x2ec: {  	[tilespmem:s18+$0x13FB0] =	vst v8;
	s1 =	spop (v2sf)  }
0x2ed: {  	v8 =	vld [tilespmem:s1+$0x0];
	[tilespmem:s19+$0x13CD0] =	vst v11  }
0x2ee: {  	v11 =	vld [tilespmem:s0+$0x20];
	[tilespmem:s18+$0x14720] =	vst v9  }
0x2ef: {  	v9 =	vld [tilespmem:s9+$0x30];
	s3 =	spop (v2sf);
	[tilespmem:s19+$0x14430] =	vst v10  }
0x2f0: {  	v10 =	vld [tilespmem:s3+$0x0];
	_ =	sdelay $0x1  }
0x2f1: {  	[tilespmem:s18+$0x13FC0] =	vst v8  }
0x2f2: {  	v8 =	vld [tilespmem:s1+$0x10];
	[tilespmem:s19+$0x13CE0] =	vst v11  }
0x2f3: {  	s22 =	spop (v2sf);
	v11 =	vld [tilespmem:s0+$0x30];
	[tilespmem:s18+$0x14730] =	vst v9  }
0x2f4: {  	(v2sf) =	vpush v7, $0xC;
	v9 =	vld [tilespmem:s22+$0x0];
	[tilespmem:s19+$0x14440] =	vst v10  }
0x2f5: {  	v10 =	vld [tilespmem:s3+$0x10];
	_ =	sdelay $0x1  }
0x2f6: {  	[tilespmem:s18+$0x13FD0] =	vst v8;
	(v2sf) =	vpush v5, $0x5  }
0x2f7: {  	v8 =	vld [tilespmem:s1+$0x20];
	s4 =	spop (v2sf);
	[tilespmem:s19+$0x13CF0] =	vst v11  }
0x2f8: {  	v11 =	vld [tilespmem:s4+$0x0];
	[tilespmem:s18+$0x14740] =	vst v9  }
0x2f9: {  	v9 =	vld [tilespmem:s22+$0x10];
	[tilespmem:s19+$0x14450] =	vst v10  }
0x2fa: {  	v10 =	vld [tilespmem:s3+$0x20]  }
0x2fb: {  	(v2sf) =	vpush v3, $0xB  }
0x2fc: {  	[tilespmem:s18+$0x13FE0] =	vst v8  }
0x2fd: {  	v8 =	vld [tilespmem:s1+$0x30];
	[tilespmem:s19+$0x13D00] =	vst v11  }
0x2fe: {  	v11 =	vld [tilespmem:s4+$0x10];
	[tilespmem:s18+$0x14750] =	vst v9  }
0x2ff: {  	v9 =	vld [tilespmem:s22+$0x20];
	[tilespmem:s19+$0x14460] =	vst v10  }
0x300: {  	(v2sf) =	vpush v1, $0x6;
	v10 =	vld [tilespmem:s3+$0x30];
	_ =	sdelay $0x1  }
0x301: {  	s23 =	spop (v2sf);
	[tilespmem:s18+$0x13FF0] =	vst v8  }
0x302: {  	v8 =	vld [tilespmem:s23+$0x0];
	[tilespmem:s19+$0x13D10] =	vst v11  }
0x303: {  	v11 =	vld [tilespmem:s4+$0x20];
	[tilespmem:s18+$0x14760] =	vst v9  }
0x304: {  	s24 =	spop (v2sf);
	v9 =	vld [tilespmem:s22+$0x30];
	[tilespmem:s19+$0x14470] =	vst v10  }
0x305: {  	v10 =	vld [tilespmem:s24+$0x0];
	_ =	sdelay $0x1  }
0x306: {  	[tilespmem:s18+$0x14000] =	vst v8  }
0x307: {  	v8 =	vld [tilespmem:s23+$0x10];
	[tilespmem:s19+$0x13D20] =	vst v11  }
0x308: {  	s25 =	spop (v2sf);
	v11 =	vld [tilespmem:s4+$0x30];
	[tilespmem:s18+$0x14770] =	vst v9  }
0x309: {  	(v2sf) =	vpush v4, $0xC;
	v9 =	vld [tilespmem:s25+$0x0];
	[tilespmem:s19+$0x14480] =	vst v10  }
0x30a: {  	v10 =	vld [tilespmem:s24+$0x10];
	_ =	sdelay $0x1  }
0x30b: {  	(v2sf) =	vpush v6, $0x5;
	[tilespmem:s18+$0x14010] =	vst v8  }
0x30c: {  	s26 =	spop (v2sf);
	v8 =	vld [tilespmem:s23+$0x20];
	[tilespmem:s19+$0x13D30] =	vst v11  }
0x30d: {  	v11 =	vld [tilespmem:s26+$0x0];
	[tilespmem:s18+$0x14780] =	vst v9  }
0x30e: {  	v9 =	vld [tilespmem:s25+$0x10];
	[tilespmem:s19+$0x14490] =	vst v10  }
0x30f: {  	v10 =	vld [tilespmem:s24+$0x20]  }
0x310: {  	(v2sf) =	vpush v0, $0xB  }
0x311: {  	[tilespmem:s18+$0x14020] =	vst v8  }
0x312: {  	v8 =	vld [tilespmem:s23+$0x30];
	[tilespmem:s19+$0x13D40] =	vst v11  }
0x313: {  	v11 =	vld [tilespmem:s26+$0x10];
	[tilespmem:s18+$0x14790] =	vst v9  }
0x314: {  	v9 =	vld [tilespmem:s25+$0x20];
	[tilespmem:s19+$0x144A0] =	vst v10  }
0x315: {  	(v2sf) =	vpush v2, $0x7;
	v10 =	vld [tilespmem:s24+$0x30];
	_ =	sdelay $0x1  }
0x316: {  	s28 =	spop (v2sf);
	[tilespmem:s18+$0x14030] =	vst v8  }
0x317: {  	v8 =	vld [tilespmem:s28+$0x0];
	[tilespmem:s19+$0x13D50] =	vst v11  }
0x318: {  	v11 =	vld [tilespmem:s26+$0x20];
	[tilespmem:s18+$0x147A0] =	vst v9  }
0x319: {  	s29 =	spop (v2sf);
	v9 =	vld [tilespmem:s25+$0x30];
	[tilespmem:s19+$0x144B0] =	vst v10  }
0x31a: {  	v10 =	vld [tilespmem:s29+$0x0];
	_ =	sdelay $0x1  }
0x31b: {  	[tilespmem:s18+$0x14040] =	vst v8  }
0x31c: {  	v8 =	vld [tilespmem:s28+$0x10];
	[tilespmem:s19+$0x13D60] =	vst v11  }
0x31d: {  	s30 =	spop (v2sf);
	v11 =	vld [tilespmem:s26+$0x30];
	[tilespmem:s18+$0x147B0] =	vst v9  }
0x31e: {  	(v2sf) =	vpush v7, $0xD;
	v9 =	vld [tilespmem:s30+$0x0];
	[tilespmem:s19+$0x144C0] =	vst v10  }
0x31f: {  	v10 =	vld [tilespmem:s29+$0x10];
	_ =	sdelay $0x1  }
0x320: {  	(v2sf) =	vpush v5, $0x6;
	[tilespmem:s18+$0x14050] =	vst v8  }
0x321: {  	s31 =	spop (v2sf);
	v8 =	vld [tilespmem:s28+$0x20];
	[tilespmem:s19+$0x13D70] =	vst v11  }
0x322: {  	v11 =	vld [tilespmem:s31+$0x0];
	[tilespmem:s18+$0x147C0] =	vst v9  }
0x323: {  	v9 =	vld [tilespmem:s30+$0x10];
	[tilespmem:s19+$0x144D0] =	vst v10  }
0x324: {  	v10 =	vld [tilespmem:s29+$0x20]  }
0x325: {  	(v2sf) =	vpush v3, $0xC  }
0x326: {  	[tilespmem:s18+$0x14060] =	vst v8  }
0x327: {  	v8 =	vld [tilespmem:s28+$0x30];
	[tilespmem:s19+$0x13D80] =	vst v11  }
0x328: {  	v11 =	vld [tilespmem:s31+$0x10];
	[tilespmem:s18+$0x147D0] =	vst v9  }
0x329: {  	v9 =	vld [tilespmem:s30+$0x20];
	[tilespmem:s19+$0x144E0] =	vst v10  }
0x32a: {  	(v2sf) =	vpush v1, $0x7;
	v10 =	vld [tilespmem:s29+$0x30];
	_ =	sdelay $0x1  }
0x32b: {  	s1 =	spop (v2sf);
	[tilespmem:s18+$0x14070] =	vst v8  }
0x32c: {  	v8 =	vld [tilespmem:s1+$0x0];
	[tilespmem:s19+$0x13D90] =	vst v11  }
0x32d: {  	v11 =	vld [tilespmem:s31+$0x20];
	[tilespmem:s18+$0x147E0] =	vst v9  }
0x32e: {  	s5 =	spop (v2sf);
	v9 =	vld [tilespmem:s30+$0x30];
	[tilespmem:s19+$0x144F0] =	vst v10  }
0x32f: {  	v10 =	vld [tilespmem:s5+$0x0];
	_ =	sdelay $0x1  }
0x330: {  	[tilespmem:s18+$0x14080] =	vst v8  }
0x331: {  	v8 =	vld [tilespmem:s1+$0x10];
	[tilespmem:s19+$0x13DA0] =	vst v11  }
0x332: {  	s7 =	spop (v2sf);
	v11 =	vld [tilespmem:s31+$0x30];
	[tilespmem:s18+$0x147F0] =	vst v9  }
0x333: {  	(v2sf) =	vpush v4, $0xD;
	v9 =	vld [tilespmem:s7+$0x0];
	[tilespmem:s19+$0x14500] =	vst v10  }
0x334: {  	v10 =	vld [tilespmem:s5+$0x10];
	_ =	sdelay $0x1  }
0x335: {  	(v2sf) =	vpush v6, $0x6;
	[tilespmem:s18+$0x14090] =	vst v8  }
0x336: {  	s8 =	spop (v2sf);
	v8 =	vld [tilespmem:s1+$0x20];
	[tilespmem:s19+$0x13DB0] =	vst v11  }
0x337: {  	v11 =	vld [tilespmem:s8+$0x0];
	[tilespmem:s18+$0x14800] =	vst v9  }
0x338: {  	v9 =	vld [tilespmem:s7+$0x10];
	[tilespmem:s19+$0x14510] =	vst v10  }
0x339: {  	v10 =	vld [tilespmem:s5+$0x20]  }
0x33a: {  	(v2sf) =	vpush v0, $0xC  }
0x33b: {  	[tilespmem:s18+$0x140A0] =	vst v8  }
0x33c: {  	v8 =	vld [tilespmem:s1+$0x30];
	[tilespmem:s19+$0x13DC0] =	vst v11  }
0x33d: {  	v11 =	vld [tilespmem:s8+$0x10];
	[tilespmem:s18+$0x14810] =	vst v9  }
0x33e: {  	v9 =	vld [tilespmem:s7+$0x20];
	[tilespmem:s19+$0x14520] =	vst v10  }
0x33f: {  	(v2sf) =	vpush v2, $0x8;
	v10 =	vld [tilespmem:s5+$0x30];
	_ =	sdelay $0x1  }
0x340: {  	s9 =	spop (v2sf);
	[tilespmem:s18+$0x140B0] =	vst v8  }
0x341: {  	v8 =	vld [tilespmem:s9+$0x0];
	[tilespmem:s19+$0x13DD0] =	vst v11  }
0x342: {  	v11 =	vld [tilespmem:s8+$0x20];
	[tilespmem:s18+$0x14820] =	vst v9  }
0x343: {  	s21 =	spop (v2sf);
	v9 =	vld [tilespmem:s7+$0x30];
	[tilespmem:s19+$0x14530] =	vst v10  }
0x344: {  	v10 =	vld [tilespmem:s21+$0x0];
	_ =	sdelay $0x1  }
0x345: {  	[tilespmem:s18+$0x140C0] =	vst v8  }
0x346: {  	v8 =	vld [tilespmem:s9+$0x10];
	[tilespmem:s19+$0x13DE0] =	vst v11  }
0x347: {  	s22 =	spop (v2sf);
	v11 =	vld [tilespmem:s8+$0x30];
	[tilespmem:s18+$0x14830] =	vst v9  }
0x348: {  	(v2sf) =	vpush v7, $0xE;
	v9 =	vld [tilespmem:s22+$0x0];
	[tilespmem:s19+$0x14540] =	vst v10  }
0x349: {  	v10 =	vld [tilespmem:s21+$0x10];
	_ =	sdelay $0x1  }
0x34a: {  	(v2sf) =	vpush v5, $0x7;
	[tilespmem:s18+$0x140D0] =	vst v8  }
0x34b: {  	s23 =	spop (v2sf);
	v8 =	vld [tilespmem:s9+$0x20];
	[tilespmem:s19+$0x13DF0] =	vst v11  }
0x34c: {  	v11 =	vld [tilespmem:s23+$0x0];
	[tilespmem:s18+$0x14840] =	vst v9  }
0x34d: {  	v9 =	vld [tilespmem:s22+$0x10];
	[tilespmem:s19+$0x14550] =	vst v10  }
0x34e: {  	v10 =	vld [tilespmem:s21+$0x20]  }
0x34f: {  	(v2sf) =	vpush v3, $0xD  }
0x350: {  	[tilespmem:s18+$0x140E0] =	vst v8  }
0x351: {  	v8 =	vld [tilespmem:s9+$0x30];
	[tilespmem:s19+$0x13E00] =	vst v11  }
0x352: {  	v11 =	vld [tilespmem:s23+$0x10];
	[tilespmem:s18+$0x14850] =	vst v9  }
0x353: {  	v9 =	vld [tilespmem:s22+$0x20];
	[tilespmem:s19+$0x14560] =	vst v10  }
0x354: {  	(v2sf) =	vpush v1, $0x8;
	v10 =	vld [tilespmem:s21+$0x30];
	_ =	sdelay $0x1  }
0x355: {  	s24 =	spop (v2sf);
	[tilespmem:s18+$0x140F0] =	vst v8  }
0x356: {  	v8 =	vld [tilespmem:s24+$0x0];
	[tilespmem:s19+$0x13E10] =	vst v11  }
0x357: {  	v11 =	vld [tilespmem:s23+$0x20];
	[tilespmem:s18+$0x14860] =	vst v9  }
0x358: {  	s25 =	spop (v2sf);
	v9 =	vld [tilespmem:s22+$0x30];
	[tilespmem:s19+$0x14570] =	vst v10  }
0x359: {  	v10 =	vld [tilespmem:s25+$0x0];
	_ =	sdelay $0x1  }
0x35a: {  	[tilespmem:s18+$0x14100] =	vst v8  }
0x35b: {  	v8 =	vld [tilespmem:s24+$0x10];
	[tilespmem:s19+$0x13E20] =	vst v11  }
0x35c: {  	s26 =	spop (v2sf);
	v11 =	vld [tilespmem:s23+$0x30];
	[tilespmem:s18+$0x14870] =	vst v9  }
0x35d: {  	(v2sf) =	vpush v4, $0xE;
	v9 =	vld [tilespmem:s26+$0x0];
	[tilespmem:s19+$0x14580] =	vst v10  }
0x35e: {  	v10 =	vld [tilespmem:s25+$0x10];
	_ =	sdelay $0x1  }
0x35f: {  	(v2sf) =	vpush v6, $0x7;
	[tilespmem:s18+$0x14110] =	vst v8  }
0x360: {  	s28 =	spop (v2sf);
	v8 =	vld [tilespmem:s24+$0x20];
	[tilespmem:s19+$0x13E30] =	vst v11  }
0x361: {  	v11 =	vld [tilespmem:s28+$0x0];
	[tilespmem:s18+$0x14880] =	vst v9  }
0x362: {  	v9 =	vld [tilespmem:s26+$0x10];
	[tilespmem:s19+$0x14590] =	vst v10  }
0x363: {  	v10 =	vld [tilespmem:s25+$0x20]  }
0x364: {  	(v2sf) =	vpush v0, $0xD  }
0x365: {  	[tilespmem:s18+$0x14120] =	vst v8  }
0x366: {  	v8 =	vld [tilespmem:s24+$0x30];
	[tilespmem:s19+$0x13E40] =	vst v11  }
0x367: {  	v11 =	vld [tilespmem:s28+$0x10];
	[tilespmem:s18+$0x14890] =	vst v9  }
0x368: {  	(v2sf) =	vpush v2, $0x9;
	v9 =	vld [tilespmem:s26+$0x20];
	[tilespmem:s19+$0x145A0] =	vst v10  }
0x369: {  	v10 =	vld [tilespmem:s25+$0x30];
	_ =	sdelay $0x1  }
0x36a: {  	s29 =	spop (v2sf);
	[tilespmem:s18+$0x14130] =	vst v8  }
0x36b: {  	v8 =	vld [tilespmem:s29+$0x0];
	[tilespmem:s19+$0x13E50] =	vst v11  }
0x36c: {  	v11 =	vld [tilespmem:s28+$0x20];
	[tilespmem:s18+$0x148A0] =	vst v9  }
0x36d: {  	s30 =	spop (v2sf);
	v9 =	vld [tilespmem:s26+$0x30];
	[tilespmem:s19+$0x145B0] =	vst v10  }
0x36e: {  	v10 =	vld [tilespmem:s30+$0x0];
	_ =	sdelay $0x1  }
0x36f: {  	[tilespmem:s18+$0x14140] =	vst v8  }
0x370: {  	v8 =	vld [tilespmem:s29+$0x10];
	[tilespmem:s19+$0x13E60] =	vst v11  }
0x371: {  	s9 =	spop (v2sf);
	v11 =	vld [tilespmem:s28+$0x30];
	[tilespmem:s18+$0x148B0] =	vst v9  }
0x372: {  	v9 =	vld [tilespmem:s9+$0x0];
	[tilespmem:s19+$0x145C0] =	vst v10  }
0x373: {  	v10 =	vld [tilespmem:s30+$0x10]  }
0x374: {  	(v2sf) =	vpush v7, $0xF  }
0x375: {  	s31 =	spop (v2sf);
	(v2sf) =	vpush v5, $0x8;
	[tilespmem:s18+$0x14150] =	vst v8  }
0x376: {  	v7 =	vld [tilespmem:s29+$0x20];
	[tilespmem:s19+$0x13E70] =	vst v11  }
0x377: {  	v8 =	vld [tilespmem:s31+$0x0];
	[tilespmem:s18+$0x148C0] =	vst v9  }
0x378: {  	v9 =	vld [tilespmem:s9+$0x10];
	[tilespmem:s19+$0x145D0] =	vst v10  }
0x379: {  	v10 =	vld [tilespmem:s30+$0x20];
	_ =	sdelay $0x1  }
0x37a: {  	[tilespmem:s18+$0x14160] =	vst v7  }
0x37b: {  	v7 =	vld [tilespmem:s29+$0x30];
	[tilespmem:s19+$0x13E80] =	vst v8  }
0x37c: {  	(v2sf) =	vpush v3, $0xE;
	v8 =	vld [tilespmem:s31+$0x10];
	[tilespmem:s18+$0x148D0] =	vst v9  }
0x37d: {  	[tilespmem:s19+$0x145E0] =	vst v10  }
0x37e: {  	v9 =	vld [tilespmem:s30+$0x30];
	_ =	sdelay $0x3  }
0x37f: {  	s22 =	spop (v2sf)  }
0x380: {  	s1 =	spop (v2sf);
	[tilespmem:s19+$0x145F0] =	vst v9  }
0x381: {  	v9 =	vld [tilespmem:s1+$0x0];
	_ =	sdelay $0x4  }
0x382: {  	[tilespmem:s19+$0x14600] =	vst v9  }
0x383: {  	(v2sf) =	vpush v1, $0x9;
	v9 =	vld [tilespmem:s1+$0x10]  }
0x384: {  	(v2sf) =	vpush v4, $0xF  }
0x385: {  	(v2sf) =	vpush v6, $0x8;
	_ =	sdelay $0x2  }
0x386: {  	[tilespmem:s19+$0x14610] =	vst v9  }
0x387: {  	v4 =	vld [tilespmem:s1+$0x20];
	_ =	sdelay $0x4  }
0x388: {  	[tilespmem:s19+$0x14620] =	vst v4  }
0x389: {  	v4 =	vld [tilespmem:s1+$0x30];
	_ =	sdelay $0x1  }
0x38a: {  	s23 =	spop (v2sf)  }
0x38b: {  	s4 =	spop (v2sf)  }
0x38c: {  	s21 =	spop (v2sf)  }
0x38d: {  	s5 =	spop (v2sf);
	[tilespmem:s19+$0x14630] =	vst v4  }
0x38e: {  	v4 =	vld [tilespmem:s5+$0x0];
	_ =	sdelay $0x4  }
0x38f: {  	[tilespmem:s19+$0x14640] =	vst v4  }
0x390: {  	(v2sf) =	vpush v0, $0xE;
	v4 =	vld [tilespmem:s5+$0x10]  }
0x391: {  	(v2sf) =	vpush v2, $0xA  }
0x392: {  	(v2sf) =	vpush v5, $0x9;
	_ =	sdelay $0x2  }
0x393: {  	[tilespmem:s19+$0x14650] =	vst v4  }
0x394: {  	v4 =	vld [tilespmem:s5+$0x20];
	_ =	sdelay $0x4  }
0x395: {  	[tilespmem:s19+$0x14660] =	vst v4  }
0x396: {  	v4 =	vld [tilespmem:s5+$0x30];
	_ =	sdelay $0x2  }
0x397: {  	s8 =	spop (v2sf)  }
0x398: {  	s7 =	spop (v2sf)  }
0x399: {  	s24 =	spop (v2sf);
	[tilespmem:s19+$0x14670] =	vst v4  }
0x39a: {  	v4 =	vld [tilespmem:s24+$0x0];
	_ =	sdelay $0x4  }
0x39b: {  	[tilespmem:s19+$0x14680] =	vst v4  }
0x39c: {  	(v2sf) =	vpush v3, $0xF;
	v3 =	vld [tilespmem:s24+$0x10]  }
0x39d: {  	(v2sf) =	vpush v1, $0xA  }
0x39e: {  	(v2sf) =	vpush v6, $0x9;
	_ =	sdelay $0x1  }
0x39f: {  	[tilespmem:s19+$0x13E90] =	vst v8  }
0x3a0: {  	v4 =	vld [tilespmem:s31+$0x20];
	[tilespmem:s19+$0x14690] =	vst v3  }
0x3a1: {  	v3 =	vld [tilespmem:s24+$0x20];
	_ =	sdelay $0x3  }
0x3a2: {  	[tilespmem:s19+$0x13EA0] =	vst v4  }
0x3a3: {  	v4 =	vld [tilespmem:s31+$0x30];
	[tilespmem:s19+$0x146A0] =	vst v3  }
0x3a4: {  	v3 =	vld [tilespmem:s24+$0x30];
	_ =	sdelay $0x2  }
0x3a5: {  	s1 =	spop (v2sf)  }
0x3a6: {  	s25 =	spop (v2sf);
	[tilespmem:s19+$0x13EB0] =	vst v4  }
0x3a7: {  	s5 =	spop (v2sf);
	v4 =	vld [tilespmem:s4+$0x0];
	[tilespmem:s19+$0x146B0] =	vst v3  }
0x3a8: {  	v3 =	vld [tilespmem:s5+$0x0];
	_ =	sdelay $0x3  }
0x3a9: {  	[tilespmem:s19+$0x13EC0] =	vst v4  }
0x3aa: {  	v4 =	vld [tilespmem:s4+$0x10];
	[tilespmem:s19+$0x146C0] =	vst v3  }
0x3ab: {  	(v2sf) =	vpush v0, $0xF;
	v0 =	vld [tilespmem:s5+$0x10]  }
0x3ac: {  	(v2sf) =	vpush v2, $0xB  }
0x3ad: {  	(v2sf) =	vpush v5, $0xA;
	_ =	sdelay $0x1  }
0x3ae: {  	[tilespmem:s19+$0x13ED0] =	vst v4  }
0x3af: {  	v3 =	vld [tilespmem:s4+$0x20];
	[tilespmem:s19+$0x146D0] =	vst v0  }
0x3b0: {  	v0 =	vld [tilespmem:s5+$0x20];
	_ =	sdelay $0x3  }
0x3b1: {  	[tilespmem:s19+$0x13EE0] =	vst v3  }
0x3b2: {  	v3 =	vld [tilespmem:s4+$0x30];
	[tilespmem:s19+$0x146E0] =	vst v0  }
0x3b3: {  	v0 =	vld [tilespmem:s5+$0x30];
	_ =	sdelay $0x2  }
0x3b4: {  	s0 =	spop (v2sf)  }
0x3b5: {  	s26 =	spop (v2sf);
	[tilespmem:s19+$0x13EF0] =	vst v3  }
0x3b6: {  	s24 =	spop (v2sf);
	v3 =	vld [tilespmem:s7+$0x0];
	[tilespmem:s19+$0x146F0] =	vst v0  }
0x3b7: {  	v0 =	vld [tilespmem:s24+$0x0];
	_ =	sdelay $0x3  }
0x3b8: {  	[tilespmem:s19+$0x13F00] =	vst v3  }
0x3b9: {  	v3 =	vld [tilespmem:s7+$0x10];
	[tilespmem:s19+$0x14700] =	vst v0  }
0x3ba: {  	v0 =	vld [tilespmem:s24+$0x10]  }
0x3bb: {  	(v2sf) =	vpush v1, $0xB  }
0x3bc: {  	(v2sf) =	vpush v6, $0xA;
	_ =	sdelay $0x1  }
0x3bd: {  	[tilespmem:s19+$0x13F10] =	vst v3  }
0x3be: {  	v3 =	vld [tilespmem:s7+$0x20];
	[tilespmem:s19+$0x14710] =	vst v0  }
0x3bf: {  	v0 =	vld [tilespmem:s24+$0x20];
	_ =	sdelay $0x3  }
0x3c0: {  	[tilespmem:s19+$0x13F20] =	vst v3  }
0x3c1: {  	v3 =	vld [tilespmem:s7+$0x30];
	[tilespmem:s19+$0x14720] =	vst v0  }
0x3c2: {  	v0 =	vld [tilespmem:s24+$0x30];
	_ =	sdelay $0x3  }
0x3c3: {  	s28 =	spop (v2sf);
	[tilespmem:s19+$0x13F30] =	vst v3  }
0x3c4: {  	s29 =	spop (v2sf);
	v3 =	vld [tilespmem:s25+$0x0];
	[tilespmem:s19+$0x14730] =	vst v0  }
0x3c5: {  	v0 =	vld [tilespmem:s29+$0x0];
	_ =	sdelay $0x3  }
0x3c6: {  	[tilespmem:s19+$0x13F40] =	vst v3  }
0x3c7: {  	v3 =	vld [tilespmem:s25+$0x10];
	[tilespmem:s19+$0x14740] =	vst v0  }
0x3c8: {  	v0 =	vld [tilespmem:s29+$0x10]  }
0x3c9: {  	(v2sf) =	vpush v2, $0xC  }
0x3ca: {  	(v2sf) =	vpush v5, $0xB;
	_ =	sdelay $0x1  }
0x3cb: {  	[tilespmem:s19+$0x13F50] =	vst v3  }
0x3cc: {  	v3 =	vld [tilespmem:s25+$0x20];
	[tilespmem:s19+$0x14750] =	vst v0  }
0x3cd: {  	v0 =	vld [tilespmem:s29+$0x20];
	_ =	sdelay $0x3  }
0x3ce: {  	[tilespmem:s19+$0x13F60] =	vst v3  }
0x3cf: {  	v3 =	vld [tilespmem:s25+$0x30];
	[tilespmem:s19+$0x14760] =	vst v0  }
0x3d0: {  	v0 =	vld [tilespmem:s29+$0x30];
	_ =	sdelay $0x3  }
0x3d1: {  	s30 =	spop (v2sf);
	[tilespmem:s19+$0x13F70] =	vst v3  }
0x3d2: {  	s31 =	spop (v2sf);
	v3 =	vld [tilespmem:s26+$0x0];
	[tilespmem:s19+$0x14770] =	vst v0  }
0x3d3: {  	v0 =	vld [tilespmem:s31+$0x0];
	_ =	sdelay $0x3  }
0x3d4: {  	[tilespmem:s19+$0x13F80] =	vst v3  }
0x3d5: {  	v3 =	vld [tilespmem:s26+$0x10];
	[tilespmem:s19+$0x14780] =	vst v0  }
0x3d6: {  	v0 =	vld [tilespmem:s31+$0x10]  }
0x3d7: {  	(v2sf) =	vpush v1, $0xC  }
0x3d8: {  	(v2sf) =	vpush v6, $0xB;
	_ =	sdelay $0x1  }
0x3d9: {  	[tilespmem:s19+$0x13F90] =	vst v3  }
0x3da: {  	v3 =	vld [tilespmem:s26+$0x20];
	[tilespmem:s19+$0x14790] =	vst v0  }
0x3db: {  	v0 =	vld [tilespmem:s31+$0x20];
	_ =	sdelay $0x3  }
0x3dc: {  	[tilespmem:s19+$0x13FA0] =	vst v3  }
0x3dd: {  	v3 =	vld [tilespmem:s26+$0x30];
	[tilespmem:s19+$0x147A0] =	vst v0  }
0x3de: {  	v0 =	vld [tilespmem:s31+$0x30];
	_ =	sdelay $0x3  }
0x3df: {  	s7 =	spop (v2sf);
	[tilespmem:s19+$0x13FB0] =	vst v3  }
0x3e0: {  	s26 =	spop (v2sf);
	v3 =	vld [tilespmem:s28+$0x0];
	[tilespmem:s19+$0x147B0] =	vst v0  }
0x3e1: {  	v0 =	vld [tilespmem:s26+$0x0];
	_ =	sdelay $0x3  }
0x3e2: {  	[tilespmem:s19+$0x13FC0] =	vst v3  }
0x3e3: {  	v3 =	vld [tilespmem:s28+$0x10];
	[tilespmem:s19+$0x147C0] =	vst v0  }
0x3e4: {  	v0 =	vld [tilespmem:s26+$0x10]  }
0x3e5: {  	(v2sf) =	vpush v2, $0xD  }
0x3e6: {  	(v2sf) =	vpush v5, $0xC;
	_ =	sdelay $0x1  }
0x3e7: {  	[tilespmem:s19+$0x13FD0] =	vst v3  }
0x3e8: {  	v3 =	vld [tilespmem:s28+$0x20];
	[tilespmem:s19+$0x147D0] =	vst v0  }
0x3e9: {  	v0 =	vld [tilespmem:s26+$0x20];
	_ =	sdelay $0x3  }
0x3ea: {  	[tilespmem:s19+$0x13FE0] =	vst v3  }
0x3eb: {  	v3 =	vld [tilespmem:s28+$0x30];
	[tilespmem:s19+$0x147E0] =	vst v0  }
0x3ec: {  	v0 =	vld [tilespmem:s26+$0x30];
	_ =	sdelay $0x3  }
0x3ed: {  	s28 =	spop (v2sf);
	[tilespmem:s19+$0x13FF0] =	vst v3  }
0x3ee: {  	s29 =	spop (v2sf);
	v3 =	vld [tilespmem:s30+$0x0];
	[tilespmem:s19+$0x147F0] =	vst v0  }
0x3ef: {  	v0 =	vld [tilespmem:s29+$0x0];
	_ =	sdelay $0x3  }
0x3f0: {  	[tilespmem:s19+$0x14000] =	vst v3  }
0x3f1: {  	v3 =	vld [tilespmem:s30+$0x10];
	[tilespmem:s19+$0x14800] =	vst v0  }
0x3f2: {  	v0 =	vld [tilespmem:s29+$0x10]  }
0x3f3: {  	(v2sf) =	vpush v1, $0xD  }
0x3f4: {  	(v2sf) =	vpush v6, $0xC;
	_ =	sdelay $0x1  }
0x3f5: {  	[tilespmem:s19+$0x14010] =	vst v3  }
0x3f6: {  	v3 =	vld [tilespmem:s30+$0x20];
	[tilespmem:s19+$0x14810] =	vst v0  }
0x3f7: {  	v0 =	vld [tilespmem:s29+$0x20];
	_ =	sdelay $0x3  }
0x3f8: {  	[tilespmem:s19+$0x14020] =	vst v3  }
0x3f9: {  	v3 =	vld [tilespmem:s30+$0x30];
	[tilespmem:s19+$0x14820] =	vst v0  }
0x3fa: {  	v0 =	vld [tilespmem:s29+$0x30];
	_ =	sdelay $0x3  }
0x3fb: {  	s25 =	spop (v2sf);
	[tilespmem:s19+$0x14030] =	vst v3  }
0x3fc: {  	s30 =	spop (v2sf);
	v3 =	vld [tilespmem:s7+$0x0];
	[tilespmem:s19+$0x14830] =	vst v0  }
0x3fd: {  	v0 =	vld [tilespmem:s30+$0x0];
	_ =	sdelay $0x3  }
0x3fe: {  	[tilespmem:s19+$0x14040] =	vst v3  }
0x3ff: {  	v3 =	vld [tilespmem:s7+$0x10];
	[tilespmem:s19+$0x14840] =	vst v0  }
0x400: {  	v0 =	vld [tilespmem:s30+$0x10]  }
0x401: {  	(v2sf) =	vpush v2, $0xE  }
0x402: {  	(v2sf) =	vpush v5, $0xD;
	_ =	sdelay $0x1  }
0x403: {  	[tilespmem:s19+$0x14050] =	vst v3  }
0x404: {  	v3 =	vld [tilespmem:s7+$0x20];
	[tilespmem:s19+$0x14850] =	vst v0  }
0x405: {  	v0 =	vld [tilespmem:s30+$0x20];
	_ =	sdelay $0x3  }
0x406: {  	[tilespmem:s19+$0x14060] =	vst v3  }
0x407: {  	v3 =	vld [tilespmem:s7+$0x30];
	[tilespmem:s19+$0x14860] =	vst v0  }
0x408: {  	v0 =	vld [tilespmem:s30+$0x30];
	_ =	sdelay $0x3  }
0x409: {  	s31 =	spop (v2sf);
	[tilespmem:s19+$0x14070] =	vst v3  }
0x40a: {  	s5 =	spop (v2sf);
	v3 =	vld [tilespmem:s28+$0x0];
	[tilespmem:s19+$0x14870] =	vst v0  }
0x40b: {  	v0 =	vld [tilespmem:s5+$0x0];
	_ =	sdelay $0x3  }
0x40c: {  	[tilespmem:s19+$0x14080] =	vst v3  }
0x40d: {  	v3 =	vld [tilespmem:s28+$0x10];
	[tilespmem:s19+$0x14880] =	vst v0  }
0x40e: {  	v0 =	vld [tilespmem:s5+$0x10]  }
0x40f: {  	(v2sf) =	vpush v1, $0xE  }
0x410: {  	(v2sf) =	vpush v6, $0xD;
	_ =	sdelay $0x1  }
0x411: {  	[tilespmem:s19+$0x14090] =	vst v3  }
0x412: {  	v3 =	vld [tilespmem:s28+$0x20];
	[tilespmem:s19+$0x14890] =	vst v0  }
0x413: {  	v0 =	vld [tilespmem:s5+$0x20];
	_ =	sdelay $0x3  }
0x414: {  	[tilespmem:s19+$0x140A0] =	vst v3  }
0x415: {  	v3 =	vld [tilespmem:s28+$0x30];
	[tilespmem:s19+$0x148A0] =	vst v0  }
0x416: {  	v0 =	vld [tilespmem:s5+$0x30];
	_ =	sdelay $0x3  }
0x417: {  	s7 =	spop (v2sf);
	[tilespmem:s19+$0x140B0] =	vst v3  }
0x418: {  	s24 =	spop (v2sf);
	v3 =	vld [tilespmem:s25+$0x0];
	[tilespmem:s19+$0x148B0] =	vst v0  }
0x419: {  	v0 =	vld [tilespmem:s24+$0x0];
	_ =	sdelay $0x3  }
0x41a: {  	[tilespmem:s19+$0x140C0] =	vst v3  }
0x41b: {  	v3 =	vld [tilespmem:s25+$0x10];
	[tilespmem:s19+$0x148C0] =	vst v0  }
0x41c: {  	v0 =	vld [tilespmem:s24+$0x10]  }
0x41d: {  	(v2sf) =	vpush v2, $0xF  }
0x41e: {  	(v2sf) =	vpush v5, $0xE  }
0x41f: {  	v2 =	vld [tilespmem:s9+$0x20]  }
0x420: {  	[tilespmem:s19+$0x140D0] =	vst v3  }
0x421: {  	v3 =	vld [tilespmem:s25+$0x20];
	[tilespmem:s19+$0x148D0] =	vst v0  }
0x422: {  	v0 =	vld [tilespmem:s24+$0x20];
	_ =	sdelay $0x1  }
0x423: {  	[tilespmem:s18+$0x148E0] =	vst v2  }
0x424: {  	v2 =	vld [tilespmem:s9+$0x30]  }
0x425: {  	[tilespmem:s19+$0x140E0] =	vst v3  }
0x426: {  	v3 =	vld [tilespmem:s25+$0x30];
	[tilespmem:s19+$0x148E0] =	vst v0  }
0x427: {  	v0 =	vld [tilespmem:s24+$0x30];
	_ =	sdelay $0x1  }
0x428: {  	[tilespmem:s18+$0x148F0] =	vst v2  }
0x429: {  	v2 =	vld [tilespmem:s23+$0x0]  }
0x42a: {  	s26 =	spop (v2sf);
	[tilespmem:s19+$0x140F0] =	vst v3  }
0x42b: {  	s28 =	spop (v2sf);
	v3 =	vld [tilespmem:s31+$0x0];
	[tilespmem:s19+$0x148F0] =	vst v0  }
0x42c: {  	v0 =	vld [tilespmem:s28+$0x0];
	_ =	sdelay $0x1  }
0x42d: {  	[tilespmem:s18+$0x14900] =	vst v2  }
0x42e: {  	v2 =	vld [tilespmem:s23+$0x10]  }
0x42f: {  	[tilespmem:s19+$0x14100] =	vst v3  }
0x430: {  	v3 =	vld [tilespmem:s31+$0x10];
	[tilespmem:s19+$0x14900] =	vst v0  }
0x431: {  	v0 =	vld [tilespmem:s28+$0x10]  }
0x432: {  	(v2sf) =	vpush v1, $0xF  }
0x433: {  	(v2sf) =	vpush v6, $0xE;
	[tilespmem:s18+$0x14910] =	vst v2  }
0x434: {  	v1 =	vld [tilespmem:s23+$0x20]  }
0x435: {  	[tilespmem:s19+$0x14110] =	vst v3  }
0x436: {  	v2 =	vld [tilespmem:s31+$0x20];
	[tilespmem:s19+$0x14910] =	vst v0  }
0x437: {  	v0 =	vld [tilespmem:s28+$0x20];
	_ =	sdelay $0x1  }
0x438: {  	[tilespmem:s18+$0x14920] =	vst v1  }
0x439: {  	v1 =	vld [tilespmem:s23+$0x30]  }
0x43a: {  	[tilespmem:s19+$0x14120] =	vst v2  }
0x43b: {  	v2 =	vld [tilespmem:s31+$0x30];
	[tilespmem:s19+$0x14920] =	vst v0  }
0x43c: {  	v0 =	vld [tilespmem:s28+$0x30];
	_ =	sdelay $0x1  }
0x43d: {  	[tilespmem:s18+$0x14930] =	vst v1  }
0x43e: {  	v1 =	vld [tilespmem:s8+$0x0]  }
0x43f: {  	s29 =	spop (v2sf);
	[tilespmem:s19+$0x14130] =	vst v2  }
0x440: {  	s30 =	spop (v2sf);
	v2 =	vld [tilespmem:s7+$0x0];
	[tilespmem:s19+$0x14930] =	vst v0  }
0x441: {  	v0 =	vld [tilespmem:s30+$0x0];
	_ =	sdelay $0x1  }
0x442: {  	[tilespmem:s18+$0x14940] =	vst v1  }
0x443: {  	v1 =	vld [tilespmem:s8+$0x10]  }
0x444: {  	[tilespmem:s19+$0x14140] =	vst v2  }
0x445: {  	v2 =	vld [tilespmem:s7+$0x10];
	[tilespmem:s19+$0x14940] =	vst v0  }
0x446: {  	v0 =	vld [tilespmem:s30+$0x10];
	_ =	sdelay $0x1  }
0x447: {  	(v2sf) =	vpush v5, $0xF;
	[tilespmem:s18+$0x14950] =	vst v1  }
0x448: {  	v1 =	vld [tilespmem:s8+$0x20]  }
0x449: {  	[tilespmem:s19+$0x14150] =	vst v2  }
0x44a: {  	v2 =	vld [tilespmem:s7+$0x20];
	[tilespmem:s19+$0x14950] =	vst v0  }
0x44b: {  	v0 =	vld [tilespmem:s30+$0x20];
	_ =	sdelay $0x1  }
0x44c: {  	[tilespmem:s18+$0x14960] =	vst v1  }
0x44d: {  	v1 =	vld [tilespmem:s8+$0x30]  }
0x44e: {  	[tilespmem:s19+$0x14160] =	vst v2  }
0x44f: {  	v2 =	vld [tilespmem:s7+$0x30];
	[tilespmem:s19+$0x14960] =	vst v0  }
0x450: {  	v0 =	vld [tilespmem:s30+$0x30];
	_ =	sdelay $0x1  }
0x451: {  	[tilespmem:s18+$0x14970] =	vst v1  }
0x452: {  	[tilespmem:s18+$0x14170] =	vst v7;
	v1 =	vld [tilespmem:s1+$0x0]  }
0x453: {  	v3 =	vld [tilespmem:s22+$0x0];
	[tilespmem:s19+$0x14170] =	vst v2  }
0x454: {  	s31 =	spop (v2sf);
	v2 =	vld [tilespmem:s26+$0x0];
	[tilespmem:s19+$0x14970] =	vst v0  }
0x455: {  	v0 =	vld [tilespmem:s31+$0x0];
	_ =	sdelay $0x1  }
0x456: {  	[tilespmem:s18+$0x14980] =	vst v1  }
0x457: {  	v1 =	vld [tilespmem:s1+$0x10];
	[tilespmem:s18+$0x14180] =	vst v3  }
0x458: {  	v3 =	vld [tilespmem:s22+$0x10];
	[tilespmem:s19+$0x14180] =	vst v2  }
0x459: {  	v2 =	vld [tilespmem:s26+$0x10];
	[tilespmem:s19+$0x14980] =	vst v0  }
0x45a: {  	v0 =	vld [tilespmem:s31+$0x10];
	_ =	sdelay $0x1  }
0x45b: {  	(v2sf) =	vpush v6, $0xF;
	[tilespmem:s18+$0x14990] =	vst v1  }
0x45c: {  	v1 =	vld [tilespmem:s1+$0x20];
	[tilespmem:s18+$0x14190] =	vst v3  }
0x45d: {  	v3 =	vld [tilespmem:s22+$0x20];
	[tilespmem:s19+$0x14190] =	vst v2  }
0x45e: {  	v2 =	vld [tilespmem:s26+$0x20];
	[tilespmem:s19+$0x14990] =	vst v0  }
0x45f: {  	v0 =	vld [tilespmem:s31+$0x20];
	_ =	sdelay $0x1  }
0x460: {  	[tilespmem:s18+$0x149A0] =	vst v1  }
0x461: {  	v1 =	vld [tilespmem:s1+$0x30];
	[tilespmem:s18+$0x141A0] =	vst v3  }
0x462: {  	v3 =	vld [tilespmem:s22+$0x30];
	[tilespmem:s19+$0x141A0] =	vst v2  }
0x463: {  	v2 =	vld [tilespmem:s26+$0x30];
	[tilespmem:s19+$0x149A0] =	vst v0  }
0x464: {  	v0 =	vld [tilespmem:s31+$0x30];
	_ =	sdelay $0x1  }
0x465: {  	[tilespmem:s18+$0x149B0] =	vst v1  }
0x466: {  	v1 =	vld [tilespmem:s0+$0x0];
	[tilespmem:s18+$0x141B0] =	vst v3  }
0x467: {  	v3 =	vld [tilespmem:s21+$0x0];
	[tilespmem:s19+$0x141B0] =	vst v2  }
0x468: {  	s4 =	spop (v2sf);
	v2 =	vld [tilespmem:s29+$0x0];
	[tilespmem:s19+$0x149B0] =	vst v0  }
0x469: {  	v0 =	vld [tilespmem:s4+$0x0];
	_ =	sdelay $0x1  }
0x46a: {  	[tilespmem:s18+$0x149C0] =	vst v1  }
0x46b: {  	v1 =	vld [tilespmem:s0+$0x10];
	[tilespmem:s18+$0x141C0] =	vst v3  }
0x46c: {  	v3 =	vld [tilespmem:s21+$0x10];
	[tilespmem:s19+$0x141C0] =	vst v2  }
0x46d: {  	v2 =	vld [tilespmem:s29+$0x10];
	[tilespmem:s19+$0x149C0] =	vst v0  }
0x46e: {  	v0 =	vld [tilespmem:s4+$0x10];
	_ =	sdelay $0x1  }
0x46f: {  	[tilespmem:s18+$0x149D0] =	vst v1  }
0x470: {  	v1 =	vld [tilespmem:s0+$0x20];
	[tilespmem:s18+$0x141D0] =	vst v3  }
0x471: {  	v3 =	vld [tilespmem:s21+$0x20];
	[tilespmem:s19+$0x141D0] =	vst v2  }
0x472: {  	v2 =	vld [tilespmem:s29+$0x20];
	[tilespmem:s19+$0x149D0] =	vst v0  }
0x473: {  	v0 =	vld [tilespmem:s4+$0x20];
	_ =	sdelay $0x1  }
0x474: {  	[tilespmem:s18+$0x149E0] =	vst v1  }
0x475: {  	v1 =	vld [tilespmem:s0+$0x30];
	[tilespmem:s18+$0x141E0] =	vst v3  }
0x476: {  	v3 =	vld [tilespmem:s21+$0x30];
	[tilespmem:s19+$0x141E0] =	vst v2  }
0x477: {  	v2 =	vld [tilespmem:s29+$0x30];
	[tilespmem:s19+$0x149E0] =	vst v0  }
0x478: {  	v0 =	vld [tilespmem:s4+$0x30];
	_ =	sdelay $0x1  }
0x479: {  	[tilespmem:s18+$0x149F0] =	vst v1  }
0x47a: {  	[tilespmem:s18+$0x141F0] =	vst v3  }
0x47b: {  	s5 =	sshll.u32 s17, $0xC;
	[tilespmem:s19+$0x141F0] =	vst v2  }
0x47c: {  	s0 =	sadd.s32 s5, s6;
	[tilespmem:s19+$0x149F0] =	vst v0  }
0x47d: {  	[hbm4b:s0+s2] =	stream.linear.scatter [tilespmem:s12], [sflag:$0x3], $0x4000, $0x38;
	[tilespmem:$0x1BA00] =	vst v63  }
0x47e: {  	s0 =	simm.s32 @!p0 $0x4  }
0x47f: {  	s18 =	sor.u32 $0x1, s20;
	_ =	swait.ge @!p0 [sflag:s0], $0x4000  }
0x480: {  	s7 =	simm.s32 $0x0;
	s21 =	sshll.u32 s18, $0x7;
	[sflag:s0] =	ssyncset.done @!p0 $0x0  }
0x481: {  	s8 =	sor.u32 s21, s7;
	[sflag:s0] =	ssyncadd.s32 @!p0 $0xFFFFC000  }
0x482: {  	v7 =	vld [tilespmem:s8+$0xFA00];
	_ =	sdelay $0x4  }
0x483: {  	(v2sf) =	vpush v7, $0x0;
	_ =	sdelay $0xe  }
0x484: {  	s9 =	spop (v2sf)  }
0x485: {  	v0 =	vld [tilespmem:s9+$0x0];
	_ =	sdelay $0x2  }
0x486: {  	s19 =	simm.s32 $0x0;
	v6 =	vld [tilespmem:s8+$0x11A00]  }
0x487: {  	s19 =	sand.u32 $0x3FFFF800, s19  }
0x488: {  	[tilespmem:s19+$0x17A00] =	vst v0  }
0x489: {  	v0 =	vld [tilespmem:s9+$0x10];
	_ =	sdelay $0x1  }
0x48a: {  	(v2sf) =	vpush v6, $0x0;
	_ =	sdelay $0x2  }
0x48b: {  	[tilespmem:s19+$0x17A10] =	vst v0  }
0x48c: {  	v0 =	vld [tilespmem:s9+$0x20];
	_ =	sdelay $0x4  }
0x48d: {  	[tilespmem:s19+$0x17A20] =	vst v0  }
0x48e: {  	v0 =	vld [tilespmem:s9+$0x30];
	_ =	sdelay $0x4  }
0x48f: {  	s20 =	spop (v2sf);
	[tilespmem:s19+$0x17A30] =	vst v0  }
0x490: {  	v0 =	vld [tilespmem:s20+$0x0];
	_ =	sdelay $0x4  }
0x491: {  	[tilespmem:s19+$0x17A40] =	vst v0  }
0x492: {  	v0 =	vld [tilespmem:s20+$0x10];
	_ =	sdelay $0x1  }
0x493: {  	(v2sf) =	vpush v7, $0x1;
	_ =	sdelay $0x2  }
0x494: {  	[tilespmem:s19+$0x17A50] =	vst v0  }
0x495: {  	v0 =	vld [tilespmem:s20+$0x20];
	_ =	sdelay $0x1  }
0x496: {  	s1 =	sor.u32 $0x10, s7  }
0x497: {  	s22 =	sor.u32 s21, s1  }
0x498: {  	v5 =	vld [tilespmem:s22+$0xFA00]  }
0x499: {  	[tilespmem:s19+$0x17A60] =	vst v0  }
0x49a: {  	v0 =	vld [tilespmem:s20+$0x30];
	_ =	sdelay $0x2  }
0x49b: {  	(v2sf) =	vpush v5, $0x0;
	_ =	sdelay $0x1  }
0x49c: {  	s23 =	spop (v2sf);
	[tilespmem:s19+$0x17A70] =	vst v0  }
0x49d: {  	v0 =	vld [tilespmem:s23+$0x0];
	_ =	sdelay $0x4  }
0x49e: {  	[tilespmem:s19+$0x17A80] =	vst v0  }
0x49f: {  	v0 =	vld [tilespmem:s23+$0x10];
	_ =	sdelay $0x1  }
0x4a0: {  	(v2sf) =	vpush v6, $0x1;
	_ =	sdelay $0x2  }
0x4a1: {  	[tilespmem:s19+$0x17A90] =	vst v0  }
0x4a2: {  	s24 =	spop (v2sf);
	v0 =	vld [tilespmem:s23+$0x20]  }
0x4a3: {  	v1 =	vld [tilespmem:s24+$0x0];
	_ =	sdelay $0x2  }
0x4a4: {  	s1 =	sshll.u32 s1, $0x7;
	v4 =	vld [tilespmem:s22+$0x11A00]  }
0x4a5: {  	s25 =	sand.u32 $0x3FFFF800, s1;
	[tilespmem:s19+$0x17AA0] =	vst v0  }
0x4a6: {  	[tilespmem:s25+$0x17A00] =	vst v1;
	v0 =	vld [tilespmem:s23+$0x30]  }
0x4a7: {  	v1 =	vld [tilespmem:s24+$0x10];
	_ =	sdelay $0x1  }
0x4a8: {  	(v2sf) =	vpush v4, $0x0;
	_ =	sdelay $0x1  }
0x4a9: {  	s26 =	spop (v2sf);
	[tilespmem:s19+$0x17AB0] =	vst v0  }
0x4aa: {  	[tilespmem:s25+$0x17A10] =	vst v1;
	v0 =	vld [tilespmem:s26+$0x0]  }
0x4ab: {  	v1 =	vld [tilespmem:s24+$0x20];
	_ =	sdelay $0x3  }
0x4ac: {  	[tilespmem:s19+$0x17AC0] =	vst v0  }
0x4ad: {  	[tilespmem:s25+$0x17A20] =	vst v1;
	v0 =	vld [tilespmem:s26+$0x10]  }
0x4ae: {  	v1 =	vld [tilespmem:s24+$0x30]  }
0x4af: {  	(v2sf) =	vpush v7, $0x2;
	_ =	sdelay $0x2  }
0x4b0: {  	[tilespmem:s19+$0x17AD0] =	vst v0  }
0x4b1: {  	s28 =	spop (v2sf);
	[tilespmem:s25+$0x17A30] =	vst v1;
	v0 =	vld [tilespmem:s26+$0x20]  }
0x4b2: {  	v1 =	vld [tilespmem:s28+$0x0];
	_ =	sdelay $0x3  }
0x4b3: {  	[tilespmem:s19+$0x17AE0] =	vst v0  }
0x4b4: {  	[tilespmem:s25+$0x17A40] =	vst v1;
	v0 =	vld [tilespmem:s26+$0x30]  }
0x4b5: {  	v1 =	vld [tilespmem:s28+$0x10];
	_ =	sdelay $0x1  }
0x4b6: {  	(v2sf) =	vpush v5, $0x1;
	_ =	sdelay $0x1  }
0x4b7: {  	s29 =	spop (v2sf);
	[tilespmem:s19+$0x17AF0] =	vst v0  }
0x4b8: {  	[tilespmem:s25+$0x17A50] =	vst v1;
	v0 =	vld [tilespmem:s29+$0x0]  }
0x4b9: {  	v1 =	vld [tilespmem:s28+$0x20];
	_ =	sdelay $0x3  }
0x4ba: {  	[tilespmem:s19+$0x17B00] =	vst v0  }
0x4bb: {  	[tilespmem:s25+$0x17A60] =	vst v1;
	v0 =	vld [tilespmem:s29+$0x10]  }
0x4bc: {  	v1 =	vld [tilespmem:s28+$0x30]  }
0x4bd: {  	(v2sf) =	vpush v6, $0x2;
	_ =	sdelay $0x2  }
0x4be: {  	[tilespmem:s19+$0x17B10] =	vst v0  }
0x4bf: {  	s30 =	spop (v2sf);
	[tilespmem:s25+$0x17A70] =	vst v1;
	v0 =	vld [tilespmem:s29+$0x20]  }
0x4c0: {  	v1 =	vld [tilespmem:s30+$0x0];
	_ =	sdelay $0x3  }
0x4c1: {  	[tilespmem:s19+$0x17B20] =	vst v0  }
0x4c2: {  	[tilespmem:s19+$0x18280] =	vst v1;
	v0 =	vld [tilespmem:s29+$0x30]  }
0x4c3: {  	v1 =	vld [tilespmem:s30+$0x10];
	_ =	sdelay $0x1  }
0x4c4: {  	(v2sf) =	vpush v4, $0x1;
	_ =	sdelay $0x1  }
0x4c5: {  	s31 =	spop (v2sf);
	[tilespmem:s19+$0x17B30] =	vst v0  }
0x4c6: {  	[tilespmem:s19+$0x18290] =	vst v1;
	v0 =	vld [tilespmem:s31+$0x0]  }
0x4c7: {  	v1 =	vld [tilespmem:s30+$0x20];
	_ =	sdelay $0x3  }
0x4c8: {  	[tilespmem:s19+$0x17B40] =	vst v0  }
0x4c9: {  	[tilespmem:s19+$0x182A0] =	vst v1;
	v0 =	vld [tilespmem:s31+$0x10]  }
0x4ca: {  	v1 =	vld [tilespmem:s30+$0x30]  }
0x4cb: {  	(v2sf) =	vpush v7, $0x3;
	_ =	sdelay $0x2  }
0x4cc: {  	[tilespmem:s19+$0x17B50] =	vst v0  }
0x4cd: {  	s3 =	spop (v2sf);
	[tilespmem:s19+$0x182B0] =	vst v1;
	v0 =	vld [tilespmem:s31+$0x20]  }
0x4ce: {  	v1 =	vld [tilespmem:s3+$0x0];
	_ =	sdelay $0x3  }
0x4cf: {  	[tilespmem:s19+$0x17B60] =	vst v0  }
0x4d0: {  	[tilespmem:s19+$0x182C0] =	vst v1;
	v0 =	vld [tilespmem:s31+$0x30]  }
0x4d1: {  	v1 =	vld [tilespmem:s3+$0x10];
	_ =	sdelay $0x1  }
0x4d2: {  	(v2sf) =	vpush v5, $0x2;
	_ =	sdelay $0x1  }
0x4d3: {  	s4 =	spop (v2sf);
	[tilespmem:s19+$0x17B70] =	vst v0  }
0x4d4: {  	[tilespmem:s19+$0x182D0] =	vst v1;
	v0 =	vld [tilespmem:s4+$0x0]  }
0x4d5: {  	v1 =	vld [tilespmem:s3+$0x20];
	_ =	sdelay $0x3  }
0x4d6: {  	[tilespmem:s19+$0x17B80] =	vst v0  }
0x4d7: {  	[tilespmem:s19+$0x182E0] =	vst v1;
	v0 =	vld [tilespmem:s4+$0x10]  }
0x4d8: {  	v1 =	vld [tilespmem:s3+$0x30]  }
0x4d9: {  	(v2sf) =	vpush v6, $0x3;
	_ =	sdelay $0x2  }
0x4da: {  	[tilespmem:s19+$0x17B90] =	vst v0  }
0x4db: {  	s5 =	spop (v2sf);
	[tilespmem:s19+$0x182F0] =	vst v1;
	v0 =	vld [tilespmem:s4+$0x20]  }
0x4dc: {  	v1 =	vld [tilespmem:s5+$0x0];
	_ =	sdelay $0x3  }
0x4dd: {  	[tilespmem:s19+$0x17BA0] =	vst v0  }
0x4de: {  	[tilespmem:s19+$0x18300] =	vst v1;
	v0 =	vld [tilespmem:s4+$0x30]  }
0x4df: {  	v1 =	vld [tilespmem:s5+$0x10];
	_ =	sdelay $0x1  }
0x4e0: {  	(v2sf) =	vpush v4, $0x2;
	_ =	sdelay $0x1  }
0x4e1: {  	s7 =	spop (v2sf);
	[tilespmem:s19+$0x17BB0] =	vst v0  }
0x4e2: {  	[tilespmem:s19+$0x18310] =	vst v1;
	v0 =	vld [tilespmem:s7+$0x0]  }
0x4e3: {  	v1 =	vld [tilespmem:s5+$0x20];
	_ =	sdelay $0x3  }
0x4e4: {  	[tilespmem:s19+$0x17BC0] =	vst v0  }
0x4e5: {  	[tilespmem:s19+$0x18320] =	vst v1;
	v0 =	vld [tilespmem:s7+$0x10]  }
0x4e6: {  	v1 =	vld [tilespmem:s5+$0x30]  }
0x4e7: {  	(v2sf) =	vpush v7, $0x4;
	_ =	sdelay $0x2  }
0x4e8: {  	[tilespmem:s19+$0x17BD0] =	vst v0  }
0x4e9: {  	s8 =	spop (v2sf);
	[tilespmem:s19+$0x18330] =	vst v1;
	v0 =	vld [tilespmem:s7+$0x20]  }
0x4ea: {  	v1 =	vld [tilespmem:s8+$0x0];
	_ =	sdelay $0x3  }
0x4eb: {  	[tilespmem:s19+$0x17BE0] =	vst v0  }
0x4ec: {  	v0 =	vld [tilespmem:s7+$0x30];
	[tilespmem:s19+$0x18340] =	vst v1  }
0x4ed: {  	v1 =	vld [tilespmem:s8+$0x10];
	_ =	sdelay $0x1  }
0x4ee: {  	(v2sf) =	vpush v5, $0x3;
	_ =	sdelay $0x1  }
0x4ef: {  	s1 =	spop (v2sf);
	[tilespmem:s19+$0x17BF0] =	vst v0  }
0x4f0: {  	v0 =	vld [tilespmem:s1+$0x0];
	[tilespmem:s19+$0x18350] =	vst v1  }
0x4f1: {  	v1 =	vld [tilespmem:s8+$0x20];
	_ =	sdelay $0x3  }
0x4f2: {  	[tilespmem:s19+$0x17C00] =	vst v0  }
0x4f3: {  	v0 =	vld [tilespmem:s1+$0x10];
	[tilespmem:s19+$0x18360] =	vst v1  }
0x4f4: {  	v1 =	vld [tilespmem:s8+$0x30]  }
0x4f5: {  	(v2sf) =	vpush v6, $0x4;
	_ =	sdelay $0x2  }
0x4f6: {  	[tilespmem:s19+$0x17C10] =	vst v0  }
0x4f7: {  	s9 =	spop (v2sf);
	v0 =	vld [tilespmem:s1+$0x20];
	[tilespmem:s19+$0x18370] =	vst v1  }
0x4f8: {  	v1 =	vld [tilespmem:s9+$0x0];
	_ =	sdelay $0x3  }
0x4f9: {  	[tilespmem:s19+$0x17C20] =	vst v0  }
0x4fa: {  	v0 =	vld [tilespmem:s1+$0x30];
	[tilespmem:s19+$0x18380] =	vst v1  }
0x4fb: {  	v1 =	vld [tilespmem:s9+$0x10];
	_ =	sdelay $0x1  }
0x4fc: {  	(v2sf) =	vpush v4, $0x3;
	_ =	sdelay $0x1  }
0x4fd: {  	s20 =	spop (v2sf);
	[tilespmem:s19+$0x17C30] =	vst v0  }
0x4fe: {  	v0 =	vld [tilespmem:s20+$0x0];
	[tilespmem:s19+$0x18390] =	vst v1  }
0x4ff: {  	v1 =	vld [tilespmem:s9+$0x20];
	_ =	sdelay $0x3  }
0x500: {  	[tilespmem:s19+$0x17C40] =	vst v0  }
0x501: {  	v0 =	vld [tilespmem:s20+$0x10];
	[tilespmem:s19+$0x183A0] =	vst v1  }
0x502: {  	v1 =	vld [tilespmem:s9+$0x30]  }
0x503: {  	(v2sf) =	vpush v7, $0x5;
	_ =	sdelay $0x2  }
0x504: {  	[tilespmem:s19+$0x17C50] =	vst v0  }
0x505: {  	s22 =	spop (v2sf);
	v0 =	vld [tilespmem:s20+$0x20];
	[tilespmem:s19+$0x183B0] =	vst v1  }
0x506: {  	v1 =	vld [tilespmem:s22+$0x0];
	_ =	sdelay $0x3  }
0x507: {  	[tilespmem:s19+$0x17C60] =	vst v0  }
0x508: {  	v0 =	vld [tilespmem:s20+$0x30];
	[tilespmem:s19+$0x183C0] =	vst v1  }
0x509: {  	v1 =	vld [tilespmem:s22+$0x10];
	_ =	sdelay $0x1  }
0x50a: {  	(v2sf) =	vpush v5, $0x4;
	_ =	sdelay $0x1  }
0x50b: {  	s23 =	spop (v2sf);
	[tilespmem:s19+$0x17C70] =	vst v0  }
0x50c: {  	v0 =	vld [tilespmem:s23+$0x0];
	[tilespmem:s19+$0x183D0] =	vst v1  }
0x50d: {  	v1 =	vld [tilespmem:s22+$0x20];
	_ =	sdelay $0x3  }
0x50e: {  	[tilespmem:s19+$0x17C80] =	vst v0  }
0x50f: {  	v0 =	vld [tilespmem:s23+$0x10];
	[tilespmem:s19+$0x183E0] =	vst v1  }
0x510: {  	v1 =	vld [tilespmem:s22+$0x30]  }
0x511: {  	(v2sf) =	vpush v6, $0x5;
	_ =	sdelay $0x2  }
0x512: {  	[tilespmem:s19+$0x17C90] =	vst v0  }
0x513: {  	s24 =	spop (v2sf);
	v0 =	vld [tilespmem:s23+$0x20];
	[tilespmem:s19+$0x183F0] =	vst v1  }
0x514: {  	v1 =	vld [tilespmem:s24+$0x0];
	_ =	sdelay $0x3  }
0x515: {  	[tilespmem:s19+$0x17CA0] =	vst v0  }
0x516: {  	v0 =	vld [tilespmem:s23+$0x30];
	[tilespmem:s19+$0x18400] =	vst v1  }
0x517: {  	v2 =	vld [tilespmem:s24+$0x10];
	_ =	sdelay $0x1  }
0x518: {  	s25 =	simm.s32 $0x20;
	(v2sf) =	vpush v4, $0x4  }
0x519: {  	s28 =	sor.u32 s21, s25  }
0x51a: {  	s26 =	spop (v2sf);
	v1 =	vld [tilespmem:s28+$0xFA00];
	[tilespmem:s19+$0x17CB0] =	vst v0  }
0x51b: {  	v0 =	vld [tilespmem:s26+$0x0];
	[tilespmem:s19+$0x18410] =	vst v2  }
0x51c: {  	v2 =	vld [tilespmem:s24+$0x20];
	_ =	sdelay $0x2  }
0x51d: {  	(v2sf) =	vpush v1, $0x0  }
0x51e: {  	[tilespmem:s19+$0x17CC0] =	vst v0  }
0x51f: {  	v0 =	vld [tilespmem:s26+$0x10];
	[tilespmem:s19+$0x18420] =	vst v2  }
0x520: {  	v2 =	vld [tilespmem:s24+$0x30]  }
0x521: {  	(v2sf) =	vpush v7, $0x6;
	_ =	sdelay $0x2  }
0x522: {  	[tilespmem:s19+$0x17CD0] =	vst v0  }
0x523: {  	s29 =	spop (v2sf);
	v0 =	vld [tilespmem:s26+$0x20];
	[tilespmem:s19+$0x18430] =	vst v2  }
0x524: {  	v2 =	vld [tilespmem:s29+$0x0];
	_ =	sdelay $0x3  }
0x525: {  	[tilespmem:s19+$0x17CE0] =	vst v0  }
0x526: {  	v0 =	vld [tilespmem:s26+$0x30];
	[tilespmem:s19+$0x18440] =	vst v2  }
0x527: {  	s30 =	spop (v2sf);
	v3 =	vld [tilespmem:s29+$0x10]  }
0x528: {  	v2 =	vld [tilespmem:s30+$0x0]  }
0x529: {  	(v2sf) =	vpush v5, $0x5;
	_ =	sdelay $0x1  }
0x52a: {  	s7 =	simm.s32 $0x1000;
	s31 =	spop (v2sf);
	[tilespmem:s19+$0x17CF0] =	vst v0;
	v0 =	vld [tilespmem:s28+$0x11A00]  }
0x52b: {  	s20 =	sand.u32 $0x3FFFF800, s7;
	v8 =	vld [tilespmem:s31+$0x0];
	[tilespmem:s19+$0x18450] =	vst v3  }
0x52c: {  	[tilespmem:s20+$0x17A00] =	vst v2;
	v3 =	vld [tilespmem:s29+$0x20]  }
0x52d: {  	v2 =	vld [tilespmem:s30+$0x10];
	_ =	sdelay $0x1  }
0x52e: {  	(v2sf) =	vpush v0, $0x0  }
0x52f: {  	[tilespmem:s19+$0x17D00] =	vst v8  }
0x530: {  	v8 =	vld [tilespmem:s31+$0x10];
	[tilespmem:s19+$0x18460] =	vst v3  }
0x531: {  	[tilespmem:s20+$0x17A10] =	vst v2;
	v3 =	vld [tilespmem:s29+$0x30]  }
0x532: {  	(v2sf) =	vpush v6, $0x6;
	v2 =	vld [tilespmem:s30+$0x20];
	_ =	sdelay $0x2  }
0x533: {  	[tilespmem:s19+$0x17D10] =	vst v8  }
0x534: {  	s8 =	spop (v2sf);
	v8 =	vld [tilespmem:s31+$0x20];
	[tilespmem:s19+$0x18470] =	vst v3  }
0x535: {  	[tilespmem:s20+$0x17A20] =	vst v2;
	v3 =	vld [tilespmem:s8+$0x0]  }
0x536: {  	v2 =	vld [tilespmem:s30+$0x30];
	_ =	sdelay $0x2  }
0x537: {  	[tilespmem:s19+$0x17D20] =	vst v8  }
0x538: {  	v8 =	vld [tilespmem:s31+$0x30];
	[tilespmem:s19+$0x18480] =	vst v3  }
0x539: {  	[tilespmem:s20+$0x17A30] =	vst v2;
	s9 =	spop (v2sf);
	v3 =	vld [tilespmem:s8+$0x10]  }
0x53a: {  	v2 =	vld [tilespmem:s9+$0x0];
	_ =	sdelay $0x2  }
0x53b: {  	s22 =	spop (v2sf);
	[tilespmem:s19+$0x17D30] =	vst v8  }
0x53c: {  	v8 =	vld [tilespmem:s22+$0x0];
	[tilespmem:s19+$0x18490] =	vst v3  }
0x53d: {  	(v2sf) =	vpush v4, $0x5;
	[tilespmem:s20+$0x17A40] =	vst v2;
	v3 =	vld [tilespmem:s8+$0x20]  }
0x53e: {  	v2 =	vld [tilespmem:s9+$0x10];
	_ =	sdelay $0x1  }
0x53f: {  	(v2sf) =	vpush v1, $0x1  }
0x540: {  	[tilespmem:s19+$0x17D40] =	vst v8  }
0x541: {  	v8 =	vld [tilespmem:s22+$0x10];
	[tilespmem:s19+$0x184A0] =	vst v3  }
0x542: {  	[tilespmem:s20+$0x17A50] =	vst v2;
	v3 =	vld [tilespmem:s8+$0x30]  }
0x543: {  	(v2sf) =	vpush v7, $0x7;
	v2 =	vld [tilespmem:s9+$0x20];
	_ =	sdelay $0x2  }
0x544: {  	s0 =	sor.u32 $0x10, s25;
	[tilespmem:s19+$0x17D50] =	vst v8  }
0x545: {  	s23 =	sor.u32 s21, s0;
	v8 =	vld [tilespmem:s22+$0x20];
	[tilespmem:s19+$0x184B0] =	vst v3  }
0x546: {  	v3 =	vld [tilespmem:s23+$0xFA00];
	[tilespmem:s20+$0x17A60] =	vst v2  }
0x547: {  	v2 =	vld [tilespmem:s9+$0x30];
	_ =	sdelay $0x1  }
0x548: {  	s24 =	spop (v2sf)  }
0x549: {  	[tilespmem:s19+$0x17D60] =	vst v8;
	v8 =	vld [tilespmem:s24+$0x0]  }
0x54a: {  	(v2sf) =	vpush v3, $0x0;
	v9 =	vld [tilespmem:s22+$0x30]  }
0x54b: {  	s25 =	spop (v2sf);
	[tilespmem:s20+$0x17A70] =	vst v2  }
0x54c: {  	v2 =	vld [tilespmem:s25+$0x0];
	_ =	sdelay $0x1  }
0x54d: {  	[tilespmem:s19+$0x184C0] =	vst v8  }
0x54e: {  	s26 =	spop (v2sf);
	[tilespmem:s19+$0x17D70] =	vst v9;
	v8 =	vld [tilespmem:s24+$0x10]  }
0x54f: {  	v9 =	vld [tilespmem:s26+$0x0]  }
0x550: {  	(v2sf) =	vpush v5, $0x6;
	[tilespmem:s20+$0x17A80] =	vst v2  }
0x551: {  	v2 =	vld [tilespmem:s25+$0x10];
	_ =	sdelay $0x1  }
0x552: {  	[tilespmem:s19+$0x184D0] =	vst v8  }
0x553: {  	(v2sf) =	vpush v0, $0x1;
	[tilespmem:s19+$0x17D80] =	vst v9;
	v8 =	vld [tilespmem:s24+$0x20]  }
0x554: {  	v9 =	vld [tilespmem:s26+$0x10]  }
0x555: {  	[tilespmem:s20+$0x17A90] =	vst v2  }
0x556: {  	(v2sf) =	vpush v6, $0x7;
	v2 =	vld [tilespmem:s25+$0x20]  }
0x557: {  	s28 =	spop (v2sf)  }
0x558: {  	v10 =	vld [tilespmem:s28+$0x0];
	[tilespmem:s19+$0x184E0] =	vst v8  }
0x559: {  	[tilespmem:s19+$0x17D90] =	vst v9;
	v8 =	vld [tilespmem:s24+$0x30]  }
0x55a: {  	v9 =	vld [tilespmem:s26+$0x20]  }
0x55b: {  	s0 =	sshll.u32 s0, $0x7;
	[tilespmem:s20+$0x17AA0] =	vst v2;
	v2 =	vld [tilespmem:s23+$0x11A00]  }
0x55c: {  	s0 =	sand.u32 $0x3FFFF800, s0  }
0x55d: {  	v11 =	vld [tilespmem:s25+$0x30];
	[tilespmem:s0+$0x17A00] =	vst v10  }
0x55e: {  	s29 =	spop (v2sf);
	v10 =	vld [tilespmem:s28+$0x10];
	[tilespmem:s19+$0x184F0] =	vst v8  }
0x55f: {  	[tilespmem:s19+$0x17DA0] =	vst v9;
	v8 =	vld [tilespmem:s29+$0x0]  }
0x560: {  	v9 =	vld [tilespmem:s26+$0x30];
	(v2sf) =	vpush v2, $0x0;
	_ =	sdelay $0x1  }
0x561: {  	s30 =	spop (v2sf);
	[tilespmem:s20+$0x17AB0] =	vst v11  }
0x562: {  	v11 =	vld [tilespmem:s30+$0x0];
	[tilespmem:s0+$0x17A10] =	vst v10  }
0x563: {  	v10 =	vld [tilespmem:s28+$0x20];
	[tilespmem:s19+$0x18500] =	vst v8  }
0x564: {  	s31 =	spop (v2sf);
	[tilespmem:s19+$0x17DB0] =	vst v9;
	v8 =	vld [tilespmem:s29+$0x10]  }
0x565: {  	v9 =	vld [tilespmem:s31+$0x0]  }
0x566: {  	(v2sf) =	vpush v4, $0x6  }
0x567: {  	[tilespmem:s20+$0x17AC0] =	vst v11  }
0x568: {  	v11 =	vld [tilespmem:s30+$0x10];
	[tilespmem:s0+$0x17A20] =	vst v10  }
0x569: {  	v10 =	vld [tilespmem:s28+$0x30];
	[tilespmem:s19+$0x18510] =	vst v8  }
0x56a: {  	(v2sf) =	vpush v1, $0x2;
	[tilespmem:s19+$0x17DC0] =	vst v9;
	v8 =	vld [tilespmem:s29+$0x20]  }
0x56b: {  	v9 =	vld [tilespmem:s31+$0x10];
	_ =	sdelay $0x1  }
0x56c: {  	(v2sf) =	vpush v7, $0x8;
	[tilespmem:s20+$0x17AD0] =	vst v11  }
0x56d: {  	v11 =	vld [tilespmem:s30+$0x20];
	[tilespmem:s0+$0x17A30] =	vst v10;
	s7 =	spop (v2sf)  }
0x56e: {  	[tilespmem:s19+$0x18520] =	vst v8;
	v10 =	vld [tilespmem:s7+$0x0]  }
0x56f: {  	[tilespmem:s19+$0x17DD0] =	vst v9;
	v8 =	vld [tilespmem:s29+$0x30]  }
0x570: {  	v9 =	vld [tilespmem:s31+$0x20];
	_ =	sdelay $0x1  }
0x571: {  	[tilespmem:s20+$0x17AE0] =	vst v11  }
0x572: {  	v11 =	vld [tilespmem:s30+$0x30];
	[tilespmem:s0+$0x17A40] =	vst v10  }
0x573: {  	s8 =	spop (v2sf);
	[tilespmem:s19+$0x18530] =	vst v8;
	v10 =	vld [tilespmem:s7+$0x10]  }
0x574: {  	[tilespmem:s19+$0x17DE0] =	vst v9;
	v8 =	vld [tilespmem:s8+$0x0]  }
0x575: {  	(v2sf) =	vpush v3, $0x1;
	v9 =	vld [tilespmem:s31+$0x30];
	_ =	sdelay $0x1  }
0x576: {  	s9 =	spop (v2sf);
	[tilespmem:s20+$0x17AF0] =	vst v11  }
0x577: {  	v11 =	vld [tilespmem:s9+$0x0];
	[tilespmem:s0+$0x17A50] =	vst v10  }
0x578: {  	[tilespmem:s19+$0x18540] =	vst v8;
	v10 =	vld [tilespmem:s7+$0x20]  }
0x579: {  	s22 =	spop (v2sf);
	[tilespmem:s19+$0x17DF0] =	vst v9;
	v8 =	vld [tilespmem:s8+$0x10]  }
0x57a: {  	v9 =	vld [tilespmem:s22+$0x0]  }
0x57b: {  	(v2sf) =	vpush v5, $0x7  }
0x57c: {  	[tilespmem:s20+$0x17B00] =	vst v11  }
0x57d: {  	v11 =	vld [tilespmem:s9+$0x10];
	[tilespmem:s0+$0x17A60] =	vst v10  }
0x57e: {  	[tilespmem:s19+$0x18550] =	vst v8;
	v10 =	vld [tilespmem:s7+$0x30]  }
0x57f: {  	(v2sf) =	vpush v0, $0x2;
	[tilespmem:s19+$0x17E00] =	vst v9;
	v8 =	vld [tilespmem:s8+$0x20]  }
0x580: {  	v9 =	vld [tilespmem:s22+$0x10];
	_ =	sdelay $0x1  }
0x581: {  	(v2sf) =	vpush v6, $0x8;
	[tilespmem:s20+$0x17B10] =	vst v11  }
0x582: {  	s23 =	spop (v2sf);
	v11 =	vld [tilespmem:s9+$0x20];
	[tilespmem:s0+$0x17A70] =	vst v10  }
0x583: {  	[tilespmem:s19+$0x18560] =	vst v8;
	v10 =	vld [tilespmem:s23+$0x0]  }
0x584: {  	[tilespmem:s19+$0x17E10] =	vst v9;
	v8 =	vld [tilespmem:s8+$0x30]  }
0x585: {  	v9 =	vld [tilespmem:s22+$0x20];
	_ =	sdelay $0x1  }
0x586: {  	[tilespmem:s20+$0x17B20] =	vst v11  }
0x587: {  	v11 =	vld [tilespmem:s9+$0x30];
	[tilespmem:s20+$0x18280] =	vst v10  }
0x588: {  	s24 =	spop (v2sf);
	[tilespmem:s19+$0x18570] =	vst v8;
	v10 =	vld [tilespmem:s23+$0x10]  }
0x589: {  	[tilespmem:s19+$0x17E20] =	vst v9;
	v8 =	vld [tilespmem:s24+$0x0]  }
0x58a: {  	(v2sf) =	vpush v2, $0x1;
	v9 =	vld [tilespmem:s22+$0x30];
	_ =	sdelay $0x1  }
0x58b: {  	s25 =	spop (v2sf);
	[tilespmem:s20+$0x17B30] =	vst v11  }
0x58c: {  	v11 =	vld [tilespmem:s25+$0x0];
	[tilespmem:s20+$0x18290] =	vst v10  }
0x58d: {  	[tilespmem:s19+$0x18580] =	vst v8;
	v10 =	vld [tilespmem:s23+$0x20]  }
0x58e: {  	s26 =	spop (v2sf);
	[tilespmem:s19+$0x17E30] =	vst v9;
	v8 =	vld [tilespmem:s24+$0x10]  }
0x58f: {  	v9 =	vld [tilespmem:s26+$0x0]  }
0x590: {  	(v2sf) =	vpush v4, $0x7  }
0x591: {  	[tilespmem:s20+$0x17B40] =	vst v11  }
0x592: {  	v11 =	vld [tilespmem:s25+$0x10];
	[tilespmem:s20+$0x182A0] =	vst v10  }
0x593: {  	[tilespmem:s19+$0x18590] =	vst v8;
	v10 =	vld [tilespmem:s23+$0x30]  }
0x594: {  	(v2sf) =	vpush v1, $0x3;
	[tilespmem:s19+$0x17E40] =	vst v9;
	v8 =	vld [tilespmem:s24+$0x20]  }
0x595: {  	v9 =	vld [tilespmem:s26+$0x10];
	_ =	sdelay $0x1  }
0x596: {  	(v2sf) =	vpush v7, $0x9;
	[tilespmem:s20+$0x17B50] =	vst v11  }
0x597: {  	s28 =	spop (v2sf);
	v11 =	vld [tilespmem:s25+$0x20];
	[tilespmem:s20+$0x182B0] =	vst v10  }
0x598: {  	[tilespmem:s19+$0x185A0] =	vst v8;
	v10 =	vld [tilespmem:s28+$0x0]  }
0x599: {  	[tilespmem:s19+$0x17E50] =	vst v9;
	v8 =	vld [tilespmem:s24+$0x30]  }
0x59a: {  	v9 =	vld [tilespmem:s26+$0x20];
	_ =	sdelay $0x1  }
0x59b: {  	[tilespmem:s20+$0x17B60] =	vst v11  }
0x59c: {  	v11 =	vld [tilespmem:s25+$0x30];
	[tilespmem:s20+$0x182C0] =	vst v10  }
0x59d: {  	s29 =	spop (v2sf);
	[tilespmem:s19+$0x185B0] =	vst v8;
	v10 =	vld [tilespmem:s28+$0x10]  }
0x59e: {  	[tilespmem:s19+$0x17E60] =	vst v9;
	v8 =	vld [tilespmem:s29+$0x0]  }
0x59f: {  	(v2sf) =	vpush v3, $0x2;
	v9 =	vld [tilespmem:s26+$0x30];
	_ =	sdelay $0x1  }
0x5a0: {  	s30 =	spop (v2sf);
	[tilespmem:s20+$0x17B70] =	vst v11  }
0x5a1: {  	v11 =	vld [tilespmem:s30+$0x0];
	[tilespmem:s20+$0x182D0] =	vst v10  }
0x5a2: {  	[tilespmem:s19+$0x185C0] =	vst v8;
	v10 =	vld [tilespmem:s28+$0x20]  }
0x5a3: {  	s31 =	spop (v2sf);
	[tilespmem:s19+$0x17E70] =	vst v9;
	v8 =	vld [tilespmem:s29+$0x10]  }
0x5a4: {  	v9 =	vld [tilespmem:s31+$0x0]  }
0x5a5: {  	(v2sf) =	vpush v5, $0x8  }
0x5a6: {  	[tilespmem:s20+$0x17B80] =	vst v11  }
0x5a7: {  	v11 =	vld [tilespmem:s30+$0x10];
	[tilespmem:s20+$0x182E0] =	vst v10  }
0x5a8: {  	[tilespmem:s19+$0x185D0] =	vst v8;
	v10 =	vld [tilespmem:s28+$0x30]  }
0x5a9: {  	(v2sf) =	vpush v0, $0x3;
	[tilespmem:s19+$0x17E80] =	vst v9;
	v8 =	vld [tilespmem:s29+$0x20]  }
0x5aa: {  	v9 =	vld [tilespmem:s31+$0x10];
	_ =	sdelay $0x1  }
0x5ab: {  	(v2sf) =	vpush v6, $0x9;
	[tilespmem:s20+$0x17B90] =	vst v11  }
0x5ac: {  	s1 =	spop (v2sf);
	v11 =	vld [tilespmem:s30+$0x20];
	[tilespmem:s20+$0x182F0] =	vst v10  }
0x5ad: {  	[tilespmem:s19+$0x185E0] =	vst v8;
	v10 =	vld [tilespmem:s1+$0x0]  }
0x5ae: {  	[tilespmem:s19+$0x17E90] =	vst v9;
	v8 =	vld [tilespmem:s29+$0x30]  }
0x5af: {  	v9 =	vld [tilespmem:s31+$0x20];
	_ =	sdelay $0x1  }
0x5b0: {  	[tilespmem:s20+$0x17BA0] =	vst v11  }
0x5b1: {  	v11 =	vld [tilespmem:s30+$0x30];
	[tilespmem:s20+$0x18300] =	vst v10  }
0x5b2: {  	s3 =	spop (v2sf);
	[tilespmem:s19+$0x185F0] =	vst v8;
	v10 =	vld [tilespmem:s1+$0x10]  }
0x5b3: {  	[tilespmem:s19+$0x17EA0] =	vst v9;
	v8 =	vld [tilespmem:s3+$0x0]  }
0x5b4: {  	(v2sf) =	vpush v2, $0x2;
	v9 =	vld [tilespmem:s31+$0x30];
	_ =	sdelay $0x1  }
0x5b5: {  	s4 =	spop (v2sf);
	[tilespmem:s20+$0x17BB0] =	vst v11  }
0x5b6: {  	v11 =	vld [tilespmem:s4+$0x0];
	[tilespmem:s20+$0x18310] =	vst v10  }
0x5b7: {  	[tilespmem:s19+$0x18600] =	vst v8;
	v10 =	vld [tilespmem:s1+$0x20]  }
0x5b8: {  	s5 =	spop (v2sf);
	[tilespmem:s19+$0x17EB0] =	vst v9;
	v8 =	vld [tilespmem:s3+$0x10]  }
0x5b9: {  	v9 =	vld [tilespmem:s5+$0x0]  }
0x5ba: {  	(v2sf) =	vpush v4, $0x8  }
0x5bb: {  	[tilespmem:s20+$0x17BC0] =	vst v11  }
0x5bc: {  	v11 =	vld [tilespmem:s4+$0x10];
	[tilespmem:s20+$0x18320] =	vst v10  }
0x5bd: {  	[tilespmem:s19+$0x18610] =	vst v8;
	v10 =	vld [tilespmem:s1+$0x30]  }
0x5be: {  	(v2sf) =	vpush v1, $0x4;
	[tilespmem:s19+$0x17EC0] =	vst v9;
	v8 =	vld [tilespmem:s3+$0x20]  }
0x5bf: {  	v9 =	vld [tilespmem:s5+$0x10];
	_ =	sdelay $0x1  }
0x5c0: {  	(v2sf) =	vpush v7, $0xA;
	[tilespmem:s20+$0x17BD0] =	vst v11  }
0x5c1: {  	s7 =	spop (v2sf);
	v11 =	vld [tilespmem:s4+$0x20];
	[tilespmem:s20+$0x18330] =	vst v10  }
0x5c2: {  	[tilespmem:s19+$0x18620] =	vst v8;
	v10 =	vld [tilespmem:s7+$0x0]  }
0x5c3: {  	[tilespmem:s19+$0x17ED0] =	vst v9;
	v8 =	vld [tilespmem:s3+$0x30]  }
0x5c4: {  	v9 =	vld [tilespmem:s5+$0x20];
	_ =	sdelay $0x1  }
0x5c5: {  	[tilespmem:s20+$0x17BE0] =	vst v11  }
0x5c6: {  	v11 =	vld [tilespmem:s4+$0x30];
	[tilespmem:s20+$0x18340] =	vst v10  }
0x5c7: {  	s8 =	spop (v2sf);
	[tilespmem:s19+$0x18630] =	vst v8;
	v10 =	vld [tilespmem:s7+$0x10]  }
0x5c8: {  	[tilespmem:s19+$0x17EE0] =	vst v9;
	v8 =	vld [tilespmem:s8+$0x0]  }
0x5c9: {  	(v2sf) =	vpush v3, $0x3;
	v9 =	vld [tilespmem:s5+$0x30];
	_ =	sdelay $0x1  }
0x5ca: {  	s9 =	spop (v2sf);
	[tilespmem:s20+$0x17BF0] =	vst v11  }
0x5cb: {  	v11 =	vld [tilespmem:s9+$0x0];
	[tilespmem:s20+$0x18350] =	vst v10  }
0x5cc: {  	[tilespmem:s19+$0x18640] =	vst v8;
	v10 =	vld [tilespmem:s7+$0x20]  }
0x5cd: {  	s22 =	spop (v2sf);
	[tilespmem:s19+$0x17EF0] =	vst v9;
	v8 =	vld [tilespmem:s8+$0x10]  }
0x5ce: {  	v9 =	vld [tilespmem:s22+$0x0]  }
0x5cf: {  	(v2sf) =	vpush v5, $0x9  }
0x5d0: {  	[tilespmem:s20+$0x17C00] =	vst v11  }
0x5d1: {  	v11 =	vld [tilespmem:s9+$0x10];
	[tilespmem:s20+$0x18360] =	vst v10  }
0x5d2: {  	[tilespmem:s19+$0x18650] =	vst v8;
	v10 =	vld [tilespmem:s7+$0x30]  }
0x5d3: {  	(v2sf) =	vpush v0, $0x4;
	[tilespmem:s19+$0x17F00] =	vst v9;
	v8 =	vld [tilespmem:s8+$0x20]  }
0x5d4: {  	v9 =	vld [tilespmem:s22+$0x10];
	_ =	sdelay $0x1  }
0x5d5: {  	(v2sf) =	vpush v6, $0xA;
	[tilespmem:s20+$0x17C10] =	vst v11  }
0x5d6: {  	s23 =	spop (v2sf);
	v11 =	vld [tilespmem:s9+$0x20];
	[tilespmem:s20+$0x18370] =	vst v10  }
0x5d7: {  	[tilespmem:s19+$0x18660] =	vst v8;
	v10 =	vld [tilespmem:s23+$0x0]  }
0x5d8: {  	[tilespmem:s19+$0x17F10] =	vst v9;
	v8 =	vld [tilespmem:s8+$0x30]  }
0x5d9: {  	v9 =	vld [tilespmem:s22+$0x20];
	_ =	sdelay $0x1  }
0x5da: {  	[tilespmem:s20+$0x17C20] =	vst v11  }
0x5db: {  	v11 =	vld [tilespmem:s9+$0x30];
	[tilespmem:s20+$0x18380] =	vst v10  }
0x5dc: {  	s24 =	spop (v2sf);
	[tilespmem:s19+$0x18670] =	vst v8;
	v10 =	vld [tilespmem:s23+$0x10]  }
0x5dd: {  	[tilespmem:s19+$0x17F20] =	vst v9;
	v8 =	vld [tilespmem:s24+$0x0]  }
0x5de: {  	(v2sf) =	vpush v2, $0x3;
	v9 =	vld [tilespmem:s22+$0x30];
	_ =	sdelay $0x1  }
0x5df: {  	s25 =	spop (v2sf);
	[tilespmem:s20+$0x17C30] =	vst v11  }
0x5e0: {  	v11 =	vld [tilespmem:s25+$0x0];
	[tilespmem:s20+$0x18390] =	vst v10  }
0x5e1: {  	[tilespmem:s19+$0x18680] =	vst v8;
	v10 =	vld [tilespmem:s23+$0x20]  }
0x5e2: {  	(v2sf) =	vpush v4, $0x9;
	s26 =	spop (v2sf);
	[tilespmem:s19+$0x17F30] =	vst v9;
	v8 =	vld [tilespmem:s24+$0x10]  }
0x5e3: {  	v9 =	vld [tilespmem:s26+$0x0];
	_ =	sdelay $0x1  }
0x5e4: {  	[tilespmem:s20+$0x17C40] =	vst v11  }
0x5e5: {  	v11 =	vld [tilespmem:s25+$0x10];
	[tilespmem:s20+$0x183A0] =	vst v10  }
0x5e6: {  	[tilespmem:s19+$0x18690] =	vst v8;
	v10 =	vld [tilespmem:s23+$0x30]  }
0x5e7: {  	(v2sf) =	vpush v1, $0x5;
	[tilespmem:s19+$0x17F40] =	vst v9;
	v8 =	vld [tilespmem:s24+$0x20]  }
0x5e8: {  	v9 =	vld [tilespmem:s26+$0x10];
	_ =	sdelay $0x1  }
0x5e9: {  	(v2sf) =	vpush v7, $0xB;
	[tilespmem:s20+$0x17C50] =	vst v11  }
0x5ea: {  	s28 =	spop (v2sf);
	v11 =	vld [tilespmem:s25+$0x20];
	[tilespmem:s20+$0x183B0] =	vst v10  }
0x5eb: {  	[tilespmem:s19+$0x186A0] =	vst v8;
	v10 =	vld [tilespmem:s28+$0x0]  }
0x5ec: {  	[tilespmem:s19+$0x17F50] =	vst v9;
	v8 =	vld [tilespmem:s24+$0x30]  }
0x5ed: {  	v9 =	vld [tilespmem:s26+$0x20]  }
0x5ee: {  	(v2sf) =	vpush v3, $0x4  }
0x5ef: {  	s29 =	spop (v2sf);
	(v2sf) =	vpush v5, $0xA;
	[tilespmem:s20+$0x17C60] =	vst v11  }
0x5f0: {  	v11 =	vld [tilespmem:s25+$0x30];
	[tilespmem:s20+$0x183C0] =	vst v10  }
0x5f1: {  	[tilespmem:s19+$0x186B0] =	vst v8;
	v10 =	vld [tilespmem:s28+$0x10]  }
0x5f2: {  	[tilespmem:s19+$0x17F60] =	vst v9;
	v8 =	vld [tilespmem:s29+$0x0]  }
0x5f3: {  	v9 =	vld [tilespmem:s26+$0x30];
	_ =	sdelay $0x1  }
0x5f4: {  	s30 =	spop (v2sf);
	[tilespmem:s20+$0x17C70] =	vst v11  }
0x5f5: {  	v11 =	vld [tilespmem:s30+$0x0];
	[tilespmem:s20+$0x183D0] =	vst v10  }
0x5f6: {  	[tilespmem:s19+$0x186C0] =	vst v8;
	v10 =	vld [tilespmem:s28+$0x20]  }
0x5f7: {  	s31 =	spop (v2sf);
	[tilespmem:s19+$0x17F70] =	vst v9;
	v8 =	vld [tilespmem:s29+$0x10]  }
0x5f8: {  	v9 =	vld [tilespmem:s31+$0x0];
	_ =	sdelay $0x1  }
0x5f9: {  	[tilespmem:s20+$0x17C80] =	vst v11  }
0x5fa: {  	v11 =	vld [tilespmem:s30+$0x10];
	[tilespmem:s20+$0x183E0] =	vst v10  }
0x5fb: {  	s8 =	spop (v2sf);
	[tilespmem:s19+$0x186D0] =	vst v8;
	v10 =	vld [tilespmem:s28+$0x30]  }
0x5fc: {  	s9 =	spop (v2sf);
	(v2sf) =	vpush v0, $0x5;
	[tilespmem:s19+$0x17F80] =	vst v9;
	v8 =	vld [tilespmem:s29+$0x20]  }
0x5fd: {  	v9 =	vld [tilespmem:s31+$0x10];
	_ =	sdelay $0x1  }
0x5fe: {  	(v2sf) =	vpush v6, $0xB;
	[tilespmem:s20+$0x17C90] =	vst v11  }
0x5ff: {  	v11 =	vld [tilespmem:s30+$0x20];
	[tilespmem:s20+$0x183F0] =	vst v10  }
0x600: {  	[tilespmem:s19+$0x186E0] =	vst v8;
	v10 =	vld [tilespmem:s8+$0x0]  }
0x601: {  	[tilespmem:s19+$0x17F90] =	vst v9;
	v8 =	vld [tilespmem:s29+$0x30]  }
0x602: {  	v9 =	vld [tilespmem:s31+$0x20];
	_ =	sdelay $0x1  }
0x603: {  	[tilespmem:s20+$0x17CA0] =	vst v11  }
0x604: {  	v11 =	vld [tilespmem:s30+$0x30];
	[tilespmem:s20+$0x18400] =	vst v10  }
0x605: {  	[tilespmem:s19+$0x186F0] =	vst v8;
	v10 =	vld [tilespmem:s8+$0x10]  }
0x606: {  	[tilespmem:s19+$0x17FA0] =	vst v9;
	v9 =	vld [tilespmem:s9+$0x0]  }
0x607: {  	s0 =	simm.s32 $0x4;
	v8 =	vld [tilespmem:s31+$0x30]  }
.LBB2_5:
0x608: {  	s1 =	sshll.u32 s0, $0x4  }
0x609: {  	[tilespmem:s20+$0x17CB0] =	vst v11;
	s5 =	spop (v2sf);
	s3 =	smov.u32 s0;
	s22 =	sadd.s32 $0x2, s0  }
0x60a: {  	p0 =	slt.u32 s0, $0x6;
	s23 =	sor.u32 s21, s1;
	s1 =	sor.u32 $0x10, s1;
	v12 =	vld [tilespmem:s5+$0x0];
	(v2sf) =	vpush v2, $0x4  }
0x60b: {  	v11 =	vld [tilespmem:s23+$0xFA00];
	s0 =	sshll.u32 s1, $0x7;
	[tilespmem:s19+$0x18700] =	vst v9  }
0x60c: {  	[tilespmem:s19+$0x17FB0] =	vst v8;
	v8 =	vld [tilespmem:s9+$0x10];
	s24 =	spop (v2sf)  }
0x60d: {  	[tilespmem:s20+$0x18410] =	vst v10;
	v9 =	vld [tilespmem:s24+$0x0]  }
0x60e: {  	v10 =	vld [tilespmem:s8+$0x20];
	(v2sf) =	vpush v4, $0xA  }
0x60f: {  	[tilespmem:s20+$0x17CC0] =	vst v12  }
0x610: {  	(v2sf) =	vpush v11, $0x0;
	v12 =	vld [tilespmem:s5+$0x10]  }
0x611: {  	[tilespmem:s19+$0x18710] =	vst v8  }
0x612: {  	(v2sf) =	vpush v1, $0x6;
	[tilespmem:s19+$0x17FC0] =	vst v9;
	v8 =	vld [tilespmem:s9+$0x20]  }
0x613: {  	[tilespmem:s20+$0x18420] =	vst v10;
	v9 =	vld [tilespmem:s24+$0x10]  }
0x614: {  	v10 =	vld [tilespmem:s8+$0x30]  }
0x615: {  	[tilespmem:s20+$0x17CD0] =	vst v12;
	(v2sf) =	vpush v7, $0xC  }
0x616: {  	v12 =	vld [tilespmem:s5+$0x20]  }
0x617: {  	[tilespmem:s19+$0x18720] =	vst v8  }
0x618: {  	[tilespmem:s19+$0x17FD0] =	vst v9;
	v8 =	vld [tilespmem:s9+$0x30]  }
0x619: {  	[tilespmem:s20+$0x18430] =	vst v10;
	s4 =	spop (v2sf);
	v9 =	vld [tilespmem:s24+$0x20]  }
0x61a: {  	v10 =	vld [tilespmem:s4+$0x0]  }
0x61b: {  	[tilespmem:s20+$0x17CE0] =	vst v12  }
0x61c: {  	v12 =	vld [tilespmem:s5+$0x30]  }
0x61d: {  	[tilespmem:s19+$0x18730] =	vst v8;
	s5 =	spop (v2sf)  }
0x61e: {  	[tilespmem:s19+$0x17FE0] =	vst v9;
	v9 =	vld [tilespmem:s5+$0x0]  }
0x61f: {  	s8 =	spop (v2sf);
	[tilespmem:s20+$0x18440] =	vst v10;
	v10 =	vld [tilespmem:s24+$0x30]  }
0x620: {  	v13 =	vld [tilespmem:s8+$0x0]  }
0x621: {  	[tilespmem:s20+$0x17CF0] =	vst v12;
	v12 =	vld [tilespmem:s4+$0x10];
	s9 =	spop (v2sf)  }
0x622: {  	v14 =	vld [tilespmem:s9+$0x0]  }
0x623: {  	s3 =	sshll.u32 s3, $0xB;
	v8 =	vld [tilespmem:s23+$0x11A00];
	(v2sf) =	vpush v3, $0x5;
	[tilespmem:s19+$0x18740] =	vst v9  }
0x624: {  	s23 =	sand.u32 $0x3FFFF800, s3;
	[tilespmem:s19+$0x17FF0] =	vst v10;
	v9 =	vld [tilespmem:s5+$0x10];
	s3 =	spop (v2sf)  }
0x625: {  	[tilespmem:s23+$0x17A00] =	vst v13;
	v10 =	vld [tilespmem:s3+$0x0]  }
0x626: {  	v13 =	vld [tilespmem:s8+$0x10];
	[tilespmem:s20+$0x18450] =	vst v12;
	(v2sf) =	vpush v5, $0xB  }
0x627: {  	[tilespmem:s20+$0x17D00] =	vst v14;
	v12 =	vld [tilespmem:s4+$0x20]  }
0x628: {  	(v2sf) =	vpush v8, $0x0;
	v14 =	vld [tilespmem:s9+$0x10]  }
0x629: {  	[tilespmem:s19+$0x18750] =	vst v9  }
0x62a: {  	(v2sf) =	vpush v0, $0x6;
	[tilespmem:s19+$0x18000] =	vst v10;
	v9 =	vld [tilespmem:s5+$0x20]  }
0x62b: {  	[tilespmem:s23+$0x17A10] =	vst v13;
	v10 =	vld [tilespmem:s3+$0x10]  }
0x62c: {  	v13 =	vld [tilespmem:s8+$0x20];
	[tilespmem:s20+$0x18460] =	vst v12  }
0x62d: {  	[tilespmem:s20+$0x17D10] =	vst v14;
	v12 =	vld [tilespmem:s4+$0x30];
	(v2sf) =	vpush v6, $0xC  }
0x62e: {  	v14 =	vld [tilespmem:s9+$0x20]  }
0x62f: {  	[tilespmem:s19+$0x18760] =	vst v9  }
0x630: {  	[tilespmem:s19+$0x18010] =	vst v10;
	v9 =	vld [tilespmem:s5+$0x30]  }
0x631: {  	[tilespmem:s23+$0x17A20] =	vst v13;
	v10 =	vld [tilespmem:s3+$0x20]  }
0x632: {  	v13 =	vld [tilespmem:s8+$0x30];
	[tilespmem:s20+$0x18470] =	vst v12;
	s4 =	spop (v2sf)  }
0x633: {  	[tilespmem:s20+$0x17D20] =	vst v14;
	v12 =	vld [tilespmem:s4+$0x0]  }
0x634: {  	v14 =	vld [tilespmem:s9+$0x30]  }
0x635: {  	[tilespmem:s19+$0x18770] =	vst v9;
	s5 =	spop (v2sf)  }
0x636: {  	[tilespmem:s19+$0x18020] =	vst v10;
	v9 =	vld [tilespmem:s5+$0x0]  }
0x637: {  	[tilespmem:s23+$0x17A30] =	vst v13;
	s8 =	spop (v2sf);
	v10 =	vld [tilespmem:s3+$0x30]  }
0x638: {  	v13 =	vld [tilespmem:s8+$0x0];
	[tilespmem:s20+$0x18480] =	vst v12  }
0x639: {  	[tilespmem:s20+$0x17D30] =	vst v14;
	v12 =	vld [tilespmem:s4+$0x10];
	s9 =	spop (v2sf)  }
0x63a: {  	v14 =	vld [tilespmem:s9+$0x0]  }
0x63b: {  	[tilespmem:s19+$0x18780] =	vst v9  }
0x63c: {  	(v2sf) =	vpush v2, $0x5;
	[tilespmem:s19+$0x18030] =	vst v10;
	v9 =	vld [tilespmem:s5+$0x10];
	s24 =	spop (v2sf)  }
0x63d: {  	[tilespmem:s23+$0x17A40] =	vst v13;
	v10 =	vld [tilespmem:s24+$0x0]  }
0x63e: {  	v13 =	vld [tilespmem:s8+$0x10];
	[tilespmem:s20+$0x18490] =	vst v12;
	(v2sf) =	vpush v4, $0xB  }
0x63f: {  	[tilespmem:s20+$0x17D40] =	vst v14;
	v12 =	vld [tilespmem:s4+$0x20]  }
0x640: {  	(v2sf) =	vpush v11, $0x1;
	v14 =	vld [tilespmem:s9+$0x10]  }
0x641: {  	[tilespmem:s19+$0x18790] =	vst v9  }
0x642: {  	[tilespmem:s19+$0x18040] =	vst v10;
	v9 =	vld [tilespmem:s5+$0x20]  }
0x643: {  	[tilespmem:s23+$0x17A50] =	vst v13;
	(v2sf) =	vpush v1, $0x7;
	v10 =	vld [tilespmem:s24+$0x10]  }
0x644: {  	v13 =	vld [tilespmem:s8+$0x20];
	[tilespmem:s20+$0x184A0] =	vst v12  }
0x645: {  	[tilespmem:s20+$0x17D50] =	vst v14;
	v12 =	vld [tilespmem:s4+$0x30];
	(v2sf) =	vpush v7, $0xD  }
0x646: {  	v14 =	vld [tilespmem:s9+$0x20]  }
0x647: {  	[tilespmem:s19+$0x187A0] =	vst v9  }
0x648: {  	[tilespmem:s19+$0x18050] =	vst v10;
	v9 =	vld [tilespmem:s5+$0x30]  }
0x649: {  	[tilespmem:s23+$0x17A60] =	vst v13;
	v13 =	vld [tilespmem:s24+$0x20]  }
0x64a: {  	s3 =	sor.u32 s21, s1;
	v15 =	vld [tilespmem:s8+$0x30];
	[tilespmem:s20+$0x184B0] =	vst v12  }
0x64b: {  	v10 =	vld [tilespmem:s3+$0xFA00];
	[tilespmem:s20+$0x17D60] =	vst v14;
	s4 =	spop (v2sf)  }
0x64c: {  	v12 =	vld [tilespmem:s4+$0x0]  }
0x64d: {  	v14 =	vld [tilespmem:s9+$0x30];
	[tilespmem:s19+$0x187B0] =	vst v9;
	s8 =	spop (v2sf)  }
0x64e: {  	[tilespmem:s19+$0x18060] =	vst v13;
	v9 =	vld [tilespmem:s8+$0x0]  }
0x64f: {  	[tilespmem:s23+$0x17A70] =	vst v15;
	s5 =	spop (v2sf);
	v13 =	vld [tilespmem:s24+$0x30]  }
0x650: {  	v15 =	vld [tilespmem:s5+$0x0];
	(v2sf) =	vpush v10, $0x0  }
0x651: {  	[tilespmem:s20+$0x184C0] =	vst v12  }
0x652: {  	[tilespmem:s20+$0x17D70] =	vst v14;
	v12 =	vld [tilespmem:s4+$0x10];
	s9 =	spop (v2sf)  }
0x653: {  	v14 =	vld [tilespmem:s9+$0x0];
	[tilespmem:s19+$0x187C0] =	vst v9  }
0x654: {  	(v2sf) =	vpush v3, $0x6;
	[tilespmem:s19+$0x18070] =	vst v13;
	v9 =	vld [tilespmem:s8+$0x10];
	s1 =	spop (v2sf)  }
0x655: {  	[tilespmem:s23+$0x17A80] =	vst v15;
	v13 =	vld [tilespmem:s1+$0x0]  }
0x656: {  	v15 =	vld [tilespmem:s5+$0x10]  }
0x657: {  	[tilespmem:s20+$0x184D0] =	vst v12;
	(v2sf) =	vpush v5, $0xC  }
0x658: {  	(v2sf) =	vpush v8, $0x1;
	[tilespmem:s20+$0x17D80] =	vst v14;
	v12 =	vld [tilespmem:s4+$0x20]  }
0x659: {  	v14 =	vld [tilespmem:s9+$0x10];
	[tilespmem:s19+$0x187D0] =	vst v9  }
0x65a: {  	[tilespmem:s19+$0x18080] =	vst v13;
	v9 =	vld [tilespmem:s8+$0x20]  }
0x65b: {  	[tilespmem:s23+$0x17A90] =	vst v15;
	(v2sf) =	vpush v0, $0x7;
	v13 =	vld [tilespmem:s1+$0x10]  }
0x65c: {  	v15 =	vld [tilespmem:s5+$0x20]  }
0x65d: {  	[tilespmem:s20+$0x184E0] =	vst v12  }
0x65e: {  	[tilespmem:s20+$0x17D90] =	vst v14;
	v12 =	vld [tilespmem:s4+$0x30]  }
0x65f: {  	s4 =	spop (v2sf);
	v14 =	vld [tilespmem:s9+$0x20];
	[tilespmem:s19+$0x187E0] =	vst v9  }
0x660: {  	v16 =	vld [tilespmem:s4+$0x0];
	[tilespmem:s19+$0x18090] =	vst v13  }
0x661: {  	[tilespmem:s23+$0x17AA0] =	vst v15;
	v13 =	vld [tilespmem:s8+$0x30]  }
0x662: {  	v15 =	vld [tilespmem:s5+$0x30]  }
0x663: {  	v9 =	vld [tilespmem:s3+$0x11A00];
	[tilespmem:s20+$0x184F0] =	vst v12;
	s3 =	spop (v2sf)  }
0x664: {  	s0 =	sand.u32 $0x3FFFF800, s0;
	[tilespmem:s20+$0x17DA0] =	vst v14;
	v12 =	vld [tilespmem:s3+$0x0]  }
0x665: {  	[tilespmem:s0+$0x17A00] =	vst v16;
	v14 =	vld [tilespmem:s9+$0x30];
	(v2sf) =	vpush v6, $0xD  }
0x666: {  	v16 =	vld [tilespmem:s4+$0x10];
	[tilespmem:s19+$0x187F0] =	vst v13;
	s8 =	spop (v2sf)  }
0x667: {  	[tilespmem:s23+$0x17AB0] =	vst v15;
	s24 =	spop (v2sf);
	v13 =	vld [tilespmem:s8+$0x0]  }
0x668: {  	v15 =	vld [tilespmem:s24+$0x0];
	(v2sf) =	vpush v9, $0x0  }
0x669: {  	[tilespmem:s20+$0x18500] =	vst v12;
	v12 =	vld [tilespmem:s1+$0x20]  }
0x66a: {  	[tilespmem:s20+$0x17DB0] =	vst v14;
	v14 =	vld [tilespmem:s3+$0x10];
	s25 =	spop (v2sf)  }
0x66b: {  	[tilespmem:s0+$0x17A10] =	vst v16;
	v16 =	vld [tilespmem:s25+$0x0]  }
0x66c: {  	v17 =	vld [tilespmem:s4+$0x20];
	(v2sf) =	vpush v2, $0x6;
	[tilespmem:s19+$0x18800] =	vst v13  }
0x66d: {  	[tilespmem:s23+$0x17AC0] =	vst v15;
	v13 =	vld [tilespmem:s8+$0x10]  }
0x66e: {  	v15 =	vld [tilespmem:s24+$0x10];
	[tilespmem:s19+$0x180A0] =	vst v12  }
0x66f: {  	[tilespmem:s20+$0x18510] =	vst v14;
	v12 =	vld [tilespmem:s1+$0x30];
	(v2sf) =	vpush v4, $0xC  }
0x670: {  	(v2sf) =	vpush v11, $0x2;
	[tilespmem:s20+$0x17DC0] =	vst v16;
	v14 =	vld [tilespmem:s3+$0x20]  }
0x671: {  	[tilespmem:s0+$0x17A20] =	vst v17;
	v16 =	vld [tilespmem:s25+$0x10]  }
0x672: {  	v17 =	vld [tilespmem:s4+$0x30];
	[tilespmem:s19+$0x18810] =	vst v13  }
0x673: {  	[tilespmem:s23+$0x17AD0] =	vst v15;
	(v2sf) =	vpush v1, $0x8;
	v13 =	vld [tilespmem:s8+$0x20]  }
0x674: {  	v15 =	vld [tilespmem:s24+$0x20];
	[tilespmem:s19+$0x180B0] =	vst v12;
	s9 =	spop (v2sf)  }
0x675: {  	[tilespmem:s20+$0x18520] =	vst v14;
	v12 =	vld [tilespmem:s9+$0x0]  }
0x676: {  	[tilespmem:s20+$0x17DD0] =	vst v16;
	v14 =	vld [tilespmem:s3+$0x30]  }
0x677: {  	[tilespmem:s0+$0x17A30] =	vst v17;
	s3 =	spop (v2sf);
	v16 =	vld [tilespmem:s25+$0x20]  }
0x678: {  	v17 =	vld [tilespmem:s3+$0x0];
	[tilespmem:s19+$0x18820] =	vst v13  }
0x679: {  	[tilespmem:s23+$0x17AE0] =	vst v15;
	v13 =	vld [tilespmem:s8+$0x30]  }
0x67a: {  	v15 =	vld [tilespmem:s24+$0x30];
	[tilespmem:s19+$0x180C0] =	vst v12  }
0x67b: {  	[tilespmem:s20+$0x18530] =	vst v14;
	s1 =	spop (v2sf);
	v12 =	vld [tilespmem:s9+$0x10]  }
0x67c: {  	[tilespmem:s20+$0x17DE0] =	vst v16;
	v14 =	vld [tilespmem:s1+$0x0]  }
0x67d: {  	[tilespmem:s0+$0x17A40] =	vst v17;
	v16 =	vld [tilespmem:s25+$0x30];
	(v2sf) =	vpush v7, $0xE  }
0x67e: {  	v17 =	vld [tilespmem:s3+$0x10];
	[tilespmem:s19+$0x18830] =	vst v13;
	s4 =	spop (v2sf)  }
0x67f: {  	[tilespmem:s23+$0x17AF0] =	vst v15;
	s8 =	spop (v2sf);
	v13 =	vld [tilespmem:s4+$0x0]  }
0x680: {  	v15 =	vld [tilespmem:s8+$0x0];
	(v2sf) =	vpush v10, $0x1;
	[tilespmem:s19+$0x180D0] =	vst v12  }
0x681: {  	[tilespmem:s20+$0x18540] =	vst v14;
	v12 =	vld [tilespmem:s9+$0x20]  }
0x682: {  	[tilespmem:s20+$0x17DF0] =	vst v16;
	v14 =	vld [tilespmem:s1+$0x10];
	s24 =	spop (v2sf)  }
0x683: {  	[tilespmem:s0+$0x17A50] =	vst v17;
	v16 =	vld [tilespmem:s24+$0x0]  }
0x684: {  	v17 =	vld [tilespmem:s3+$0x20];
	(v2sf) =	vpush v3, $0x7;
	[tilespmem:s19+$0x18840] =	vst v13  }
0x685: {  	[tilespmem:s23+$0x17B00] =	vst v15;
	v13 =	vld [tilespmem:s4+$0x10]  }
0x686: {  	v15 =	vld [tilespmem:s8+$0x10];
	[tilespmem:s19+$0x180E0] =	vst v12  }
0x687: {  	[tilespmem:s20+$0x18550] =	vst v14;
	v12 =	vld [tilespmem:s9+$0x30];
	(v2sf) =	vpush v5, $0xD  }
0x688: {  	(v2sf) =	vpush v8, $0x2;
	[tilespmem:s20+$0x17E00] =	vst v16;
	v14 =	vld [tilespmem:s1+$0x20]  }
0x689: {  	[tilespmem:s0+$0x17A60] =	vst v17;
	v16 =	vld [tilespmem:s24+$0x10]  }
0x68a: {  	v17 =	vld [tilespmem:s3+$0x30];
	[tilespmem:s19+$0x18850] =	vst v13  }
0x68b: {  	[tilespmem:s23+$0x17B10] =	vst v15;
	(v2sf) =	vpush v0, $0x8;
	v13 =	vld [tilespmem:s4+$0x20]  }
0x68c: {  	v15 =	vld [tilespmem:s8+$0x20];
	[tilespmem:s19+$0x180F0] =	vst v12;
	s3 =	spop (v2sf)  }
0x68d: {  	[tilespmem:s20+$0x18560] =	vst v14;
	v12 =	vld [tilespmem:s3+$0x0]  }
0x68e: {  	[tilespmem:s20+$0x17E10] =	vst v16;
	v14 =	vld [tilespmem:s1+$0x30]  }
0x68f: {  	[tilespmem:s0+$0x17A70] =	vst v17;
	s1 =	spop (v2sf);
	v16 =	vld [tilespmem:s24+$0x20]  }
0x690: {  	v17 =	vld [tilespmem:s1+$0x0];
	[tilespmem:s19+$0x18860] =	vst v13  }
0x691: {  	[tilespmem:s23+$0x17B20] =	vst v15;
	v13 =	vld [tilespmem:s4+$0x30]  }
0x692: {  	v15 =	vld [tilespmem:s8+$0x30];
	[tilespmem:s19+$0x18100] =	vst v12  }
0x693: {  	[tilespmem:s20+$0x18570] =	vst v14;
	s0 =	spop (v2sf);
	v12 =	vld [tilespmem:s3+$0x10]  }
0x694: {  	[tilespmem:s20+$0x17E20] =	vst v16;
	v14 =	vld [tilespmem:s0+$0x0]  }
0x695: {  	[tilespmem:s23+$0x18280] =	vst v17;
	v16 =	vld [tilespmem:s24+$0x30];
	(v2sf) =	vpush v6, $0xE  }
0x696: {  	v17 =	vld [tilespmem:s1+$0x10];
	[tilespmem:s19+$0x18870] =	vst v13;
	s4 =	spop (v2sf)  }
0x697: {  	[tilespmem:s23+$0x17B30] =	vst v15;
	s8 =	spop (v2sf);
	v13 =	vld [tilespmem:s4+$0x0]  }
0x698: {  	v15 =	vld [tilespmem:s8+$0x0];
	(v2sf) =	vpush v9, $0x1;
	[tilespmem:s19+$0x18110] =	vst v12  }
0x699: {  	[tilespmem:s20+$0x18580] =	vst v14;
	v12 =	vld [tilespmem:s3+$0x20]  }
0x69a: {  	[tilespmem:s20+$0x17E30] =	vst v16;
	v14 =	vld [tilespmem:s0+$0x10];
	s9 =	spop (v2sf)  }
0x69b: {  	[tilespmem:s23+$0x18290] =	vst v17;
	v16 =	vld [tilespmem:s9+$0x0]  }
0x69c: {  	v17 =	vld [tilespmem:s1+$0x20];
	(v2sf) =	vpush v2, $0x7;
	[tilespmem:s19+$0x18880] =	vst v13  }
0x69d: {  	[tilespmem:s23+$0x17B40] =	vst v15;
	v13 =	vld [tilespmem:s4+$0x10]  }
0x69e: {  	v15 =	vld [tilespmem:s8+$0x10];
	[tilespmem:s19+$0x18120] =	vst v12  }
0x69f: {  	[tilespmem:s20+$0x18590] =	vst v14;
	v12 =	vld [tilespmem:s3+$0x30];
	(v2sf) =	vpush v4, $0xD  }
0x6a0: {  	(v2sf) =	vpush v11, $0x3;
	[tilespmem:s20+$0x17E40] =	vst v16;
	v14 =	vld [tilespmem:s0+$0x20]  }
0x6a1: {  	[tilespmem:s23+$0x182A0] =	vst v17;
	v16 =	vld [tilespmem:s9+$0x10]  }
0x6a2: {  	v17 =	vld [tilespmem:s1+$0x30];
	[tilespmem:s19+$0x18890] =	vst v13  }
0x6a3: {  	[tilespmem:s23+$0x17B50] =	vst v15;
	(v2sf) =	vpush v1, $0x9;
	v13 =	vld [tilespmem:s4+$0x20]  }
0x6a4: {  	v15 =	vld [tilespmem:s8+$0x20];
	[tilespmem:s19+$0x18130] =	vst v12;
	s3 =	spop (v2sf)  }
0x6a5: {  	[tilespmem:s20+$0x185A0] =	vst v14;
	v12 =	vld [tilespmem:s3+$0x0]  }
0x6a6: {  	[tilespmem:s20+$0x17E50] =	vst v16;
	v14 =	vld [tilespmem:s0+$0x30]  }
0x6a7: {  	[tilespmem:s23+$0x182B0] =	vst v17;
	s1 =	spop (v2sf);
	v16 =	vld [tilespmem:s9+$0x20]  }
0x6a8: {  	v17 =	vld [tilespmem:s1+$0x0];
	[tilespmem:s19+$0x188A0] =	vst v13  }
0x6a9: {  	[tilespmem:s23+$0x17B60] =	vst v15;
	v13 =	vld [tilespmem:s4+$0x30]  }
0x6aa: {  	v15 =	vld [tilespmem:s8+$0x30];
	[tilespmem:s19+$0x18140] =	vst v12  }
0x6ab: {  	[tilespmem:s20+$0x185B0] =	vst v14;
	s0 =	spop (v2sf);
	v12 =	vld [tilespmem:s3+$0x10]  }
0x6ac: {  	[tilespmem:s20+$0x17E60] =	vst v16;
	v14 =	vld [tilespmem:s0+$0x0]  }
0x6ad: {  	[tilespmem:s23+$0x182C0] =	vst v17;
	v16 =	vld [tilespmem:s9+$0x30];
	(v2sf) =	vpush v7, $0xF;
	v7 =	vmov v1;
	v1 =	vmov v11  }
0x6ae: {  	v11 =	vld [tilespmem:s1+$0x10];
	[tilespmem:s19+$0x188B0] =	vst v13;
	s4 =	spop (v2sf)  }
0x6af: {  	[tilespmem:s23+$0x17B70] =	vst v15;
	s8 =	spop (v2sf);
	v13 =	vld [tilespmem:s4+$0x0]  }
0x6b0: {  	v15 =	vld [tilespmem:s8+$0x0];
	(v2sf) =	vpush v10, $0x2;
	[tilespmem:s19+$0x18150] =	vst v12  }
0x6b1: {  	[tilespmem:s20+$0x185C0] =	vst v14;
	v12 =	vld [tilespmem:s3+$0x20]  }
0x6b2: {  	[tilespmem:s20+$0x17E70] =	vst v16;
	v14 =	vld [tilespmem:s0+$0x10];
	s9 =	spop (v2sf)  }
0x6b3: {  	[tilespmem:s23+$0x182D0] =	vst v11;
	v11 =	vld [tilespmem:s9+$0x0]  }
0x6b4: {  	v16 =	vld [tilespmem:s1+$0x20];
	(v2sf) =	vpush v3, $0x8;
	[tilespmem:s19+$0x188C0] =	vst v13  }
0x6b5: {  	[tilespmem:s23+$0x17B80] =	vst v15;
	v13 =	vld [tilespmem:s4+$0x10]  }
0x6b6: {  	v15 =	vld [tilespmem:s8+$0x10];
	[tilespmem:s19+$0x18160] =	vst v12  }
0x6b7: {  	[tilespmem:s20+$0x185D0] =	vst v14;
	v12 =	vld [tilespmem:s3+$0x30];
	(v2sf) =	vpush v5, $0xE  }
0x6b8: {  	(v2sf) =	vpush v8, $0x3;
	[tilespmem:s20+$0x17E80] =	vst v11;
	v11 =	vld [tilespmem:s0+$0x20]  }
0x6b9: {  	[tilespmem:s23+$0x182E0] =	vst v16;
	v14 =	vld [tilespmem:s9+$0x10]  }
0x6ba: {  	v16 =	vld [tilespmem:s1+$0x30];
	[tilespmem:s19+$0x188D0] =	vst v13  }
0x6bb: {  	[tilespmem:s23+$0x17B90] =	vst v15;
	(v2sf) =	vpush v0, $0x9;
	v13 =	vld [tilespmem:s4+$0x20]  }
0x6bc: {  	v15 =	vld [tilespmem:s8+$0x20];
	[tilespmem:s19+$0x18170] =	vst v12;
	s3 =	spop (v2sf)  }
0x6bd: {  	[tilespmem:s20+$0x185E0] =	vst v11;
	v11 =	vld [tilespmem:s3+$0x0]  }
0x6be: {  	[tilespmem:s20+$0x17E90] =	vst v14;
	v12 =	vld [tilespmem:s0+$0x30]  }
0x6bf: {  	[tilespmem:s23+$0x182F0] =	vst v16;
	s1 =	spop (v2sf);
	v14 =	vld [tilespmem:s9+$0x20]  }
0x6c0: {  	v16 =	vld [tilespmem:s1+$0x0];
	[tilespmem:s19+$0x188E0] =	vst v13  }
0x6c1: {  	[tilespmem:s23+$0x17BA0] =	vst v15;
	v13 =	vld [tilespmem:s4+$0x30]  }
0x6c2: {  	v15 =	vld [tilespmem:s8+$0x30];
	[tilespmem:s19+$0x18180] =	vst v11  }
0x6c3: {  	[tilespmem:s20+$0x185F0] =	vst v12;
	s0 =	spop (v2sf);
	v11 =	vld [tilespmem:s3+$0x10]  }
0x6c4: {  	[tilespmem:s20+$0x17EA0] =	vst v14;
	v12 =	vld [tilespmem:s0+$0x0]  }
0x6c5: {  	[tilespmem:s23+$0x18300] =	vst v16;
	v14 =	vld [tilespmem:s9+$0x30];
	(v2sf) =	vpush v6, $0xF;
	v6 =	vmov v0;
	v0 =	vmov v8  }
0x6c6: {  	v8 =	vld [tilespmem:s1+$0x10];
	[tilespmem:s19+$0x188F0] =	vst v13;
	s4 =	spop (v2sf)  }
0x6c7: {  	[tilespmem:s23+$0x17BB0] =	vst v15;
	s8 =	spop (v2sf);
	v13 =	vld [tilespmem:s4+$0x0]  }
0x6c8: {  	v15 =	vld [tilespmem:s8+$0x0];
	(v2sf) =	vpush v9, $0x2;
	[tilespmem:s19+$0x18190] =	vst v11  }
0x6c9: {  	[tilespmem:s20+$0x18600] =	vst v12;
	v11 =	vld [tilespmem:s3+$0x20]  }
0x6ca: {  	[tilespmem:s20+$0x17EB0] =	vst v14;
	v12 =	vld [tilespmem:s0+$0x10];
	s9 =	spop (v2sf)  }
0x6cb: {  	[tilespmem:s23+$0x18310] =	vst v8;
	v8 =	vld [tilespmem:s9+$0x0]  }
0x6cc: {  	v14 =	vld [tilespmem:s1+$0x20];
	(v2sf) =	vpush v2, $0x8;
	[tilespmem:s19+$0x18900] =	vst v13  }
0x6cd: {  	[tilespmem:s23+$0x17BC0] =	vst v15;
	v13 =	vld [tilespmem:s4+$0x10]  }
0x6ce: {  	v15 =	vld [tilespmem:s8+$0x10];
	[tilespmem:s19+$0x181A0] =	vst v11  }
0x6cf: {  	[tilespmem:s20+$0x18610] =	vst v12;
	v11 =	vld [tilespmem:s3+$0x30];
	(v2sf) =	vpush v4, $0xE  }
0x6d0: {  	(v2sf) =	vpush v1, $0x4;
	[tilespmem:s20+$0x17EC0] =	vst v8;
	v8 =	vld [tilespmem:s0+$0x20]  }
0x6d1: {  	[tilespmem:s23+$0x18320] =	vst v14;
	v12 =	vld [tilespmem:s9+$0x10]  }
0x6d2: {  	v14 =	vld [tilespmem:s1+$0x30];
	[tilespmem:s19+$0x18910] =	vst v13  }
0x6d3: {  	[tilespmem:s23+$0x17BD0] =	vst v15;
	(v2sf) =	vpush v7, $0xA;
	v13 =	vld [tilespmem:s4+$0x20]  }
0x6d4: {  	v15 =	vld [tilespmem:s8+$0x20];
	[tilespmem:s19+$0x181B0] =	vst v11;
	s24 =	spop (v2sf)  }
0x6d5: {  	[tilespmem:s20+$0x18620] =	vst v8;
	v8 =	vld [tilespmem:s24+$0x0]  }
0x6d6: {  	[tilespmem:s20+$0x17ED0] =	vst v12;
	v11 =	vld [tilespmem:s0+$0x30]  }
0x6d7: {  	[tilespmem:s23+$0x18330] =	vst v14;
	s0 =	spop (v2sf);
	v12 =	vld [tilespmem:s9+$0x20]  }
0x6d8: {  	v14 =	vld [tilespmem:s0+$0x0];
	[tilespmem:s19+$0x18920] =	vst v13  }
0x6d9: {  	[tilespmem:s23+$0x17BE0] =	vst v15;
	v13 =	vld [tilespmem:s4+$0x30]  }
0x6da: {  	v15 =	vld [tilespmem:s8+$0x30];
	[tilespmem:s19+$0x181C0] =	vst v8  }
0x6db: {  	[tilespmem:s20+$0x18630] =	vst v11;
	s1 =	spop (v2sf);
	v8 =	vld [tilespmem:s24+$0x10]  }
0x6dc: {  	[tilespmem:s20+$0x17EE0] =	vst v12;
	v11 =	vld [tilespmem:s1+$0x0]  }
0x6dd: {  	[tilespmem:s23+$0x18340] =	vst v14;
	v12 =	vld [tilespmem:s9+$0x30]  }
0x6de: {  	v14 =	vld [tilespmem:s0+$0x10];
	[tilespmem:s19+$0x18930] =	vst v13;
	s3 =	spop (v2sf)  }
0x6df: {  	[tilespmem:s23+$0x17BF0] =	vst v15;
	s4 =	spop (v2sf);
	v13 =	vld [tilespmem:s3+$0x0]  }
0x6e0: {  	v15 =	vld [tilespmem:s4+$0x0];
	(v2sf) =	vpush v10, $0x3;
	[tilespmem:s19+$0x181D0] =	vst v8  }
0x6e1: {  	[tilespmem:s20+$0x18640] =	vst v11;
	v8 =	vld [tilespmem:s24+$0x20]  }
0x6e2: {  	[tilespmem:s20+$0x17EF0] =	vst v12;
	v11 =	vld [tilespmem:s1+$0x10];
	s5 =	spop (v2sf)  }
0x6e3: {  	[tilespmem:s23+$0x18350] =	vst v14;
	v12 =	vld [tilespmem:s5+$0x0]  }
0x6e4: {  	v14 =	vld [tilespmem:s0+$0x20];
	(v2sf) =	vpush v3, $0x9;
	[tilespmem:s19+$0x18940] =	vst v13  }
0x6e5: {  	[tilespmem:s23+$0x17C00] =	vst v15;
	v13 =	vld [tilespmem:s3+$0x10]  }
0x6e6: {  	v15 =	vld [tilespmem:s4+$0x10];
	[tilespmem:s19+$0x181E0] =	vst v8  }
0x6e7: {  	[tilespmem:s20+$0x18650] =	vst v11;
	v8 =	vld [tilespmem:s24+$0x30];
	(v2sf) =	vpush v5, $0xF;
	v5 =	vmov v3;
	v3 =	vmov v10  }
0x6e8: {  	(v2sf) =	vpush v0, $0x4;
	[tilespmem:s20+$0x17F00] =	vst v12;
	v10 =	vld [tilespmem:s1+$0x20]  }
0x6e9: {  	[tilespmem:s23+$0x18360] =	vst v14;
	v11 =	vld [tilespmem:s5+$0x10]  }
0x6ea: {  	v12 =	vld [tilespmem:s0+$0x30];
	[tilespmem:s19+$0x18950] =	vst v13  }
0x6eb: {  	[tilespmem:s23+$0x17C10] =	vst v15;
	(v2sf) =	vpush v6, $0xA;
	v13 =	vld [tilespmem:s3+$0x20]  }
0x6ec: {  	v14 =	vld [tilespmem:s4+$0x20];
	[tilespmem:s19+$0x181F0] =	vst v8  }
0x6ed: {  	[tilespmem:s20+$0x18660] =	vst v10  }
0x6ee: {  	[tilespmem:s20+$0x17F10] =	vst v11;
	v8 =	vld [tilespmem:s1+$0x30]  }
0x6ef: {  	[tilespmem:s23+$0x18370] =	vst v12;
	s0 =	spop (v2sf);
	v10 =	vld [tilespmem:s5+$0x20]  }
0x6f0: {  	v11 =	vld [tilespmem:s0+$0x0];
	[tilespmem:s19+$0x18960] =	vst v13  }
0x6f1: {  	[tilespmem:s23+$0x17C20] =	vst v14;
	v12 =	vld [tilespmem:s3+$0x30]  }
0x6f2: {  	v13 =	vld [tilespmem:s4+$0x30]  }
0x6f3: {  	[tilespmem:s20+$0x18670] =	vst v8;
	s1 =	spop (v2sf)  }
0x6f4: {  	[tilespmem:s20+$0x17F20] =	vst v10;
	v8 =	vld [tilespmem:s1+$0x0]  }
0x6f5: {  	[tilespmem:s23+$0x18380] =	vst v11;
	v10 =	vld [tilespmem:s5+$0x30]  }
0x6f6: {  	v11 =	vld [tilespmem:s0+$0x10];
	[tilespmem:s19+$0x18970] =	vst v12;
	s3 =	spop (v2sf)  }
0x6f7: {  	[tilespmem:s23+$0x17C30] =	vst v13;
	s4 =	spop (v2sf);
	v12 =	vld [tilespmem:s3+$0x0]  }
0x6f8: {  	v13 =	vld [tilespmem:s4+$0x0];
	(v2sf) =	vpush v9, $0x3  }
0x6f9: {  	[tilespmem:s20+$0x18680] =	vst v8  }
0x6fa: {  	[tilespmem:s20+$0x17F30] =	vst v10;
	v8 =	vld [tilespmem:s1+$0x10];
	s5 =	spop (v2sf)  }
0x6fb: {  	[tilespmem:s23+$0x18390] =	vst v11;
	v10 =	vld [tilespmem:s5+$0x0]  }
0x6fc: {  	v11 =	vld [tilespmem:s0+$0x20];
	(v2sf) =	vpush v2, $0x9;
	[tilespmem:s19+$0x18980] =	vst v12  }
0x6fd: {  	[tilespmem:s23+$0x17C40] =	vst v13;
	v12 =	vld [tilespmem:s3+$0x10]  }
0x6fe: {  	v13 =	vld [tilespmem:s4+$0x10]  }
0x6ff: {  	[tilespmem:s20+$0x18690] =	vst v8;
	(v2sf) =	vpush v4, $0xF;
	v4 =	vmov v2;
	v2 =	vmov v9  }
0x700: {  	(v2sf) =	vpush v1, $0x5;
	[tilespmem:s20+$0x17F40] =	vst v10;
	v8 =	vld [tilespmem:s1+$0x20]  }
0x701: {  	[tilespmem:s23+$0x183A0] =	vst v11;
	v9 =	vld [tilespmem:s5+$0x10]  }
0x702: {  	v10 =	vld [tilespmem:s0+$0x30];
	[tilespmem:s19+$0x18990] =	vst v12  }
0x703: {  	[tilespmem:s23+$0x17C50] =	vst v13;
	(v2sf) =	vpush v7, $0xB;
	v11 =	vld [tilespmem:s3+$0x20]  }
0x704: {  	v12 =	vld [tilespmem:s4+$0x20]  }
0x705: {  	[tilespmem:s20+$0x186A0] =	vst v8  }
0x706: {  	[tilespmem:s20+$0x17F50] =	vst v9;
	v8 =	vld [tilespmem:s1+$0x30]  }
0x707: {  	[tilespmem:s23+$0x183B0] =	vst v10;
	s0 =	spop (v2sf);
	v9 =	vld [tilespmem:s5+$0x20]  }
0x708: {  	v10 =	vld [tilespmem:s0+$0x0];
	[tilespmem:s19+$0x189A0] =	vst v11  }
0x709: {  	[tilespmem:s23+$0x17C60] =	vst v12;
	v11 =	vld [tilespmem:s3+$0x30]  }
0x70a: {  	v12 =	vld [tilespmem:s4+$0x30]  }
0x70b: {  	[tilespmem:s20+$0x186B0] =	vst v8;
	s1 =	spop (v2sf)  }
0x70c: {  	[tilespmem:s20+$0x17F60] =	vst v9;
	v8 =	vld [tilespmem:s1+$0x0]  }
0x70d: {  	[tilespmem:s23+$0x183C0] =	vst v10;
	v9 =	vld [tilespmem:s5+$0x30]  }
0x70e: {  	v10 =	vld [tilespmem:s0+$0x10];
	[tilespmem:s19+$0x189B0] =	vst v11;
	s3 =	spop (v2sf)  }
0x70f: {  	[tilespmem:s23+$0x17C70] =	vst v12;
	s4 =	spop (v2sf);
	v11 =	vld [tilespmem:s3+$0x0]  }
0x710: {  	v12 =	vld [tilespmem:s4+$0x0];
	(v2sf) =	vpush v3, $0x4  }
0x711: {  	[tilespmem:s20+$0x186C0] =	vst v8  }
0x712: {  	[tilespmem:s20+$0x17F70] =	vst v9;
	v8 =	vld [tilespmem:s1+$0x10];
	s5 =	spop (v2sf)  }
0x713: {  	[tilespmem:s23+$0x183D0] =	vst v10;
	v9 =	vld [tilespmem:s5+$0x0]  }
0x714: {  	v10 =	vld [tilespmem:s0+$0x20];
	(v2sf) =	vpush v5, $0xA;
	[tilespmem:s19+$0x189C0] =	vst v11  }
0x715: {  	[tilespmem:s23+$0x17C80] =	vst v12;
	v11 =	vld [tilespmem:s3+$0x10]  }
0x716: {  	v12 =	vld [tilespmem:s4+$0x10]  }
0x717: {  	[tilespmem:s20+$0x186D0] =	vst v8  }
0x718: {  	(v2sf) =	vpush v0, $0x5;
	[tilespmem:s20+$0x17F80] =	vst v9;
	v8 =	vld [tilespmem:s1+$0x20]  }
0x719: {  	[tilespmem:s23+$0x183E0] =	vst v10;
	v9 =	vld [tilespmem:s5+$0x10]  }
0x71a: {  	v10 =	vld [tilespmem:s0+$0x30];
	[tilespmem:s19+$0x189D0] =	vst v11  }
0x71b: {  	[tilespmem:s23+$0x17C90] =	vst v12;
	(v2sf) =	vpush v6, $0xB;
	v11 =	vld [tilespmem:s3+$0x20]  }
0x71c: {  	v12 =	vld [tilespmem:s4+$0x20]  }
0x71d: {  	[tilespmem:s20+$0x186E0] =	vst v8  }
0x71e: {  	[tilespmem:s20+$0x17F90] =	vst v9;
	v8 =	vld [tilespmem:s1+$0x30]  }
0x71f: {  	[tilespmem:s23+$0x183F0] =	vst v10;
	s8 =	spop (v2sf);
	v9 =	vld [tilespmem:s5+$0x20]  }
0x720: {  	v10 =	vld [tilespmem:s8+$0x0];
	[tilespmem:s19+$0x189E0] =	vst v11  }
0x721: {  	[tilespmem:s23+$0x17CA0] =	vst v12;
	v12 =	vld [tilespmem:s3+$0x30]  }
.Ltmp1:
0x722: {  	v11 =	vld [tilespmem:s4+$0x30];
	(pc) =	sbr.rel @p0 .LBB2_5-.Ltmp1, $4  }
0x723: {  	[tilespmem:s20+$0x186F0] =	vst v8;
	s9 =	spop (v2sf)  }
0x724: {  	[tilespmem:s20+$0x17FA0] =	vst v9;
	v9 =	vld [tilespmem:s9+$0x0]  }
0x725: {  	[tilespmem:s23+$0x18400] =	vst v10;
	v8 =	vld [tilespmem:s5+$0x30]  }
0x726: {  	s0 =	smov.u32 s22;
	v10 =	vld [tilespmem:s8+$0x10];
	[tilespmem:s19+$0x189F0] =	vst v12;
	s19 =	smov.u32 s20;
	s20 =	smov.u32 s23  }
0x727: {  	_ = 	snop  }
0x728: {  	s0 =	spop (v2sf);
	(v2sf) =	vpush v2, $0x4  }
0x729: {  	[tilespmem:s20+$0x17CB0] =	vst v11  }
0x72a: {  	v11 =	vld [tilespmem:s0+$0x0];
	[tilespmem:s19+$0x18700] =	vst v9  }
0x72b: {  	v9 =	vld [tilespmem:s9+$0x10];
	[tilespmem:s20+$0x18410] =	vst v10  }
0x72c: {  	v10 =	vld [tilespmem:s8+$0x20]  }
0x72d: {  	(v2sf) =	vpush v4, $0xA  }
0x72e: {  	[tilespmem:s19+$0x17FB0] =	vst v8;
	s1 =	spop (v2sf)  }
0x72f: {  	v8 =	vld [tilespmem:s1+$0x0];
	[tilespmem:s20+$0x17CC0] =	vst v11  }
0x730: {  	v11 =	vld [tilespmem:s0+$0x10];
	[tilespmem:s19+$0x18710] =	vst v9  }
0x731: {  	(v2sf) =	vpush v1, $0x6;
	v9 =	vld [tilespmem:s9+$0x20];
	[tilespmem:s20+$0x18420] =	vst v10  }
0x732: {  	v10 =	vld [tilespmem:s8+$0x30];
	_ =	sdelay $0x1  }
0x733: {  	[tilespmem:s19+$0x17FC0] =	vst v8  }
0x734: {  	v8 =	vld [tilespmem:s1+$0x10];
	[tilespmem:s20+$0x17CD0] =	vst v11  }
0x735: {  	v11 =	vld [tilespmem:s0+$0x20];
	[tilespmem:s19+$0x18720] =	vst v9  }
0x736: {  	(v2sf) =	vpush v7, $0xC;
	v9 =	vld [tilespmem:s9+$0x30];
	s3 =	spop (v2sf);
	[tilespmem:s20+$0x18430] =	vst v10  }
0x737: {  	v10 =	vld [tilespmem:s3+$0x0];
	_ =	sdelay $0x1  }
0x738: {  	[tilespmem:s19+$0x17FD0] =	vst v8  }
0x739: {  	v8 =	vld [tilespmem:s1+$0x20];
	[tilespmem:s20+$0x17CE0] =	vst v11  }
0x73a: {  	s29 =	spop (v2sf);
	v11 =	vld [tilespmem:s0+$0x30];
	[tilespmem:s19+$0x18730] =	vst v9  }
0x73b: {  	v9 =	vld [tilespmem:s29+$0x0];
	[tilespmem:s20+$0x18440] =	vst v10  }
0x73c: {  	v10 =	vld [tilespmem:s3+$0x10];
	_ =	sdelay $0x1  }
0x73d: {  	s30 =	spop (v2sf);
	(v2sf) =	vpush v3, $0x5;
	[tilespmem:s19+$0x17FE0] =	vst v8  }
0x73e: {  	v8 =	vld [tilespmem:s1+$0x30];
	[tilespmem:s20+$0x17CF0] =	vst v11  }
0x73f: {  	v11 =	vld [tilespmem:s30+$0x0];
	[tilespmem:s19+$0x18740] =	vst v9  }
0x740: {  	v9 =	vld [tilespmem:s29+$0x10];
	[tilespmem:s20+$0x18450] =	vst v10  }
0x741: {  	v10 =	vld [tilespmem:s3+$0x20]  }
0x742: {  	(v2sf) =	vpush v5, $0xB  }
0x743: {  	s4 =	spop (v2sf);
	[tilespmem:s19+$0x17FF0] =	vst v8  }
0x744: {  	v8 =	vld [tilespmem:s4+$0x0];
	[tilespmem:s20+$0x17D00] =	vst v11  }
0x745: {  	v11 =	vld [tilespmem:s30+$0x10];
	[tilespmem:s19+$0x18750] =	vst v9  }
0x746: {  	v9 =	vld [tilespmem:s29+$0x20];
	[tilespmem:s20+$0x18460] =	vst v10  }
0x747: {  	(v2sf) =	vpush v0, $0x6;
	v10 =	vld [tilespmem:s3+$0x30];
	_ =	sdelay $0x1  }
0x748: {  	[tilespmem:s19+$0x18000] =	vst v8  }
0x749: {  	v8 =	vld [tilespmem:s4+$0x10];
	[tilespmem:s20+$0x17D10] =	vst v11  }
0x74a: {  	v11 =	vld [tilespmem:s30+$0x20];
	[tilespmem:s19+$0x18760] =	vst v9  }
0x74b: {  	(v2sf) =	vpush v6, $0xC;
	s31 =	spop (v2sf);
	v9 =	vld [tilespmem:s29+$0x30];
	[tilespmem:s20+$0x18470] =	vst v10  }
0x74c: {  	v10 =	vld [tilespmem:s31+$0x0];
	_ =	sdelay $0x1  }
0x74d: {  	[tilespmem:s19+$0x18010] =	vst v8  }
0x74e: {  	v8 =	vld [tilespmem:s4+$0x20];
	[tilespmem:s20+$0x17D20] =	vst v11  }
0x74f: {  	s3 =	spop (v2sf);
	v11 =	vld [tilespmem:s30+$0x30];
	[tilespmem:s19+$0x18770] =	vst v9  }
0x750: {  	v9 =	vld [tilespmem:s3+$0x0];
	[tilespmem:s20+$0x18480] =	vst v10  }
0x751: {  	v10 =	vld [tilespmem:s31+$0x10];
	_ =	sdelay $0x1  }
0x752: {  	(v2sf) =	vpush v2, $0x5;
	[tilespmem:s19+$0x18020] =	vst v8  }
0x753: {  	v8 =	vld [tilespmem:s4+$0x30];
	s4 =	spop (v2sf);
	[tilespmem:s20+$0x17D30] =	vst v11  }
0x754: {  	v11 =	vld [tilespmem:s4+$0x0];
	[tilespmem:s19+$0x18780] =	vst v9  }
0x755: {  	v9 =	vld [tilespmem:s3+$0x10];
	[tilespmem:s20+$0x18490] =	vst v10  }
0x756: {  	v10 =	vld [tilespmem:s31+$0x20]  }
0x757: {  	(v2sf) =	vpush v4, $0xB  }
0x758: {  	s5 =	spop (v2sf);
	[tilespmem:s19+$0x18030] =	vst v8  }
0x759: {  	v8 =	vld [tilespmem:s5+$0x0];
	[tilespmem:s20+$0x17D40] =	vst v11  }
0x75a: {  	v11 =	vld [tilespmem:s4+$0x10];
	[tilespmem:s19+$0x18790] =	vst v9  }
0x75b: {  	(v2sf) =	vpush v1, $0x7;
	v9 =	vld [tilespmem:s3+$0x20];
	[tilespmem:s20+$0x184A0] =	vst v10  }
0x75c: {  	v10 =	vld [tilespmem:s31+$0x30];
	_ =	sdelay $0x1  }
0x75d: {  	[tilespmem:s19+$0x18040] =	vst v8  }
0x75e: {  	v8 =	vld [tilespmem:s5+$0x10];
	[tilespmem:s20+$0x17D50] =	vst v11  }
0x75f: {  	v11 =	vld [tilespmem:s4+$0x20];
	[tilespmem:s19+$0x187A0] =	vst v9  }
0x760: {  	(v2sf) =	vpush v7, $0xD;
	s7 =	spop (v2sf);
	v9 =	vld [tilespmem:s3+$0x30];
	[tilespmem:s20+$0x184B0] =	vst v10  }
0x761: {  	v10 =	vld [tilespmem:s7+$0x0];
	_ =	sdelay $0x1  }
0x762: {  	[tilespmem:s19+$0x18050] =	vst v8  }
0x763: {  	v8 =	vld [tilespmem:s5+$0x20];
	[tilespmem:s20+$0x17D60] =	vst v11  }
0x764: {  	s8 =	spop (v2sf);
	v11 =	vld [tilespmem:s4+$0x30];
	[tilespmem:s19+$0x187B0] =	vst v9  }
0x765: {  	v9 =	vld [tilespmem:s8+$0x0];
	[tilespmem:s20+$0x184C0] =	vst v10  }
0x766: {  	v10 =	vld [tilespmem:s7+$0x10];
	_ =	sdelay $0x1  }
0x767: {  	s9 =	spop (v2sf);
	(v2sf) =	vpush v3, $0x6;
	[tilespmem:s19+$0x18060] =	vst v8  }
0x768: {  	v8 =	vld [tilespmem:s5+$0x30];
	[tilespmem:s20+$0x17D70] =	vst v11  }
0x769: {  	v11 =	vld [tilespmem:s9+$0x0];
	[tilespmem:s19+$0x187C0] =	vst v9  }
0x76a: {  	v9 =	vld [tilespmem:s8+$0x10];
	[tilespmem:s20+$0x184D0] =	vst v10  }
0x76b: {  	v10 =	vld [tilespmem:s7+$0x20];
	_ =	sdelay $0x1  }
0x76c: {  	s26 =	spop (v2sf);
	(v2sf) =	vpush v5, $0xC;
	[tilespmem:s19+$0x18070] =	vst v8  }
0x76d: {  	v8 =	vld [tilespmem:s26+$0x0];
	[tilespmem:s20+$0x17D80] =	vst v11  }
0x76e: {  	v11 =	vld [tilespmem:s9+$0x10];
	[tilespmem:s19+$0x187D0] =	vst v9  }
0x76f: {  	v9 =	vld [tilespmem:s8+$0x20];
	[tilespmem:s20+$0x184E0] =	vst v10  }
0x770: {  	v10 =	vld [tilespmem:s7+$0x30];
	_ =	sdelay $0x1  }
0x771: {  	[tilespmem:s19+$0x18080] =	vst v8  }
0x772: {  	v8 =	vld [tilespmem:s26+$0x10];
	[tilespmem:s20+$0x17D90] =	vst v11  }
0x773: {  	v11 =	vld [tilespmem:s9+$0x20];
	[tilespmem:s19+$0x187E0] =	vst v9  }
0x774: {  	s21 =	spop (v2sf);
	v9 =	vld [tilespmem:s8+$0x30];
	[tilespmem:s20+$0x184F0] =	vst v10  }
0x775: {  	v10 =	vld [tilespmem:s21+$0x0];
	_ =	sdelay $0x1  }
0x776: {  	[tilespmem:s19+$0x18090] =	vst v8  }
0x777: {  	(v2sf) =	vpush v0, $0x7;
	[tilespmem:s20+$0x17DA0] =	vst v11  }
0x778: {  	(v2sf) =	vpush v6, $0xD;
	[tilespmem:s19+$0x187F0] =	vst v9  }
0x779: {  	v47 =	vld [tilespmem:s9+$0x30];
	s9 =	spop (v2sf);
	[tilespmem:s20+$0x18500] =	vst v10  }
0x77a: {  	v48 =	vld [tilespmem:s21+$0x10];
	_ =	sdelay $0x1  }
0x77b: {  	(v2sf) =	vpush v2, $0x6;
	_ =	sdelay $0x2  }
0x77c: {  	[tilespmem:s20+$0x18510] =	vst v48  }
0x77d: {  	v9 =	vld [tilespmem:s21+$0x20];
	_ =	sdelay $0x4  }
0x77e: {  	[tilespmem:s20+$0x18520] =	vst v9  }
0x77f: {  	v9 =	vld [tilespmem:s21+$0x30];
	_ =	sdelay $0x2  }
0x780: {  	s22 =	spop (v2sf)  }
0x781: {  	s25 =	spop (v2sf)  }
0x782: {  	s28 =	spop (v2sf);
	[tilespmem:s20+$0x18530] =	vst v9  }
0x783: {  	v9 =	vld [tilespmem:s28+$0x0];
	_ =	sdelay $0x4  }
0x784: {  	(v2sf) =	vpush v4, $0xC;
	[tilespmem:s20+$0x18540] =	vst v9  }
0x785: {  	(v2sf) =	vpush v1, $0x8;
	v9 =	vld [tilespmem:s28+$0x10]  }
0x786: {  	(v2sf) =	vpush v7, $0xE  }
0x787: {  	(v2sf) =	vpush v3, $0x7;
	_ =	sdelay $0x2  }
0x788: {  	[tilespmem:s20+$0x18550] =	vst v9  }
0x789: {  	v9 =	vld [tilespmem:s28+$0x20];
	_ =	sdelay $0x4  }
0x78a: {  	[tilespmem:s20+$0x18560] =	vst v9  }
0x78b: {  	v9 =	vld [tilespmem:s28+$0x30];
	_ =	sdelay $0x1  }
0x78c: {  	s8 =	spop (v2sf)  }
0x78d: {  	s5 =	spop (v2sf)  }
0x78e: {  	s24 =	spop (v2sf)  }
0x78f: {  	s29 =	spop (v2sf);
	[tilespmem:s20+$0x18570] =	vst v9  }
0x790: {  	v9 =	vld [tilespmem:s29+$0x0];
	_ =	sdelay $0x4  }
0x791: {  	(v2sf) =	vpush v5, $0xD;
	[tilespmem:s20+$0x18580] =	vst v9  }
0x792: {  	(v2sf) =	vpush v0, $0x8;
	v9 =	vld [tilespmem:s29+$0x10]  }
0x793: {  	(v2sf) =	vpush v6, $0xE  }
0x794: {  	(v2sf) =	vpush v2, $0x7;
	_ =	sdelay $0x2  }
0x795: {  	[tilespmem:s20+$0x18590] =	vst v9  }
0x796: {  	v9 =	vld [tilespmem:s29+$0x20];
	_ =	sdelay $0x4  }
0x797: {  	[tilespmem:s20+$0x185A0] =	vst v9  }
0x798: {  	v9 =	vld [tilespmem:s29+$0x30];
	_ =	sdelay $0x1  }
0x799: {  	s1 =	spop (v2sf)  }
0x79a: {  	s30 =	spop (v2sf)  }
0x79b: {  	[tilespmem:s20+$0x17DB0] =	vst v47;
	s23 =	spop (v2sf)  }
0x79c: {  	v8 =	vld [tilespmem:s22+$0x0];
	s31 =	spop (v2sf);
	[tilespmem:s20+$0x185B0] =	vst v9  }
0x79d: {  	v9 =	vld [tilespmem:s31+$0x0];
	_ =	sdelay $0x3  }
0x79e: {  	[tilespmem:s20+$0x17DC0] =	vst v8  }
0x79f: {  	v8 =	vld [tilespmem:s22+$0x10];
	(v2sf) =	vpush v4, $0xD;
	[tilespmem:s20+$0x185C0] =	vst v9  }
0x7a0: {  	(v2sf) =	vpush v1, $0x9;
	v9 =	vld [tilespmem:s31+$0x10]  }
0x7a1: {  	(v2sf) =	vpush v7, $0xF  }
0x7a2: {  	(v2sf) =	vpush v3, $0x8;
	_ =	sdelay $0x1  }
0x7a3: {  	[tilespmem:s20+$0x17DD0] =	vst v8  }
0x7a4: {  	v49 =	vld [tilespmem:s22+$0x20];
	[tilespmem:s20+$0x185D0] =	vst v9  }
0x7a5: {  	v50 =	vld [tilespmem:s31+$0x20];
	_ =	sdelay $0x3  }
0x7a6: {  	[tilespmem:s20+$0x17DE0] =	vst v49  }
0x7a7: {  	v7 =	vld [tilespmem:s22+$0x30];
	[tilespmem:s20+$0x185E0] =	vst v50  }
0x7a8: {  	v8 =	vld [tilespmem:s31+$0x30];
	_ =	sdelay $0x1  }
0x7a9: {  	s0 =	spop (v2sf)  }
0x7aa: {  	s7 =	spop (v2sf)  }
0x7ab: {  	[tilespmem:s20+$0x17DF0] =	vst v7;
	s22 =	spop (v2sf)  }
0x7ac: {  	v7 =	vld [tilespmem:s5+$0x0];
	s21 =	spop (v2sf);
	[tilespmem:s20+$0x185F0] =	vst v8  }
0x7ad: {  	v8 =	vld [tilespmem:s21+$0x0];
	_ =	sdelay $0x3  }
0x7ae: {  	[tilespmem:s20+$0x17E00] =	vst v7  }
0x7af: {  	(v2sf) =	vpush v5, $0xE;
	v7 =	vld [tilespmem:s5+$0x10];
	[tilespmem:s20+$0x18600] =	vst v8  }
0x7b0: {  	(v2sf) =	vpush v0, $0x9;
	v8 =	vld [tilespmem:s21+$0x10]  }
0x7b1: {  	(v2sf) =	vpush v6, $0xF  }
0x7b2: {  	(v2sf) =	vpush v2, $0x8;
	_ =	sdelay $0x1  }
0x7b3: {  	[tilespmem:s20+$0x17E10] =	vst v7  }
0x7b4: {  	v51 =	vld [tilespmem:s5+$0x20];
	[tilespmem:s20+$0x18610] =	vst v8  }
0x7b5: {  	v52 =	vld [tilespmem:s21+$0x20];
	_ =	sdelay $0x3  }
0x7b6: {  	[tilespmem:s20+$0x17E20] =	vst v51  }
0x7b7: {  	v6 =	vld [tilespmem:s5+$0x30];
	[tilespmem:s20+$0x18620] =	vst v52  }
0x7b8: {  	v7 =	vld [tilespmem:s21+$0x30];
	_ =	sdelay $0x1  }
0x7b9: {  	s31 =	spop (v2sf)  }
0x7ba: {  	s5 =	spop (v2sf)  }
0x7bb: {  	[tilespmem:s20+$0x17E30] =	vst v6;
	s21 =	spop (v2sf)  }
0x7bc: {  	v6 =	vld [tilespmem:s30+$0x0];
	s28 =	spop (v2sf);
	[tilespmem:s20+$0x18630] =	vst v7  }
0x7bd: {  	v7 =	vld [tilespmem:s28+$0x0];
	_ =	sdelay $0x3  }
0x7be: {  	[tilespmem:s20+$0x17E40] =	vst v6  }
0x7bf: {  	v6 =	vld [tilespmem:s30+$0x10];
	[tilespmem:s20+$0x18640] =	vst v7  }
0x7c0: {  	(v2sf) =	vpush v4, $0xE;
	v7 =	vld [tilespmem:s28+$0x10]  }
0x7c1: {  	(v2sf) =	vpush v1, $0xA  }
0x7c2: {  	(v2sf) =	vpush v3, $0x9;
	_ =	sdelay $0x1  }
0x7c3: {  	[tilespmem:s20+$0x17E50] =	vst v6  }
0x7c4: {  	v6 =	vld [tilespmem:s30+$0x20];
	[tilespmem:s20+$0x18650] =	vst v7  }
0x7c5: {  	v7 =	vld [tilespmem:s28+$0x20];
	_ =	sdelay $0x3  }
0x7c6: {  	[tilespmem:s20+$0x17E60] =	vst v6  }
0x7c7: {  	v6 =	vld [tilespmem:s30+$0x30];
	[tilespmem:s20+$0x18660] =	vst v7  }
0x7c8: {  	v7 =	vld [tilespmem:s28+$0x30];
	_ =	sdelay $0x2  }
0x7c9: {  	s30 =	spop (v2sf)  }
0x7ca: {  	[tilespmem:s20+$0x17E70] =	vst v6;
	s3 =	spop (v2sf)  }
0x7cb: {  	v6 =	vld [tilespmem:s7+$0x0];
	s29 =	spop (v2sf);
	[tilespmem:s20+$0x18670] =	vst v7  }
0x7cc: {  	v7 =	vld [tilespmem:s29+$0x0];
	_ =	sdelay $0x3  }
0x7cd: {  	[tilespmem:s20+$0x17E80] =	vst v6  }
0x7ce: {  	v6 =	vld [tilespmem:s7+$0x10];
	[tilespmem:s20+$0x18680] =	vst v7  }
0x7cf: {  	(v2sf) =	vpush v5, $0xF;
	v53 =	vld [tilespmem:s29+$0x10]  }
0x7d0: {  	(v2sf) =	vpush v0, $0xA  }
0x7d1: {  	(v2sf) =	vpush v2, $0x9;
	_ =	sdelay $0x1  }
0x7d2: {  	[tilespmem:s20+$0x17E90] =	vst v6  }
0x7d3: {  	v6 =	vld [tilespmem:s7+$0x20];
	[tilespmem:s20+$0x18690] =	vst v53  }
0x7d4: {  	v5 =	vld [tilespmem:s29+$0x20];
	_ =	sdelay $0x3  }
0x7d5: {  	[tilespmem:s20+$0x17EA0] =	vst v6  }
0x7d6: {  	v6 =	vld [tilespmem:s7+$0x30];
	[tilespmem:s20+$0x186A0] =	vst v5  }
0x7d7: {  	v5 =	vld [tilespmem:s29+$0x30];
	_ =	sdelay $0x2  }
0x7d8: {  	s29 =	spop (v2sf)  }
0x7d9: {  	[tilespmem:s20+$0x17EB0] =	vst v6;
	s4 =	spop (v2sf)  }
0x7da: {  	v6 =	vld [tilespmem:s5+$0x0];
	s7 =	spop (v2sf);
	[tilespmem:s20+$0x186B0] =	vst v5  }
0x7db: {  	v5 =	vld [tilespmem:s7+$0x0];
	_ =	sdelay $0x3  }
0x7dc: {  	[tilespmem:s20+$0x17EC0] =	vst v6  }
0x7dd: {  	v6 =	vld [tilespmem:s5+$0x10];
	[tilespmem:s20+$0x186C0] =	vst v5  }
0x7de: {  	(v2sf) =	vpush v4, $0xF;
	v54 =	vld [tilespmem:s7+$0x10]  }
0x7df: {  	(v2sf) =	vpush v1, $0xB  }
0x7e0: {  	(v2sf) =	vpush v3, $0xA;
	_ =	sdelay $0x1  }
0x7e1: {  	[tilespmem:s20+$0x17ED0] =	vst v6  }
0x7e2: {  	v55 =	vld [tilespmem:s5+$0x20];
	[tilespmem:s20+$0x186D0] =	vst v54  }
0x7e3: {  	v4 =	vld [tilespmem:s7+$0x20];
	_ =	sdelay $0x3  }
0x7e4: {  	[tilespmem:s20+$0x17EE0] =	vst v55  }
0x7e5: {  	v5 =	vld [tilespmem:s5+$0x30];
	[tilespmem:s20+$0x186E0] =	vst v4  }
0x7e6: {  	v4 =	vld [tilespmem:s7+$0x30];
	_ =	sdelay $0x2  }
0x7e7: {  	s28 =	spop (v2sf)  }
0x7e8: {  	[tilespmem:s20+$0x17EF0] =	vst v5;
	s7 =	spop (v2sf)  }
0x7e9: {  	v5 =	vld [tilespmem:s3+$0x0];
	s5 =	spop (v2sf);
	[tilespmem:s20+$0x186F0] =	vst v4  }
0x7ea: {  	v4 =	vld [tilespmem:s5+$0x0];
	_ =	sdelay $0x3  }
0x7eb: {  	[tilespmem:s20+$0x17F00] =	vst v5  }
0x7ec: {  	v5 =	vld [tilespmem:s3+$0x10];
	[tilespmem:s20+$0x18700] =	vst v4  }
0x7ed: {  	v4 =	vld [tilespmem:s5+$0x10]  }
0x7ee: {  	(v2sf) =	vpush v0, $0xB  }
0x7ef: {  	(v2sf) =	vpush v2, $0xA;
	_ =	sdelay $0x1  }
0x7f0: {  	[tilespmem:s20+$0x17F10] =	vst v5  }
0x7f1: {  	v5 =	vld [tilespmem:s3+$0x20];
	[tilespmem:s20+$0x18710] =	vst v4  }
0x7f2: {  	v4 =	vld [tilespmem:s5+$0x20];
	_ =	sdelay $0x3  }
0x7f3: {  	[tilespmem:s20+$0x17F20] =	vst v5  }
0x7f4: {  	v5 =	vld [tilespmem:s3+$0x30];
	[tilespmem:s20+$0x18720] =	vst v4  }
0x7f5: {  	v4 =	vld [tilespmem:s5+$0x30];
	_ =	sdelay $0x3  }
0x7f6: {  	s3 =	spop (v2sf);
	[tilespmem:s20+$0x17F30] =	vst v5  }
0x7f7: {  	v5 =	vld [tilespmem:s4+$0x0];
	s5 =	spop (v2sf);
	[tilespmem:s20+$0x18730] =	vst v4  }
0x7f8: {  	v4 =	vld [tilespmem:s5+$0x0];
	_ =	sdelay $0x3  }
0x7f9: {  	[tilespmem:s20+$0x17F40] =	vst v5  }
0x7fa: {  	v5 =	vld [tilespmem:s4+$0x10];
	[tilespmem:s20+$0x18740] =	vst v4  }
0x7fb: {  	v4 =	vld [tilespmem:s5+$0x10]  }
0x7fc: {  	(v2sf) =	vpush v1, $0xC  }
0x7fd: {  	(v2sf) =	vpush v3, $0xB;
	_ =	sdelay $0x1  }
0x7fe: {  	[tilespmem:s20+$0x17F50] =	vst v5  }
0x7ff: {  	v5 =	vld [tilespmem:s4+$0x20];
	[tilespmem:s20+$0x18750] =	vst v4  }
0x800: {  	v4 =	vld [tilespmem:s5+$0x20];
	_ =	sdelay $0x3  }
0x801: {  	[tilespmem:s20+$0x17F60] =	vst v5  }
0x802: {  	v5 =	vld [tilespmem:s4+$0x30];
	[tilespmem:s20+$0x18760] =	vst v4  }
0x803: {  	v4 =	vld [tilespmem:s5+$0x30];
	_ =	sdelay $0x3  }
0x804: {  	[tilespmem:s20+$0x17F70] =	vst v5;
	s5 =	spop (v2sf)  }
0x805: {  	v5 =	vld [tilespmem:s7+$0x0];
	s4 =	spop (v2sf);
	[tilespmem:s20+$0x18770] =	vst v4  }
0x806: {  	v4 =	vld [tilespmem:s4+$0x0];
	_ =	sdelay $0x3  }
0x807: {  	[tilespmem:s20+$0x17F80] =	vst v5  }
0x808: {  	v5 =	vld [tilespmem:s7+$0x10];
	[tilespmem:s20+$0x18780] =	vst v4  }
0x809: {  	v4 =	vld [tilespmem:s4+$0x10]  }
0x80a: {  	(v2sf) =	vpush v0, $0xC  }
0x80b: {  	(v2sf) =	vpush v2, $0xB;
	_ =	sdelay $0x1  }
0x80c: {  	[tilespmem:s20+$0x17F90] =	vst v5  }
0x80d: {  	v5 =	vld [tilespmem:s7+$0x20];
	[tilespmem:s20+$0x18790] =	vst v4  }
0x80e: {  	v4 =	vld [tilespmem:s4+$0x20];
	_ =	sdelay $0x3  }
0x80f: {  	[tilespmem:s20+$0x17FA0] =	vst v5  }
0x810: {  	v5 =	vld [tilespmem:s7+$0x30];
	[tilespmem:s20+$0x187A0] =	vst v4  }
0x811: {  	v4 =	vld [tilespmem:s4+$0x30];
	_ =	sdelay $0x3  }
0x812: {  	[tilespmem:s20+$0x17FB0] =	vst v5;
	s4 =	spop (v2sf)  }
0x813: {  	v5 =	vld [tilespmem:s3+$0x0];
	s7 =	spop (v2sf);
	[tilespmem:s20+$0x187B0] =	vst v4  }
0x814: {  	v4 =	vld [tilespmem:s7+$0x0];
	_ =	sdelay $0x3  }
0x815: {  	[tilespmem:s20+$0x17FC0] =	vst v5  }
0x816: {  	v5 =	vld [tilespmem:s3+$0x10];
	[tilespmem:s20+$0x187C0] =	vst v4  }
0x817: {  	v4 =	vld [tilespmem:s7+$0x10]  }
0x818: {  	(v2sf) =	vpush v1, $0xD  }
0x819: {  	(v2sf) =	vpush v3, $0xC;
	_ =	sdelay $0x1  }
0x81a: {  	[tilespmem:s20+$0x17FD0] =	vst v5  }
0x81b: {  	v5 =	vld [tilespmem:s3+$0x20];
	[tilespmem:s20+$0x187D0] =	vst v4  }
0x81c: {  	v4 =	vld [tilespmem:s7+$0x20];
	_ =	sdelay $0x3  }
0x81d: {  	[tilespmem:s20+$0x17FE0] =	vst v5  }
0x81e: {  	v5 =	vld [tilespmem:s3+$0x30];
	[tilespmem:s20+$0x187E0] =	vst v4  }
0x81f: {  	v4 =	vld [tilespmem:s7+$0x30];
	_ =	sdelay $0x2  }
0x820: {  	v56 =	vld [tilespmem:s9+$0x0]  }
0x821: {  	s3 =	spop (v2sf);
	[tilespmem:s20+$0x17FF0] =	vst v5  }
0x822: {  	v5 =	vld [tilespmem:s5+$0x0];
	s7 =	spop (v2sf);
	[tilespmem:s20+$0x187F0] =	vst v4  }
0x823: {  	v4 =	vld [tilespmem:s7+$0x0];
	_ =	sdelay $0x1  }
0x824: {  	[tilespmem:s19+$0x18800] =	vst v56  }
0x825: {  	v6 =	vld [tilespmem:s9+$0x10]  }
0x826: {  	[tilespmem:s20+$0x18000] =	vst v5  }
0x827: {  	v5 =	vld [tilespmem:s5+$0x10];
	[tilespmem:s20+$0x18800] =	vst v4  }
0x828: {  	v4 =	vld [tilespmem:s7+$0x10]  }
0x829: {  	(v2sf) =	vpush v0, $0xD  }
0x82a: {  	[tilespmem:s19+$0x18810] =	vst v6;
	(v2sf) =	vpush v2, $0xC  }
0x82b: {  	v6 =	vld [tilespmem:s9+$0x20]  }
0x82c: {  	[tilespmem:s20+$0x18010] =	vst v5  }
0x82d: {  	v5 =	vld [tilespmem:s5+$0x20];
	[tilespmem:s20+$0x18810] =	vst v4  }
0x82e: {  	v4 =	vld [tilespmem:s7+$0x20];
	_ =	sdelay $0x1  }
0x82f: {  	[tilespmem:s19+$0x18820] =	vst v6  }
0x830: {  	v6 =	vld [tilespmem:s9+$0x30]  }
0x831: {  	[tilespmem:s20+$0x18020] =	vst v5  }
0x832: {  	v5 =	vld [tilespmem:s5+$0x30];
	[tilespmem:s20+$0x18820] =	vst v4  }
0x833: {  	v4 =	vld [tilespmem:s7+$0x30];
	_ =	sdelay $0x1  }
0x834: {  	[tilespmem:s19+$0x18830] =	vst v6  }
0x835: {  	v6 =	vld [tilespmem:s8+$0x0]  }
0x836: {  	s9 =	spop (v2sf);
	[tilespmem:s20+$0x18030] =	vst v5  }
0x837: {  	v5 =	vld [tilespmem:s4+$0x0];
	s7 =	spop (v2sf);
	[tilespmem:s20+$0x18830] =	vst v4  }
0x838: {  	v4 =	vld [tilespmem:s7+$0x0];
	_ =	sdelay $0x1  }
0x839: {  	[tilespmem:s19+$0x18840] =	vst v6  }
0x83a: {  	v6 =	vld [tilespmem:s8+$0x10]  }
0x83b: {  	[tilespmem:s20+$0x18040] =	vst v5  }
0x83c: {  	v5 =	vld [tilespmem:s4+$0x10];
	[tilespmem:s20+$0x18840] =	vst v4  }
0x83d: {  	v4 =	vld [tilespmem:s7+$0x10]  }
0x83e: {  	(v2sf) =	vpush v1, $0xE  }
0x83f: {  	[tilespmem:s19+$0x18850] =	vst v6;
	(v2sf) =	vpush v3, $0xD  }
0x840: {  	v6 =	vld [tilespmem:s8+$0x20]  }
0x841: {  	[tilespmem:s20+$0x18050] =	vst v5  }
0x842: {  	v5 =	vld [tilespmem:s4+$0x20];
	[tilespmem:s20+$0x18850] =	vst v4  }
0x843: {  	v4 =	vld [tilespmem:s7+$0x20];
	_ =	sdelay $0x1  }
0x844: {  	[tilespmem:s19+$0x18860] =	vst v6  }
0x845: {  	v6 =	vld [tilespmem:s8+$0x30]  }
0x846: {  	[tilespmem:s20+$0x18060] =	vst v5  }
0x847: {  	v5 =	vld [tilespmem:s4+$0x30];
	[tilespmem:s20+$0x18860] =	vst v4  }
0x848: {  	v4 =	vld [tilespmem:s7+$0x30];
	_ =	sdelay $0x1  }
0x849: {  	[tilespmem:s19+$0x18870] =	vst v6  }
0x84a: {  	v6 =	vld [tilespmem:s1+$0x0]  }
0x84b: {  	s8 =	spop (v2sf);
	[tilespmem:s20+$0x18070] =	vst v5  }
0x84c: {  	v5 =	vld [tilespmem:s3+$0x0];
	s7 =	spop (v2sf);
	[tilespmem:s20+$0x18870] =	vst v4  }
0x84d: {  	v4 =	vld [tilespmem:s7+$0x0];
	_ =	sdelay $0x1  }
0x84e: {  	[tilespmem:s19+$0x18880] =	vst v6  }
0x84f: {  	v6 =	vld [tilespmem:s1+$0x10]  }
0x850: {  	[tilespmem:s20+$0x18080] =	vst v5  }
0x851: {  	v5 =	vld [tilespmem:s3+$0x10];
	[tilespmem:s20+$0x18880] =	vst v4  }
0x852: {  	v4 =	vld [tilespmem:s7+$0x10]  }
0x853: {  	(v2sf) =	vpush v0, $0xE  }
0x854: {  	[tilespmem:s19+$0x18890] =	vst v6;
	(v2sf) =	vpush v2, $0xD  }
0x855: {  	v6 =	vld [tilespmem:s1+$0x20]  }
0x856: {  	v57 =	vld [tilespmem:s26+$0x20];
	[tilespmem:s20+$0x18090] =	vst v5  }
0x857: {  	v5 =	vld [tilespmem:s3+$0x20];
	[tilespmem:s20+$0x18890] =	vst v4  }
0x858: {  	v4 =	vld [tilespmem:s7+$0x20];
	_ =	sdelay $0x1  }
0x859: {  	[tilespmem:s19+$0x188A0] =	vst v6  }
0x85a: {  	[tilespmem:s19+$0x180A0] =	vst v57;
	v6 =	vld [tilespmem:s1+$0x30]  }
0x85b: {  	v7 =	vld [tilespmem:s26+$0x30];
	[tilespmem:s20+$0x180A0] =	vst v5  }
0x85c: {  	v5 =	vld [tilespmem:s3+$0x30];
	[tilespmem:s20+$0x188A0] =	vst v4  }
0x85d: {  	v4 =	vld [tilespmem:s7+$0x30];
	_ =	sdelay $0x1  }
0x85e: {  	[tilespmem:s19+$0x188B0] =	vst v6  }
0x85f: {  	[tilespmem:s19+$0x180B0] =	vst v7;
	v6 =	vld [tilespmem:s0+$0x0]  }
0x860: {  	v7 =	vld [tilespmem:s25+$0x0];
	s4 =	spop (v2sf);
	[tilespmem:s20+$0x180B0] =	vst v5  }
0x861: {  	s5 =	spop (v2sf);
	v5 =	vld [tilespmem:s9+$0x0];
	[tilespmem:s20+$0x188B0] =	vst v4  }
0x862: {  	v4 =	vld [tilespmem:s5+$0x0];
	_ =	sdelay $0x1  }
0x863: {  	[tilespmem:s19+$0x188C0] =	vst v6  }
0x864: {  	[tilespmem:s19+$0x180C0] =	vst v7;
	v6 =	vld [tilespmem:s0+$0x10]  }
0x865: {  	v7 =	vld [tilespmem:s25+$0x10];
	[tilespmem:s20+$0x180C0] =	vst v5  }
0x866: {  	v5 =	vld [tilespmem:s9+$0x10];
	[tilespmem:s20+$0x188C0] =	vst v4  }
0x867: {  	v4 =	vld [tilespmem:s5+$0x10]  }
0x868: {  	(v2sf) =	vpush v1, $0xF  }
0x869: {  	[tilespmem:s19+$0x188D0] =	vst v6;
	(v2sf) =	vpush v3, $0xE  }
0x86a: {  	[tilespmem:s19+$0x180D0] =	vst v7;
	v6 =	vld [tilespmem:s0+$0x20]  }
0x86b: {  	v58 =	vld [tilespmem:s25+$0x20];
	[tilespmem:s20+$0x180D0] =	vst v5  }
0x86c: {  	v5 =	vld [tilespmem:s9+$0x20];
	[tilespmem:s20+$0x188D0] =	vst v4  }
0x86d: {  	v4 =	vld [tilespmem:s5+$0x20];
	_ =	sdelay $0x1  }
0x86e: {  	[tilespmem:s19+$0x188E0] =	vst v6  }
0x86f: {  	[tilespmem:s19+$0x180E0] =	vst v58;
	v6 =	vld [tilespmem:s0+$0x30]  }
0x870: {  	v1 =	vld [tilespmem:s25+$0x30];
	[tilespmem:s20+$0x180E0] =	vst v5  }
0x871: {  	v5 =	vld [tilespmem:s9+$0x30];
	[tilespmem:s20+$0x188E0] =	vst v4  }
0x872: {  	v4 =	vld [tilespmem:s5+$0x30];
	_ =	sdelay $0x1  }
0x873: {  	[tilespmem:s19+$0x188F0] =	vst v6  }
0x874: {  	v6 =	vld [tilespmem:s31+$0x0];
	[tilespmem:s19+$0x180F0] =	vst v1  }
0x875: {  	v1 =	vld [tilespmem:s24+$0x0];
	s7 =	spop (v2sf);
	[tilespmem:s20+$0x180F0] =	vst v5  }
0x876: {  	s9 =	spop (v2sf);
	v5 =	vld [tilespmem:s8+$0x0];
	[tilespmem:s20+$0x188F0] =	vst v4  }
0x877: {  	v4 =	vld [tilespmem:s9+$0x0];
	_ =	sdelay $0x1  }
0x878: {  	[tilespmem:s19+$0x18900] =	vst v6  }
0x879: {  	v6 =	vld [tilespmem:s31+$0x10];
	[tilespmem:s19+$0x18100] =	vst v1  }
0x87a: {  	v1 =	vld [tilespmem:s24+$0x10];
	[tilespmem:s20+$0x18100] =	vst v5  }
0x87b: {  	v5 =	vld [tilespmem:s8+$0x10];
	[tilespmem:s20+$0x18900] =	vst v4  }
0x87c: {  	v4 =	vld [tilespmem:s9+$0x10]  }
0x87d: {  	(v2sf) =	vpush v0, $0xF  }
0x87e: {  	[tilespmem:s19+$0x18910] =	vst v6;
	(v2sf) =	vpush v2, $0xE  }
0x87f: {  	v60 =	vld [tilespmem:s31+$0x20];
	[tilespmem:s19+$0x18110] =	vst v1  }
0x880: {  	v59 =	vld [tilespmem:s24+$0x20];
	[tilespmem:s20+$0x18110] =	vst v5  }
0x881: {  	v5 =	vld [tilespmem:s8+$0x20];
	[tilespmem:s20+$0x18910] =	vst v4  }
0x882: {  	v4 =	vld [tilespmem:s9+$0x20];
	_ =	sdelay $0x1  }
0x883: {  	[tilespmem:s19+$0x18920] =	vst v60  }
0x884: {  	v1 =	vld [tilespmem:s31+$0x30];
	[tilespmem:s19+$0x18120] =	vst v59  }
0x885: {  	v0 =	vld [tilespmem:s24+$0x30];
	[tilespmem:s20+$0x18120] =	vst v5  }
0x886: {  	v5 =	vld [tilespmem:s8+$0x30];
	[tilespmem:s20+$0x18920] =	vst v4  }
0x887: {  	v4 =	vld [tilespmem:s9+$0x30];
	_ =	sdelay $0x1  }
0x888: {  	[tilespmem:s19+$0x18930] =	vst v1  }
0x889: {  	v1 =	vld [tilespmem:s30+$0x0];
	[tilespmem:s19+$0x18130] =	vst v0  }
0x88a: {  	v0 =	vld [tilespmem:s23+$0x0];
	s24 =	spop (v2sf);
	[tilespmem:s20+$0x18130] =	vst v5  }
0x88b: {  	s25 =	spop (v2sf);
	v5 =	vld [tilespmem:s4+$0x0];
	[tilespmem:s20+$0x18930] =	vst v4  }
0x88c: {  	v4 =	vld [tilespmem:s25+$0x0];
	_ =	sdelay $0x1  }
0x88d: {  	[tilespmem:s19+$0x18940] =	vst v1  }
0x88e: {  	v1 =	vld [tilespmem:s30+$0x10];
	[tilespmem:s19+$0x18140] =	vst v0  }
0x88f: {  	v0 =	vld [tilespmem:s23+$0x10];
	[tilespmem:s20+$0x18140] =	vst v5  }
0x890: {  	v5 =	vld [tilespmem:s4+$0x10];
	[tilespmem:s20+$0x18940] =	vst v4  }
0x891: {  	v4 =	vld [tilespmem:s25+$0x10];
	_ =	sdelay $0x1  }
0x892: {  	[tilespmem:s19+$0x18950] =	vst v1;
	(v2sf) =	vpush v3, $0xF  }
0x893: {  	v1 =	vld [tilespmem:s30+$0x20];
	[tilespmem:s19+$0x18150] =	vst v0  }
0x894: {  	v0 =	vld [tilespmem:s23+$0x20];
	[tilespmem:s20+$0x18150] =	vst v5  }
0x895: {  	v61 =	vld [tilespmem:s4+$0x20];
	[tilespmem:s20+$0x18950] =	vst v4  }
0x896: {  	v4 =	vld [tilespmem:s25+$0x20];
	_ =	sdelay $0x1  }
0x897: {  	[tilespmem:s19+$0x18960] =	vst v1  }
0x898: {  	v1 =	vld [tilespmem:s30+$0x30];
	[tilespmem:s19+$0x18160] =	vst v0  }
0x899: {  	v0 =	vld [tilespmem:s23+$0x30];
	[tilespmem:s20+$0x18160] =	vst v61  }
0x89a: {  	v3 =	vld [tilespmem:s4+$0x30];
	[tilespmem:s20+$0x18960] =	vst v4  }
0x89b: {  	v4 =	vld [tilespmem:s25+$0x30];
	_ =	sdelay $0x1  }
0x89c: {  	[tilespmem:s19+$0x18970] =	vst v1  }
0x89d: {  	v1 =	vld [tilespmem:s29+$0x0];
	[tilespmem:s19+$0x18170] =	vst v0  }
0x89e: {  	v0 =	vld [tilespmem:s22+$0x0];
	[tilespmem:s20+$0x18170] =	vst v3  }
0x89f: {  	s26 =	spop (v2sf);
	v3 =	vld [tilespmem:s7+$0x0];
	[tilespmem:s20+$0x18970] =	vst v4  }
0x8a0: {  	v4 =	vld [tilespmem:s26+$0x0];
	_ =	sdelay $0x1  }
0x8a1: {  	[tilespmem:s19+$0x18980] =	vst v1  }
0x8a2: {  	v1 =	vld [tilespmem:s29+$0x10];
	[tilespmem:s19+$0x18180] =	vst v0  }
0x8a3: {  	v0 =	vld [tilespmem:s22+$0x10];
	[tilespmem:s20+$0x18180] =	vst v3  }
0x8a4: {  	v3 =	vld [tilespmem:s7+$0x10];
	[tilespmem:s20+$0x18980] =	vst v4  }
0x8a5: {  	v4 =	vld [tilespmem:s26+$0x10];
	_ =	sdelay $0x1  }
0x8a6: {  	(v2sf) =	vpush v2, $0xF;
	[tilespmem:s19+$0x18990] =	vst v1  }
0x8a7: {  	v1 =	vld [tilespmem:s29+$0x20];
	[tilespmem:s19+$0x18190] =	vst v0  }
0x8a8: {  	v0 =	vld [tilespmem:s22+$0x20];
	[tilespmem:s20+$0x18190] =	vst v3  }
0x8a9: {  	v62 =	vld [tilespmem:s7+$0x20];
	[tilespmem:s20+$0x18990] =	vst v4  }
0x8aa: {  	v63 =	vld [tilespmem:s26+$0x20];
	_ =	sdelay $0x1  }
0x8ab: {  	[tilespmem:s19+$0x189A0] =	vst v1  }
0x8ac: {  	v1 =	vld [tilespmem:s29+$0x30];
	[tilespmem:s19+$0x181A0] =	vst v0  }
0x8ad: {  	v0 =	vld [tilespmem:s22+$0x30];
	[tilespmem:s20+$0x181A0] =	vst v62  }
0x8ae: {  	v2 =	vld [tilespmem:s7+$0x30];
	[tilespmem:s20+$0x189A0] =	vst v63  }
0x8af: {  	v3 =	vld [tilespmem:s26+$0x30];
	_ =	sdelay $0x1  }
0x8b0: {  	[tilespmem:s19+$0x189B0] =	vst v1  }
0x8b1: {  	v1 =	vld [tilespmem:s28+$0x0];
	[tilespmem:s19+$0x181B0] =	vst v0  }
0x8b2: {  	v0 =	vld [tilespmem:s21+$0x0];
	[tilespmem:s20+$0x181B0] =	vst v2  }
0x8b3: {  	s30 =	spop (v2sf);
	v2 =	vld [tilespmem:s24+$0x0];
	[tilespmem:s20+$0x189B0] =	vst v3  }
0x8b4: {  	v3 =	vld [tilespmem:s30+$0x0];
	_ =	sdelay $0x1  }
0x8b5: {  	[tilespmem:s19+$0x189C0] =	vst v1  }
0x8b6: {  	v1 =	vld [tilespmem:s28+$0x10];
	[tilespmem:s19+$0x181C0] =	vst v0  }
0x8b7: {  	v0 =	vld [tilespmem:s21+$0x10];
	[tilespmem:s20+$0x181C0] =	vst v2  }
0x8b8: {  	v2 =	vld [tilespmem:s24+$0x10];
	[tilespmem:s20+$0x189C0] =	vst v3  }
0x8b9: {  	v3 =	vld [tilespmem:s30+$0x10];
	_ =	sdelay $0x1  }
0x8ba: {  	[tilespmem:s19+$0x189D0] =	vst v1  }
0x8bb: {  	v1 =	vld [tilespmem:s28+$0x20];
	[tilespmem:s19+$0x181D0] =	vst v0  }
0x8bc: {  	v0 =	vld [tilespmem:s21+$0x20];
	[tilespmem:s20+$0x181D0] =	vst v2  }
0x8bd: {  	v2 =	vld [tilespmem:s24+$0x20];
	[tilespmem:s20+$0x189D0] =	vst v3  }
0x8be: {  	v3 =	vld [tilespmem:s30+$0x20];
	_ =	sdelay $0x1  }
0x8bf: {  	[tilespmem:s19+$0x189E0] =	vst v1  }
0x8c0: {  	v1 =	vld [tilespmem:s28+$0x30];
	[tilespmem:s19+$0x181E0] =	vst v0  }
0x8c1: {  	v0 =	vld [tilespmem:s21+$0x30];
	[tilespmem:s20+$0x181E0] =	vst v2  }
0x8c2: {  	v2 =	vld [tilespmem:s24+$0x30];
	[tilespmem:s20+$0x189E0] =	vst v3  }
0x8c3: {  	s17 =	sadd.s32 $0x1, s17;
	v3 =	vld [tilespmem:s30+$0x30]  }
0x8c4: {  	p0 =	sne.s32 s17, $0x20  }
.Ltmp2:
0x8c5: {  	[tilespmem:s19+$0x189F0] =	vst v1;
	(pc) =	sbr.rel @p0 .LBB2_2-.Ltmp2, $4  }
0x8c6: {  	[tilespmem:s19+$0x181F0] =	vst v0  }
0x8c7: {  	s31 =	sshll.u32 s18, $0xB;
	[tilespmem:s20+$0x181F0] =	vst v2  }
0x8c8: {  	s0 =	sadd.s32 s31, s6;
	[tilespmem:s20+$0x189F0] =	vst v3  }
0x8c9: {  	[hbm4b:s0+s2] =	stream.linear.scatter [tilespmem:s13], [sflag:$0x4], $0x4000, $0x38;
	[tilespmem:$0x1BA00] =	vst v63  }
0x8ca: {  	_ =	swait.ge [sflag:s14], $0x4000  }
0x8cb: {  	[sflag:s14] =	ssyncset.done $0x0  }
0x8cc: {  	[sflag:s14] =	ssyncadd.s32 $0xFFFFC000  }
0x8cd: {  	_ =	swait.ge [sflag:s15], $0x4000  }
0x8ce: {  	s16 =	sadd.s32 $0x1, s16;
	s0 =	rddreg [dreg:$0x6]  }
0x8cf: {  	p0 =	sne.s32 s16, s0  }
.Ltmp3:
0x8d0: {  	_ = 	snop;
	(pc) =	sbr.rel @p0 .LBB2_1-.Ltmp3, $3  }
0x8d1: {  	_ =	sdelay $0x1  }
0x8d2: {  	[sflag:s15] =	ssyncset.done $0x0  }
0x8d3: {  	[sflag:s15] =	ssyncadd.s32 $0xFFFFC000  }
0x8d4: {  	_ =	sfence.sel $0x180000  }
0x8d5: {  	[bflag:$0x0] =	sbarrier.arrive $0xFFFF  }
0x8d6: {  	_ =	strace $0x90000047  }
0x8d7: {  	s0 =	stileid.u32;
	[bflag:$0x2] =	sbarrier.arrive $0xFFFF  }
0x8d8: {  	p0 =	sne.s32 s0, $0x0;
	s0 =	rddreg [dreg:$0x2]  }
0x8d9: {  	s0 =	sadd.s32 @!p0 $0x100000, s0  }
0x8da: {  	[sflag:s0] =	ssyncadd.tile.s32 @!p0 $0x1;
	_ =	shalt  }
.Lfunc_end2:
_tile_overlayer_lowered:
.L_overlay_start_2:
0x8db: {  	(tag) =	ssettag $0x2  }
0x8dc: {  	s0 =	rddreg [dreg:$0x0];
	s2 =	stileid.u32  }
0x8dd: {  	s1 =	rddreg [dreg:$0x1];
	p0 =	sne.s32 s2, $0x0  }
0x8de: {  	s3 =	rddreg [dreg:$0x2];
	[bflag:$0x3] =	sbarrier.arrive $0xFFFF;
	s2 =	simm.s32 @!p0 $0x1C05  }
0x8df: {  	[timem:s3], [sflag:s2] =	dma.local @!p0 [hbm:s0], s1  }
0x8e0: {  	s0 =	simm.s32 @!p0 $0x5  }
0x8e1: {  	_ =	swait.ge @!p0 [sflag:s0], s1  }
0x8e2: {  	s1 =	ssub.s32 @!p0 $0x0, s1;
	[sflag:s0] =	ssyncset.done @!p0 $0x0  }
0x8e3: {  	[sflag:s0] =	ssyncadd.s32 @!p0 s1  }
0x8e4: {  	[bflag:$0x3] =	sbarrier.arrive $0xFFFF  }
0x8e5: {  	_ =	shalt  }

</sc_bundles>
